<compile_context>
chip_gen: v7x
topology: tpu7x:2x2x1
jax: 0.10.2.dev20260603
libtpu: 0.0.44.dev20260713+nightly
codegen_flags: <defaults>
</compile_context>

<pallas_src>
import numpy as np
import jax
import jax.numpy as jnp
from jax import lax
from jax.experimental import pallas as pl
from jax.experimental.pallas import tpu as pltpu
from jax.experimental.pallas import tpu_sc as plsc

NBOX = 32
NANCH = 20000
PAD = 20480
ROWS = PAD // 128
NTILE = 16
CHUNK = PAD // NTILE
VITER = CHUNK // 16


def _rotl(x, r):
    r = np.uint32(r)
    return ((x << r) | (x >> np.uint32(32 - r))).astype(np.uint32)


def _tf2x32(k1, k2, x1, x2):
    x = [np.asarray(x1, np.uint32).copy(), np.asarray(x2, np.uint32).copy()]
    ks = [np.uint32(k1), np.uint32(k2),
          np.uint32(np.uint32(k1) ^ np.uint32(k2) ^ np.uint32(0x1BD11BDA))]
    rotations = [[13, 15, 26, 6], [17, 29, 16, 24]]
    x[0] = (x[0] + ks[0]).astype(np.uint32)
    x[1] = (x[1] + ks[1]).astype(np.uint32)
    for i in range(5):
        for r in rotations[i % 2]:
            x[0] = (x[0] + x[1]).astype(np.uint32)
            x[1] = _rotl(x[1], r)
            x[1] = x[1] ^ x[0]
        x[0] = (x[0] + ks[(i + 1) % 3]).astype(np.uint32)
        x[1] = (x[1] + ks[(i + 2) % 3] + np.uint32(i + 1)).astype(np.uint32)
    return x[0], x[1]


def _np_fold_in(key, data):
    b1, b2 = _tf2x32(key[0], key[1], np.zeros(1, np.uint32),
                     np.array([data], np.uint32))
    return (b1[0], b2[0])


def _np_split2(key):
    b1, b2 = _tf2x32(key[0], key[1], np.zeros(2, np.uint32),
                     np.arange(2, dtype=np.uint32))
    return (b1[0], b2[0]), (b1[1], b2[1])


def _np_bits(key, n):
    b1, b2 = _tf2x32(key[0], key[1], np.zeros(n, np.uint32),
                     np.arange(n, dtype=np.uint32))
    return b1 ^ b2


def _build_tables():
    out = []
    for cls in (0, 1):
        k0 = _np_fold_in((np.uint32(0), np.uint32(42)), cls)
        k1, sub1 = _np_split2(k0)
        bits1 = _np_bits(sub1, NANCH)
        _, sub2 = _np_split2(k1)
        bits2 = _np_bits(sub2, NANCH)
        for b in (bits1, bits2):
            sigma = np.argsort(b, kind="stable").astype(np.int32)
            g = np.empty(NANCH, np.int32)
            g[sigma] = np.arange(NANCH, dtype=np.int32)
            sig_pad = np.full(PAD, 2**30, np.int32)
            sig_pad[:NANCH] = sigma
            g_pad = np.zeros(PAD, np.int32)
            g_pad[:NANCH] = g
            out.append(sig_pad)
            out.append(g_pad)
    return np.stack(out)


_TABLES = _build_tables()
S1P, G1P, S2P, G2P, S1N, G1N, S2N, G2N = range(8)



def _iou_j(bbox_ref, j, ax1, ay1, ax2, ay2, area1):
    bx1 = bbox_ref[j, 0]
    by1 = bbox_ref[j, 1]
    bx2 = bbox_ref[j, 2]
    by2 = bbox_ref[j, 3]
    ix = jnp.maximum(jnp.minimum(ax2, bx2) - jnp.maximum(ax1, bx1), 0.0)
    iy = jnp.maximum(jnp.minimum(ay2, by2) - jnp.maximum(ay1, by1), 0.0)
    ia = ix * iy
    union = area1 + (bx2 - bx1) * (by2 - by1) - ia
    return ia / union, (bx1, by1, bx2, by2)


def _tc_a_body(bbox_ref, a_ref, label_ref, win_ref):
    ax1 = a_ref[0]
    ay1 = a_ref[1]
    ax2 = a_ref[2]
    ay2 = a_ref[3]
    keep = (ax1 >= 0.0) & (ay1 >= 0.0) & (ax2 < 1.0) & (ay2 < 1.0)
    area1 = (ax2 - ax1) * (ay2 - ay1)
    ridx = (lax.broadcasted_iota(jnp.int32, (ROWS, 128), 0) * 128
            + lax.broadcasted_iota(jnp.int32, (ROWS, 128), 1))
    best = jnp.full((ROWS, 128), -jnp.inf, jnp.float32)
    M = jnp.full((NBOX, 128), -2.0, jnp.float32)
    I = jnp.full((NBOX, 128), PAD, jnp.int32)
    mrow = lax.broadcasted_iota(jnp.int32, (NBOX, 128), 0)
    for j in range(NBOX):
        iou, _ = _iou_j(bbox_ref, j, ax1, ay1, ax2, ay2, area1)
        best = jnp.maximum(best, iou)
        miou = jnp.where(keep, iou, -1.0)
        lanemax = jnp.max(miou, axis=0, keepdims=True)
        cand = jnp.where(miou == lanemax, ridx, PAD)
        laneidx = jnp.min(cand, axis=0, keepdims=True)
        M = jnp.where(mrow == j, lanemax, M)
        I = jnp.where(mrow == j, laneidx, I)
    bmax = jnp.max(M, axis=1, keepdims=True)
    wvec = jnp.min(jnp.where(M == bmax, I, PAD), axis=1, keepdims=True)
    label = jnp.where(keep & (best < 0.3), 0, -1)
    label = jnp.where(keep & (best > 0.7), 1, label)
    label_ref[...] = label
    wlane = jnp.reshape(wvec, (1, NBOX))
    win_ref[...] = jnp.concatenate(
        [jnp.concatenate([wlane, jnp.zeros((1, 96), jnp.int32)], axis=1),
         jnp.zeros((7, 128), jnp.int32)], axis=0)


def _tc_b_body(bbox_ref, a_ref, loc_ref):
    ax1 = a_ref[0]
    ay1 = a_ref[1]
    ax2 = a_ref[2]
    ay2 = a_ref[3]
    keep = (ax1 >= 0.0) & (ay1 >= 0.0) & (ax2 < 1.0) & (ay2 < 1.0)
    area1 = (ax2 - ax1) * (ay2 - ay1)
    best = jnp.full((ROWS, 128), -jnp.inf, jnp.float32)
    zero = jnp.zeros((ROWS, 128), jnp.float32)
    sx1, sy1, sx2, sy2 = zero, zero, zero, zero
    for j in range(NBOX):
        iou, (bx1, by1, bx2, by2) = _iou_j(bbox_ref, j, ax1, ay1, ax2, ay2,
                                           area1)
        better = iou > best
        best = jnp.where(better, iou, best)
        sx1 = jnp.where(better, bx1, sx1)
        sy1 = jnp.where(better, by1, sy1)
        sx2 = jnp.where(better, bx2, sx2)
        sy2 = jnp.where(better, by2, sy2)
    aw = ax2 - ax1
    ah = ay2 - ay1
    fkeep = keep.astype(jnp.float32)
    loc_ref[0] = jnp.where(keep, ((sx1 + sx2) / 2.0 - (ax1 + ax2) / 2.0) / aw, 0.0)
    loc_ref[1] = jnp.where(keep, ((sy1 + sy2) / 2.0 - (ay1 + ay2) / 2.0) / ah, 0.0)
    loc_ref[2] = fkeep * jnp.log(jnp.where(keep, (sx2 - sx1) / aw, 1.0))
    loc_ref[3] = fkeep * jnp.log(jnp.where(keep, (sy2 - sy1) / ah, 1.0))


_tc_a_call = pl.pallas_call(
    _tc_a_body,
    in_specs=[
        pl.BlockSpec(memory_space=pltpu.SMEM),
        pl.BlockSpec(memory_space=pltpu.VMEM),
    ],
    out_specs=[
        pl.BlockSpec(memory_space=pltpu.VMEM),
        pl.BlockSpec(memory_space=pltpu.VMEM),
    ],
    out_shape=[
        jax.ShapeDtypeStruct((ROWS, 128), jnp.int32),
        jax.ShapeDtypeStruct((8, 128), jnp.int32),
    ],
)

_tc_b_call = pl.pallas_call(
    _tc_b_body,
    in_specs=[
        pl.BlockSpec(memory_space=pltpu.SMEM),
        pl.BlockSpec(memory_space=pltpu.VMEM),
    ],
    out_specs=[pl.BlockSpec(memory_space=pltpu.VMEM)],
    out_shape=[jax.ShapeDtypeStruct((4, ROWS, 128), jnp.float32)],
)



def _splat(x):
    return jnp.zeros((16,), jnp.int32) + x


def _sc_body(lbl_hbm, win_hbm, tbl_hbm, out_hbm,
             lbl_v, win_v, prank_v, nrank_v, siga_v, sigb_v,
             c1p_v, c2p_v, c1n_v, c2n_v,
             bg1_v, bc1_v, bg2_v, bc2_v,
             row_v, tbl_v,
             spm_cnt, spm_tot, spm_c1, spm_c2, spm_c1p, spm_c2p,
             sem1, sem2):
    t = lax.axis_index("s")
    base = t * CHUNK
    iota = lax.iota(jnp.int32, 16)
    zeros = _splat(0)
    ones = _splat(1)

    cp1 = pltpu.async_copy(tbl_hbm.at[G1N], bg1_v, sem1)
    cp2 = pltpu.async_copy(tbl_hbm.at[G2N], bg2_v, sem2)

    pltpu.sync_copy(lbl_hbm.at[pl.ds(base, CHUNK)], lbl_v)
    pltpu.sync_copy(win_hbm.at[0], win_v)

    for h in range(2):
        w = win_v[pl.ds(h * 16, 16)]
        loc = w - _splat(base)
        msk = (loc >= zeros) & (loc < _splat(CHUNK))
        locc = jnp.minimum(jnp.maximum(loc, zeros), _splat(CHUNK - 1))
        plsc.store_scatter(lbl_v, [locc], ones, mask=msk)

    def cnt_body(i, carry):
        cp, cn = carry
        la = lbl_v[pl.ds(i * 32, 16)]
        lb = lbl_v[pl.ds(i * 32 + 16, 16)]
        mpa = la == ones
        mna = la == zeros
        mpb = lb == ones
        mnb = lb == zeros
        pa = plsc.all_reduce_population_count(mpa)
        na = plsc.all_reduce_population_count(mna)
        pb = plsc.all_reduce_population_count(mpb)
        nb = plsc.all_reduce_population_count(mnb)
        prank_v[pl.ds(i * 32, 16)] = plsc.cumsum(jnp.where(mpa, ones, zeros)) + cp
        nrank_v[pl.ds(i * 32, 16)] = plsc.cumsum(jnp.where(mna, ones, zeros)) + cn
        prank_v[pl.ds(i * 32 + 16, 16)] = (
            plsc.cumsum(jnp.where(mpb, ones, zeros)) + cp + pa)
        nrank_v[pl.ds(i * 32 + 16, 16)] = (
            plsc.cumsum(jnp.where(mnb, ones, zeros)) + cn + na)
        return (cp + pa + pb, cn + na + nb)

    cp, cn = lax.fori_loop(0, VITER // 2, cnt_body, (zeros, zeros))
    my_pos = jnp.max(cp)
    my_neg = jnp.max(cn)
    row_v[...] = (jnp.where(iota == zeros, _splat(my_pos), zeros)
                  + jnp.where(iota == ones, _splat(my_neg), zeros))
    pltpu.sync_copy(row_v, spm_cnt.at[t])
    plsc.subcore_barrier()

    pltpu.sync_copy(spm_cnt, tbl_v)
    pc = plsc.load_gather(tbl_v, [iota, zeros])
    nc = plsc.load_gather(tbl_v, [iota, ones])
    n_pos = jnp.sum(pc)
    n_neg = jnp.sum(nc)
    tv = _splat(t)
    off_pos = jnp.sum(jnp.where(iota < tv, pc, zeros))
    off_neg = jnp.sum(jnp.where(iota < tv, nc, zeros))
    pos_active = n_pos > 128

    def c_pair(sa, sb, ca_v, cb_v, n):
        pltpu.sync_copy(tbl_hbm.at[sa, pl.ds(base, CHUNK)], siga_v)
        pltpu.sync_copy(tbl_hbm.at[sb, pl.ds(base, CHUNK)], sigb_v)
        nv = _splat(n)

        def body(i, carry):
            ca, cb = carry
            sa0 = siga_v[pl.ds(i * 32, 16)]
            sa1 = siga_v[pl.ds(i * 32 + 16, 16)]
            sb0 = sigb_v[pl.ds(i * 32, 16)]
            sb1 = sigb_v[pl.ds(i * 32 + 16, 16)]
            ma0 = sa0 < nv
            ma1 = sa1 < nv
            mb0 = sb0 < nv
            mb1 = sb1 < nv
            pa0 = plsc.all_reduce_population_count(ma0)
            pa1 = plsc.all_reduce_population_count(ma1)
            pb0 = plsc.all_reduce_population_count(mb0)
            pb1 = plsc.all_reduce_population_count(mb1)
            ia0 = jnp.where(ma0, ones, zeros)
            ia1 = jnp.where(ma1, ones, zeros)
            ib0 = jnp.where(mb0, ones, zeros)
            ib1 = jnp.where(mb1, ones, zeros)
            ca_v[pl.ds(i * 32, 16)] = plsc.cumsum(ia0) + ca - ia0
            cb_v[pl.ds(i * 32, 16)] = plsc.cumsum(ib0) + cb - ib0
            ca_v[pl.ds(i * 32 + 16, 16)] = plsc.cumsum(ia1) + (ca + pa0) - ia1
            cb_v[pl.ds(i * 32 + 16, 16)] = plsc.cumsum(ib1) + (cb + pb0) - ib1
            return (ca + pa0 + pa1, cb + pb0 + pb1)

        ta, tb = lax.fori_loop(0, VITER // 2, body, (zeros, zeros))
        return jnp.max(ta), jnp.max(tb)

    t1n, t2n = c_pair(S1N, S2N, c1n_v, c2n_v, n_neg)
    row_v[...] = (jnp.where(iota == _splat(2), _splat(t1n), zeros)
                  + jnp.where(iota == _splat(3), _splat(t2n), zeros))

    @pl.when(pos_active)
    def _():
        t1p, t2p = c_pair(S1P, S2P, c1p_v, c2p_v, n_pos)
        row_v[...] = (row_v[...]
                      + jnp.where(iota == zeros, _splat(t1p), zeros)
                      + jnp.where(iota == ones, _splat(t2p), zeros))

    pltpu.sync_copy(row_v, spm_tot.at[t])
    plsc.subcore_barrier()

    pltpu.sync_copy(spm_tot, tbl_v)

    def off_of(col):
        tc = plsc.load_gather(tbl_v, [iota, _splat(col)])
        return _splat(jnp.sum(jnp.where(iota < tv, tc, zeros)))

    o1n = off_of(2)
    o2n = off_of(3)

    def pub_body(i, carry):
        c1n_v[pl.ds(i * 16, 16)] = c1n_v[pl.ds(i * 16, 16)] + o1n
        c2n_v[pl.ds(i * 16, 16)] = c2n_v[pl.ds(i * 16, 16)] + o2n
        return carry

    lax.fori_loop(0, VITER, pub_body, 0)
    pltpu.sync_copy(c1n_v, spm_c1.at[pl.ds(base, CHUNK)])
    pltpu.sync_copy(c2n_v, spm_c2.at[pl.ds(base, CHUNK)])

    @pl.when(pos_active)
    def _():
        o1p = off_of(0)
        o2p = off_of(1)

        def body(i, carry):
            c1p_v[pl.ds(i * 16, 16)] = c1p_v[pl.ds(i * 16, 16)] + o1p
            c2p_v[pl.ds(i * 16, 16)] = c2p_v[pl.ds(i * 16, 16)] + o2p
            return carry

        lax.fori_loop(0, VITER, body, 0)
        pltpu.sync_copy(c1p_v, spm_c1p.at[pl.ds(base, CHUNK)])
        pltpu.sync_copy(c2p_v, spm_c2p.at[pl.ds(base, CHUNK)])

    plsc.subcore_barrier()

    maxi = _splat(PAD - 1)
    cp1.wait()
    cp2.wait()

    def drop_loop(rank_v, n, off, lblval, start):
        nvec = _splat(n)
        startv = _splat(start)
        offv = _splat(off)
        lv = _splat(lblval)

        two_round = nvec > _splat(1625)
        neg1 = _splat(-1)

        def chain(r):
            rc = jnp.minimum(jnp.maximum(r, zeros), maxi)
            a = plsc.load_gather(bg1_v, [rc])
            p1 = plsc.load_gather(bc1_v, [a])
            b = plsc.load_gather(bg2_v, [jnp.minimum(p1, maxi)])
            v2 = plsc.load_gather(bc2_v, [b])
            return jnp.where(two_round, v2, p1)

        def body(i, carry):
            l0 = lbl_v[pl.ds(i * 32, 16)]
            l1 = lbl_v[pl.ds(i * 32 + 16, 16)]
            r0 = rank_v[pl.ds(i * 32, 16)] - ones + offv
            r1 = rank_v[pl.ds(i * 32 + 16, 16)] - ones + offv
            v0 = chain(r0)
            v1 = chain(r1)
            d0 = (l0 == lv) & (v0 >= startv)
            d1 = (l1 == lv) & (v1 >= startv)
            lbl_v[pl.ds(i * 32, 16)] = jnp.where(d0, neg1, l0)
            lbl_v[pl.ds(i * 32 + 16, 16)] = jnp.where(d1, neg1, l1)
            return carry

        lax.fori_loop(0, VITER // 2, body, 0)

    @pl.when(pos_active)
    def _():
        pltpu.sync_copy(tbl_hbm.at[G1P], bg1_v)
        pltpu.sync_copy(spm_c1p, bc1_v)
        pltpu.sync_copy(tbl_hbm.at[G2P], bg2_v)
        pltpu.sync_copy(spm_c2p, bc2_v)
        drop_loop(prank_v, n_pos, off_pos, 1, 128)
        pltpu.sync_copy(tbl_hbm.at[G1N], bg1_v)
        pltpu.sync_copy(tbl_hbm.at[G2N], bg2_v)

    pltpu.sync_copy(spm_c1, bc1_v)
    pltpu.sync_copy(spm_c2, bc2_v)
    s = 256 - n_pos - n_neg
    start_lt = jnp.where(s >= 0, jnp.minimum(s, n_neg),
                         jnp.maximum(n_neg + s, 0))
    start_neg = jnp.where(n_pos >= 128, 128, start_lt)

    @pl.when(n_neg > 128)
    def _():
        drop_loop(nrank_v, n_neg, off_neg, 0, start_neg)

    pltpu.sync_copy(lbl_v, out_hbm.at[pl.ds(base, CHUNK)])


_sc_call = pl.kernel(
    _sc_body,
    mesh=plsc.VectorSubcoreMesh(core_axis_name="c", subcore_axis_name="s",
                                num_cores=1),
    out_type=jax.ShapeDtypeStruct((PAD,), jnp.int32),
    compiler_params=pltpu.CompilerParams(needs_layout_passes=False),
    scratch_types=[
        pltpu.VMEM((CHUNK,), jnp.int32),
        pltpu.VMEM((128,), jnp.int32),
        pltpu.VMEM((CHUNK,), jnp.int32),
        pltpu.VMEM((CHUNK,), jnp.int32),
        pltpu.VMEM((CHUNK,), jnp.int32),
        pltpu.VMEM((CHUNK,), jnp.int32),
        pltpu.VMEM((CHUNK,), jnp.int32),
        pltpu.VMEM((CHUNK,), jnp.int32),
        pltpu.VMEM((CHUNK,), jnp.int32),
        pltpu.VMEM((CHUNK,), jnp.int32),
        pltpu.VMEM((PAD,), jnp.int32),
        pltpu.VMEM((PAD,), jnp.int32),
        pltpu.VMEM((PAD,), jnp.int32),
        pltpu.VMEM((PAD,), jnp.int32),
        pltpu.VMEM((16,), jnp.int32),
        pltpu.VMEM((16, 16), jnp.int32),
        pltpu.VMEM_SHARED((NTILE, 16), jnp.int32),
        pltpu.VMEM_SHARED((NTILE, 16), jnp.int32),
        pltpu.VMEM_SHARED((PAD,), jnp.int32),
        pltpu.VMEM_SHARED((PAD,), jnp.int32),
        pltpu.VMEM_SHARED((PAD,), jnp.int32),
        pltpu.VMEM_SHARED((PAD,), jnp.int32),
        pltpu.SemaphoreType.DMA,
        pltpu.SemaphoreType.DMA,
    ],
)


def kernel(bbox, anchor):
    bbox = bbox.astype(jnp.float32)
    anchor = anchor.astype(jnp.float32)
    pads = jnp.tile(jnp.array([[2.0], [2.0], [2.1], [2.1]], jnp.float32),
                    (1, PAD - NANCH))
    acoord = jnp.concatenate([anchor.T, pads], axis=1).reshape(4, ROWS, 128)
    label0, winners = _tc_a_call(bbox, acoord)
    cls_pad = _sc_call(label0.reshape(PAD), winners, jnp.asarray(_TABLES))
    (locp,) = _tc_b_call(bbox, acoord)
    rpn_tg_cls = cls_pad[:NANCH]
    rpn_tg_loc = locp.reshape(4, PAD).T[:NANCH]
    return (rpn_tg_cls, rpn_tg_loc)

# --- scband reference (transcript-rebuilt; emitter-appended) ---
"""Pipeline reference for scband-rpntarget-builder-6786048328331 (READ-ONLY COPY).

The authoritative reference and input builder live on the scoring server;
editing this copy changes nothing except your own understanding.
"""

import jax, jax.numpy as jnp
import numpy as np


def xy_to_cxcy(xy):
    return jnp.concatenate([(xy[:, 2:] + xy[:, :2]) / 2.0, xy[:, 2:] - xy[:, :2]], axis=1)


def encode(cxcy, priors_cxcy):
    return jnp.concatenate([(cxcy[:, :2] - priors_cxcy[:, :2]) / priors_cxcy[:, 2:],
                            jnp.log(cxcy[:, 2:] / priors_cxcy[:, 2:])], axis=1)


def find_jaccard_overlap(set1, set2):
    lower = jnp.maximum(set1[:, None, :2], set2[None, :, :2])
    upper = jnp.minimum(set1[:, None, 2:], set2[None, :, 2:])
    inter = jnp.clip(upper - lower, 0.0, None)
    inter_area = inter[..., 0] * inter[..., 1]
    area1 = (set1[:, 2] - set1[:, 0]) * (set1[:, 3] - set1[:, 1])
    area2 = (set2[:, 2] - set2[:, 0]) * (set2[:, 3] - set2[:, 1])
    union = area1[:, None] + area2[None, :] - inter_area
    return inter_area / union


def dynamic_size_permutation(key, n, buf):
    slots = jnp.arange(buf)
    pad = jnp.uint32(0xFFFFFFFF)
    x = jnp.arange(buf)
    key, sub1 = jax.random.split(key)
    bits1 = jax.random.bits(sub1, (buf,), jnp.uint32)
    keys1 = jnp.where(slots < n, bits1, pad)
    _, x1 = jax.lax.sort_key_val(keys1, x)
    key, sub2 = jax.random.split(key)
    bits2 = jax.random.bits(sub2, (buf,), jnp.uint32)
    keys2 = jnp.where(slots < n, bits2, pad)
    _, x2 = jax.lax.sort_key_val(keys2, x1)
    return jnp.where(n > 1625, x2, x1)


def setup_inputs(seed: int = 0):
    key = jax.random.key(seed)
    k1, k2, k3, k4 = jax.random.split(key, 4)
    n_anchor = 20000
    n_obj = 32
    a_c = jax.random.uniform(k1, (n_anchor, 2), dtype=jnp.float32)
    a_wh = jax.random.uniform(k2, (n_anchor, 2), dtype=jnp.float32) * 0.2 + 0.01
    anchor = jnp.concatenate([a_c - a_wh / 2.0, a_c + a_wh / 2.0], axis=1)
    b_c = jax.random.uniform(k3, (n_obj, 2), dtype=jnp.float32) * 0.6 + 0.2
    b_wh = jax.random.uniform(k4, (n_obj, 2), dtype=jnp.float32) * 0.25 + 0.05
    bbox = jnp.concatenate([b_c - b_wh / 2.0, b_c + b_wh / 2.0], axis=1)
    return {"bbox": bbox, "anchor": anchor}


def reference(bbox, anchor):
    anchor_keep = (anchor[:, 0] >= 0) & (anchor[:, 1] >= 0) & (anchor[:, 2] < 1) & (anchor[:, 3] < 1)
    num_anchors = anchor.shape[0]
    label = -1.0 * jnp.ones((num_anchors,), dtype=jnp.float32)
    iou = find_jaccard_overlap(anchor, bbox)
    IoU_max = jnp.max(iou, axis=1)
    IoU_argmax = jnp.argmax(iou, axis=1)
    label = jnp.where(anchor_keep & (IoU_max < 0.3), 0.0, label)
    iou_masked = jnp.where(anchor_keep[:, None], iou, -1.0)
    IoU_argmax_per_object = jnp.argmax(iou_masked, axis=0)
    label = label.at[IoU_argmax_per_object].set(1.0)
    label = jnp.where(anchor_keep & (IoU_max > 0.7), 1.0, label)
    n_pos = (label == 1).sum()
    n_neg = (label == 0).sum()
    rk = jax.random.key(42)
    slots = jnp.arange(num_anchors)
    perm_pos = dynamic_size_permutation(jax.random.fold_in(rk, 0), n_pos, num_anchors)
    drop_pos_slot = (slots >= 128) & (slots < n_pos)
    pos_rank_dropped = jnp.zeros((num_anchors,), dtype=bool).at[perm_pos].set(drop_pos_slot)
    is_pos = label == 1.0
    pos_rank = jnp.where(is_pos, jnp.cumsum(is_pos) - 1, 0)
    label = jnp.where(is_pos & (n_pos > 128) & pos_rank_dropped[pos_rank], -1.0, label)
    perm_neg = dynamic_size_permutation(jax.random.fold_in(rk, 1), n_neg, num_anchors)
    s = 256 - n_pos - n_neg
    start_lt = jnp.where(s >= 0, jnp.minimum(s, n_neg), jnp.maximum(n_neg + s, 0))
    start = jnp.where(n_pos >= 128, 128, start_lt)
    drop_neg_slot = (slots >= start) & (slots < n_neg) & (n_neg > 128)
    neg_rank_dropped = jnp.zeros((num_anchors,), dtype=bool).at[perm_neg].set(drop_neg_slot)
    is_neg = label == 0.0
    neg_rank = jnp.where(is_neg, jnp.cumsum(is_neg) - 1, 0)
    label = jnp.where(is_neg & (n_neg > 128) & neg_rank_dropped[neg_rank], -1.0, label)
    tg_cxywh = encode(xy_to_cxcy(bbox[IoU_argmax]), xy_to_cxcy(anchor))
    rpn_tg_cls = label.astype(jnp.int32)
    rpn_tg_loc = jnp.where(anchor_keep[:, None], tg_cxywh, 0.0)
    return (rpn_tg_cls, rpn_tg_loc)

if __name__ == "__main__":
    import jax
    _d = setup_inputs()
    print(jax.jit(kernel)(*tuple(_d.values())))

</pallas_src>

<mosaic_0001>
#map = affine_map<(d0, d1) -> (0)>
#map1 = affine_map<(d0, d1) -> (0, 0)>
module attributes {stable_mosaic.version = 14 : i64} {
  func.func @_sc_body(%arg0: i32, %arg1: i32, %arg2: memref<20480xi32, #tpu.memory_space<hbm>>, %arg3: memref<8x128xi32, #tpu.memory_space<hbm>>, %arg4: memref<8x20480xi32, #tpu.memory_space<hbm>>, %arg5: memref<20480xi32, #tpu.memory_space<hbm>>, %arg6: memref<1280xi32, #tpu.memory_space<vmem>>, %arg7: memref<128xi32, #tpu.memory_space<vmem>>, %arg8: memref<1280xi32, #tpu.memory_space<vmem>>, %arg9: memref<1280xi32, #tpu.memory_space<vmem>>, %arg10: memref<1280xi32, #tpu.memory_space<vmem>>, %arg11: memref<1280xi32, #tpu.memory_space<vmem>>, %arg12: memref<1280xi32, #tpu.memory_space<vmem>>, %arg13: memref<1280xi32, #tpu.memory_space<vmem>>, %arg14: memref<1280xi32, #tpu.memory_space<vmem>>, %arg15: memref<1280xi32, #tpu.memory_space<vmem>>, %arg16: memref<20480xi32, #tpu.memory_space<vmem>>, %arg17: memref<20480xi32, #tpu.memory_space<vmem>>, %arg18: memref<20480xi32, #tpu.memory_space<vmem>>, %arg19: memref<20480xi32, #tpu.memory_space<vmem>>, %arg20: memref<16xi32, #tpu.memory_space<vmem>>, %arg21: memref<16x16xi32, #tpu.memory_space<vmem>>, %arg22: memref<16x16xi32, #tpu.memory_space<vmem_shared>>, %arg23: memref<16x16xi32, #tpu.memory_space<vmem_shared>>, %arg24: memref<20480xi32, #tpu.memory_space<vmem_shared>>, %arg25: memref<20480xi32, #tpu.memory_space<vmem_shared>>, %arg26: memref<20480xi32, #tpu.memory_space<vmem_shared>>, %arg27: memref<20480xi32, #tpu.memory_space<vmem_shared>>, %arg28: memref<!tpu.dma_semaphore, #tpu.memory_space<semaphore_mem>>, %arg29: memref<!tpu.dma_semaphore, #tpu.memory_space<semaphore_mem>>) attributes {dimension_semantics = [#tpu.dimension_semantics<core_parallel>, #tpu.dimension_semantics<subcore_parallel>], iteration_bounds = array<i64: 1, 16>, scalar_prefetch = 0 : i64, scratch_operands = 24 : i64, tpu.core_type = #tpu.core_type<sc_vector_subcore>, window_params = [{transform_indices = #map}, {transform_indices = #map1}, {transform_indices = #map1}, {transform_indices = #map}]} {
    %mul3A = arith.constant 1280 : i32
    %mul3A_0 = arith.muli %arg1, %mul3A : i32
    %iota3A = tpu.iota {dimensions = array<i32: 0>} : vector<16xi32>
    %broadcast_in_dim3A = arith.constant 0 : i32
    %broadcast_in_dim3A_1 = vector.broadcast %broadcast_in_dim3A : i32 to vector<16xi32>
    %add3A = arith.constant 0 : i32
    %add3A_2 = vector.broadcast %add3A : i32 to vector<16xi32>
    %add3A_3 = arith.addi %broadcast_in_dim3A_1, %add3A_2 : vector<16xi32>
    %broadcast_in_dim3A_4 = arith.constant 0 : i32
    %broadcast_in_dim3A_5 = vector.broadcast %broadcast_in_dim3A_4 : i32 to vector<16xi32>
    %add3A_6 = arith.constant 1 : i32
    %add3A_7 = vector.broadcast %add3A_6 : i32 to vector<16xi32>
    %add3A_8 = arith.addi %broadcast_in_dim3A_5, %add3A_7 : vector<16xi32>
    %dma_start3A = arith.constant 5 : i32
    %dma_start3A_9 = arith.constant 0 : i32
    %dma_start3A_10 = tpu.memref_slice %arg4[%dma_start3A, %dma_start3A_9] : memref<8x20480xi32, #tpu.memory_space<hbm>> -> memref<1x20480xi32, #tpu.memory_space<hbm>>
    %dma_start3A_11 = tpu.memref_squeeze %dma_start3A_10 : memref<1x20480xi32, #tpu.memory_space<hbm>> -> memref<20480xi32, #tpu.memory_space<hbm>>
    %dma_start3A_12 = arith.constant 0 : i32
    %dma_start3A_13 = tpu.memref_slice %arg4[%dma_start3A, %dma_start3A_12] : memref<8x20480xi32, #tpu.memory_space<hbm>> -> memref<1x20480xi32, #tpu.memory_space<hbm>>
    %dma_start3A_14 = tpu.memref_squeeze %dma_start3A_13 : memref<1x20480xi32, #tpu.memory_space<hbm>> -> memref<20480xi32, #tpu.memory_space<hbm>>
    tpu.enqueue_dma source(%dma_start3A_14 : memref<20480xi32, #tpu.memory_space<hbm>>) target(%arg16 : memref<20480xi32, #tpu.memory_space<vmem>>) target_semaphore(%arg28 : memref<!tpu.dma_semaphore, #tpu.memory_space<semaphore_mem>>)
    %dma_start3A_15 = arith.constant 7 : i32
    %dma_start3A_16 = arith.constant 0 : i32
    %dma_start3A_17 = tpu.memref_slice %arg4[%dma_start3A_15, %dma_start3A_16] : memref<8x20480xi32, #tpu.memory_space<hbm>> -> memref<1x20480xi32, #tpu.memory_space<hbm>>
    %dma_start3A_18 = tpu.memref_squeeze %dma_start3A_17 : memref<1x20480xi32, #tpu.memory_space<hbm>> -> memref<20480xi32, #tpu.memory_space<hbm>>
    %dma_start3A_19 = arith.constant 0 : i32
    %dma_start3A_20 = tpu.memref_slice %arg4[%dma_start3A_15, %dma_start3A_19] : memref<8x20480xi32, #tpu.memory_space<hbm>> -> memref<1x20480xi32, #tpu.memory_space<hbm>>
    %dma_start3A_21 = tpu.memref_squeeze %dma_start3A_20 : memref<1x20480xi32, #tpu.memory_space<hbm>> -> memref<20480xi32, #tpu.memory_space<hbm>>
    tpu.enqueue_dma source(%dma_start3A_21 : memref<20480xi32, #tpu.memory_space<hbm>>) target(%arg18 : memref<20480xi32, #tpu.memory_space<vmem>>) target_semaphore(%arg29 : memref<!tpu.dma_semaphore, #tpu.memory_space<semaphore_mem>>)
    "tpu.region"() ({
      %run_scoped3A_252 = tpu.sem_alloc : memref<!tpu.dma_semaphore, #tpu.memory_space<semaphore_mem>>
      %dma_start3A_253 = tpu.memref_slice %arg2[%mul3A_0] : memref<20480xi32, #tpu.memory_space<hbm>> -> memref<1280xi32, #tpu.memory_space<hbm>>
      %dma_start3A_254 = tpu.memref_slice %arg2[%mul3A_0] : memref<20480xi32, #tpu.memory_space<hbm>> -> memref<1280xi32, #tpu.memory_space<hbm>>
      tpu.enqueue_dma source(%dma_start3A_254 : memref<1280xi32, #tpu.memory_space<hbm>>) target(%arg6 : memref<1280xi32, #tpu.memory_space<vmem>>) target_semaphore(%run_scoped3A_252 : memref<!tpu.dma_semaphore, #tpu.memory_space<semaphore_mem>>)
      %dma_wait3A_255 = tpu.memref_slice %arg2[%mul3A_0] : memref<20480xi32, #tpu.memory_space<hbm>> -> memref<1280xi32, #tpu.memory_space<hbm>>
      %dma_wait3A_256 = tpu.memref_slice %arg2[%mul3A_0] : memref<20480xi32, #tpu.memory_space<hbm>> -> memref<1280xi32, #tpu.memory_space<hbm>>
      tpu.wait_dma2 semaphore(%run_scoped3A_252 : memref<!tpu.dma_semaphore, #tpu.memory_space<semaphore_mem>>) src(%dma_wait3A_256 : memref<1280xi32, #tpu.memory_space<hbm>>) dst(%arg6 : memref<1280xi32, #tpu.memory_space<vmem>>)
      tpu.yield
    }) : () -> ()
    %run_scoped3A = arith.constant 0 : i32
    "tpu.region"() ({
      %run_scoped3A_252 = tpu.sem_alloc : memref<!tpu.dma_semaphore, #tpu.memory_space<semaphore_mem>>
      %dma_start3A_253 = arith.constant 0 : i32
      %dma_start3A_254 = tpu.memref_slice %arg3[%run_scoped3A, %dma_start3A_253] : memref<8x128xi32, #tpu.memory_space<hbm>> -> memref<1x128xi32, #tpu.memory_space<hbm>>
      %dma_start3A_255 = tpu.memref_squeeze %dma_start3A_254 : memref<1x128xi32, #tpu.memory_space<hbm>> -> memref<128xi32, #tpu.memory_space<hbm>>
      %dma_start3A_256 = arith.constant 0 : i32
      %dma_start3A_257 = tpu.memref_slice %arg3[%run_scoped3A, %dma_start3A_256] : memref<8x128xi32, #tpu.memory_space<hbm>> -> memref<1x128xi32, #tpu.memory_space<hbm>>
      %dma_start3A_258 = tpu.memref_squeeze %dma_start3A_257 : memref<1x128xi32, #tpu.memory_space<hbm>> -> memref<128xi32, #tpu.memory_space<hbm>>
      tpu.enqueue_dma source(%dma_start3A_258 : memref<128xi32, #tpu.memory_space<hbm>>) target(%arg7 : memref<128xi32, #tpu.memory_space<vmem>>) target_semaphore(%run_scoped3A_252 : memref<!tpu.dma_semaphore, #tpu.memory_space<semaphore_mem>>)
      %dma_wait3A_259 = arith.constant 0 : i32
      %dma_wait3A_260 = tpu.memref_slice %arg3[%run_scoped3A, %dma_wait3A_259] : memref<8x128xi32, #tpu.memory_space<hbm>> -> memref<1x128xi32, #tpu.memory_space<hbm>>
      %dma_wait3A_261 = tpu.memref_squeeze %dma_wait3A_260 : memref<1x128xi32, #tpu.memory_space<hbm>> -> memref<128xi32, #tpu.memory_space<hbm>>
      %dma_wait3A_262 = arith.constant 0 : i32
      %dma_wait3A_263 = tpu.memref_slice %arg3[%run_scoped3A, %dma_wait3A_262] : memref<8x128xi32, #tpu.memory_space<hbm>> -> memref<1x128xi32, #tpu.memory_space<hbm>>
      %dma_wait3A_264 = tpu.memref_squeeze %dma_wait3A_263 : memref<1x128xi32, #tpu.memory_space<hbm>> -> memref<128xi32, #tpu.memory_space<hbm>>
      tpu.wait_dma2 semaphore(%run_scoped3A_252 : memref<!tpu.dma_semaphore, #tpu.memory_space<semaphore_mem>>) src(%dma_wait3A_264 : memref<128xi32, #tpu.memory_space<hbm>>) dst(%arg7 : memref<128xi32, #tpu.memory_space<vmem>>)
      tpu.yield
    }) : () -> ()
    %get3A = arith.constant 0 : index
    %get3A_22 = tpu.vector_load %arg7[%get3A] {strides = array<i32>} : memref<128xi32, #tpu.memory_space<vmem>>, vector<16xi32>,
    %broadcast_in_dim3A_23 = arith.constant 0 : i32
    %broadcast_in_dim3A_24 = vector.broadcast %broadcast_in_dim3A_23 : i32 to vector<16xi32>
    %add3A_25 = vector.broadcast %mul3A_0 : i32 to vector<16xi32>
    %add3A_26 = arith.addi %broadcast_in_dim3A_24, %add3A_25 : vector<16xi32>
    %sub3A = arith.subi %get3A_22, %add3A_26 : vector<16xi32>
    %ge3A = arith.cmpi sge, %sub3A, %add3A_3 : vector<16xi32>
    %broadcast_in_dim3A_27 = arith.constant 0 : i32
    %broadcast_in_dim3A_28 = vector.broadcast %broadcast_in_dim3A_27 : i32 to vector<16xi32>
    %add3A_29 = arith.constant 1280 : i32
    %add3A_30 = vector.broadcast %add3A_29 : i32 to vector<16xi32>
    %add3A_31 = arith.addi %broadcast_in_dim3A_28, %add3A_30 : vector<16xi32>
    %lt3A = arith.cmpi slt, %sub3A, %add3A_31 : vector<16xi32>
    %and3A = arith.andi %ge3A, %lt3A : vector<16xi1>
    %max3A = arith.maxsi %sub3A, %add3A_3 : vector<16xi32>
    %broadcast_in_dim3A_32 = arith.constant 0 : i32
    %broadcast_in_dim3A_33 = vector.broadcast %broadcast_in_dim3A_32 : i32 to vector<16xi32>
    %add3A_34 = arith.constant 1279 : i32
    %add3A_35 = vector.broadcast %add3A_34 : i32 to vector<16xi32>
    %add3A_36 = arith.addi %broadcast_in_dim3A_33, %add3A_35 : vector<16xi32>
    %min3A = arith.minsi %max3A, %add3A_36 : vector<16xi32>
    tpu.vector_store_idx %arg6[%min3A], %add3A_8 masked %and3A : memref<1280xi32, #tpu.memory_space<vmem>>[vector<16xi32>], vector<16xi32>, vector<16xi1>
    %get3A_37 = arith.constant 16 : index
    %get3A_38 = tpu.vector_load %arg7[%get3A_37] {strides = array<i32>} : memref<128xi32, #tpu.memory_space<vmem>>, vector<16xi32>,
    %broadcast_in_dim3A_39 = arith.constant 0 : i32
    %broadcast_in_dim3A_40 = vector.broadcast %broadcast_in_dim3A_39 : i32 to vector<16xi32>
    %add3A_41 = vector.broadcast %mul3A_0 : i32 to vector<16xi32>
    %add3A_42 = arith.addi %broadcast_in_dim3A_40, %add3A_41 : vector<16xi32>
    %sub3A_43 = arith.subi %get3A_38, %add3A_42 : vector<16xi32>
    %ge3A_44 = arith.cmpi sge, %sub3A_43, %add3A_3 : vector<16xi32>
    %broadcast_in_dim3A_45 = arith.constant 0 : i32
    %broadcast_in_dim3A_46 = vector.broadcast %broadcast_in_dim3A_45 : i32 to vector<16xi32>
    %add3A_47 = arith.constant 1280 : i32
    %add3A_48 = vector.broadcast %add3A_47 : i32 to vector<16xi32>
    %add3A_49 = arith.addi %broadcast_in_dim3A_46, %add3A_48 : vector<16xi32>
    %lt3A_50 = arith.cmpi slt, %sub3A_43, %add3A_49 : vector<16xi32>
    %and3A_51 = arith.andi %ge3A_44, %lt3A_50 : vector<16xi1>
    %max3A_52 = arith.maxsi %sub3A_43, %add3A_3 : vector<16xi32>
    %broadcast_in_dim3A_53 = arith.constant 0 : i32
    %broadcast_in_dim3A_54 = vector.broadcast %broadcast_in_dim3A_53 : i32 to vector<16xi32>
    %add3A_55 = arith.constant 1279 : i32
    %add3A_56 = vector.broadcast %add3A_55 : i32 to vector<16xi32>
    %add3A_57 = arith.addi %broadcast_in_dim3A_54, %add3A_56 : vector<16xi32>
    %min3A_58 = arith.minsi %max3A_52, %add3A_57 : vector<16xi32>
    tpu.vector_store_idx %arg6[%min3A_58], %add3A_8 masked %and3A_51 : memref<1280xi32, #tpu.memory_space<vmem>>[vector<16xi32>], vector<16xi32>, vector<16xi1>
    %scan3A = arith.constant 0 : i32
    %scan3A_59 = arith.constant 40 : i32
    %scan3A_60 = arith.addi %scan3A, %scan3A_59 : i32
    %scan3A_61 = arith.constant 1 : i32
    %scan3A_62:2 = scf.for %scan3A_252 = %scan3A to %scan3A_60 step %scan3A_61 iter_args(%scan3A_253 = %add3A_3, %scan3A_254 = %add3A_3) -> (vector<16xi32>, vector<16xi32>)  : i32 {
      %mul3A_255 = arith.constant 32 : i32
      %mul3A_256 = arith.muli %scan3A_252, %mul3A_255 : i32
      %get3A_257 = arith.index_cast %mul3A_256 : i32 to index
      %get3A_258 = tpu.vector_load %arg6[%get3A_257] {strides = array<i32>} : memref<1280xi32, #tpu.memory_space<vmem>>, vector<16xi32>,
      %mul3A_259 = arith.constant 32 : i32
      %mul3A_260 = arith.muli %scan3A_252, %mul3A_259 : i32
      %add3A_261 = arith.constant 16 : i32
      %add3A_262 = arith.addi %mul3A_260, %add3A_261 : i32
      %get3A_263 = arith.index_cast %add3A_262 : i32 to index
      %get3A_264 = tpu.vector_load %arg6[%get3A_263] {strides = array<i32>} : memref<1280xi32, #tpu.memory_space<vmem>>, vector<16xi32>,
      %eq3A_265 = arith.cmpi eq, %get3A_258, %add3A_8 : vector<16xi32>
      %eq3A_266 = arith.cmpi eq, %get3A_258, %add3A_3 : vector<16xi32>
      %eq3A_267 = arith.cmpi eq, %get3A_264, %add3A_8 : vector<16xi32>
      %eq3A_268 = arith.cmpi eq, %get3A_264, %add3A_3 : vector<16xi32>
      %all_reduce_population_count3A = tpu.all_reduce %eq3A_265 {dim = 0 : i64, kind = #tpu.reduction_kind<sum>} : vector<16xi1> -> vector<16xi32>
      %all_reduce_population_count3A_269 = tpu.all_reduce %eq3A_266 {dim = 0 : i64, kind = #tpu.reduction_kind<sum>} : vector<16xi1> -> vector<16xi32>
      %all_reduce_population_count3A_270 = tpu.all_reduce %eq3A_267 {dim = 0 : i64, kind = #tpu.reduction_kind<sum>} : vector<16xi1> -> vector<16xi32>
      %all_reduce_population_count3A_271 = tpu.all_reduce %eq3A_268 {dim = 0 : i64, kind = #tpu.reduction_kind<sum>} : vector<16xi1> -> vector<16xi32>
      %select_n3A_272 = arith.select %eq3A_265, %add3A_8, %add3A_3 : vector<16xi1>, vector<16xi32>
      %broadcast_in_dim3A_273 = arith.constant true
      %broadcast_in_dim3A_274 = vector.broadcast %broadcast_in_dim3A_273 : i1 to vector<16xi1>
      %masked_cumsum3A = tpu.scan <sum>, %select_n3A_272 masked %broadcast_in_dim3A_274 : vector<16xi32>, vector<16xi1> -> vector<16xi32>
      %add3A_275 = arith.addi %masked_cumsum3A, %scan3A_253 : vector<16xi32>
      %mul3A_276 = arith.constant 32 : i32
      %mul3A_277 = arith.muli %scan3A_252, %mul3A_276 : i32
      %swap3A_278 = arith.index_cast %mul3A_277 : i32 to index
      %swap3A_279 = tpu.vector_load %arg8[%swap3A_278] {strides = array<i32>} : memref<1280xi32, #tpu.memory_space<vmem>>, vector<16xi32>,
      tpu.vector_store %arg8[%swap3A_278], %add3A_275 {strides = array<i32>} : memref<1280xi32, #tpu.memory_space<vmem>>, vector<16xi32>,
      %select_n3A_280 = arith.select %eq3A_266, %add3A_8, %add3A_3 : vector<16xi1>, vector<16xi32>
      %broadcast_in_dim3A_281 = arith.constant true
      %broadcast_in_dim3A_282 = vector.broadcast %broadcast_in_dim3A_281 : i1 to vector<16xi1>
      %masked_cumsum3A_283 = tpu.scan <sum>, %select_n3A_280 masked %broadcast_in_dim3A_282 : vector<16xi32>, vector<16xi1> -> vector<16xi32>
      %add3A_284 = arith.addi %masked_cumsum3A_283, %scan3A_254 : vector<16xi32>
      %mul3A_285 = arith.constant 32 : i32
      %mul3A_286 = arith.muli %scan3A_252, %mul3A_285 : i32
      %swap3A_287 = arith.index_cast %mul3A_286 : i32 to index
      %swap3A_288 = tpu.vector_load %arg9[%swap3A_287] {strides = array<i32>} : memref<1280xi32, #tpu.memory_space<vmem>>, vector<16xi32>,
      tpu.vector_store %arg9[%swap3A_287], %add3A_284 {strides = array<i32>} : memref<1280xi32, #tpu.memory_space<vmem>>, vector<16xi32>,
      %select_n3A_289 = arith.select %eq3A_267, %add3A_8, %add3A_3 : vector<16xi1>, vector<16xi32>
      %broadcast_in_dim3A_290 = arith.constant true
      %broadcast_in_dim3A_291 = vector.broadcast %broadcast_in_dim3A_290 : i1 to vector<16xi1>
      %masked_cumsum3A_292 = tpu.scan <sum>, %select_n3A_289 masked %broadcast_in_dim3A_291 : vector<16xi32>, vector<16xi1> -> vector<16xi32>
      %add3A_293 = arith.addi %masked_cumsum3A_292, %scan3A_253 : vector<16xi32>
      %add3A_294 = arith.addi %add3A_293, %all_reduce_population_count3A : vector<16xi32>
      %mul3A_295 = arith.constant 32 : i32
      %mul3A_296 = arith.muli %scan3A_252, %mul3A_295 : i32
      %add3A_297 = arith.constant 16 : i32
      %add3A_298 = arith.addi %mul3A_296, %add3A_297 : i32
      %swap3A_299 = arith.index_cast %add3A_298 : i32 to index
      %swap3A_300 = tpu.vector_load %arg8[%swap3A_299] {strides = array<i32>} : memref<1280xi32, #tpu.memory_space<vmem>>, vector<16xi32>,
      tpu.vector_store %arg8[%swap3A_299], %add3A_294 {strides = array<i32>} : memref<1280xi32, #tpu.memory_space<vmem>>, vector<16xi32>,
      %select_n3A_301 = arith.select %eq3A_268, %add3A_8, %add3A_3 : vector<16xi1>, vector<16xi32>
      %broadcast_in_dim3A_302 = arith.constant true
      %broadcast_in_dim3A_303 = vector.broadcast %broadcast_in_dim3A_302 : i1 to vector<16xi1>
      %masked_cumsum3A_304 = tpu.scan <sum>, %select_n3A_301 masked %broadcast_in_dim3A_303 : vector<16xi32>, vector<16xi1> -> vector<16xi32>
      %add3A_305 = arith.addi %masked_cumsum3A_304, %scan3A_254 : vector<16xi32>
      %add3A_306 = arith.addi %add3A_305, %all_reduce_population_count3A_269 : vector<16xi32>
      %mul3A_307 = arith.constant 32 : i32
      %mul3A_308 = arith.muli %scan3A_252, %mul3A_307 : i32
      %add3A_309 = arith.constant 16 : i32
      %add3A_310 = arith.addi %mul3A_308, %add3A_309 : i32
      %swap3A_311 = arith.index_cast %add3A_310 : i32 to index
      %swap3A_312 = tpu.vector_load %arg9[%swap3A_311] {strides = array<i32>} : memref<1280xi32, #tpu.memory_space<vmem>>, vector<16xi32>,
      tpu.vector_store %arg9[%swap3A_311], %add3A_306 {strides = array<i32>} : memref<1280xi32, #tpu.memory_space<vmem>>, vector<16xi32>,
      %add3A_313 = arith.addi %scan3A_253, %all_reduce_population_count3A : vector<16xi32>
      %add3A_314 = arith.addi %add3A_313, %all_reduce_population_count3A_270 : vector<16xi32>
      %add3A_315 = arith.addi %scan3A_254, %all_reduce_population_count3A_269 : vector<16xi32>
      %add3A_316 = arith.addi %add3A_315, %all_reduce_population_count3A_271 : vector<16xi32>
      scf.yield %add3A_314, %add3A_316 : vector<16xi32>, vector<16xi32>
    }
    %scan3A_63 = arith.constant 40 : i32
    %reduce_max3A = arith.constant true
    %reduce_max3A_64 = vector.broadcast %reduce_max3A : i1 to vector<16xi1>
    %reduce_max3A_65 = arith.constant -2147483648 : i32
    %reduce_max3A_66 = vector.broadcast %reduce_max3A_65 : i32 to vector<16xi32>
    %reduce_max3A_67 = arith.xori %scan3A_62#0, %reduce_max3A_66 : vector<16xi32>
    %reduce_max3A_68 = tpu.scan <max>, %reduce_max3A_67 masked %reduce_max3A_64 : vector<16xi32>, vector<16xi1> -> vector<16xi32>
    %reduce_max3A_69 = arith.xori %reduce_max3A_68, %reduce_max3A_66 : vector<16xi32>
    %reduce_max3A_70 = vector.extract %reduce_max3A_69[15] : i32 from vector<16xi32>
    %reduce_max3A_71 = arith.constant true
    %reduce_max3A_72 = vector.broadcast %reduce_max3A_71 : i1 to vector<16xi1>
    %reduce_max3A_73 = arith.constant -2147483648 : i32
    %reduce_max3A_74 = vector.broadcast %reduce_max3A_73 : i32 to vector<16xi32>
    %reduce_max3A_75 = arith.xori %scan3A_62#1, %reduce_max3A_74 : vector<16xi32>
    %reduce_max3A_76 = tpu.scan <max>, %reduce_max3A_75 masked %reduce_max3A_72 : vector<16xi32>, vector<16xi1> -> vector<16xi32>
    %reduce_max3A_77 = arith.xori %reduce_max3A_76, %reduce_max3A_74 : vector<16xi32>
    %reduce_max3A_78 = vector.extract %reduce_max3A_77[15] : i32 from vector<16xi32>
    %eq3A = arith.cmpi eq, %iota3A, %add3A_3 : vector<16xi32>
    %broadcast_in_dim3A_79 = arith.constant 0 : i32
    %broadcast_in_dim3A_80 = vector.broadcast %broadcast_in_dim3A_79 : i32 to vector<16xi32>
    %add3A_81 = vector.broadcast %reduce_max3A_70 : i32 to vector<16xi32>
    %add3A_82 = arith.addi %broadcast_in_dim3A_80, %add3A_81 : vector<16xi32>
    %select_n3A = arith.select %eq3A, %add3A_82, %add3A_3 : vector<16xi1>, vector<16xi32>
    %eq3A_83 = arith.cmpi eq, %iota3A, %add3A_8 : vector<16xi32>
    %broadcast_in_dim3A_84 = arith.constant 0 : i32
    %broadcast_in_dim3A_85 = vector.broadcast %broadcast_in_dim3A_84 : i32 to vector<16xi32>
    %add3A_86 = vector.broadcast %reduce_max3A_78 : i32 to vector<16xi32>
    %add3A_87 = arith.addi %broadcast_in_dim3A_85, %add3A_86 : vector<16xi32>
    %select_n3A_88 = arith.select %eq3A_83, %add3A_87, %add3A_3 : vector<16xi1>, vector<16xi32>
    %add3A_89 = arith.addi %select_n3A, %select_n3A_88 : vector<16xi32>
    %swap3A = arith.constant 0 : index
    %swap3A_90 = tpu.vector_load %arg20[%swap3A] {strides = array<i32>} : memref<16xi32, #tpu.memory_space<vmem>>, vector<16xi32>,
    tpu.vector_store %arg20[%swap3A], %add3A_89 {strides = array<i32>} : memref<16xi32, #tpu.memory_space<vmem>>, vector<16xi32>,
    "tpu.region"() ({
      %run_scoped3A_252 = tpu.sem_alloc : memref<!tpu.dma_semaphore, #tpu.memory_space<semaphore_mem>>
      %dma_start3A_253 = arith.constant 0 : i32
      %dma_start3A_254 = tpu.memref_slice %arg22[%arg1, %dma_start3A_253] : memref<16x16xi32, #tpu.memory_space<vmem_shared>> -> memref<1x16xi32, #tpu.memory_space<vmem_shared>>
      %dma_start3A_255 = tpu.memref_squeeze %dma_start3A_254 : memref<1x16xi32, #tpu.memory_space<vmem_shared>> -> memref<16xi32, #tpu.memory_space<vmem_shared>>
      %dma_start3A_256 = arith.constant 0 : i32
      %dma_start3A_257 = tpu.memref_slice %arg22[%arg1, %dma_start3A_256] : memref<16x16xi32, #tpu.memory_space<vmem_shared>> -> memref<1x16xi32, #tpu.memory_space<vmem_shared>>
      %dma_start3A_258 = tpu.memref_squeeze %dma_start3A_257 : memref<1x16xi32, #tpu.memory_space<vmem_shared>> -> memref<16xi32, #tpu.memory_space<vmem_shared>>
      tpu.enqueue_dma source(%arg20 : memref<16xi32, #tpu.memory_space<vmem>>) target(%dma_start3A_258 : memref<16xi32, #tpu.memory_space<vmem_shared>>) target_semaphore(%run_scoped3A_252 : memref<!tpu.dma_semaphore, #tpu.memory_space<semaphore_mem>>)
      %dma_wait3A_259 = arith.constant 0 : i32
      %dma_wait3A_260 = tpu.memref_slice %arg22[%arg1, %dma_wait3A_259] : memref<16x16xi32, #tpu.memory_space<vmem_shared>> -> memref<1x16xi32, #tpu.memory_space<vmem_shared>>
      %dma_wait3A_261 = tpu.memref_squeeze %dma_wait3A_260 : memref<1x16xi32, #tpu.memory_space<vmem_shared>> -> memref<16xi32, #tpu.memory_space<vmem_shared>>
      %dma_wait3A_262 = arith.constant 0 : i32
      %dma_wait3A_263 = tpu.memref_slice %arg22[%arg1, %dma_wait3A_262] : memref<16x16xi32, #tpu.memory_space<vmem_shared>> -> memref<1x16xi32, #tpu.memory_space<vmem_shared>>
      %dma_wait3A_264 = tpu.memref_squeeze %dma_wait3A_263 : memref<1x16xi32, #tpu.memory_space<vmem_shared>> -> memref<16xi32, #tpu.memory_space<vmem_shared>>
      tpu.wait_dma2 semaphore(%run_scoped3A_252 : memref<!tpu.dma_semaphore, #tpu.memory_space<semaphore_mem>>) src(%arg20 : memref<16xi32, #tpu.memory_space<vmem>>) dst(%dma_wait3A_264 : memref<16xi32, #tpu.memory_space<vmem_shared>>)
      tpu.yield
    }) : () -> ()
    %barrier3A = arith.constant 0 : index
    tpu.barrier barrier_id(%barrier3A)
    "tpu.region"() ({
      %run_scoped3A_252 = tpu.sem_alloc : memref<!tpu.dma_semaphore, #tpu.memory_space<semaphore_mem>>
      tpu.enqueue_dma source(%arg22 : memref<16x16xi32, #tpu.memory_space<vmem_shared>>) target(%arg21 : memref<16x16xi32, #tpu.memory_space<vmem>>) target_semaphore(%run_scoped3A_252 : memref<!tpu.dma_semaphore, #tpu.memory_space<semaphore_mem>>)
      tpu.wait_dma2 semaphore(%run_scoped3A_252 : memref<!tpu.dma_semaphore, #tpu.memory_space<semaphore_mem>>) src(%arg22 : memref<16x16xi32, #tpu.memory_space<vmem_shared>>) dst(%arg21 : memref<16x16xi32, #tpu.memory_space<vmem>>)
      tpu.yield
    }) : () -> ()
    %gather3A = tpu.vector_load_idx %arg21[%iota3A, %add3A_3] : memref<16x16xi32, #tpu.memory_space<vmem>>[vector<16xi32>, vector<16xi32>], vector<16xi32>,
    %gather3A_91 = tpu.vector_load_idx %arg21[%iota3A, %add3A_8] : memref<16x16xi32, #tpu.memory_space<vmem>>[vector<16xi32>, vector<16xi32>], vector<16xi32>,
    %reduce_sum3A = arith.constant true
    %reduce_sum3A_92 = vector.broadcast %reduce_sum3A : i1 to vector<16xi1>
    %reduce_sum3A_93 = tpu.scan <sum>, %gather3A masked %reduce_sum3A_92 : vector<16xi32>, vector<16xi1> -> vector<16xi32>
    %reduce_sum3A_94 = vector.extract %reduce_sum3A_93[15] : i32 from vector<16xi32>
    %reduce_sum3A_95 = arith.constant true
    %reduce_sum3A_96 = vector.broadcast %reduce_sum3A_95 : i1 to vector<16xi1>
    %reduce_sum3A_97 = tpu.scan <sum>, %gather3A_91 masked %reduce_sum3A_96 : vector<16xi32>, vector<16xi1> -> vector<16xi32>
    %reduce_sum3A_98 = vector.extract %reduce_sum3A_97[15] : i32 from vector<16xi32>
    %broadcast_in_dim3A_99 = arith.constant 0 : i32
    %broadcast_in_dim3A_100 = vector.broadcast %broadcast_in_dim3A_99 : i32 to vector<16xi32>
    %add3A_101 = vector.broadcast %arg1 : i32 to vector<16xi32>
    %add3A_102 = arith.addi %broadcast_in_dim3A_100, %add3A_101 : vector<16xi32>
    %lt3A_103 = arith.cmpi slt, %iota3A, %add3A_102 : vector<16xi32>
    %select_n3A_104 = arith.select %lt3A_103, %gather3A, %add3A_3 : vector<16xi1>, vector<16xi32>
    %reduce_sum3A_105 = arith.constant true
    %reduce_sum3A_106 = vector.broadcast %reduce_sum3A_105 : i1 to vector<16xi1>
    %reduce_sum3A_107 = tpu.scan <sum>, %select_n3A_104 masked %reduce_sum3A_106 : vector<16xi32>, vector<16xi1> -> vector<16xi32>
    %reduce_sum3A_108 = vector.extract %reduce_sum3A_107[15] : i32 from vector<16xi32>
    %lt3A_109 = arith.cmpi slt, %iota3A, %add3A_102 : vector<16xi32>
    %select_n3A_110 = arith.select %lt3A_109, %gather3A_91, %add3A_3 : vector<16xi1>, vector<16xi32>
    %reduce_sum3A_111 = arith.constant true
    %reduce_sum3A_112 = vector.broadcast %reduce_sum3A_111 : i1 to vector<16xi1>
    %reduce_sum3A_113 = tpu.scan <sum>, %select_n3A_110 masked %reduce_sum3A_112 : vector<16xi32>, vector<16xi1> -> vector<16xi32>
    %reduce_sum3A_114 = vector.extract %reduce_sum3A_113[15] : i32 from vector<16xi32>
    %gt3A = arith.constant 128 : i32
    %gt3A_115 = arith.cmpi sgt, %reduce_sum3A_94, %gt3A : i32
    %run_scoped3A_116 = arith.constant 4 : i32
    "tpu.region"() ({
      %run_scoped3A_252 = tpu.sem_alloc : memref<!tpu.dma_semaphore, #tpu.memory_space<semaphore_mem>>
      %dma_start3A_253 = tpu.memref_slice %arg4[%run_scoped3A_116, %mul3A_0] : memref<8x20480xi32, #tpu.memory_space<hbm>> -> memref<1x1280xi32, #tpu.memory_space<hbm>>
      %dma_start3A_254 = tpu.memref_squeeze %dma_start3A_253 : memref<1x1280xi32, #tpu.memory_space<hbm>> -> memref<1280xi32, #tpu.memory_space<hbm>>
      %dma_start3A_255 = tpu.memref_slice %arg4[%run_scoped3A_116, %mul3A_0] : memref<8x20480xi32, #tpu.memory_space<hbm>> -> memref<1x1280xi32, #tpu.memory_space<hbm>>
      %dma_start3A_256 = tpu.memref_squeeze %dma_start3A_255 : memref<1x1280xi32, #tpu.memory_space<hbm>> -> memref<1280xi32, #tpu.memory_space<hbm>>
      tpu.enqueue_dma source(%dma_start3A_256 : memref<1280xi32, #tpu.memory_space<hbm>>) target(%arg10 : memref<1280xi32, #tpu.memory_space<vmem>>) target_semaphore(%run_scoped3A_252 : memref<!tpu.dma_semaphore, #tpu.memory_space<semaphore_mem>>)
      %dma_wait3A_257 = tpu.memref_slice %arg4[%run_scoped3A_116, %mul3A_0] : memref<8x20480xi32, #tpu.memory_space<hbm>> -> memref<1x1280xi32, #tpu.memory_space<hbm>>
      %dma_wait3A_258 = tpu.memref_squeeze %dma_wait3A_257 : memref<1x1280xi32, #tpu.memory_space<hbm>> -> memref<1280xi32, #tpu.memory_space<hbm>>
      %dma_wait3A_259 = tpu.memref_slice %arg4[%run_scoped3A_116, %mul3A_0] : memref<8x20480xi32, #tpu.memory_space<hbm>> -> memref<1x1280xi32, #tpu.memory_space<hbm>>
      %dma_wait3A_260 = tpu.memref_squeeze %dma_wait3A_259 : memref<1x1280xi32, #tpu.memory_space<hbm>> -> memref<1280xi32, #tpu.memory_space<hbm>>
      tpu.wait_dma2 semaphore(%run_scoped3A_252 : memref<!tpu.dma_semaphore, #tpu.memory_space<semaphore_mem>>) src(%dma_wait3A_260 : memref<1280xi32, #tpu.memory_space<hbm>>) dst(%arg10 : memref<1280xi32, #tpu.memory_space<vmem>>)
      tpu.yield
    }) : () -> ()
    %run_scoped3A_117 = arith.constant 6 : i32
    "tpu.region"() ({
      %run_scoped3A_252 = tpu.sem_alloc : memref<!tpu.dma_semaphore, #tpu.memory_space<semaphore_mem>>
      %dma_start3A_253 = tpu.memref_slice %arg4[%run_scoped3A_117, %mul3A_0] : memref<8x20480xi32, #tpu.memory_space<hbm>> -> memref<1x1280xi32, #tpu.memory_space<hbm>>
      %dma_start3A_254 = tpu.memref_squeeze %dma_start3A_253 : memref<1x1280xi32, #tpu.memory_space<hbm>> -> memref<1280xi32, #tpu.memory_space<hbm>>
      %dma_start3A_255 = tpu.memref_slice %arg4[%run_scoped3A_117, %mul3A_0] : memref<8x20480xi32, #tpu.memory_space<hbm>> -> memref<1x1280xi32, #tpu.memory_space<hbm>>
      %dma_start3A_256 = tpu.memref_squeeze %dma_start3A_255 : memref<1x1280xi32, #tpu.memory_space<hbm>> -> memref<1280xi32, #tpu.memory_space<hbm>>
      tpu.enqueue_dma source(%dma_start3A_256 : memref<1280xi32, #tpu.memory_space<hbm>>) target(%arg11 : memref<1280xi32, #tpu.memory_space<vmem>>) target_semaphore(%run_scoped3A_252 : memref<!tpu.dma_semaphore, #tpu.memory_space<semaphore_mem>>)
      %dma_wait3A_257 = tpu.memref_slice %arg4[%run_scoped3A_117, %mul3A_0] : memref<8x20480xi32, #tpu.memory_space<hbm>> -> memref<1x1280xi32, #tpu.memory_space<hbm>>
      %dma_wait3A_258 = tpu.memref_squeeze %dma_wait3A_257 : memref<1x1280xi32, #tpu.memory_space<hbm>> -> memref<1280xi32, #tpu.memory_space<hbm>>
      %dma_wait3A_259 = tpu.memref_slice %arg4[%run_scoped3A_117, %mul3A_0] : memref<8x20480xi32, #tpu.memory_space<hbm>> -> memref<1x1280xi32, #tpu.memory_space<hbm>>
      %dma_wait3A_260 = tpu.memref_squeeze %dma_wait3A_259 : memref<1x1280xi32, #tpu.memory_space<hbm>> -> memref<1280xi32, #tpu.memory_space<hbm>>
      tpu.wait_dma2 semaphore(%run_scoped3A_252 : memref<!tpu.dma_semaphore, #tpu.memory_space<semaphore_mem>>) src(%dma_wait3A_260 : memref<1280xi32, #tpu.memory_space<hbm>>) dst(%arg11 : memref<1280xi32, #tpu.memory_space<vmem>>)
      tpu.yield
    }) : () -> ()
    %broadcast_in_dim3A_118 = arith.constant 0 : i32
    %broadcast_in_dim3A_119 = vector.broadcast %broadcast_in_dim3A_118 : i32 to vector<16xi32>
    %add3A_120 = vector.broadcast %reduce_sum3A_98 : i32 to vector<16xi32>
    %add3A_121 = arith.addi %broadcast_in_dim3A_119, %add3A_120 : vector<16xi32>
    %scan3A_122 = arith.constant 0 : i32
    %scan3A_123 = arith.constant 40 : i32
    %scan3A_124 = arith.addi %scan3A_122, %scan3A_123 : i32
    %scan3A_125 = arith.constant 1 : i32
    %scan3A_126:2 = scf.for %scan3A_252 = %scan3A_122 to %scan3A_124 step %scan3A_125 iter_args(%scan3A_253 = %add3A_3, %scan3A_254 = %add3A_3) -> (vector<16xi32>, vector<16xi32>)  : i32 {
      %mul3A_255 = arith.constant 32 : i32
      %mul3A_256 = arith.muli %scan3A_252, %mul3A_255 : i32
      %get3A_257 = arith.index_cast %mul3A_256 : i32 to index
      %get3A_258 = tpu.vector_load %arg10[%get3A_257] {strides = array<i32>} : memref<1280xi32, #tpu.memory_space<vmem>>, vector<16xi32>,
      %mul3A_259 = arith.constant 32 : i32
      %mul3A_260 = arith.muli %scan3A_252, %mul3A_259 : i32
      %add3A_261 = arith.constant 16 : i32
      %add3A_262 = arith.addi %mul3A_260, %add3A_261 : i32
      %get3A_263 = arith.index_cast %add3A_262 : i32 to index
      %get3A_264 = tpu.vector_load %arg10[%get3A_263] {strides = array<i32>} : memref<1280xi32, #tpu.memory_space<vmem>>, vector<16xi32>,
      %mul3A_265 = arith.constant 32 : i32
      %mul3A_266 = arith.muli %scan3A_252, %mul3A_265 : i32
      %get3A_267 = arith.index_cast %mul3A_266 : i32 to index
      %get3A_268 = tpu.vector_load %arg11[%get3A_267] {strides = array<i32>} : memref<1280xi32, #tpu.memory_space<vmem>>, vector<16xi32>,
      %mul3A_269 = arith.constant 32 : i32
      %mul3A_270 = arith.muli %scan3A_252, %mul3A_269 : i32
      %add3A_271 = arith.constant 16 : i32
      %add3A_272 = arith.addi %mul3A_270, %add3A_271 : i32
      %get3A_273 = arith.index_cast %add3A_272 : i32 to index
      %get3A_274 = tpu.vector_load %arg11[%get3A_273] {strides = array<i32>} : memref<1280xi32, #tpu.memory_space<vmem>>, vector<16xi32>,
      %lt3A_275 = arith.cmpi slt, %get3A_258, %add3A_121 : vector<16xi32>
      %lt3A_276 = arith.cmpi slt, %get3A_264, %add3A_121 : vector<16xi32>
      %lt3A_277 = arith.cmpi slt, %get3A_268, %add3A_121 : vector<16xi32>
      %lt3A_278 = arith.cmpi slt, %get3A_274, %add3A_121 : vector<16xi32>
      %all_reduce_population_count3A = tpu.all_reduce %lt3A_275 {dim = 0 : i64, kind = #tpu.reduction_kind<sum>} : vector<16xi1> -> vector<16xi32>
      %all_reduce_population_count3A_279 = tpu.all_reduce %lt3A_276 {dim = 0 : i64, kind = #tpu.reduction_kind<sum>} : vector<16xi1> -> vector<16xi32>
      %all_reduce_population_count3A_280 = tpu.all_reduce %lt3A_277 {dim = 0 : i64, kind = #tpu.reduction_kind<sum>} : vector<16xi1> -> vector<16xi32>
      %all_reduce_population_count3A_281 = tpu.all_reduce %lt3A_278 {dim = 0 : i64, kind = #tpu.reduction_kind<sum>} : vector<16xi1> -> vector<16xi32>
      %select_n3A_282 = arith.select %lt3A_275, %add3A_8, %add3A_3 : vector<16xi1>, vector<16xi32>
      %select_n3A_283 = arith.select %lt3A_276, %add3A_8, %add3A_3 : vector<16xi1>, vector<16xi32>
      %select_n3A_284 = arith.select %lt3A_277, %add3A_8, %add3A_3 : vector<16xi1>, vector<16xi32>
      %select_n3A_285 = arith.select %lt3A_278, %add3A_8, %add3A_3 : vector<16xi1>, vector<16xi32>
      %broadcast_in_dim3A_286 = arith.constant true
      %broadcast_in_dim3A_287 = vector.broadcast %broadcast_in_dim3A_286 : i1 to vector<16xi1>
      %masked_cumsum3A = tpu.scan <sum>, %select_n3A_282 masked %broadcast_in_dim3A_287 : vector<16xi32>, vector<16xi1> -> vector<16xi32>
      %add3A_288 = arith.addi %masked_cumsum3A, %scan3A_253 : vector<16xi32>
      %sub3A_289 = arith.subi %add3A_288, %select_n3A_282 : vector<16xi32>
      %mul3A_290 = arith.constant 32 : i32
      %mul3A_291 = arith.muli %scan3A_252, %mul3A_290 : i32
      %swap3A_292 = arith.index_cast %mul3A_291 : i32 to index
      %swap3A_293 = tpu.vector_load %arg14[%swap3A_292] {strides = array<i32>} : memref<1280xi32, #tpu.memory_space<vmem>>, vector<16xi32>,
      tpu.vector_store %arg14[%swap3A_292], %sub3A_289 {strides = array<i32>} : memref<1280xi32, #tpu.memory_space<vmem>>, vector<16xi32>,
      %broadcast_in_dim3A_294 = arith.constant true
      %broadcast_in_dim3A_295 = vector.broadcast %broadcast_in_dim3A_294 : i1 to vector<16xi1>
      %masked_cumsum3A_296 = tpu.scan <sum>, %select_n3A_284 masked %broadcast_in_dim3A_295 : vector<16xi32>, vector<16xi1> -> vector<16xi32>
      %add3A_297 = arith.addi %masked_cumsum3A_296, %scan3A_254 : vector<16xi32>
      %sub3A_298 = arith.subi %add3A_297, %select_n3A_284 : vector<16xi32>
      %mul3A_299 = arith.constant 32 : i32
      %mul3A_300 = arith.muli %scan3A_252, %mul3A_299 : i32
      %swap3A_301 = arith.index_cast %mul3A_300 : i32 to index
      %swap3A_302 = tpu.vector_load %arg15[%swap3A_301] {strides = array<i32>} : memref<1280xi32, #tpu.memory_space<vmem>>, vector<16xi32>,
      tpu.vector_store %arg15[%swap3A_301], %sub3A_298 {strides = array<i32>} : memref<1280xi32, #tpu.memory_space<vmem>>, vector<16xi32>,
      %broadcast_in_dim3A_303 = arith.constant true
      %broadcast_in_dim3A_304 = vector.broadcast %broadcast_in_dim3A_303 : i1 to vector<16xi1>
      %masked_cumsum3A_305 = tpu.scan <sum>, %select_n3A_283 masked %broadcast_in_dim3A_304 : vector<16xi32>, vector<16xi1> -> vector<16xi32>
      %add3A_306 = arith.addi %scan3A_253, %all_reduce_population_count3A : vector<16xi32>
      %add3A_307 = arith.addi %masked_cumsum3A_305, %add3A_306 : vector<16xi32>
      %sub3A_308 = arith.subi %add3A_307, %select_n3A_283 : vector<16xi32>
      %mul3A_309 = arith.constant 32 : i32
      %mul3A_310 = arith.muli %scan3A_252, %mul3A_309 : i32
      %add3A_311 = arith.constant 16 : i32
      %add3A_312 = arith.addi %mul3A_310, %add3A_311 : i32
      %swap3A_313 = arith.index_cast %add3A_312 : i32 to index
      %swap3A_314 = tpu.vector_load %arg14[%swap3A_313] {strides = array<i32>} : memref<1280xi32, #tpu.memory_space<vmem>>, vector<16xi32>,
      tpu.vector_store %arg14[%swap3A_313], %sub3A_308 {strides = array<i32>} : memref<1280xi32, #tpu.memory_space<vmem>>, vector<16xi32>,
      %broadcast_in_dim3A_315 = arith.constant true
      %broadcast_in_dim3A_316 = vector.broadcast %broadcast_in_dim3A_315 : i1 to vector<16xi1>
      %masked_cumsum3A_317 = tpu.scan <sum>, %select_n3A_285 masked %broadcast_in_dim3A_316 : vector<16xi32>, vector<16xi1> -> vector<16xi32>
      %add3A_318 = arith.addi %scan3A_254, %all_reduce_population_count3A_280 : vector<16xi32>
      %add3A_319 = arith.addi %masked_cumsum3A_317, %add3A_318 : vector<16xi32>
      %sub3A_320 = arith.subi %add3A_319, %select_n3A_285 : vector<16xi32>
      %mul3A_321 = arith.constant 32 : i32
      %mul3A_322 = arith.muli %scan3A_252, %mul3A_321 : i32
      %add3A_323 = arith.constant 16 : i32
      %add3A_324 = arith.addi %mul3A_322, %add3A_323 : i32
      %swap3A_325 = arith.index_cast %add3A_324 : i32 to index
      %swap3A_326 = tpu.vector_load %arg15[%swap3A_325] {strides = array<i32>} : memref<1280xi32, #tpu.memory_space<vmem>>, vector<16xi32>,
      tpu.vector_store %arg15[%swap3A_325], %sub3A_320 {strides = array<i32>} : memref<1280xi32, #tpu.memory_space<vmem>>, vector<16xi32>,
      %add3A_327 = arith.addi %scan3A_253, %all_reduce_population_count3A : vector<16xi32>
      %add3A_328 = arith.addi %add3A_327, %all_reduce_population_count3A_279 : vector<16xi32>
      %add3A_329 = arith.addi %scan3A_254, %all_reduce_population_count3A_280 : vector<16xi32>
      %add3A_330 = arith.addi %add3A_329, %all_reduce_population_count3A_281 : vector<16xi32>
      scf.yield %add3A_328, %add3A_330 : vector<16xi32>, vector<16xi32>
    }
    %scan3A_127 = arith.constant 40 : i32
    %reduce_max3A_128 = arith.constant true
    %reduce_max3A_129 = vector.broadcast %reduce_max3A_128 : i1 to vector<16xi1>
    %reduce_max3A_130 = arith.constant -2147483648 : i32
    %reduce_max3A_131 = vector.broadcast %reduce_max3A_130 : i32 to vector<16xi32>
    %reduce_max3A_132 = arith.xori %scan3A_126#0, %reduce_max3A_131 : vector<16xi32>
    %reduce_max3A_133 = tpu.scan <max>, %reduce_max3A_132 masked %reduce_max3A_129 : vector<16xi32>, vector<16xi1> -> vector<16xi32>
    %reduce_max3A_134 = arith.xori %reduce_max3A_133, %reduce_max3A_131 : vector<16xi32>
    %reduce_max3A_135 = vector.extract %reduce_max3A_134[15] : i32 from vector<16xi32>
    %reduce_max3A_136 = arith.constant true
    %reduce_max3A_137 = vector.broadcast %reduce_max3A_136 : i1 to vector<16xi1>
    %reduce_max3A_138 = arith.constant -2147483648 : i32
    %reduce_max3A_139 = vector.broadcast %reduce_max3A_138 : i32 to vector<16xi32>
    %reduce_max3A_140 = arith.xori %scan3A_126#1, %reduce_max3A_139 : vector<16xi32>
    %reduce_max3A_141 = tpu.scan <max>, %reduce_max3A_140 masked %reduce_max3A_137 : vector<16xi32>, vector<16xi1> -> vector<16xi32>
    %reduce_max3A_142 = arith.xori %reduce_max3A_141, %reduce_max3A_139 : vector<16xi32>
    %reduce_max3A_143 = vector.extract %reduce_max3A_142[15] : i32 from vector<16xi32>
    %broadcast_in_dim3A_144 = arith.constant 0 : i32
    %broadcast_in_dim3A_145 = vector.broadcast %broadcast_in_dim3A_144 : i32 to vector<16xi32>
    %add3A_146 = arith.constant 2 : i32
    %add3A_147 = vector.broadcast %add3A_146 : i32 to vector<16xi32>
    %add3A_148 = arith.addi %broadcast_in_dim3A_145, %add3A_147 : vector<16xi32>
    %eq3A_149 = arith.cmpi eq, %iota3A, %add3A_148 : vector<16xi32>
    %broadcast_in_dim3A_150 = arith.constant 0 : i32
    %broadcast_in_dim3A_151 = vector.broadcast %broadcast_in_dim3A_150 : i32 to vector<16xi32>
    %add3A_152 = vector.broadcast %reduce_max3A_135 : i32 to vector<16xi32>
    %add3A_153 = arith.addi %broadcast_in_dim3A_151, %add3A_152 : vector<16xi32>
    %select_n3A_154 = arith.select %eq3A_149, %add3A_153, %add3A_3 : vector<16xi1>, vector<16xi32>
    %broadcast_in_dim3A_155 = arith.constant 0 : i32
    %broadcast_in_dim3A_156 = vector.broadcast %broadcast_in_dim3A_155 : i32 to vector<16xi32>
    %add3A_157 = arith.constant 3 : i32
    %add3A_158 = vector.broadcast %add3A_157 : i32 to vector<16xi32>
    %add3A_159 = arith.addi %broadcast_in_dim3A_156, %add3A_158 : vector<16xi32>
    %eq3A_160 = arith.cmpi eq, %iota3A, %add3A_159 : vector<16xi32>
    %broadcast_in_dim3A_161 = arith.constant 0 : i32
    %broadcast_in_dim3A_162 = vector.broadcast %broadcast_in_dim3A_161 : i32 to vector<16xi32>
    %add3A_163 = vector.broadcast %reduce_max3A_143 : i32 to vector<16xi32>
    %add3A_164 = arith.addi %broadcast_in_dim3A_162, %add3A_163 : vector<16xi32>
    %select_n3A_165 = arith.select %eq3A_160, %add3A_164, %add3A_3 : vector<16xi1>, vector<16xi32>
    %add3A_166 = arith.addi %select_n3A_154, %select_n3A_165 : vector<16xi32>
    %swap3A_167 = arith.constant 0 : index
    %swap3A_168 = tpu.vector_load %arg20[%swap3A_167] {strides = array<i32>} : memref<16xi32, #tpu.memory_space<vmem>>, vector<16xi32>,
    tpu.vector_store %arg20[%swap3A_167], %add3A_166 {strides = array<i32>} : memref<16xi32, #tpu.memory_space<vmem>>, vector<16xi32>,
    %convert_element_type3A = arith.extui %gt3A_115 : i1 to i32
    %cond3A = arith.constant 0 : i32
    %cond3A_169 = arith.cmpi ne, %convert_element_type3A, %cond3A : i32
    scf.if %cond3A_169 {
      %run_scoped3A_252 = arith.constant 0 : i32
      "tpu.region"() ({
        %run_scoped3A_298 = tpu.sem_alloc : memref<!tpu.dma_semaphore, #tpu.memory_space<semaphore_mem>>
        %dma_start3A_299 = tpu.memref_slice %arg4[%run_scoped3A_252, %mul3A_0] : memref<8x20480xi32, #tpu.memory_space<hbm>> -> memref<1x1280xi32, #tpu.memory_space<hbm>>
        %dma_start3A_300 = tpu.memref_squeeze %dma_start3A_299 : memref<1x1280xi32, #tpu.memory_space<hbm>> -> memref<1280xi32, #tpu.memory_space<hbm>>
        %dma_start3A_301 = tpu.memref_slice %arg4[%run_scoped3A_252, %mul3A_0] : memref<8x20480xi32, #tpu.memory_space<hbm>> -> memref<1x1280xi32, #tpu.memory_space<hbm>>
        %dma_start3A_302 = tpu.memref_squeeze %dma_start3A_301 : memref<1x1280xi32, #tpu.memory_space<hbm>> -> memref<1280xi32, #tpu.memory_space<hbm>>
        tpu.enqueue_dma source(%dma_start3A_302 : memref<1280xi32, #tpu.memory_space<hbm>>) target(%arg10 : memref<1280xi32, #tpu.memory_space<vmem>>) target_semaphore(%run_scoped3A_298 : memref<!tpu.dma_semaphore, #tpu.memory_space<semaphore_mem>>)
        %dma_wait3A_303 = tpu.memref_slice %arg4[%run_scoped3A_252, %mul3A_0] : memref<8x20480xi32, #tpu.memory_space<hbm>> -> memref<1x1280xi32, #tpu.memory_space<hbm>>
        %dma_wait3A_304 = tpu.memref_squeeze %dma_wait3A_303 : memref<1x1280xi32, #tpu.memory_space<hbm>> -> memref<1280xi32, #tpu.memory_space<hbm>>
        %dma_wait3A_305 = tpu.memref_slice %arg4[%run_scoped3A_252, %mul3A_0] : memref<8x20480xi32, #tpu.memory_space<hbm>> -> memref<1x1280xi32, #tpu.memory_space<hbm>>
        %dma_wait3A_306 = tpu.memref_squeeze %dma_wait3A_305 : memref<1x1280xi32, #tpu.memory_space<hbm>> -> memref<1280xi32, #tpu.memory_space<hbm>>
        tpu.wait_dma2 semaphore(%run_scoped3A_298 : memref<!tpu.dma_semaphore, #tpu.memory_space<semaphore_mem>>) src(%dma_wait3A_306 : memref<1280xi32, #tpu.memory_space<hbm>>) dst(%arg10 : memref<1280xi32, #tpu.memory_space<vmem>>)
        tpu.yield
      }) : () -> ()
      %run_scoped3A_253 = arith.constant 2 : i32
      "tpu.region"() ({
        %run_scoped3A_298 = tpu.sem_alloc : memref<!tpu.dma_semaphore, #tpu.memory_space<semaphore_mem>>
        %dma_start3A_299 = tpu.memref_slice %arg4[%run_scoped3A_253, %mul3A_0] : memref<8x20480xi32, #tpu.memory_space<hbm>> -> memref<1x1280xi32, #tpu.memory_space<hbm>>
        %dma_start3A_300 = tpu.memref_squeeze %dma_start3A_299 : memref<1x1280xi32, #tpu.memory_space<hbm>> -> memref<1280xi32, #tpu.memory_space<hbm>>
        %dma_start3A_301 = tpu.memref_slice %arg4[%run_scoped3A_253, %mul3A_0] : memref<8x20480xi32, #tpu.memory_space<hbm>> -> memref<1x1280xi32, #tpu.memory_space<hbm>>
        %dma_start3A_302 = tpu.memref_squeeze %dma_start3A_301 : memref<1x1280xi32, #tpu.memory_space<hbm>> -> memref<1280xi32, #tpu.memory_space<hbm>>
        tpu.enqueue_dma source(%dma_start3A_302 : memref<1280xi32, #tpu.memory_space<hbm>>) target(%arg11 : memref<1280xi32, #tpu.memory_space<vmem>>) target_semaphore(%run_scoped3A_298 : memref<!tpu.dma_semaphore, #tpu.memory_space<semaphore_mem>>)
        %dma_wait3A_303 = tpu.memref_slice %arg4[%run_scoped3A_253, %mul3A_0] : memref<8x20480xi32, #tpu.memory_space<hbm>> -> memref<1x1280xi32, #tpu.memory_space<hbm>>
        %dma_wait3A_304 = tpu.memref_squeeze %dma_wait3A_303 : memref<1x1280xi32, #tpu.memory_space<hbm>> -> memref<1280xi32, #tpu.memory_space<hbm>>
        %dma_wait3A_305 = tpu.memref_slice %arg4[%run_scoped3A_253, %mul3A_0] : memref<8x20480xi32, #tpu.memory_space<hbm>> -> memref<1x1280xi32, #tpu.memory_space<hbm>>
        %dma_wait3A_306 = tpu.memref_squeeze %dma_wait3A_305 : memref<1x1280xi32, #tpu.memory_space<hbm>> -> memref<1280xi32, #tpu.memory_space<hbm>>
        tpu.wait_dma2 semaphore(%run_scoped3A_298 : memref<!tpu.dma_semaphore, #tpu.memory_space<semaphore_mem>>) src(%dma_wait3A_306 : memref<1280xi32, #tpu.memory_space<hbm>>) dst(%arg11 : memref<1280xi32, #tpu.memory_space<vmem>>)
        tpu.yield
      }) : () -> ()
      %broadcast_in_dim3A_254 = arith.constant 0 : i32
      %broadcast_in_dim3A_255 = vector.broadcast %broadcast_in_dim3A_254 : i32 to vector<16xi32>
      %add3A_256 = vector.broadcast %reduce_sum3A_94 : i32 to vector<16xi32>
      %add3A_257 = arith.addi %broadcast_in_dim3A_255, %add3A_256 : vector<16xi32>
      %scan3A_258 = arith.constant 0 : i32
      %scan3A_259 = arith.constant 40 : i32
      %scan3A_260 = arith.addi %scan3A_258, %scan3A_259 : i32
      %scan3A_261 = arith.constant 1 : i32
      %scan3A_262:2 = scf.for %scan3A_298 = %scan3A_258 to %scan3A_260 step %scan3A_261 iter_args(%scan3A_299 = %add3A_3, %scan3A_300 = %add3A_3) -> (vector<16xi32>, vector<16xi32>)  : i32 {
        %mul3A_301 = arith.constant 32 : i32
        %mul3A_302 = arith.muli %scan3A_298, %mul3A_301 : i32
        %get3A_303 = arith.index_cast %mul3A_302 : i32 to index
        %get3A_304 = tpu.vector_load %arg10[%get3A_303] {strides = array<i32>} : memref<1280xi32, #tpu.memory_space<vmem>>, vector<16xi32>,
        %mul3A_305 = arith.constant 32 : i32
        %mul3A_306 = arith.muli %scan3A_298, %mul3A_305 : i32
        %add3A_307 = arith.constant 16 : i32
        %add3A_308 = arith.addi %mul3A_306, %add3A_307 : i32
        %get3A_309 = arith.index_cast %add3A_308 : i32 to index
        %get3A_310 = tpu.vector_load %arg10[%get3A_309] {strides = array<i32>} : memref<1280xi32, #tpu.memory_space<vmem>>, vector<16xi32>,
        %mul3A_311 = arith.constant 32 : i32
        %mul3A_312 = arith.muli %scan3A_298, %mul3A_311 : i32
        %get3A_313 = arith.index_cast %mul3A_312 : i32 to index
        %get3A_314 = tpu.vector_load %arg11[%get3A_313] {strides = array<i32>} : memref<1280xi32, #tpu.memory_space<vmem>>, vector<16xi32>,
        %mul3A_315 = arith.constant 32 : i32
        %mul3A_316 = arith.muli %scan3A_298, %mul3A_315 : i32
        %add3A_317 = arith.constant 16 : i32
        %add3A_318 = arith.addi %mul3A_316, %add3A_317 : i32
        %get3A_319 = arith.index_cast %add3A_318 : i32 to index
        %get3A_320 = tpu.vector_load %arg11[%get3A_319] {strides = array<i32>} : memref<1280xi32, #tpu.memory_space<vmem>>, vector<16xi32>,
        %lt3A_321 = arith.cmpi slt, %get3A_304, %add3A_257 : vector<16xi32>
        %lt3A_322 = arith.cmpi slt, %get3A_310, %add3A_257 : vector<16xi32>
        %lt3A_323 = arith.cmpi slt, %get3A_314, %add3A_257 : vector<16xi32>
        %lt3A_324 = arith.cmpi slt, %get3A_320, %add3A_257 : vector<16xi32>
        %all_reduce_population_count3A = tpu.all_reduce %lt3A_321 {dim = 0 : i64, kind = #tpu.reduction_kind<sum>} : vector<16xi1> -> vector<16xi32>
        %all_reduce_population_count3A_325 = tpu.all_reduce %lt3A_322 {dim = 0 : i64, kind = #tpu.reduction_kind<sum>} : vector<16xi1> -> vector<16xi32>
        %all_reduce_population_count3A_326 = tpu.all_reduce %lt3A_323 {dim = 0 : i64, kind = #tpu.reduction_kind<sum>} : vector<16xi1> -> vector<16xi32>
        %all_reduce_population_count3A_327 = tpu.all_reduce %lt3A_324 {dim = 0 : i64, kind = #tpu.reduction_kind<sum>} : vector<16xi1> -> vector<16xi32>
        %select_n3A_328 = arith.select %lt3A_321, %add3A_8, %add3A_3 : vector<16xi1>, vector<16xi32>
        %select_n3A_329 = arith.select %lt3A_322, %add3A_8, %add3A_3 : vector<16xi1>, vector<16xi32>
        %select_n3A_330 = arith.select %lt3A_323, %add3A_8, %add3A_3 : vector<16xi1>, vector<16xi32>
        %select_n3A_331 = arith.select %lt3A_324, %add3A_8, %add3A_3 : vector<16xi1>, vector<16xi32>
        %broadcast_in_dim3A_332 = arith.constant true
        %broadcast_in_dim3A_333 = vector.broadcast %broadcast_in_dim3A_332 : i1 to vector<16xi1>
        %masked_cumsum3A = tpu.scan <sum>, %select_n3A_328 masked %broadcast_in_dim3A_333 : vector<16xi32>, vector<16xi1> -> vector<16xi32>
        %add3A_334 = arith.addi %masked_cumsum3A, %scan3A_299 : vector<16xi32>
        %sub3A_335 = arith.subi %add3A_334, %select_n3A_328 : vector<16xi32>
        %mul3A_336 = arith.constant 32 : i32
        %mul3A_337 = arith.muli %scan3A_298, %mul3A_336 : i32
        %swap3A_338 = arith.index_cast %mul3A_337 : i32 to index
        %swap3A_339 = tpu.vector_load %arg12[%swap3A_338] {strides = array<i32>} : memref<1280xi32, #tpu.memory_space<vmem>>, vector<16xi32>,
        tpu.vector_store %arg12[%swap3A_338], %sub3A_335 {strides = array<i32>} : memref<1280xi32, #tpu.memory_space<vmem>>, vector<16xi32>,
        %broadcast_in_dim3A_340 = arith.constant true
        %broadcast_in_dim3A_341 = vector.broadcast %broadcast_in_dim3A_340 : i1 to vector<16xi1>
        %masked_cumsum3A_342 = tpu.scan <sum>, %select_n3A_330 masked %broadcast_in_dim3A_341 : vector<16xi32>, vector<16xi1> -> vector<16xi32>
        %add3A_343 = arith.addi %masked_cumsum3A_342, %scan3A_300 : vector<16xi32>
        %sub3A_344 = arith.subi %add3A_343, %select_n3A_330 : vector<16xi32>
        %mul3A_345 = arith.constant 32 : i32
        %mul3A_346 = arith.muli %scan3A_298, %mul3A_345 : i32
        %swap3A_347 = arith.index_cast %mul3A_346 : i32 to index
        %swap3A_348 = tpu.vector_load %arg13[%swap3A_347] {strides = array<i32>} : memref<1280xi32, #tpu.memory_space<vmem>>, vector<16xi32>,
        tpu.vector_store %arg13[%swap3A_347], %sub3A_344 {strides = array<i32>} : memref<1280xi32, #tpu.memory_space<vmem>>, vector<16xi32>,
        %broadcast_in_dim3A_349 = arith.constant true
        %broadcast_in_dim3A_350 = vector.broadcast %broadcast_in_dim3A_349 : i1 to vector<16xi1>
        %masked_cumsum3A_351 = tpu.scan <sum>, %select_n3A_329 masked %broadcast_in_dim3A_350 : vector<16xi32>, vector<16xi1> -> vector<16xi32>
        %add3A_352 = arith.addi %scan3A_299, %all_reduce_population_count3A : vector<16xi32>
        %add3A_353 = arith.addi %masked_cumsum3A_351, %add3A_352 : vector<16xi32>
        %sub3A_354 = arith.subi %add3A_353, %select_n3A_329 : vector<16xi32>
        %mul3A_355 = arith.constant 32 : i32
        %mul3A_356 = arith.muli %scan3A_298, %mul3A_355 : i32
        %add3A_357 = arith.constant 16 : i32
        %add3A_358 = arith.addi %mul3A_356, %add3A_357 : i32
        %swap3A_359 = arith.index_cast %add3A_358 : i32 to index
        %swap3A_360 = tpu.vector_load %arg12[%swap3A_359] {strides = array<i32>} : memref<1280xi32, #tpu.memory_space<vmem>>, vector<16xi32>,
        tpu.vector_store %arg12[%swap3A_359], %sub3A_354 {strides = array<i32>} : memref<1280xi32, #tpu.memory_space<vmem>>, vector<16xi32>,
        %broadcast_in_dim3A_361 = arith.constant true
        %broadcast_in_dim3A_362 = vector.broadcast %broadcast_in_dim3A_361 : i1 to vector<16xi1>
        %masked_cumsum3A_363 = tpu.scan <sum>, %select_n3A_331 masked %broadcast_in_dim3A_362 : vector<16xi32>, vector<16xi1> -> vector<16xi32>
        %add3A_364 = arith.addi %scan3A_300, %all_reduce_population_count3A_326 : vector<16xi32>
        %add3A_365 = arith.addi %masked_cumsum3A_363, %add3A_364 : vector<16xi32>
        %sub3A_366 = arith.subi %add3A_365, %select_n3A_331 : vector<16xi32>
        %mul3A_367 = arith.constant 32 : i32
        %mul3A_368 = arith.muli %scan3A_298, %mul3A_367 : i32
        %add3A_369 = arith.constant 16 : i32
        %add3A_370 = arith.addi %mul3A_368, %add3A_369 : i32
        %swap3A_371 = arith.index_cast %add3A_370 : i32 to index
        %swap3A_372 = tpu.vector_load %arg13[%swap3A_371] {strides = array<i32>} : memref<1280xi32, #tpu.memory_space<vmem>>, vector<16xi32>,
        tpu.vector_store %arg13[%swap3A_371], %sub3A_366 {strides = array<i32>} : memref<1280xi32, #tpu.memory_space<vmem>>, vector<16xi32>,
        %add3A_373 = arith.addi %scan3A_299, %all_reduce_population_count3A : vector<16xi32>
        %add3A_374 = arith.addi %add3A_373, %all_reduce_population_count3A_325 : vector<16xi32>
        %add3A_375 = arith.addi %scan3A_300, %all_reduce_population_count3A_326 : vector<16xi32>
        %add3A_376 = arith.addi %add3A_375, %all_reduce_population_count3A_327 : vector<16xi32>
        scf.yield %add3A_374, %add3A_376 : vector<16xi32>, vector<16xi32>
      }
      %scan3A_263 = arith.constant 40 : i32
      %reduce_max3A_264 = arith.constant true
      %reduce_max3A_265 = vector.broadcast %reduce_max3A_264 : i1 to vector<16xi1>
      %reduce_max3A_266 = arith.constant -2147483648 : i32
      %reduce_max3A_267 = vector.broadcast %reduce_max3A_266 : i32 to vector<16xi32>
      %reduce_max3A_268 = arith.xori %scan3A_262#0, %reduce_max3A_267 : vector<16xi32>
      %reduce_max3A_269 = tpu.scan <max>, %reduce_max3A_268 masked %reduce_max3A_265 : vector<16xi32>, vector<16xi1> -> vector<16xi32>
      %reduce_max3A_270 = arith.xori %reduce_max3A_269, %reduce_max3A_267 : vector<16xi32>
      %reduce_max3A_271 = vector.extract %reduce_max3A_270[15] : i32 from vector<16xi32>
      %reduce_max3A_272 = arith.constant true
      %reduce_max3A_273 = vector.broadcast %reduce_max3A_272 : i1 to vector<16xi1>
      %reduce_max3A_274 = arith.constant -2147483648 : i32
      %reduce_max3A_275 = vector.broadcast %reduce_max3A_274 : i32 to vector<16xi32>
      %reduce_max3A_276 = arith.xori %scan3A_262#1, %reduce_max3A_275 : vector<16xi32>
      %reduce_max3A_277 = tpu.scan <max>, %reduce_max3A_276 masked %reduce_max3A_273 : vector<16xi32>, vector<16xi1> -> vector<16xi32>
      %reduce_max3A_278 = arith.xori %reduce_max3A_277, %reduce_max3A_275 : vector<16xi32>
      %reduce_max3A_279 = vector.extract %reduce_max3A_278[15] : i32 from vector<16xi32>
      %get3A_280 = arith.constant 0 : index
      %get3A_281 = tpu.vector_load %arg20[%get3A_280] {strides = array<i32>} : memref<16xi32, #tpu.memory_space<vmem>>, vector<16xi32>,
      %eq3A_282 = arith.cmpi eq, %iota3A, %add3A_3 : vector<16xi32>
      %broadcast_in_dim3A_283 = arith.constant 0 : i32
      %broadcast_in_dim3A_284 = vector.broadcast %broadcast_in_dim3A_283 : i32 to vector<16xi32>
      %add3A_285 = vector.broadcast %reduce_max3A_271 : i32 to vector<16xi32>
      %add3A_286 = arith.addi %broadcast_in_dim3A_284, %add3A_285 : vector<16xi32>
      %select_n3A_287 = arith.select %eq3A_282, %add3A_286, %add3A_3 : vector<16xi1>, vector<16xi32>
      %add3A_288 = arith.addi %get3A_281, %select_n3A_287 : vector<16xi32>
      %eq3A_289 = arith.cmpi eq, %iota3A, %add3A_8 : vector<16xi32>
      %broadcast_in_dim3A_290 = arith.constant 0 : i32
      %broadcast_in_dim3A_291 = vector.broadcast %broadcast_in_dim3A_290 : i32 to vector<16xi32>
      %add3A_292 = vector.broadcast %reduce_max3A_279 : i32 to vector<16xi32>
      %add3A_293 = arith.addi %broadcast_in_dim3A_291, %add3A_292 : vector<16xi32>
      %select_n3A_294 = arith.select %eq3A_289, %add3A_293, %add3A_3 : vector<16xi1>, vector<16xi32>
      %add3A_295 = arith.addi %add3A_288, %select_n3A_294 : vector<16xi32>
      %swap3A_296 = arith.constant 0 : index
      %swap3A_297 = tpu.vector_load %arg20[%swap3A_296] {strides = array<i32>} : memref<16xi32, #tpu.memory_space<vmem>>, vector<16xi32>,
      tpu.vector_store %arg20[%swap3A_296], %add3A_295 {strides = array<i32>} : memref<16xi32, #tpu.memory_space<vmem>>, vector<16xi32>,
    } else {
    }
    "tpu.region"() ({
      %run_scoped3A_252 = tpu.sem_alloc : memref<!tpu.dma_semaphore, #tpu.memory_space<semaphore_mem>>
      %dma_start3A_253 = arith.constant 0 : i32
      %dma_start3A_254 = tpu.memref_slice %arg23[%arg1, %dma_start3A_253] : memref<16x16xi32, #tpu.memory_space<vmem_shared>> -> memref<1x16xi32, #tpu.memory_space<vmem_shared>>
      %dma_start3A_255 = tpu.memref_squeeze %dma_start3A_254 : memref<1x16xi32, #tpu.memory_space<vmem_shared>> -> memref<16xi32, #tpu.memory_space<vmem_shared>>
      %dma_start3A_256 = arith.constant 0 : i32
      %dma_start3A_257 = tpu.memref_slice %arg23[%arg1, %dma_start3A_256] : memref<16x16xi32, #tpu.memory_space<vmem_shared>> -> memref<1x16xi32, #tpu.memory_space<vmem_shared>>
      %dma_start3A_258 = tpu.memref_squeeze %dma_start3A_257 : memref<1x16xi32, #tpu.memory_space<vmem_shared>> -> memref<16xi32, #tpu.memory_space<vmem_shared>>
      tpu.enqueue_dma source(%arg20 : memref<16xi32, #tpu.memory_space<vmem>>) target(%dma_start3A_258 : memref<16xi32, #tpu.memory_space<vmem_shared>>) target_semaphore(%run_scoped3A_252 : memref<!tpu.dma_semaphore, #tpu.memory_space<semaphore_mem>>)
      %dma_wait3A_259 = arith.constant 0 : i32
      %dma_wait3A_260 = tpu.memref_slice %arg23[%arg1, %dma_wait3A_259] : memref<16x16xi32, #tpu.memory_space<vmem_shared>> -> memref<1x16xi32, #tpu.memory_space<vmem_shared>>
      %dma_wait3A_261 = tpu.memref_squeeze %dma_wait3A_260 : memref<1x16xi32, #tpu.memory_space<vmem_shared>> -> memref<16xi32, #tpu.memory_space<vmem_shared>>
      %dma_wait3A_262 = arith.constant 0 : i32
      %dma_wait3A_263 = tpu.memref_slice %arg23[%arg1, %dma_wait3A_262] : memref<16x16xi32, #tpu.memory_space<vmem_shared>> -> memref<1x16xi32, #tpu.memory_space<vmem_shared>>
      %dma_wait3A_264 = tpu.memref_squeeze %dma_wait3A_263 : memref<1x16xi32, #tpu.memory_space<vmem_shared>> -> memref<16xi32, #tpu.memory_space<vmem_shared>>
      tpu.wait_dma2 semaphore(%run_scoped3A_252 : memref<!tpu.dma_semaphore, #tpu.memory_space<semaphore_mem>>) src(%arg20 : memref<16xi32, #tpu.memory_space<vmem>>) dst(%dma_wait3A_264 : memref<16xi32, #tpu.memory_space<vmem_shared>>)
      tpu.yield
    }) : () -> ()
    %barrier3A_170 = arith.constant 0 : index
    tpu.barrier barrier_id(%barrier3A_170)
    "tpu.region"() ({
      %run_scoped3A_252 = tpu.sem_alloc : memref<!tpu.dma_semaphore, #tpu.memory_space<semaphore_mem>>
      tpu.enqueue_dma source(%arg23 : memref<16x16xi32, #tpu.memory_space<vmem_shared>>) target(%arg21 : memref<16x16xi32, #tpu.memory_space<vmem>>) target_semaphore(%run_scoped3A_252 : memref<!tpu.dma_semaphore, #tpu.memory_space<semaphore_mem>>)
      tpu.wait_dma2 semaphore(%run_scoped3A_252 : memref<!tpu.dma_semaphore, #tpu.memory_space<semaphore_mem>>) src(%arg23 : memref<16x16xi32, #tpu.memory_space<vmem_shared>>) dst(%arg21 : memref<16x16xi32, #tpu.memory_space<vmem>>)
      tpu.yield
    }) : () -> ()
    %broadcast_in_dim3A_171 = arith.constant 0 : i32
    %broadcast_in_dim3A_172 = vector.broadcast %broadcast_in_dim3A_171 : i32 to vector<16xi32>
    %add3A_173 = arith.constant 2 : i32
    %add3A_174 = vector.broadcast %add3A_173 : i32 to vector<16xi32>
    %add3A_175 = arith.addi %broadcast_in_dim3A_172, %add3A_174 : vector<16xi32>
    %gather3A_176 = tpu.vector_load_idx %arg21[%iota3A, %add3A_175] : memref<16x16xi32, #tpu.memory_space<vmem>>[vector<16xi32>, vector<16xi32>], vector<16xi32>,
    %lt3A_177 = arith.cmpi slt, %iota3A, %add3A_102 : vector<16xi32>
    %select_n3A_178 = arith.select %lt3A_177, %gather3A_176, %add3A_3 : vector<16xi1>, vector<16xi32>
    %reduce_sum3A_179 = arith.constant true
    %reduce_sum3A_180 = vector.broadcast %reduce_sum3A_179 : i1 to vector<16xi1>
    %reduce_sum3A_181 = tpu.scan <sum>, %select_n3A_178 masked %reduce_sum3A_180 : vector<16xi32>, vector<16xi1> -> vector<16xi32>
    %reduce_sum3A_182 = vector.extract %reduce_sum3A_181[15] : i32 from vector<16xi32>
    %broadcast_in_dim3A_183 = arith.constant 0 : i32
    %broadcast_in_dim3A_184 = vector.broadcast %broadcast_in_dim3A_183 : i32 to vector<16xi32>
    %add3A_185 = vector.broadcast %reduce_sum3A_182 : i32 to vector<16xi32>
    %add3A_186 = arith.addi %broadcast_in_dim3A_184, %add3A_185 : vector<16xi32>
    %broadcast_in_dim3A_187 = arith.constant 0 : i32
    %broadcast_in_dim3A_188 = vector.broadcast %broadcast_in_dim3A_187 : i32 to vector<16xi32>
    %add3A_189 = arith.constant 3 : i32
    %add3A_190 = vector.broadcast %add3A_189 : i32 to vector<16xi32>
    %add3A_191 = arith.addi %broadcast_in_dim3A_188, %add3A_190 : vector<16xi32>
    %gather3A_192 = tpu.vector_load_idx %arg21[%iota3A, %add3A_191] : memref<16x16xi32, #tpu.memory_space<vmem>>[vector<16xi32>, vector<16xi32>], vector<16xi32>,
    %lt3A_193 = arith.cmpi slt, %iota3A, %add3A_102 : vector<16xi32>
    %select_n3A_194 = arith.select %lt3A_193, %gather3A_192, %add3A_3 : vector<16xi1>, vector<16xi32>
    %reduce_sum3A_195 = arith.constant true
    %reduce_sum3A_196 = vector.broadcast %reduce_sum3A_195 : i1 to vector<16xi1>
    %reduce_sum3A_197 = tpu.scan <sum>, %select_n3A_194 masked %reduce_sum3A_196 : vector<16xi32>, vector<16xi1> -> vector<16xi32>
    %reduce_sum3A_198 = vector.extract %reduce_sum3A_197[15] : i32 from vector<16xi32>
    %broadcast_in_dim3A_199 = arith.constant 0 : i32
    %broadcast_in_dim3A_200 = vector.broadcast %broadcast_in_dim3A_199 : i32 to vector<16xi32>
    %add3A_201 = vector.broadcast %reduce_sum3A_198 : i32 to vector<16xi32>
    %add3A_202 = arith.addi %broadcast_in_dim3A_200, %add3A_201 : vector<16xi32>
    %scan3A_203 = arith.constant 0 : i32
    %scan3A_204 = arith.constant 0 : i32
    %scan3A_205 = arith.constant 80 : i32
    %scan3A_206 = arith.addi %scan3A_204, %scan3A_205 : i32
    %scan3A_207 = arith.constant 1 : i32
    scf.for %scan3A_252 = %scan3A_204 to %scan3A_206 step %scan3A_207  : i32 {
      %mul3A_253 = arith.constant 16 : i32
      %mul3A_254 = arith.muli %scan3A_252, %mul3A_253 : i32
      %get3A_255 = arith.index_cast %mul3A_254 : i32 to index
      %get3A_256 = tpu.vector_load %arg14[%get3A_255] {strides = array<i32>} : memref<1280xi32, #tpu.memory_space<vmem>>, vector<16xi32>,
      %add3A_257 = arith.addi %get3A_256, %add3A_186 : vector<16xi32>
      %mul3A_258 = arith.constant 16 : i32
      %mul3A_259 = arith.muli %scan3A_252, %mul3A_258 : i32
      %swap3A_260 = arith.index_cast %mul3A_259 : i32 to index
      %swap3A_261 = tpu.vector_load %arg14[%swap3A_260] {strides = array<i32>} : memref<1280xi32, #tpu.memory_space<vmem>>, vector<16xi32>,
      tpu.vector_store %arg14[%swap3A_260], %add3A_257 {strides = array<i32>} : memref<1280xi32, #tpu.memory_space<vmem>>, vector<16xi32>,
      %mul3A_262 = arith.constant 16 : i32
      %mul3A_263 = arith.muli %scan3A_252, %mul3A_262 : i32
      %get3A_264 = arith.index_cast %mul3A_263 : i32 to index
      %get3A_265 = tpu.vector_load %arg15[%get3A_264] {strides = array<i32>} : memref<1280xi32, #tpu.memory_space<vmem>>, vector<16xi32>,
      %add3A_266 = arith.addi %get3A_265, %add3A_202 : vector<16xi32>
      %mul3A_267 = arith.constant 16 : i32
      %mul3A_268 = arith.muli %scan3A_252, %mul3A_267 : i32
      %swap3A_269 = arith.index_cast %mul3A_268 : i32 to index
      %swap3A_270 = tpu.vector_load %arg15[%swap3A_269] {strides = array<i32>} : memref<1280xi32, #tpu.memory_space<vmem>>, vector<16xi32>,
      tpu.vector_store %arg15[%swap3A_269], %add3A_266 {strides = array<i32>} : memref<1280xi32, #tpu.memory_space<vmem>>, vector<16xi32>,
    }
    %scan3A_208 = arith.constant 80 : i32
    "tpu.region"() ({
      %run_scoped3A_252 = tpu.sem_alloc : memref<!tpu.dma_semaphore, #tpu.memory_space<semaphore_mem>>
      %dma_start3A_253 = tpu.memref_slice %arg24[%mul3A_0] : memref<20480xi32, #tpu.memory_space<vmem_shared>> -> memref<1280xi32, #tpu.memory_space<vmem_shared>>
      %dma_start3A_254 = tpu.memref_slice %arg24[%mul3A_0] : memref<20480xi32, #tpu.memory_space<vmem_shared>> -> memref<1280xi32, #tpu.memory_space<vmem_shared>>
      tpu.enqueue_dma source(%arg14 : memref<1280xi32, #tpu.memory_space<vmem>>) target(%dma_start3A_254 : memref<1280xi32, #tpu.memory_space<vmem_shared>>) target_semaphore(%run_scoped3A_252 : memref<!tpu.dma_semaphore, #tpu.memory_space<semaphore_mem>>)
      %dma_wait3A_255 = tpu.memref_slice %arg24[%mul3A_0] : memref<20480xi32, #tpu.memory_space<vmem_shared>> -> memref<1280xi32, #tpu.memory_space<vmem_shared>>
      %dma_wait3A_256 = tpu.memref_slice %arg24[%mul3A_0] : memref<20480xi32, #tpu.memory_space<vmem_shared>> -> memref<1280xi32, #tpu.memory_space<vmem_shared>>
      tpu.wait_dma2 semaphore(%run_scoped3A_252 : memref<!tpu.dma_semaphore, #tpu.memory_space<semaphore_mem>>) src(%arg14 : memref<1280xi32, #tpu.memory_space<vmem>>) dst(%dma_wait3A_256 : memref<1280xi32, #tpu.memory_space<vmem_shared>>)
      tpu.yield
    }) : () -> ()
    "tpu.region"() ({
      %run_scoped3A_252 = tpu.sem_alloc : memref<!tpu.dma_semaphore, #tpu.memory_space<semaphore_mem>>
      %dma_start3A_253 = tpu.memref_slice %arg25[%mul3A_0] : memref<20480xi32, #tpu.memory_space<vmem_shared>> -> memref<1280xi32, #tpu.memory_space<vmem_shared>>
      %dma_start3A_254 = tpu.memref_slice %arg25[%mul3A_0] : memref<20480xi32, #tpu.memory_space<vmem_shared>> -> memref<1280xi32, #tpu.memory_space<vmem_shared>>
      tpu.enqueue_dma source(%arg15 : memref<1280xi32, #tpu.memory_space<vmem>>) target(%dma_start3A_254 : memref<1280xi32, #tpu.memory_space<vmem_shared>>) target_semaphore(%run_scoped3A_252 : memref<!tpu.dma_semaphore, #tpu.memory_space<semaphore_mem>>)
      %dma_wait3A_255 = tpu.memref_slice %arg25[%mul3A_0] : memref<20480xi32, #tpu.memory_space<vmem_shared>> -> memref<1280xi32, #tpu.memory_space<vmem_shared>>
      %dma_wait3A_256 = tpu.memref_slice %arg25[%mul3A_0] : memref<20480xi32, #tpu.memory_space<vmem_shared>> -> memref<1280xi32, #tpu.memory_space<vmem_shared>>
      tpu.wait_dma2 semaphore(%run_scoped3A_252 : memref<!tpu.dma_semaphore, #tpu.memory_space<semaphore_mem>>) src(%arg15 : memref<1280xi32, #tpu.memory_space<vmem>>) dst(%dma_wait3A_256 : memref<1280xi32, #tpu.memory_space<vmem_shared>>)
      tpu.yield
    }) : () -> ()
    %convert_element_type3A_209 = arith.extui %gt3A_115 : i1 to i32
    %cond3A_210 = arith.constant 0 : i32
    %cond3A_211 = arith.cmpi ne, %convert_element_type3A_209, %cond3A_210 : i32
    scf.if %cond3A_211 {
      %broadcast_in_dim3A_252 = arith.constant 0 : i32
      %broadcast_in_dim3A_253 = vector.broadcast %broadcast_in_dim3A_252 : i32 to vector<16xi32>
      %add3A_254 = arith.constant 0 : i32
      %add3A_255 = vector.broadcast %add3A_254 : i32 to vector<16xi32>
      %add3A_256 = arith.addi %broadcast_in_dim3A_253, %add3A_255 : vector<16xi32>
      %gather3A_257 = tpu.vector_load_idx %arg21[%iota3A, %add3A_256] : memref<16x16xi32, #tpu.memory_space<vmem>>[vector<16xi32>, vector<16xi32>], vector<16xi32>,
      %lt3A_258 = arith.cmpi slt, %iota3A, %add3A_102 : vector<16xi32>
      %select_n3A_259 = arith.select %lt3A_258, %gather3A_257, %add3A_3 : vector<16xi1>, vector<16xi32>
      %reduce_sum3A_260 = arith.constant true
      %reduce_sum3A_261 = vector.broadcast %reduce_sum3A_260 : i1 to vector<16xi1>
      %reduce_sum3A_262 = tpu.scan <sum>, %select_n3A_259 masked %reduce_sum3A_261 : vector<16xi32>, vector<16xi1> -> vector<16xi32>
      %reduce_sum3A_263 = vector.extract %reduce_sum3A_262[15] : i32 from vector<16xi32>
      %broadcast_in_dim3A_264 = arith.constant 0 : i32
      %broadcast_in_dim3A_265 = vector.broadcast %broadcast_in_dim3A_264 : i32 to vector<16xi32>
      %add3A_266 = vector.broadcast %reduce_sum3A_263 : i32 to vector<16xi32>
      %add3A_267 = arith.addi %broadcast_in_dim3A_265, %add3A_266 : vector<16xi32>
      %broadcast_in_dim3A_268 = arith.constant 0 : i32
      %broadcast_in_dim3A_269 = vector.broadcast %broadcast_in_dim3A_268 : i32 to vector<16xi32>
      %add3A_270 = arith.constant 1 : i32
      %add3A_271 = vector.broadcast %add3A_270 : i32 to vector<16xi32>
      %add3A_272 = arith.addi %broadcast_in_dim3A_269, %add3A_271 : vector<16xi32>
      %gather3A_273 = tpu.vector_load_idx %arg21[%iota3A, %add3A_272] : memref<16x16xi32, #tpu.memory_space<vmem>>[vector<16xi32>, vector<16xi32>], vector<16xi32>,
      %lt3A_274 = arith.cmpi slt, %iota3A, %add3A_102 : vector<16xi32>
      %select_n3A_275 = arith.select %lt3A_274, %gather3A_273, %add3A_3 : vector<16xi1>, vector<16xi32>
      %reduce_sum3A_276 = arith.constant true
      %reduce_sum3A_277 = vector.broadcast %reduce_sum3A_276 : i1 to vector<16xi1>
      %reduce_sum3A_278 = tpu.scan <sum>, %select_n3A_275 masked %reduce_sum3A_277 : vector<16xi32>, vector<16xi1> -> vector<16xi32>
      %reduce_sum3A_279 = vector.extract %reduce_sum3A_278[15] : i32 from vector<16xi32>
      %broadcast_in_dim3A_280 = arith.constant 0 : i32
      %broadcast_in_dim3A_281 = vector.broadcast %broadcast_in_dim3A_280 : i32 to vector<16xi32>
      %add3A_282 = vector.broadcast %reduce_sum3A_279 : i32 to vector<16xi32>
      %add3A_283 = arith.addi %broadcast_in_dim3A_281, %add3A_282 : vector<16xi32>
      %scan3A_284 = arith.constant 0 : i32
      %scan3A_285 = arith.constant 0 : i32
      %scan3A_286 = arith.constant 80 : i32
      %scan3A_287 = arith.addi %scan3A_285, %scan3A_286 : i32
      %scan3A_288 = arith.constant 1 : i32
      scf.for %scan3A_290 = %scan3A_285 to %scan3A_287 step %scan3A_288  : i32 {
        %mul3A_291 = arith.constant 16 : i32
        %mul3A_292 = arith.muli %scan3A_290, %mul3A_291 : i32
        %get3A_293 = arith.index_cast %mul3A_292 : i32 to index
        %get3A_294 = tpu.vector_load %arg12[%get3A_293] {strides = array<i32>} : memref<1280xi32, #tpu.memory_space<vmem>>, vector<16xi32>,
        %add3A_295 = arith.addi %get3A_294, %add3A_267 : vector<16xi32>
        %mul3A_296 = arith.constant 16 : i32
        %mul3A_297 = arith.muli %scan3A_290, %mul3A_296 : i32
        %swap3A_298 = arith.index_cast %mul3A_297 : i32 to index
        %swap3A_299 = tpu.vector_load %arg12[%swap3A_298] {strides = array<i32>} : memref<1280xi32, #tpu.memory_space<vmem>>, vector<16xi32>,
        tpu.vector_store %arg12[%swap3A_298], %add3A_295 {strides = array<i32>} : memref<1280xi32, #tpu.memory_space<vmem>>, vector<16xi32>,
        %mul3A_300 = arith.constant 16 : i32
        %mul3A_301 = arith.muli %scan3A_290, %mul3A_300 : i32
        %get3A_302 = arith.index_cast %mul3A_301 : i32 to index
        %get3A_303 = tpu.vector_load %arg13[%get3A_302] {strides = array<i32>} : memref<1280xi32, #tpu.memory_space<vmem>>, vector<16xi32>,
        %add3A_304 = arith.addi %get3A_303, %add3A_283 : vector<16xi32>
        %mul3A_305 = arith.constant 16 : i32
        %mul3A_306 = arith.muli %scan3A_290, %mul3A_305 : i32
        %swap3A_307 = arith.index_cast %mul3A_306 : i32 to index
        %swap3A_308 = tpu.vector_load %arg13[%swap3A_307] {strides = array<i32>} : memref<1280xi32, #tpu.memory_space<vmem>>, vector<16xi32>,
        tpu.vector_store %arg13[%swap3A_307], %add3A_304 {strides = array<i32>} : memref<1280xi32, #tpu.memory_space<vmem>>, vector<16xi32>,
      }
      %scan3A_289 = arith.constant 80 : i32
      "tpu.region"() ({
        %run_scoped3A_290 = tpu.sem_alloc : memref<!tpu.dma_semaphore, #tpu.memory_space<semaphore_mem>>
        %dma_start3A_291 = tpu.memref_slice %arg26[%mul3A_0] : memref<20480xi32, #tpu.memory_space<vmem_shared>> -> memref<1280xi32, #tpu.memory_space<vmem_shared>>
        %dma_start3A_292 = tpu.memref_slice %arg26[%mul3A_0] : memref<20480xi32, #tpu.memory_space<vmem_shared>> -> memref<1280xi32, #tpu.memory_space<vmem_shared>>
        tpu.enqueue_dma source(%arg12 : memref<1280xi32, #tpu.memory_space<vmem>>) target(%dma_start3A_292 : memref<1280xi32, #tpu.memory_space<vmem_shared>>) target_semaphore(%run_scoped3A_290 : memref<!tpu.dma_semaphore, #tpu.memory_space<semaphore_mem>>)
        %dma_wait3A_293 = tpu.memref_slice %arg26[%mul3A_0] : memref<20480xi32, #tpu.memory_space<vmem_shared>> -> memref<1280xi32, #tpu.memory_space<vmem_shared>>
        %dma_wait3A_294 = tpu.memref_slice %arg26[%mul3A_0] : memref<20480xi32, #tpu.memory_space<vmem_shared>> -> memref<1280xi32, #tpu.memory_space<vmem_shared>>
        tpu.wait_dma2 semaphore(%run_scoped3A_290 : memref<!tpu.dma_semaphore, #tpu.memory_space<semaphore_mem>>) src(%arg12 : memref<1280xi32, #tpu.memory_space<vmem>>) dst(%dma_wait3A_294 : memref<1280xi32, #tpu.memory_space<vmem_shared>>)
        tpu.yield
      }) : () -> ()
      "tpu.region"() ({
        %run_scoped3A_290 = tpu.sem_alloc : memref<!tpu.dma_semaphore, #tpu.memory_space<semaphore_mem>>
        %dma_start3A_291 = tpu.memref_slice %arg27[%mul3A_0] : memref<20480xi32, #tpu.memory_space<vmem_shared>> -> memref<1280xi32, #tpu.memory_space<vmem_shared>>
        %dma_start3A_292 = tpu.memref_slice %arg27[%mul3A_0] : memref<20480xi32, #tpu.memory_space<vmem_shared>> -> memref<1280xi32, #tpu.memory_space<vmem_shared>>
        tpu.enqueue_dma source(%arg13 : memref<1280xi32, #tpu.memory_space<vmem>>) target(%dma_start3A_292 : memref<1280xi32, #tpu.memory_space<vmem_shared>>) target_semaphore(%run_scoped3A_290 : memref<!tpu.dma_semaphore, #tpu.memory_space<semaphore_mem>>)
        %dma_wait3A_293 = tpu.memref_slice %arg27[%mul3A_0] : memref<20480xi32, #tpu.memory_space<vmem_shared>> -> memref<1280xi32, #tpu.memory_space<vmem_shared>>
        %dma_wait3A_294 = tpu.memref_slice %arg27[%mul3A_0] : memref<20480xi32, #tpu.memory_space<vmem_shared>> -> memref<1280xi32, #tpu.memory_space<vmem_shared>>
        tpu.wait_dma2 semaphore(%run_scoped3A_290 : memref<!tpu.dma_semaphore, #tpu.memory_space<semaphore_mem>>) src(%arg13 : memref<1280xi32, #tpu.memory_space<vmem>>) dst(%dma_wait3A_294 : memref<1280xi32, #tpu.memory_space<vmem_shared>>)
        tpu.yield
      }) : () -> ()
    } else {
    }
    %barrier3A_212 = arith.constant 0 : index
    tpu.barrier barrier_id(%barrier3A_212)
    %broadcast_in_dim3A_213 = arith.constant 0 : i32
    %broadcast_in_dim3A_214 = vector.broadcast %broadcast_in_dim3A_213 : i32 to vector<16xi32>
    %add3A_215 = arith.constant 20479 : i32
    %add3A_216 = vector.broadcast %add3A_215 : i32 to vector<16xi32>
    %add3A_217 = arith.addi %broadcast_in_dim3A_214, %add3A_216 : vector<16xi32>
    %dma_wait3A = arith.constant 5 : i32
    %dma_wait3A_218 = arith.constant 0 : i32
    %dma_wait3A_219 = tpu.memref_slice %arg4[%dma_wait3A, %dma_wait3A_218] : memref<8x20480xi32, #tpu.memory_space<hbm>> -> memref<1x20480xi32, #tpu.memory_space<hbm>>
    %dma_wait3A_220 = tpu.memref_squeeze %dma_wait3A_219 : memref<1x20480xi32, #tpu.memory_space<hbm>> -> memref<20480xi32, #tpu.memory_space<hbm>>
    %dma_wait3A_221 = arith.constant 0 : i32
    %dma_wait3A_222 = tpu.memref_slice %arg4[%dma_wait3A, %dma_wait3A_221] : memref<8x20480xi32, #tpu.memory_space<hbm>> -> memref<1x20480xi32, #tpu.memory_space<hbm>>
    %dma_wait3A_223 = tpu.memref_squeeze %dma_wait3A_222 : memref<1x20480xi32, #tpu.memory_space<hbm>> -> memref<20480xi32, #tpu.memory_space<hbm>>
    tpu.wait_dma2 semaphore(%arg28 : memref<!tpu.dma_semaphore, #tpu.memory_space<semaphore_mem>>) src(%dma_wait3A_223 : memref<20480xi32, #tpu.memory_space<hbm>>) dst(%arg16 : memref<20480xi32, #tpu.memory_space<vmem>>)
    %dma_wait3A_224 = arith.constant 7 : i32
    %dma_wait3A_225 = arith.constant 0 : i32
    %dma_wait3A_226 = tpu.memref_slice %arg4[%dma_wait3A_224, %dma_wait3A_225] : memref<8x20480xi32, #tpu.memory_space<hbm>> -> memref<1x20480xi32, #tpu.memory_space<hbm>>
    %dma_wait3A_227 = tpu.memref_squeeze %dma_wait3A_226 : memref<1x20480xi32, #tpu.memory_space<hbm>> -> memref<20480xi32, #tpu.memory_space<hbm>>
    %dma_wait3A_228 = arith.constant 0 : i32
    %dma_wait3A_229 = tpu.memref_slice %arg4[%dma_wait3A_224, %dma_wait3A_228] : memref<8x20480xi32, #tpu.memory_space<hbm>> -> memref<1x20480xi32, #tpu.memory_space<hbm>>
    %dma_wait3A_230 = tpu.memref_squeeze %dma_wait3A_229 : memref<1x20480xi32, #tpu.memory_space<hbm>> -> memref<20480xi32, #tpu.memory_space<hbm>>
    tpu.wait_dma2 semaphore(%arg29 : memref<!tpu.dma_semaphore, #tpu.memory_space<semaphore_mem>>) src(%dma_wait3A_230 : memref<20480xi32, #tpu.memory_space<hbm>>) dst(%arg18 : memref<20480xi32, #tpu.memory_space<vmem>>)
    %convert_element_type3A_231 = arith.extui %gt3A_115 : i1 to i32
    %cond3A_232 = arith.constant 0 : i32
    %cond3A_233 = arith.cmpi ne, %convert_element_type3A_231, %cond3A_232 : i32
    scf.if %cond3A_233 {
      %run_scoped3A_252 = arith.constant 1 : i32
      "tpu.region"() ({
        %run_scoped3A_291 = tpu.sem_alloc : memref<!tpu.dma_semaphore, #tpu.memory_space<semaphore_mem>>
        %dma_start3A_292 = arith.constant 0 : i32
        %dma_start3A_293 = tpu.memref_slice %arg4[%run_scoped3A_252, %dma_start3A_292] : memref<8x20480xi32, #tpu.memory_space<hbm>> -> memref<1x20480xi32, #tpu.memory_space<hbm>>
        %dma_start3A_294 = tpu.memref_squeeze %dma_start3A_293 : memref<1x20480xi32, #tpu.memory_space<hbm>> -> memref<20480xi32, #tpu.memory_space<hbm>>
        %dma_start3A_295 = arith.constant 0 : i32
        %dma_start3A_296 = tpu.memref_slice %arg4[%run_scoped3A_252, %dma_start3A_295] : memref<8x20480xi32, #tpu.memory_space<hbm>> -> memref<1x20480xi32, #tpu.memory_space<hbm>>
        %dma_start3A_297 = tpu.memref_squeeze %dma_start3A_296 : memref<1x20480xi32, #tpu.memory_space<hbm>> -> memref<20480xi32, #tpu.memory_space<hbm>>
        tpu.enqueue_dma source(%dma_start3A_297 : memref<20480xi32, #tpu.memory_space<hbm>>) target(%arg16 : memref<20480xi32, #tpu.memory_space<vmem>>) target_semaphore(%run_scoped3A_291 : memref<!tpu.dma_semaphore, #tpu.memory_space<semaphore_mem>>)
        %dma_wait3A_298 = arith.constant 0 : i32
        %dma_wait3A_299 = tpu.memref_slice %arg4[%run_scoped3A_252, %dma_wait3A_298] : memref<8x20480xi32, #tpu.memory_space<hbm>> -> memref<1x20480xi32, #tpu.memory_space<hbm>>
        %dma_wait3A_300 = tpu.memref_squeeze %dma_wait3A_299 : memref<1x20480xi32, #tpu.memory_space<hbm>> -> memref<20480xi32, #tpu.memory_space<hbm>>
        %dma_wait3A_301 = arith.constant 0 : i32
        %dma_wait3A_302 = tpu.memref_slice %arg4[%run_scoped3A_252, %dma_wait3A_301] : memref<8x20480xi32, #tpu.memory_space<hbm>> -> memref<1x20480xi32, #tpu.memory_space<hbm>>
        %dma_wait3A_303 = tpu.memref_squeeze %dma_wait3A_302 : memref<1x20480xi32, #tpu.memory_space<hbm>> -> memref<20480xi32, #tpu.memory_space<hbm>>
        tpu.wait_dma2 semaphore(%run_scoped3A_291 : memref<!tpu.dma_semaphore, #tpu.memory_space<semaphore_mem>>) src(%dma_wait3A_303 : memref<20480xi32, #tpu.memory_space<hbm>>) dst(%arg16 : memref<20480xi32, #tpu.memory_space<vmem>>)
        tpu.yield
      }) : () -> ()
      "tpu.region"() ({
        %run_scoped3A_291 = tpu.sem_alloc : memref<!tpu.dma_semaphore, #tpu.memory_space<semaphore_mem>>
        tpu.enqueue_dma source(%arg26 : memref<20480xi32, #tpu.memory_space<vmem_shared>>) target(%arg17 : memref<20480xi32, #tpu.memory_space<vmem>>) target_semaphore(%run_scoped3A_291 : memref<!tpu.dma_semaphore, #tpu.memory_space<semaphore_mem>>)
        tpu.wait_dma2 semaphore(%run_scoped3A_291 : memref<!tpu.dma_semaphore, #tpu.memory_space<semaphore_mem>>) src(%arg26 : memref<20480xi32, #tpu.memory_space<vmem_shared>>) dst(%arg17 : memref<20480xi32, #tpu.memory_space<vmem>>)
        tpu.yield
      }) : () -> ()
      %run_scoped3A_253 = arith.constant 3 : i32
      "tpu.region"() ({
        %run_scoped3A_291 = tpu.sem_alloc : memref<!tpu.dma_semaphore, #tpu.memory_space<semaphore_mem>>
        %dma_start3A_292 = arith.constant 0 : i32
        %dma_start3A_293 = tpu.memref_slice %arg4[%run_scoped3A_253, %dma_start3A_292] : memref<8x20480xi32, #tpu.memory_space<hbm>> -> memref<1x20480xi32, #tpu.memory_space<hbm>>
        %dma_start3A_294 = tpu.memref_squeeze %dma_start3A_293 : memref<1x20480xi32, #tpu.memory_space<hbm>> -> memref<20480xi32, #tpu.memory_space<hbm>>
        %dma_start3A_295 = arith.constant 0 : i32
        %dma_start3A_296 = tpu.memref_slice %arg4[%run_scoped3A_253, %dma_start3A_295] : memref<8x20480xi32, #tpu.memory_space<hbm>> -> memref<1x20480xi32, #tpu.memory_space<hbm>>
        %dma_start3A_297 = tpu.memref_squeeze %dma_start3A_296 : memref<1x20480xi32, #tpu.memory_space<hbm>> -> memref<20480xi32, #tpu.memory_space<hbm>>
        tpu.enqueue_dma source(%dma_start3A_297 : memref<20480xi32, #tpu.memory_space<hbm>>) target(%arg18 : memref<20480xi32, #tpu.memory_space<vmem>>) target_semaphore(%run_scoped3A_291 : memref<!tpu.dma_semaphore, #tpu.memory_space<semaphore_mem>>)
        %dma_wait3A_298 = arith.constant 0 : i32
        %dma_wait3A_299 = tpu.memref_slice %arg4[%run_scoped3A_253, %dma_wait3A_298] : memref<8x20480xi32, #tpu.memory_space<hbm>> -> memref<1x20480xi32, #tpu.memory_space<hbm>>
        %dma_wait3A_300 = tpu.memref_squeeze %dma_wait3A_299 : memref<1x20480xi32, #tpu.memory_space<hbm>> -> memref<20480xi32, #tpu.memory_space<hbm>>
        %dma_wait3A_301 = arith.constant 0 : i32
        %dma_wait3A_302 = tpu.memref_slice %arg4[%run_scoped3A_253, %dma_wait3A_301] : memref<8x20480xi32, #tpu.memory_space<hbm>> -> memref<1x20480xi32, #tpu.memory_space<hbm>>
        %dma_wait3A_303 = tpu.memref_squeeze %dma_wait3A_302 : memref<1x20480xi32, #tpu.memory_space<hbm>> -> memref<20480xi32, #tpu.memory_space<hbm>>
        tpu.wait_dma2 semaphore(%run_scoped3A_291 : memref<!tpu.dma_semaphore, #tpu.memory_space<semaphore_mem>>) src(%dma_wait3A_303 : memref<20480xi32, #tpu.memory_space<hbm>>) dst(%arg18 : memref<20480xi32, #tpu.memory_space<vmem>>)
        tpu.yield
      }) : () -> ()
      "tpu.region"() ({
        %run_scoped3A_291 = tpu.sem_alloc : memref<!tpu.dma_semaphore, #tpu.memory_space<semaphore_mem>>
        tpu.enqueue_dma source(%arg27 : memref<20480xi32, #tpu.memory_space<vmem_shared>>) target(%arg19 : memref<20480xi32, #tpu.memory_space<vmem>>) target_semaphore(%run_scoped3A_291 : memref<!tpu.dma_semaphore, #tpu.memory_space<semaphore_mem>>)
        tpu.wait_dma2 semaphore(%run_scoped3A_291 : memref<!tpu.dma_semaphore, #tpu.memory_space<semaphore_mem>>) src(%arg27 : memref<20480xi32, #tpu.memory_space<vmem_shared>>) dst(%arg19 : memref<20480xi32, #tpu.memory_space<vmem>>)
        tpu.yield
      }) : () -> ()
      %broadcast_in_dim3A_254 = arith.constant 0 : i32
      %broadcast_in_dim3A_255 = vector.broadcast %broadcast_in_dim3A_254 : i32 to vector<16xi32>
      %add3A_256 = vector.broadcast %reduce_sum3A_94 : i32 to vector<16xi32>
      %add3A_257 = arith.addi %broadcast_in_dim3A_255, %add3A_256 : vector<16xi32>
      %broadcast_in_dim3A_258 = arith.constant 0 : i32
      %broadcast_in_dim3A_259 = vector.broadcast %broadcast_in_dim3A_258 : i32 to vector<16xi32>
      %add3A_260 = arith.constant 128 : i32
      %add3A_261 = vector.broadcast %add3A_260 : i32 to vector<16xi32>
      %add3A_262 = arith.addi %broadcast_in_dim3A_259, %add3A_261 : vector<16xi32>
      %broadcast_in_dim3A_263 = arith.constant 0 : i32
      %broadcast_in_dim3A_264 = vector.broadcast %broadcast_in_dim3A_263 : i32 to vector<16xi32>
      %add3A_265 = vector.broadcast %reduce_sum3A_108 : i32 to vector<16xi32>
      %add3A_266 = arith.addi %broadcast_in_dim3A_264, %add3A_265 : vector<16xi32>
      %broadcast_in_dim3A_267 = arith.constant 0 : i32
      %broadcast_in_dim3A_268 = vector.broadcast %broadcast_in_dim3A_267 : i32 to vector<16xi32>
      %add3A_269 = arith.constant 1 : i32
      %add3A_270 = vector.broadcast %add3A_269 : i32 to vector<16xi32>
      %add3A_271 = arith.addi %broadcast_in_dim3A_268, %add3A_270 : vector<16xi32>
      %broadcast_in_dim3A_272 = arith.constant 0 : i32
      %broadcast_in_dim3A_273 = vector.broadcast %broadcast_in_dim3A_272 : i32 to vector<16xi32>
      %add3A_274 = arith.constant 1625 : i32
      %add3A_275 = vector.broadcast %add3A_274 : i32 to vector<16xi32>
      %add3A_276 = arith.addi %broadcast_in_dim3A_273, %add3A_275 : vector<16xi32>
      %gt3A_277 = arith.cmpi sgt, %add3A_257, %add3A_276 : vector<16xi32>
      %broadcast_in_dim3A_278 = arith.constant 0 : i32
      %broadcast_in_dim3A_279 = vector.broadcast %broadcast_in_dim3A_278 : i32 to vector<16xi32>
      %add3A_280 = arith.constant -1 : i32
      %add3A_281 = vector.broadcast %add3A_280 : i32 to vector<16xi32>
      %add3A_282 = arith.addi %broadcast_in_dim3A_279, %add3A_281 : vector<16xi32>
      %scan3A_283 = arith.constant 0 : i32
      %scan3A_284 = arith.constant 0 : i32
      %scan3A_285 = arith.constant 40 : i32
      %scan3A_286 = arith.addi %scan3A_284, %scan3A_285 : i32
      %scan3A_287 = arith.constant 1 : i32
      scf.for %scan3A_291 = %scan3A_284 to %scan3A_286 step %scan3A_287  : i32 {
        %mul3A_292 = arith.constant 32 : i32
        %mul3A_293 = arith.muli %scan3A_291, %mul3A_292 : i32
        %get3A_294 = arith.index_cast %mul3A_293 : i32 to index
        %get3A_295 = tpu.vector_load %arg6[%get3A_294] {strides = array<i32>} : memref<1280xi32, #tpu.memory_space<vmem>>, vector<16xi32>,
        %mul3A_296 = arith.constant 32 : i32
        %mul3A_297 = arith.muli %scan3A_291, %mul3A_296 : i32
        %add3A_298 = arith.constant 16 : i32
        %add3A_299 = arith.addi %mul3A_297, %add3A_298 : i32
        %get3A_300 = arith.index_cast %add3A_299 : i32 to index
        %get3A_301 = tpu.vector_load %arg6[%get3A_300] {strides = array<i32>} : memref<1280xi32, #tpu.memory_space<vmem>>, vector<16xi32>,
        %mul3A_302 = arith.constant 32 : i32
        %mul3A_303 = arith.muli %scan3A_291, %mul3A_302 : i32
        %get3A_304 = arith.index_cast %mul3A_303 : i32 to index
        %get3A_305 = tpu.vector_load %arg8[%get3A_304] {strides = array<i32>} : memref<1280xi32, #tpu.memory_space<vmem>>, vector<16xi32>,
        %sub3A_306 = arith.subi %get3A_305, %add3A_8 : vector<16xi32>
        %add3A_307 = arith.addi %sub3A_306, %add3A_266 : vector<16xi32>
        %mul3A_308 = arith.constant 32 : i32
        %mul3A_309 = arith.muli %scan3A_291, %mul3A_308 : i32
        %add3A_310 = arith.constant 16 : i32
        %add3A_311 = arith.addi %mul3A_309, %add3A_310 : i32
        %get3A_312 = arith.index_cast %add3A_311 : i32 to index
        %get3A_313 = tpu.vector_load %arg8[%get3A_312] {strides = array<i32>} : memref<1280xi32, #tpu.memory_space<vmem>>, vector<16xi32>,
        %sub3A_314 = arith.subi %get3A_313, %add3A_8 : vector<16xi32>
        %add3A_315 = arith.addi %sub3A_314, %add3A_266 : vector<16xi32>
        %max3A_316 = arith.maxsi %add3A_307, %add3A_3 : vector<16xi32>
        %min3A_317 = arith.minsi %max3A_316, %add3A_217 : vector<16xi32>
        %gather3A_318 = tpu.vector_load_idx %arg16[%min3A_317] : memref<20480xi32, #tpu.memory_space<vmem>>[vector<16xi32>], vector<16xi32>,
        %gather3A_319 = tpu.vector_load_idx %arg17[%gather3A_318] : memref<20480xi32, #tpu.memory_space<vmem>>[vector<16xi32>], vector<16xi32>,
        %min3A_320 = arith.minsi %gather3A_319, %add3A_217 : vector<16xi32>
        %gather3A_321 = tpu.vector_load_idx %arg18[%min3A_320] : memref<20480xi32, #tpu.memory_space<vmem>>[vector<16xi32>], vector<16xi32>,
        %gather3A_322 = tpu.vector_load_idx %arg19[%gather3A_321] : memref<20480xi32, #tpu.memory_space<vmem>>[vector<16xi32>], vector<16xi32>,
        %select_n3A_323 = arith.select %gt3A_277, %gather3A_322, %gather3A_319 : vector<16xi1>, vector<16xi32>
        %max3A_324 = arith.maxsi %add3A_315, %add3A_3 : vector<16xi32>
        %min3A_325 = arith.minsi %max3A_324, %add3A_217 : vector<16xi32>
        %gather3A_326 = tpu.vector_load_idx %arg16[%min3A_325] : memref<20480xi32, #tpu.memory_space<vmem>>[vector<16xi32>], vector<16xi32>,
        %gather3A_327 = tpu.vector_load_idx %arg17[%gather3A_326] : memref<20480xi32, #tpu.memory_space<vmem>>[vector<16xi32>], vector<16xi32>,
        %min3A_328 = arith.minsi %gather3A_327, %add3A_217 : vector<16xi32>
        %gather3A_329 = tpu.vector_load_idx %arg18[%min3A_328] : memref<20480xi32, #tpu.memory_space<vmem>>[vector<16xi32>], vector<16xi32>,
        %gather3A_330 = tpu.vector_load_idx %arg19[%gather3A_329] : memref<20480xi32, #tpu.memory_space<vmem>>[vector<16xi32>], vector<16xi32>,
        %select_n3A_331 = arith.select %gt3A_277, %gather3A_330, %gather3A_327 : vector<16xi1>, vector<16xi32>
        %eq3A_332 = arith.cmpi eq, %get3A_295, %add3A_271 : vector<16xi32>
        %ge3A_333 = arith.cmpi sge, %select_n3A_323, %add3A_262 : vector<16xi32>
        %and3A_334 = arith.andi %eq3A_332, %ge3A_333 : vector<16xi1>
        %eq3A_335 = arith.cmpi eq, %get3A_301, %add3A_271 : vector<16xi32>
        %ge3A_336 = arith.cmpi sge, %select_n3A_331, %add3A_262 : vector<16xi32>
        %and3A_337 = arith.andi %eq3A_335, %ge3A_336 : vector<16xi1>
        %select_n3A_338 = arith.select %and3A_334, %add3A_282, %get3A_295 : vector<16xi1>, vector<16xi32>
        %mul3A_339 = arith.constant 32 : i32
        %mul3A_340 = arith.muli %scan3A_291, %mul3A_339 : i32
        %swap3A_341 = arith.index_cast %mul3A_340 : i32 to index
        %swap3A_342 = tpu.vector_load %arg6[%swap3A_341] {strides = array<i32>} : memref<1280xi32, #tpu.memory_space<vmem>>, vector<16xi32>,
        tpu.vector_store %arg6[%swap3A_341], %select_n3A_338 {strides = array<i32>} : memref<1280xi32, #tpu.memory_space<vmem>>, vector<16xi32>,
        %select_n3A_343 = arith.select %and3A_337, %add3A_282, %get3A_301 : vector<16xi1>, vector<16xi32>
        %mul3A_344 = arith.constant 32 : i32
        %mul3A_345 = arith.muli %scan3A_291, %mul3A_344 : i32
        %add3A_346 = arith.constant 16 : i32
        %add3A_347 = arith.addi %mul3A_345, %add3A_346 : i32
        %swap3A_348 = arith.index_cast %add3A_347 : i32 to index
        %swap3A_349 = tpu.vector_load %arg6[%swap3A_348] {strides = array<i32>} : memref<1280xi32, #tpu.memory_space<vmem>>, vector<16xi32>,
        tpu.vector_store %arg6[%swap3A_348], %select_n3A_343 {strides = array<i32>} : memref<1280xi32, #tpu.memory_space<vmem>>, vector<16xi32>,
      }
      %scan3A_288 = arith.constant 40 : i32
      %run_scoped3A_289 = arith.constant 5 : i32
      "tpu.region"() ({
        %run_scoped3A_291 = tpu.sem_alloc : memref<!tpu.dma_semaphore, #tpu.memory_space<semaphore_mem>>
        %dma_start3A_292 = arith.constant 0 : i32
        %dma_start3A_293 = tpu.memref_slice %arg4[%run_scoped3A_289, %dma_start3A_292] : memref<8x20480xi32, #tpu.memory_space<hbm>> -> memref<1x20480xi32, #tpu.memory_space<hbm>>
        %dma_start3A_294 = tpu.memref_squeeze %dma_start3A_293 : memref<1x20480xi32, #tpu.memory_space<hbm>> -> memref<20480xi32, #tpu.memory_space<hbm>>
        %dma_start3A_295 = arith.constant 0 : i32
        %dma_start3A_296 = tpu.memref_slice %arg4[%run_scoped3A_289, %dma_start3A_295] : memref<8x20480xi32, #tpu.memory_space<hbm>> -> memref<1x20480xi32, #tpu.memory_space<hbm>>
        %dma_start3A_297 = tpu.memref_squeeze %dma_start3A_296 : memref<1x20480xi32, #tpu.memory_space<hbm>> -> memref<20480xi32, #tpu.memory_space<hbm>>
        tpu.enqueue_dma source(%dma_start3A_297 : memref<20480xi32, #tpu.memory_space<hbm>>) target(%arg16 : memref<20480xi32, #tpu.memory_space<vmem>>) target_semaphore(%run_scoped3A_291 : memref<!tpu.dma_semaphore, #tpu.memory_space<semaphore_mem>>)
        %dma_wait3A_298 = arith.constant 0 : i32
        %dma_wait3A_299 = tpu.memref_slice %arg4[%run_scoped3A_289, %dma_wait3A_298] : memref<8x20480xi32, #tpu.memory_space<hbm>> -> memref<1x20480xi32, #tpu.memory_space<hbm>>
        %dma_wait3A_300 = tpu.memref_squeeze %dma_wait3A_299 : memref<1x20480xi32, #tpu.memory_space<hbm>> -> memref<20480xi32, #tpu.memory_space<hbm>>
        %dma_wait3A_301 = arith.constant 0 : i32
        %dma_wait3A_302 = tpu.memref_slice %arg4[%run_scoped3A_289, %dma_wait3A_301] : memref<8x20480xi32, #tpu.memory_space<hbm>> -> memref<1x20480xi32, #tpu.memory_space<hbm>>
        %dma_wait3A_303 = tpu.memref_squeeze %dma_wait3A_302 : memref<1x20480xi32, #tpu.memory_space<hbm>> -> memref<20480xi32, #tpu.memory_space<hbm>>
        tpu.wait_dma2 semaphore(%run_scoped3A_291 : memref<!tpu.dma_semaphore, #tpu.memory_space<semaphore_mem>>) src(%dma_wait3A_303 : memref<20480xi32, #tpu.memory_space<hbm>>) dst(%arg16 : memref<20480xi32, #tpu.memory_space<vmem>>)
        tpu.yield
      }) : () -> ()
      %run_scoped3A_290 = arith.constant 7 : i32
      "tpu.region"() ({
        %run_scoped3A_291 = tpu.sem_alloc : memref<!tpu.dma_semaphore, #tpu.memory_space<semaphore_mem>>
        %dma_start3A_292 = arith.constant 0 : i32
        %dma_start3A_293 = tpu.memref_slice %arg4[%run_scoped3A_290, %dma_start3A_292] : memref<8x20480xi32, #tpu.memory_space<hbm>> -> memref<1x20480xi32, #tpu.memory_space<hbm>>
        %dma_start3A_294 = tpu.memref_squeeze %dma_start3A_293 : memref<1x20480xi32, #tpu.memory_space<hbm>> -> memref<20480xi32, #tpu.memory_space<hbm>>
        %dma_start3A_295 = arith.constant 0 : i32
        %dma_start3A_296 = tpu.memref_slice %arg4[%run_scoped3A_290, %dma_start3A_295] : memref<8x20480xi32, #tpu.memory_space<hbm>> -> memref<1x20480xi32, #tpu.memory_space<hbm>>
        %dma_start3A_297 = tpu.memref_squeeze %dma_start3A_296 : memref<1x20480xi32, #tpu.memory_space<hbm>> -> memref<20480xi32, #tpu.memory_space<hbm>>
        tpu.enqueue_dma source(%dma_start3A_297 : memref<20480xi32, #tpu.memory_space<hbm>>) target(%arg18 : memref<20480xi32, #tpu.memory_space<vmem>>) target_semaphore(%run_scoped3A_291 : memref<!tpu.dma_semaphore, #tpu.memory_space<semaphore_mem>>)
        %dma_wait3A_298 = arith.constant 0 : i32
        %dma_wait3A_299 = tpu.memref_slice %arg4[%run_scoped3A_290, %dma_wait3A_298] : memref<8x20480xi32, #tpu.memory_space<hbm>> -> memref<1x20480xi32, #tpu.memory_space<hbm>>
        %dma_wait3A_300 = tpu.memref_squeeze %dma_wait3A_299 : memref<1x20480xi32, #tpu.memory_space<hbm>> -> memref<20480xi32, #tpu.memory_space<hbm>>
        %dma_wait3A_301 = arith.constant 0 : i32
        %dma_wait3A_302 = tpu.memref_slice %arg4[%run_scoped3A_290, %dma_wait3A_301] : memref<8x20480xi32, #tpu.memory_space<hbm>> -> memref<1x20480xi32, #tpu.memory_space<hbm>>
        %dma_wait3A_303 = tpu.memref_squeeze %dma_wait3A_302 : memref<1x20480xi32, #tpu.memory_space<hbm>> -> memref<20480xi32, #tpu.memory_space<hbm>>
        tpu.wait_dma2 semaphore(%run_scoped3A_291 : memref<!tpu.dma_semaphore, #tpu.memory_space<semaphore_mem>>) src(%dma_wait3A_303 : memref<20480xi32, #tpu.memory_space<hbm>>) dst(%arg18 : memref<20480xi32, #tpu.memory_space<vmem>>)
        tpu.yield
      }) : () -> ()
    } else {
    }
    "tpu.region"() ({
      %run_scoped3A_252 = tpu.sem_alloc : memref<!tpu.dma_semaphore, #tpu.memory_space<semaphore_mem>>
      tpu.enqueue_dma source(%arg24 : memref<20480xi32, #tpu.memory_space<vmem_shared>>) target(%arg17 : memref<20480xi32, #tpu.memory_space<vmem>>) target_semaphore(%run_scoped3A_252 : memref<!tpu.dma_semaphore, #tpu.memory_space<semaphore_mem>>)
      tpu.wait_dma2 semaphore(%run_scoped3A_252 : memref<!tpu.dma_semaphore, #tpu.memory_space<semaphore_mem>>) src(%arg24 : memref<20480xi32, #tpu.memory_space<vmem_shared>>) dst(%arg17 : memref<20480xi32, #tpu.memory_space<vmem>>)
      tpu.yield
    }) : () -> ()
    "tpu.region"() ({
      %run_scoped3A_252 = tpu.sem_alloc : memref<!tpu.dma_semaphore, #tpu.memory_space<semaphore_mem>>
      tpu.enqueue_dma source(%arg25 : memref<20480xi32, #tpu.memory_space<vmem_shared>>) target(%arg19 : memref<20480xi32, #tpu.memory_space<vmem>>) target_semaphore(%run_scoped3A_252 : memref<!tpu.dma_semaphore, #tpu.memory_space<semaphore_mem>>)
      tpu.wait_dma2 semaphore(%run_scoped3A_252 : memref<!tpu.dma_semaphore, #tpu.memory_space<semaphore_mem>>) src(%arg25 : memref<20480xi32, #tpu.memory_space<vmem_shared>>) dst(%arg19 : memref<20480xi32, #tpu.memory_space<vmem>>)
      tpu.yield
    }) : () -> ()
    %sub3A_234 = arith.constant 256 : i32
    %sub3A_235 = arith.subi %sub3A_234, %reduce_sum3A_94 : i32
    %sub3A_236 = arith.subi %sub3A_235, %reduce_sum3A_98 : i32
    %ge3A_237 = arith.constant 0 : i32
    %ge3A_238 = arith.cmpi sge, %sub3A_236, %ge3A_237 : i32
    %min3A_239 = arith.minsi %sub3A_236, %reduce_sum3A_98 : i32
    %add3A_240 = arith.addi %reduce_sum3A_98, %sub3A_236 : i32
    %max3A_241 = arith.constant 0 : i32
    %max3A_242 = arith.maxsi %add3A_240, %max3A_241 : i32
    %select_n3A_243 = arith.select %ge3A_238, %min3A_239, %max3A_242 : i32
    %ge3A_244 = arith.constant 128 : i32
    %ge3A_245 = arith.cmpi sge, %reduce_sum3A_94, %ge3A_244 : i32
    %jit3A = arith.constant 128 : i32
    %select_n3A_246 = arith.select %ge3A_245, %jit3A, %select_n3A_243 : i32
    %gt3A_247 = arith.constant 128 : i32
    %gt3A_248 = arith.cmpi sgt, %reduce_sum3A_98, %gt3A_247 : i32
    %convert_element_type3A_249 = arith.extui %gt3A_248 : i1 to i32
    %cond3A_250 = arith.constant 0 : i32
    %cond3A_251 = arith.cmpi ne, %convert_element_type3A_249, %cond3A_250 : i32
    scf.if %cond3A_251 {
      %broadcast_in_dim3A_252 = arith.constant 0 : i32
      %broadcast_in_dim3A_253 = vector.broadcast %broadcast_in_dim3A_252 : i32 to vector<16xi32>
      %add3A_254 = vector.broadcast %reduce_sum3A_98 : i32 to vector<16xi32>
      %add3A_255 = arith.addi %broadcast_in_dim3A_253, %add3A_254 : vector<16xi32>
      %broadcast_in_dim3A_256 = arith.constant 0 : i32
      %broadcast_in_dim3A_257 = vector.broadcast %broadcast_in_dim3A_256 : i32 to vector<16xi32>
      %add3A_258 = vector.broadcast %select_n3A_246 : i32 to vector<16xi32>
      %add3A_259 = arith.addi %broadcast_in_dim3A_257, %add3A_258 : vector<16xi32>
      %broadcast_in_dim3A_260 = arith.constant 0 : i32
      %broadcast_in_dim3A_261 = vector.broadcast %broadcast_in_dim3A_260 : i32 to vector<16xi32>
      %add3A_262 = vector.broadcast %reduce_sum3A_114 : i32 to vector<16xi32>
      %add3A_263 = arith.addi %broadcast_in_dim3A_261, %add3A_262 : vector<16xi32>
      %broadcast_in_dim3A_264 = arith.constant 0 : i32
      %broadcast_in_dim3A_265 = vector.broadcast %broadcast_in_dim3A_264 : i32 to vector<16xi32>
      %add3A_266 = arith.constant 0 : i32
      %add3A_267 = vector.broadcast %add3A_266 : i32 to vector<16xi32>
      %add3A_268 = arith.addi %broadcast_in_dim3A_265, %add3A_267 : vector<16xi32>
      %broadcast_in_dim3A_269 = arith.constant 0 : i32
      %broadcast_in_dim3A_270 = vector.broadcast %broadcast_in_dim3A_269 : i32 to vector<16xi32>
      %add3A_271 = arith.constant 1625 : i32
      %add3A_272 = vector.broadcast %add3A_271 : i32 to vector<16xi32>
      %add3A_273 = arith.addi %broadcast_in_dim3A_270, %add3A_272 : vector<16xi32>
      %gt3A_274 = arith.cmpi sgt, %add3A_255, %add3A_273 : vector<16xi32>
      %broadcast_in_dim3A_275 = arith.constant 0 : i32
      %broadcast_in_dim3A_276 = vector.broadcast %broadcast_in_dim3A_275 : i32 to vector<16xi32>
      %add3A_277 = arith.constant -1 : i32
      %add3A_278 = vector.broadcast %add3A_277 : i32 to vector<16xi32>
      %add3A_279 = arith.addi %broadcast_in_dim3A_276, %add3A_278 : vector<16xi32>
      %scan3A_280 = arith.constant 0 : i32
      %scan3A_281 = arith.constant 0 : i32
      %scan3A_282 = arith.constant 40 : i32
      %scan3A_283 = arith.addi %scan3A_281, %scan3A_282 : i32
      %scan3A_284 = arith.constant 1 : i32
      scf.for %scan3A_286 = %scan3A_281 to %scan3A_283 step %scan3A_284  : i32 {
        %mul3A_287 = arith.constant 32 : i32
        %mul3A_288 = arith.muli %scan3A_286, %mul3A_287 : i32
        %get3A_289 = arith.index_cast %mul3A_288 : i32 to index
        %get3A_290 = tpu.vector_load %arg6[%get3A_289] {strides = array<i32>} : memref<1280xi32, #tpu.memory_space<vmem>>, vector<16xi32>,
        %mul3A_291 = arith.constant 32 : i32
        %mul3A_292 = arith.muli %scan3A_286, %mul3A_291 : i32
        %add3A_293 = arith.constant 16 : i32
        %add3A_294 = arith.addi %mul3A_292, %add3A_293 : i32
        %get3A_295 = arith.index_cast %add3A_294 : i32 to index
        %get3A_296 = tpu.vector_load %arg6[%get3A_295] {strides = array<i32>} : memref<1280xi32, #tpu.memory_space<vmem>>, vector<16xi32>,
        %mul3A_297 = arith.constant 32 : i32
        %mul3A_298 = arith.muli %scan3A_286, %mul3A_297 : i32
        %get3A_299 = arith.index_cast %mul3A_298 : i32 to index
        %get3A_300 = tpu.vector_load %arg9[%get3A_299] {strides = array<i32>} : memref<1280xi32, #tpu.memory_space<vmem>>, vector<16xi32>,
        %sub3A_301 = arith.subi %get3A_300, %add3A_8 : vector<16xi32>
        %add3A_302 = arith.addi %sub3A_301, %add3A_263 : vector<16xi32>
        %mul3A_303 = arith.constant 32 : i32
        %mul3A_304 = arith.muli %scan3A_286, %mul3A_303 : i32
        %add3A_305 = arith.constant 16 : i32
        %add3A_306 = arith.addi %mul3A_304, %add3A_305 : i32
        %get3A_307 = arith.index_cast %add3A_306 : i32 to index
        %get3A_308 = tpu.vector_load %arg9[%get3A_307] {strides = array<i32>} : memref<1280xi32, #tpu.memory_space<vmem>>, vector<16xi32>,
        %sub3A_309 = arith.subi %get3A_308, %add3A_8 : vector<16xi32>
        %add3A_310 = arith.addi %sub3A_309, %add3A_263 : vector<16xi32>
        %max3A_311 = arith.maxsi %add3A_302, %add3A_3 : vector<16xi32>
        %min3A_312 = arith.minsi %max3A_311, %add3A_217 : vector<16xi32>
        %gather3A_313 = tpu.vector_load_idx %arg16[%min3A_312] : memref<20480xi32, #tpu.memory_space<vmem>>[vector<16xi32>], vector<16xi32>,
        %gather3A_314 = tpu.vector_load_idx %arg17[%gather3A_313] : memref<20480xi32, #tpu.memory_space<vmem>>[vector<16xi32>], vector<16xi32>,
        %min3A_315 = arith.minsi %gather3A_314, %add3A_217 : vector<16xi32>
        %gather3A_316 = tpu.vector_load_idx %arg18[%min3A_315] : memref<20480xi32, #tpu.memory_space<vmem>>[vector<16xi32>], vector<16xi32>,
        %gather3A_317 = tpu.vector_load_idx %arg19[%gather3A_316] : memref<20480xi32, #tpu.memory_space<vmem>>[vector<16xi32>], vector<16xi32>,
        %select_n3A_318 = arith.select %gt3A_274, %gather3A_317, %gather3A_314 : vector<16xi1>, vector<16xi32>
        %max3A_319 = arith.maxsi %add3A_310, %add3A_3 : vector<16xi32>
        %min3A_320 = arith.minsi %max3A_319, %add3A_217 : vector<16xi32>
        %gather3A_321 = tpu.vector_load_idx %arg16[%min3A_320] : memref<20480xi32, #tpu.memory_space<vmem>>[vector<16xi32>], vector<16xi32>,
        %gather3A_322 = tpu.vector_load_idx %arg17[%gather3A_321] : memref<20480xi32, #tpu.memory_space<vmem>>[vector<16xi32>], vector<16xi32>,
        %min3A_323 = arith.minsi %gather3A_322, %add3A_217 : vector<16xi32>
        %gather3A_324 = tpu.vector_load_idx %arg18[%min3A_323] : memref<20480xi32, #tpu.memory_space<vmem>>[vector<16xi32>], vector<16xi32>,
        %gather3A_325 = tpu.vector_load_idx %arg19[%gather3A_324] : memref<20480xi32, #tpu.memory_space<vmem>>[vector<16xi32>], vector<16xi32>,
        %select_n3A_326 = arith.select %gt3A_274, %gather3A_325, %gather3A_322 : vector<16xi1>, vector<16xi32>
        %eq3A_327 = arith.cmpi eq, %get3A_290, %add3A_268 : vector<16xi32>
        %ge3A_328 = arith.cmpi sge, %select_n3A_318, %add3A_259 : vector<16xi32>
        %and3A_329 = arith.andi %eq3A_327, %ge3A_328 : vector<16xi1>
        %eq3A_330 = arith.cmpi eq, %get3A_296, %add3A_268 : vector<16xi32>
        %ge3A_331 = arith.cmpi sge, %select_n3A_326, %add3A_259 : vector<16xi32>
        %and3A_332 = arith.andi %eq3A_330, %ge3A_331 : vector<16xi1>
        %select_n3A_333 = arith.select %and3A_329, %add3A_279, %get3A_290 : vector<16xi1>, vector<16xi32>
        %mul3A_334 = arith.constant 32 : i32
        %mul3A_335 = arith.muli %scan3A_286, %mul3A_334 : i32
        %swap3A_336 = arith.index_cast %mul3A_335 : i32 to index
        %swap3A_337 = tpu.vector_load %arg6[%swap3A_336] {strides = array<i32>} : memref<1280xi32, #tpu.memory_space<vmem>>, vector<16xi32>,
        tpu.vector_store %arg6[%swap3A_336], %select_n3A_333 {strides = array<i32>} : memref<1280xi32, #tpu.memory_space<vmem>>, vector<16xi32>,
        %select_n3A_338 = arith.select %and3A_332, %add3A_279, %get3A_296 : vector<16xi1>, vector<16xi32>
        %mul3A_339 = arith.constant 32 : i32
        %mul3A_340 = arith.muli %scan3A_286, %mul3A_339 : i32
        %add3A_341 = arith.constant 16 : i32
        %add3A_342 = arith.addi %mul3A_340, %add3A_341 : i32
        %swap3A_343 = arith.index_cast %add3A_342 : i32 to index
        %swap3A_344 = tpu.vector_load %arg6[%swap3A_343] {strides = array<i32>} : memref<1280xi32, #tpu.memory_space<vmem>>, vector<16xi32>,
        tpu.vector_store %arg6[%swap3A_343], %select_n3A_338 {strides = array<i32>} : memref<1280xi32, #tpu.memory_space<vmem>>, vector<16xi32>,
      }
      %scan3A_285 = arith.constant 40 : i32
    } else {
    }
    "tpu.region"() ({
      %run_scoped3A_252 = tpu.sem_alloc : memref<!tpu.dma_semaphore, #tpu.memory_space<semaphore_mem>>
      %dma_start3A_253 = tpu.memref_slice %arg5[%mul3A_0] : memref<20480xi32, #tpu.memory_space<hbm>> -> memref<1280xi32, #tpu.memory_space<hbm>>
      %dma_start3A_254 = tpu.memref_slice %arg5[%mul3A_0] : memref<20480xi32, #tpu.memory_space<hbm>> -> memref<1280xi32, #tpu.memory_space<hbm>>
      tpu.enqueue_dma source(%arg6 : memref<1280xi32, #tpu.memory_space<vmem>>) target(%dma_start3A_254 : memref<1280xi32, #tpu.memory_space<hbm>>) target_semaphore(%run_scoped3A_252 : memref<!tpu.dma_semaphore, #tpu.memory_space<semaphore_mem>>)
      %dma_wait3A_255 = tpu.memref_slice %arg5[%mul3A_0] : memref<20480xi32, #tpu.memory_space<hbm>> -> memref<1280xi32, #tpu.memory_space<hbm>>
      %dma_wait3A_256 = tpu.memref_slice %arg5[%mul3A_0] : memref<20480xi32, #tpu.memory_space<hbm>> -> memref<1280xi32, #tpu.memory_space<hbm>>
      tpu.wait_dma2 semaphore(%run_scoped3A_252 : memref<!tpu.dma_semaphore, #tpu.memory_space<semaphore_mem>>) src(%arg6 : memref<1280xi32, #tpu.memory_space<vmem>>) dst(%dma_wait3A_256 : memref<1280xi32, #tpu.memory_space<hbm>>)
      tpu.yield
    }) : () -> ()
    return
  }
}

module attributes {stable_mosaic.version = 14 : i64} {
  func.func @_tc_b_body(%arg0: memref<32x4xf32, #tpu.memory_space<smem>>, %arg1: memref<4x160x128xf32, #tpu.memory_space<vmem>>, %arg2: memref<4x160x128xf32, #tpu.memory_space<vmem>>) attributes {dimension_semantics = [], scalar_prefetch = 0 : i64, scratch_operands = 0 : i64, tpu.core_type = #tpu.core_type<tc>} {
    %get3A = arith.constant 0 : index
    %get3A_0 = arith.constant 0 : index
    %get3A_1 = arith.constant 0 : index
    %get3A_2 = vector.load %arg1[%get3A, %get3A_0, %get3A_1] : memref<4x160x128xf32, #tpu.memory_space<vmem>>, vector<1x160x128xf32>
    %get3A_3 = vector.shape_cast %get3A_2 : vector<1x160x128xf32> to vector<160x128xf32>
    %get3A_4 = arith.constant 1 : index
    %get3A_5 = arith.constant 0 : index
    %get3A_6 = arith.constant 0 : index
    %get3A_7 = vector.load %arg1[%get3A_4, %get3A_5, %get3A_6] : memref<4x160x128xf32, #tpu.memory_space<vmem>>, vector<1x160x128xf32>
    %get3A_8 = vector.shape_cast %get3A_7 : vector<1x160x128xf32> to vector<160x128xf32>
    %get3A_9 = arith.constant 2 : index
    %get3A_10 = arith.constant 0 : index
    %get3A_11 = arith.constant 0 : index
    %get3A_12 = vector.load %arg1[%get3A_9, %get3A_10, %get3A_11] : memref<4x160x128xf32, #tpu.memory_space<vmem>>, vector<1x160x128xf32>
    %get3A_13 = vector.shape_cast %get3A_12 : vector<1x160x128xf32> to vector<160x128xf32>
    %get3A_14 = arith.constant 3 : index
    %get3A_15 = arith.constant 0 : index
    %get3A_16 = arith.constant 0 : index
    %get3A_17 = vector.load %arg1[%get3A_14, %get3A_15, %get3A_16] : memref<4x160x128xf32, #tpu.memory_space<vmem>>, vector<1x160x128xf32>
    %get3A_18 = vector.shape_cast %get3A_17 : vector<1x160x128xf32> to vector<160x128xf32>
    %ge3A = arith.constant 0.000000e+00 : f32
    %ge3A_19 = vector.broadcast %ge3A : f32 to vector<160x128xf32>
    %ge3A_20 = arith.cmpf oge, %get3A_3, %ge3A_19 : vector<160x128xf32>
    %ge3A_21 = arith.constant 0.000000e+00 : f32
    %ge3A_22 = vector.broadcast %ge3A_21 : f32 to vector<160x128xf32>
    %ge3A_23 = arith.cmpf oge, %get3A_8, %ge3A_22 : vector<160x128xf32>
    %and3A = arith.andi %ge3A_20, %ge3A_23 : vector<160x128xi1>
    %lt3A = arith.constant 1.000000e+00 : f32
    %lt3A_24 = vector.broadcast %lt3A : f32 to vector<160x128xf32>
    %lt3A_25 = arith.cmpf olt, %get3A_13, %lt3A_24 : vector<160x128xf32>
    %and3A_26 = arith.andi %and3A, %lt3A_25 : vector<160x128xi1>
    %lt3A_27 = arith.constant 1.000000e+00 : f32
    %lt3A_28 = vector.broadcast %lt3A_27 : f32 to vector<160x128xf32>
    %lt3A_29 = arith.cmpf olt, %get3A_18, %lt3A_28 : vector<160x128xf32>
    %and3A_30 = arith.andi %and3A_26, %lt3A_29 : vector<160x128xi1>
    %sub3A = arith.subf %get3A_13, %get3A_3 : vector<160x128xf32>
    %sub3A_31 = arith.subf %get3A_18, %get3A_8 : vector<160x128xf32>
    %mul3A = arith.mulf %sub3A, %sub3A_31 : vector<160x128xf32>
    %broadcast_in_dim3A = arith.constant 0xFF800000 : f32
    %broadcast_in_dim3A_32 = vector.broadcast %broadcast_in_dim3A : f32 to vector<160x128xf32>
    %broadcast_in_dim3A_33 = arith.constant 0.000000e+00 : f32
    %broadcast_in_dim3A_34 = vector.broadcast %broadcast_in_dim3A_33 : f32 to vector<160x128xf32>
    %get3A_35 = arith.constant 0 : index
    %get3A_36 = arith.constant 0 : index
    %get3A_37 = memref.load %arg0[%get3A_35, %get3A_36] : memref<32x4xf32, #tpu.memory_space<smem>>
    %get3A_38 = arith.constant 0 : index
    %get3A_39 = arith.constant 1 : index
    %get3A_40 = memref.load %arg0[%get3A_38, %get3A_39] : memref<32x4xf32, #tpu.memory_space<smem>>
    %get3A_41 = arith.constant 0 : index
    %get3A_42 = arith.constant 2 : index
    %get3A_43 = memref.load %arg0[%get3A_41, %get3A_42] : memref<32x4xf32, #tpu.memory_space<smem>>
    %get3A_44 = arith.constant 0 : index
    %get3A_45 = arith.constant 3 : index
    %get3A_46 = memref.load %arg0[%get3A_44, %get3A_45] : memref<32x4xf32, #tpu.memory_space<smem>>
    %min3A = vector.broadcast %get3A_43 : f32 to vector<160x128xf32>
    %min3A_47 = arith.minimumf %get3A_13, %min3A : vector<160x128xf32>
    %max3A = vector.broadcast %get3A_37 : f32 to vector<160x128xf32>
    %max3A_48 = arith.maximumf %get3A_3, %max3A : vector<160x128xf32>
    %sub3A_49 = arith.subf %min3A_47, %max3A_48 : vector<160x128xf32>
    %max3A_50 = arith.constant 0.000000e+00 : f32
    %max3A_51 = vector.broadcast %max3A_50 : f32 to vector<160x128xf32>
    %max3A_52 = arith.maximumf %sub3A_49, %max3A_51 : vector<160x128xf32>
    %min3A_53 = vector.broadcast %get3A_46 : f32 to vector<160x128xf32>
    %min3A_54 = arith.minimumf %get3A_18, %min3A_53 : vector<160x128xf32>
    %max3A_55 = vector.broadcast %get3A_40 : f32 to vector<160x128xf32>
    %max3A_56 = arith.maximumf %get3A_8, %max3A_55 : vector<160x128xf32>
    %sub3A_57 = arith.subf %min3A_54, %max3A_56 : vector<160x128xf32>
    %max3A_58 = arith.constant 0.000000e+00 : f32
    %max3A_59 = vector.broadcast %max3A_58 : f32 to vector<160x128xf32>
    %max3A_60 = arith.maximumf %sub3A_57, %max3A_59 : vector<160x128xf32>
    %mul3A_61 = arith.mulf %max3A_52, %max3A_60 : vector<160x128xf32>
    %sub3A_62 = arith.subf %get3A_43, %get3A_37 : f32
    %sub3A_63 = arith.subf %get3A_46, %get3A_40 : f32
    %mul3A_64 = arith.mulf %sub3A_62, %sub3A_63 : f32
    %add3A = vector.broadcast %mul3A_64 : f32 to vector<160x128xf32>
    %add3A_65 = arith.addf %mul3A, %add3A : vector<160x128xf32>
    %sub3A_66 = arith.subf %add3A_65, %mul3A_61 : vector<160x128xf32>
    %div3A = arith.divf %mul3A_61, %sub3A_66 : vector<160x128xf32>
    %gt3A = arith.cmpf ogt, %div3A, %broadcast_in_dim3A_32 : vector<160x128xf32>
    %select_n3A = arith.select %gt3A, %div3A, %broadcast_in_dim3A_32 : vector<160x128xi1>, vector<160x128xf32>
    %broadcast_in_dim3A_67 = vector.broadcast %get3A_37 : f32 to vector<160x128xf32>
    %select_n3A_68 = arith.select %gt3A, %broadcast_in_dim3A_67, %broadcast_in_dim3A_34 : vector<160x128xi1>, vector<160x128xf32>
    %broadcast_in_dim3A_69 = vector.broadcast %get3A_40 : f32 to vector<160x128xf32>
    %select_n3A_70 = arith.select %gt3A, %broadcast_in_dim3A_69, %broadcast_in_dim3A_34 : vector<160x128xi1>, vector<160x128xf32>
    %broadcast_in_dim3A_71 = vector.broadcast %get3A_43 : f32 to vector<160x128xf32>
    %select_n3A_72 = arith.select %gt3A, %broadcast_in_dim3A_71, %broadcast_in_dim3A_34 : vector<160x128xi1>, vector<160x128xf32>
    %broadcast_in_dim3A_73 = vector.broadcast %get3A_46 : f32 to vector<160x128xf32>
    %select_n3A_74 = arith.select %gt3A, %broadcast_in_dim3A_73, %broadcast_in_dim3A_34 : vector<160x128xi1>, vector<160x128xf32>
    %get3A_75 = arith.constant 1 : index
    %get3A_76 = arith.constant 0 : index
    %get3A_77 = memref.load %arg0[%get3A_75, %get3A_76] : memref<32x4xf32, #tpu.memory_space<smem>>
    %get3A_78 = arith.constant 1 : index
    %get3A_79 = arith.constant 1 : index
    %get3A_80 = memref.load %arg0[%get3A_78, %get3A_79] : memref<32x4xf32, #tpu.memory_space<smem>>
    %get3A_81 = arith.constant 1 : index
    %get3A_82 = arith.constant 2 : index
    %get3A_83 = memref.load %arg0[%get3A_81, %get3A_82] : memref<32x4xf32, #tpu.memory_space<smem>>
    %get3A_84 = arith.constant 1 : index
    %get3A_85 = arith.constant 3 : index
    %get3A_86 = memref.load %arg0[%get3A_84, %get3A_85] : memref<32x4xf32, #tpu.memory_space<smem>>
    %min3A_87 = vector.broadcast %get3A_83 : f32 to vector<160x128xf32>
    %min3A_88 = arith.minimumf %get3A_13, %min3A_87 : vector<160x128xf32>
    %max3A_89 = vector.broadcast %get3A_77 : f32 to vector<160x128xf32>
    %max3A_90 = arith.maximumf %get3A_3, %max3A_89 : vector<160x128xf32>
    %sub3A_91 = arith.subf %min3A_88, %max3A_90 : vector<160x128xf32>
    %max3A_92 = arith.constant 0.000000e+00 : f32
    %max3A_93 = vector.broadcast %max3A_92 : f32 to vector<160x128xf32>
    %max3A_94 = arith.maximumf %sub3A_91, %max3A_93 : vector<160x128xf32>
    %min3A_95 = vector.broadcast %get3A_86 : f32 to vector<160x128xf32>
    %min3A_96 = arith.minimumf %get3A_18, %min3A_95 : vector<160x128xf32>
    %max3A_97 = vector.broadcast %get3A_80 : f32 to vector<160x128xf32>
    %max3A_98 = arith.maximumf %get3A_8, %max3A_97 : vector<160x128xf32>
    %sub3A_99 = arith.subf %min3A_96, %max3A_98 : vector<160x128xf32>
    %max3A_100 = arith.constant 0.000000e+00 : f32
    %max3A_101 = vector.broadcast %max3A_100 : f32 to vector<160x128xf32>
    %max3A_102 = arith.maximumf %sub3A_99, %max3A_101 : vector<160x128xf32>
    %mul3A_103 = arith.mulf %max3A_94, %max3A_102 : vector<160x128xf32>
    %sub3A_104 = arith.subf %get3A_83, %get3A_77 : f32
    %sub3A_105 = arith.subf %get3A_86, %get3A_80 : f32
    %mul3A_106 = arith.mulf %sub3A_104, %sub3A_105 : f32
    %add3A_107 = vector.broadcast %mul3A_106 : f32 to vector<160x128xf32>
    %add3A_108 = arith.addf %mul3A, %add3A_107 : vector<160x128xf32>
    %sub3A_109 = arith.subf %add3A_108, %mul3A_103 : vector<160x128xf32>
    %div3A_110 = arith.divf %mul3A_103, %sub3A_109 : vector<160x128xf32>
    %gt3A_111 = arith.cmpf ogt, %div3A_110, %select_n3A : vector<160x128xf32>
    %select_n3A_112 = arith.select %gt3A_111, %div3A_110, %select_n3A : vector<160x128xi1>, vector<160x128xf32>
    %broadcast_in_dim3A_113 = vector.broadcast %get3A_77 : f32 to vector<160x128xf32>
    %select_n3A_114 = arith.select %gt3A_111, %broadcast_in_dim3A_113, %select_n3A_68 : vector<160x128xi1>, vector<160x128xf32>
    %broadcast_in_dim3A_115 = vector.broadcast %get3A_80 : f32 to vector<160x128xf32>
    %select_n3A_116 = arith.select %gt3A_111, %broadcast_in_dim3A_115, %select_n3A_70 : vector<160x128xi1>, vector<160x128xf32>
    %broadcast_in_dim3A_117 = vector.broadcast %get3A_83 : f32 to vector<160x128xf32>
    %select_n3A_118 = arith.select %gt3A_111, %broadcast_in_dim3A_117, %select_n3A_72 : vector<160x128xi1>, vector<160x128xf32>
    %broadcast_in_dim3A_119 = vector.broadcast %get3A_86 : f32 to vector<160x128xf32>
    %select_n3A_120 = arith.select %gt3A_111, %broadcast_in_dim3A_119, %select_n3A_74 : vector<160x128xi1>, vector<160x128xf32>
    %get3A_121 = arith.constant 2 : index
    %get3A_122 = arith.constant 0 : index
    %get3A_123 = memref.load %arg0[%get3A_121, %get3A_122] : memref<32x4xf32, #tpu.memory_space<smem>>
    %get3A_124 = arith.constant 2 : index
    %get3A_125 = arith.constant 1 : index
    %get3A_126 = memref.load %arg0[%get3A_124, %get3A_125] : memref<32x4xf32, #tpu.memory_space<smem>>
    %get3A_127 = arith.constant 2 : index
    %get3A_128 = arith.constant 2 : index
    %get3A_129 = memref.load %arg0[%get3A_127, %get3A_128] : memref<32x4xf32, #tpu.memory_space<smem>>
    %get3A_130 = arith.constant 2 : index
    %get3A_131 = arith.constant 3 : index
    %get3A_132 = memref.load %arg0[%get3A_130, %get3A_131] : memref<32x4xf32, #tpu.memory_space<smem>>
    %min3A_133 = vector.broadcast %get3A_129 : f32 to vector<160x128xf32>
    %min3A_134 = arith.minimumf %get3A_13, %min3A_133 : vector<160x128xf32>
    %max3A_135 = vector.broadcast %get3A_123 : f32 to vector<160x128xf32>
    %max3A_136 = arith.maximumf %get3A_3, %max3A_135 : vector<160x128xf32>
    %sub3A_137 = arith.subf %min3A_134, %max3A_136 : vector<160x128xf32>
    %max3A_138 = arith.constant 0.000000e+00 : f32
    %max3A_139 = vector.broadcast %max3A_138 : f32 to vector<160x128xf32>
    %max3A_140 = arith.maximumf %sub3A_137, %max3A_139 : vector<160x128xf32>
    %min3A_141 = vector.broadcast %get3A_132 : f32 to vector<160x128xf32>
    %min3A_142 = arith.minimumf %get3A_18, %min3A_141 : vector<160x128xf32>
    %max3A_143 = vector.broadcast %get3A_126 : f32 to vector<160x128xf32>
    %max3A_144 = arith.maximumf %get3A_8, %max3A_143 : vector<160x128xf32>
    %sub3A_145 = arith.subf %min3A_142, %max3A_144 : vector<160x128xf32>
    %max3A_146 = arith.constant 0.000000e+00 : f32
    %max3A_147 = vector.broadcast %max3A_146 : f32 to vector<160x128xf32>
    %max3A_148 = arith.maximumf %sub3A_145, %max3A_147 : vector<160x128xf32>
    %mul3A_149 = arith.mulf %max3A_140, %max3A_148 : vector<160x128xf32>
    %sub3A_150 = arith.subf %get3A_129, %get3A_123 : f32
    %sub3A_151 = arith.subf %get3A_132, %get3A_126 : f32
    %mul3A_152 = arith.mulf %sub3A_150, %sub3A_151 : f32
    %add3A_153 = vector.broadcast %mul3A_152 : f32 to vector<160x128xf32>
    %add3A_154 = arith.addf %mul3A, %add3A_153 : vector<160x128xf32>
    %sub3A_155 = arith.subf %add3A_154, %mul3A_149 : vector<160x128xf32>
    %div3A_156 = arith.divf %mul3A_149, %sub3A_155 : vector<160x128xf32>
    %gt3A_157 = arith.cmpf ogt, %div3A_156, %select_n3A_112 : vector<160x128xf32>
    %select_n3A_158 = arith.select %gt3A_157, %div3A_156, %select_n3A_112 : vector<160x128xi1>, vector<160x128xf32>
    %broadcast_in_dim3A_159 = vector.broadcast %get3A_123 : f32 to vector<160x128xf32>
    %select_n3A_160 = arith.select %gt3A_157, %broadcast_in_dim3A_159, %select_n3A_114 : vector<160x128xi1>, vector<160x128xf32>
    %broadcast_in_dim3A_161 = vector.broadcast %get3A_126 : f32 to vector<160x128xf32>
    %select_n3A_162 = arith.select %gt3A_157, %broadcast_in_dim3A_161, %select_n3A_116 : vector<160x128xi1>, vector<160x128xf32>
    %broadcast_in_dim3A_163 = vector.broadcast %get3A_129 : f32 to vector<160x128xf32>
    %select_n3A_164 = arith.select %gt3A_157, %broadcast_in_dim3A_163, %select_n3A_118 : vector<160x128xi1>, vector<160x128xf32>
    %broadcast_in_dim3A_165 = vector.broadcast %get3A_132 : f32 to vector<160x128xf32>
    %select_n3A_166 = arith.select %gt3A_157, %broadcast_in_dim3A_165, %select_n3A_120 : vector<160x128xi1>, vector<160x128xf32>
    %get3A_167 = arith.constant 3 : index
    %get3A_168 = arith.constant 0 : index
    %get3A_169 = memref.load %arg0[%get3A_167, %get3A_168] : memref<32x4xf32, #tpu.memory_space<smem>>
    %get3A_170 = arith.constant 3 : index
    %get3A_171 = arith.constant 1 : index
    %get3A_172 = memref.load %arg0[%get3A_170, %get3A_171] : memref<32x4xf32, #tpu.memory_space<smem>>
    %get3A_173 = arith.constant 3 : index
    %get3A_174 = arith.constant 2 : index
    %get3A_175 = memref.load %arg0[%get3A_173, %get3A_174] : memref<32x4xf32, #tpu.memory_space<smem>>
    %get3A_176 = arith.constant 3 : index
    %get3A_177 = arith.constant 3 : index
    %get3A_178 = memref.load %arg0[%get3A_176, %get3A_177] : memref<32x4xf32, #tpu.memory_space<smem>>
    %min3A_179 = vector.broadcast %get3A_175 : f32 to vector<160x128xf32>
    %min3A_180 = arith.minimumf %get3A_13, %min3A_179 : vector<160x128xf32>
    %max3A_181 = vector.broadcast %get3A_169 : f32 to vector<160x128xf32>
    %max3A_182 = arith.maximumf %get3A_3, %max3A_181 : vector<160x128xf32>
    %sub3A_183 = arith.subf %min3A_180, %max3A_182 : vector<160x128xf32>
    %max3A_184 = arith.constant 0.000000e+00 : f32
    %max3A_185 = vector.broadcast %max3A_184 : f32 to vector<160x128xf32>
    %max3A_186 = arith.maximumf %sub3A_183, %max3A_185 : vector<160x128xf32>
    %min3A_187 = vector.broadcast %get3A_178 : f32 to vector<160x128xf32>
    %min3A_188 = arith.minimumf %get3A_18, %min3A_187 : vector<160x128xf32>
    %max3A_189 = vector.broadcast %get3A_172 : f32 to vector<160x128xf32>
    %max3A_190 = arith.maximumf %get3A_8, %max3A_189 : vector<160x128xf32>
    %sub3A_191 = arith.subf %min3A_188, %max3A_190 : vector<160x128xf32>
    %max3A_192 = arith.constant 0.000000e+00 : f32
    %max3A_193 = vector.broadcast %max3A_192 : f32 to vector<160x128xf32>
    %max3A_194 = arith.maximumf %sub3A_191, %max3A_193 : vector<160x128xf32>
    %mul3A_195 = arith.mulf %max3A_186, %max3A_194 : vector<160x128xf32>
    %sub3A_196 = arith.subf %get3A_175, %get3A_169 : f32
    %sub3A_197 = arith.subf %get3A_178, %get3A_172 : f32
    %mul3A_198 = arith.mulf %sub3A_196, %sub3A_197 : f32
    %add3A_199 = vector.broadcast %mul3A_198 : f32 to vector<160x128xf32>
    %add3A_200 = arith.addf %mul3A, %add3A_199 : vector<160x128xf32>
    %sub3A_201 = arith.subf %add3A_200, %mul3A_195 : vector<160x128xf32>
    %div3A_202 = arith.divf %mul3A_195, %sub3A_201 : vector<160x128xf32>
    %gt3A_203 = arith.cmpf ogt, %div3A_202, %select_n3A_158 : vector<160x128xf32>
    %select_n3A_204 = arith.select %gt3A_203, %div3A_202, %select_n3A_158 : vector<160x128xi1>, vector<160x128xf32>
    %broadcast_in_dim3A_205 = vector.broadcast %get3A_169 : f32 to vector<160x128xf32>
    %select_n3A_206 = arith.select %gt3A_203, %broadcast_in_dim3A_205, %select_n3A_160 : vector<160x128xi1>, vector<160x128xf32>
    %broadcast_in_dim3A_207 = vector.broadcast %get3A_172 : f32 to vector<160x128xf32>
    %select_n3A_208 = arith.select %gt3A_203, %broadcast_in_dim3A_207, %select_n3A_162 : vector<160x128xi1>, vector<160x128xf32>
    %broadcast_in_dim3A_209 = vector.broadcast %get3A_175 : f32 to vector<160x128xf32>
    %select_n3A_210 = arith.select %gt3A_203, %broadcast_in_dim3A_209, %select_n3A_164 : vector<160x128xi1>, vector<160x128xf32>
    %broadcast_in_dim3A_211 = vector.broadcast %get3A_178 : f32 to vector<160x128xf32>
    %select_n3A_212 = arith.select %gt3A_203, %broadcast_in_dim3A_211, %select_n3A_166 : vector<160x128xi1>, vector<160x128xf32>
    %get3A_213 = arith.constant 4 : index
    %get3A_214 = arith.constant 0 : index
    %get3A_215 = memref.load %arg0[%get3A_213, %get3A_214] : memref<32x4xf32, #tpu.memory_space<smem>>
    %get3A_216 = arith.constant 4 : index
    %get3A_217 = arith.constant 1 : index
    %get3A_218 = memref.load %arg0[%get3A_216, %get3A_217] : memref<32x4xf32, #tpu.memory_space<smem>>
    %get3A_219 = arith.constant 4 : index
    %get3A_220 = arith.constant 2 : index
    %get3A_221 = memref.load %arg0[%get3A_219, %get3A_220] : memref<32x4xf32, #tpu.memory_space<smem>>
    %get3A_222 = arith.constant 4 : index
    %get3A_223 = arith.constant 3 : index
    %get3A_224 = memref.load %arg0[%get3A_222, %get3A_223] : memref<32x4xf32, #tpu.memory_space<smem>>
    %min3A_225 = vector.broadcast %get3A_221 : f32 to vector<160x128xf32>
    %min3A_226 = arith.minimumf %get3A_13, %min3A_225 : vector<160x128xf32>
    %max3A_227 = vector.broadcast %get3A_215 : f32 to vector<160x128xf32>
    %max3A_228 = arith.maximumf %get3A_3, %max3A_227 : vector<160x128xf32>
    %sub3A_229 = arith.subf %min3A_226, %max3A_228 : vector<160x128xf32>
    %max3A_230 = arith.constant 0.000000e+00 : f32
    %max3A_231 = vector.broadcast %max3A_230 : f32 to vector<160x128xf32>
    %max3A_232 = arith.maximumf %sub3A_229, %max3A_231 : vector<160x128xf32>
    %min3A_233 = vector.broadcast %get3A_224 : f32 to vector<160x128xf32>
    %min3A_234 = arith.minimumf %get3A_18, %min3A_233 : vector<160x128xf32>
    %max3A_235 = vector.broadcast %get3A_218 : f32 to vector<160x128xf32>
    %max3A_236 = arith.maximumf %get3A_8, %max3A_235 : vector<160x128xf32>
    %sub3A_237 = arith.subf %min3A_234, %max3A_236 : vector<160x128xf32>
    %max3A_238 = arith.constant 0.000000e+00 : f32
    %max3A_239 = vector.broadcast %max3A_238 : f32 to vector<160x128xf32>
    %max3A_240 = arith.maximumf %sub3A_237, %max3A_239 : vector<160x128xf32>
    %mul3A_241 = arith.mulf %max3A_232, %max3A_240 : vector<160x128xf32>
    %sub3A_242 = arith.subf %get3A_221, %get3A_215 : f32
    %sub3A_243 = arith.subf %get3A_224, %get3A_218 : f32
    %mul3A_244 = arith.mulf %sub3A_242, %sub3A_243 : f32
    %add3A_245 = vector.broadcast %mul3A_244 : f32 to vector<160x128xf32>
    %add3A_246 = arith.addf %mul3A, %add3A_245 : vector<160x128xf32>
    %sub3A_247 = arith.subf %add3A_246, %mul3A_241 : vector<160x128xf32>
    %div3A_248 = arith.divf %mul3A_241, %sub3A_247 : vector<160x128xf32>
    %gt3A_249 = arith.cmpf ogt, %div3A_248, %select_n3A_204 : vector<160x128xf32>
    %select_n3A_250 = arith.select %gt3A_249, %div3A_248, %select_n3A_204 : vector<160x128xi1>, vector<160x128xf32>
    %broadcast_in_dim3A_251 = vector.broadcast %get3A_215 : f32 to vector<160x128xf32>
    %select_n3A_252 = arith.select %gt3A_249, %broadcast_in_dim3A_251, %select_n3A_206 : vector<160x128xi1>, vector<160x128xf32>
    %broadcast_in_dim3A_253 = vector.broadcast %get3A_218 : f32 to vector<160x128xf32>
    %select_n3A_254 = arith.select %gt3A_249, %broadcast_in_dim3A_253, %select_n3A_208 : vector<160x128xi1>, vector<160x128xf32>
    %broadcast_in_dim3A_255 = vector.broadcast %get3A_221 : f32 to vector<160x128xf32>
    %select_n3A_256 = arith.select %gt3A_249, %broadcast_in_dim3A_255, %select_n3A_210 : vector<160x128xi1>, vector<160x128xf32>
    %broadcast_in_dim3A_257 = vector.broadcast %get3A_224 : f32 to vector<160x128xf32>
    %select_n3A_258 = arith.select %gt3A_249, %broadcast_in_dim3A_257, %select_n3A_212 : vector<160x128xi1>, vector<160x128xf32>
    %get3A_259 = arith.constant 5 : index
    %get3A_260 = arith.constant 0 : index
    %get3A_261 = memref.load %arg0[%get3A_259, %get3A_260] : memref<32x4xf32, #tpu.memory_space<smem>>
    %get3A_262 = arith.constant 5 : index
    %get3A_263 = arith.constant 1 : index
    %get3A_264 = memref.load %arg0[%get3A_262, %get3A_263] : memref<32x4xf32, #tpu.memory_space<smem>>
    %get3A_265 = arith.constant 5 : index
    %get3A_266 = arith.constant 2 : index
    %get3A_267 = memref.load %arg0[%get3A_265, %get3A_266] : memref<32x4xf32, #tpu.memory_space<smem>>
    %get3A_268 = arith.constant 5 : index
    %get3A_269 = arith.constant 3 : index
    %get3A_270 = memref.load %arg0[%get3A_268, %get3A_269] : memref<32x4xf32, #tpu.memory_space<smem>>
    %min3A_271 = vector.broadcast %get3A_267 : f32 to vector<160x128xf32>
    %min3A_272 = arith.minimumf %get3A_13, %min3A_271 : vector<160x128xf32>
    %max3A_273 = vector.broadcast %get3A_261 : f32 to vector<160x128xf32>
    %max3A_274 = arith.maximumf %get3A_3, %max3A_273 : vector<160x128xf32>
    %sub3A_275 = arith.subf %min3A_272, %max3A_274 : vector<160x128xf32>
    %max3A_276 = arith.constant 0.000000e+00 : f32
    %max3A_277 = vector.broadcast %max3A_276 : f32 to vector<160x128xf32>
    %max3A_278 = arith.maximumf %sub3A_275, %max3A_277 : vector<160x128xf32>
    %min3A_279 = vector.broadcast %get3A_270 : f32 to vector<160x128xf32>
    %min3A_280 = arith.minimumf %get3A_18, %min3A_279 : vector<160x128xf32>
    %max3A_281 = vector.broadcast %get3A_264 : f32 to vector<160x128xf32>
    %max3A_282 = arith.maximumf %get3A_8, %max3A_281 : vector<160x128xf32>
    %sub3A_283 = arith.subf %min3A_280, %max3A_282 : vector<160x128xf32>
    %max3A_284 = arith.constant 0.000000e+00 : f32
    %max3A_285 = vector.broadcast %max3A_284 : f32 to vector<160x128xf32>
    %max3A_286 = arith.maximumf %sub3A_283, %max3A_285 : vector<160x128xf32>
    %mul3A_287 = arith.mulf %max3A_278, %max3A_286 : vector<160x128xf32>
    %sub3A_288 = arith.subf %get3A_267, %get3A_261 : f32
    %sub3A_289 = arith.subf %get3A_270, %get3A_264 : f32
    %mul3A_290 = arith.mulf %sub3A_288, %sub3A_289 : f32
    %add3A_291 = vector.broadcast %mul3A_290 : f32 to vector<160x128xf32>
    %add3A_292 = arith.addf %mul3A, %add3A_291 : vector<160x128xf32>
    %sub3A_293 = arith.subf %add3A_292, %mul3A_287 : vector<160x128xf32>
    %div3A_294 = arith.divf %mul3A_287, %sub3A_293 : vector<160x128xf32>
    %gt3A_295 = arith.cmpf ogt, %div3A_294, %select_n3A_250 : vector<160x128xf32>
    %select_n3A_296 = arith.select %gt3A_295, %div3A_294, %select_n3A_250 : vector<160x128xi1>, vector<160x128xf32>
    %broadcast_in_dim3A_297 = vector.broadcast %get3A_261 : f32 to vector<160x128xf32>
    %select_n3A_298 = arith.select %gt3A_295, %broadcast_in_dim3A_297, %select_n3A_252 : vector<160x128xi1>, vector<160x128xf32>
    %broadcast_in_dim3A_299 = vector.broadcast %get3A_264 : f32 to vector<160x128xf32>
    %select_n3A_300 = arith.select %gt3A_295, %broadcast_in_dim3A_299, %select_n3A_254 : vector<160x128xi1>, vector<160x128xf32>
    %broadcast_in_dim3A_301 = vector.broadcast %get3A_267 : f32 to vector<160x128xf32>
    %select_n3A_302 = arith.select %gt3A_295, %broadcast_in_dim3A_301, %select_n3A_256 : vector<160x128xi1>, vector<160x128xf32>
    %broadcast_in_dim3A_303 = vector.broadcast %get3A_270 : f32 to vector<160x128xf32>
    %select_n3A_304 = arith.select %gt3A_295, %broadcast_in_dim3A_303, %select_n3A_258 : vector<160x128xi1>, vector<160x128xf32>
    %get3A_305 = arith.constant 6 : index
    %get3A_306 = arith.constant 0 : index
    %get3A_307 = memref.load %arg0[%get3A_305, %get3A_306] : memref<32x4xf32, #tpu.memory_space<smem>>
    %get3A_308 = arith.constant 6 : index
    %get3A_309 = arith.constant 1 : index
    %get3A_310 = memref.load %arg0[%get3A_308, %get3A_309] : memref<32x4xf32, #tpu.memory_space<smem>>
    %get3A_311 = arith.constant 6 : index
    %get3A_312 = arith.constant 2 : index
    %get3A_313 = memref.load %arg0[%get3A_311, %get3A_312] : memref<32x4xf32, #tpu.memory_space<smem>>
    %get3A_314 = arith.constant 6 : index
    %get3A_315 = arith.constant 3 : index
    %get3A_316 = memref.load %arg0[%get3A_314, %get3A_315] : memref<32x4xf32, #tpu.memory_space<smem>>
    %min3A_317 = vector.broadcast %get3A_313 : f32 to vector<160x128xf32>
    %min3A_318 = arith.minimumf %get3A_13, %min3A_317 : vector<160x128xf32>
    %max3A_319 = vector.broadcast %get3A_307 : f32 to vector<160x128xf32>
    %max3A_320 = arith.maximumf %get3A_3, %max3A_319 : vector<160x128xf32>
    %sub3A_321 = arith.subf %min3A_318, %max3A_320 : vector<160x128xf32>
    %max3A_322 = arith.constant 0.000000e+00 : f32
    %max3A_323 = vector.broadcast %max3A_322 : f32 to vector<160x128xf32>
    %max3A_324 = arith.maximumf %sub3A_321, %max3A_323 : vector<160x128xf32>
    %min3A_325 = vector.broadcast %get3A_316 : f32 to vector<160x128xf32>
    %min3A_326 = arith.minimumf %get3A_18, %min3A_325 : vector<160x128xf32>
    %max3A_327 = vector.broadcast %get3A_310 : f32 to vector<160x128xf32>
    %max3A_328 = arith.maximumf %get3A_8, %max3A_327 : vector<160x128xf32>
    %sub3A_329 = arith.subf %min3A_326, %max3A_328 : vector<160x128xf32>
    %max3A_330 = arith.constant 0.000000e+00 : f32
    %max3A_331 = vector.broadcast %max3A_330 : f32 to vector<160x128xf32>
    %max3A_332 = arith.maximumf %sub3A_329, %max3A_331 : vector<160x128xf32>
    %mul3A_333 = arith.mulf %max3A_324, %max3A_332 : vector<160x128xf32>
    %sub3A_334 = arith.subf %get3A_313, %get3A_307 : f32
    %sub3A_335 = arith.subf %get3A_316, %get3A_310 : f32
    %mul3A_336 = arith.mulf %sub3A_334, %sub3A_335 : f32
    %add3A_337 = vector.broadcast %mul3A_336 : f32 to vector<160x128xf32>
    %add3A_338 = arith.addf %mul3A, %add3A_337 : vector<160x128xf32>
    %sub3A_339 = arith.subf %add3A_338, %mul3A_333 : vector<160x128xf32>
    %div3A_340 = arith.divf %mul3A_333, %sub3A_339 : vector<160x128xf32>
    %gt3A_341 = arith.cmpf ogt, %div3A_340, %select_n3A_296 : vector<160x128xf32>
    %select_n3A_342 = arith.select %gt3A_341, %div3A_340, %select_n3A_296 : vector<160x128xi1>, vector<160x128xf32>
    %broadcast_in_dim3A_343 = vector.broadcast %get3A_307 : f32 to vector<160x128xf32>
    %select_n3A_344 = arith.select %gt3A_341, %broadcast_in_dim3A_343, %select_n3A_298 : vector<160x128xi1>, vector<160x128xf32>
    %broadcast_in_dim3A_345 = vector.broadcast %get3A_310 : f32 to vector<160x128xf32>
    %select_n3A_346 = arith.select %gt3A_341, %broadcast_in_dim3A_345, %select_n3A_300 : vector<160x128xi1>, vector<160x128xf32>
    %broadcast_in_dim3A_347 = vector.broadcast %get3A_313 : f32 to vector<160x128xf32>
    %select_n3A_348 = arith.select %gt3A_341, %broadcast_in_dim3A_347, %select_n3A_302 : vector<160x128xi1>, vector<160x128xf32>
    %broadcast_in_dim3A_349 = vector.broadcast %get3A_316 : f32 to vector<160x128xf32>
    %select_n3A_350 = arith.select %gt3A_341, %broadcast_in_dim3A_349, %select_n3A_304 : vector<160x128xi1>, vector<160x128xf32>
    %get3A_351 = arith.constant 7 : index
    %get3A_352 = arith.constant 0 : index
    %get3A_353 = memref.load %arg0[%get3A_351, %get3A_352] : memref<32x4xf32, #tpu.memory_space<smem>>
    %get3A_354 = arith.constant 7 : index
    %get3A_355 = arith.constant 1 : index
    %get3A_356 = memref.load %arg0[%get3A_354, %get3A_355] : memref<32x4xf32, #tpu.memory_space<smem>>
    %get3A_357 = arith.constant 7 : index
    %get3A_358 = arith.constant 2 : index
    %get3A_359 = memref.load %arg0[%get3A_357, %get3A_358] : memref<32x4xf32, #tpu.memory_space<smem>>
    %get3A_360 = arith.constant 7 : index
    %get3A_361 = arith.constant 3 : index
    %get3A_362 = memref.load %arg0[%get3A_360, %get3A_361] : memref<32x4xf32, #tpu.memory_space<smem>>
    %min3A_363 = vector.broadcast %get3A_359 : f32 to vector<160x128xf32>
    %min3A_364 = arith.minimumf %get3A_13, %min3A_363 : vector<160x128xf32>
    %max3A_365 = vector.broadcast %get3A_353 : f32 to vector<160x128xf32>
    %max3A_366 = arith.maximumf %get3A_3, %max3A_365 : vector<160x128xf32>
    %sub3A_367 = arith.subf %min3A_364, %max3A_366 : vector<160x128xf32>
    %max3A_368 = arith.constant 0.000000e+00 : f32
    %max3A_369 = vector.broadcast %max3A_368 : f32 to vector<160x128xf32>
    %max3A_370 = arith.maximumf %sub3A_367, %max3A_369 : vector<160x128xf32>
    %min3A_371 = vector.broadcast %get3A_362 : f32 to vector<160x128xf32>
    %min3A_372 = arith.minimumf %get3A_18, %min3A_371 : vector<160x128xf32>
    %max3A_373 = vector.broadcast %get3A_356 : f32 to vector<160x128xf32>
    %max3A_374 = arith.maximumf %get3A_8, %max3A_373 : vector<160x128xf32>
    %sub3A_375 = arith.subf %min3A_372, %max3A_374 : vector<160x128xf32>
    %max3A_376 = arith.constant 0.000000e+00 : f32
    %max3A_377 = vector.broadcast %max3A_376 : f32 to vector<160x128xf32>
    %max3A_378 = arith.maximumf %sub3A_375, %max3A_377 : vector<160x128xf32>
    %mul3A_379 = arith.mulf %max3A_370, %max3A_378 : vector<160x128xf32>
    %sub3A_380 = arith.subf %get3A_359, %get3A_353 : f32
    %sub3A_381 = arith.subf %get3A_362, %get3A_356 : f32
    %mul3A_382 = arith.mulf %sub3A_380, %sub3A_381 : f32
    %add3A_383 = vector.broadcast %mul3A_382 : f32 to vector<160x128xf32>
    %add3A_384 = arith.addf %mul3A, %add3A_383 : vector<160x128xf32>
    %sub3A_385 = arith.subf %add3A_384, %mul3A_379 : vector<160x128xf32>
    %div3A_386 = arith.divf %mul3A_379, %sub3A_385 : vector<160x128xf32>
    %gt3A_387 = arith.cmpf ogt, %div3A_386, %select_n3A_342 : vector<160x128xf32>
    %select_n3A_388 = arith.select %gt3A_387, %div3A_386, %select_n3A_342 : vector<160x128xi1>, vector<160x128xf32>
    %broadcast_in_dim3A_389 = vector.broadcast %get3A_353 : f32 to vector<160x128xf32>
    %select_n3A_390 = arith.select %gt3A_387, %broadcast_in_dim3A_389, %select_n3A_344 : vector<160x128xi1>, vector<160x128xf32>
    %broadcast_in_dim3A_391 = vector.broadcast %get3A_356 : f32 to vector<160x128xf32>
    %select_n3A_392 = arith.select %gt3A_387, %broadcast_in_dim3A_391, %select_n3A_346 : vector<160x128xi1>, vector<160x128xf32>
    %broadcast_in_dim3A_393 = vector.broadcast %get3A_359 : f32 to vector<160x128xf32>
    %select_n3A_394 = arith.select %gt3A_387, %broadcast_in_dim3A_393, %select_n3A_348 : vector<160x128xi1>, vector<160x128xf32>
    %broadcast_in_dim3A_395 = vector.broadcast %get3A_362 : f32 to vector<160x128xf32>
    %select_n3A_396 = arith.select %gt3A_387, %broadcast_in_dim3A_395, %select_n3A_350 : vector<160x128xi1>, vector<160x128xf32>
    %get3A_397 = arith.constant 8 : index
    %get3A_398 = arith.constant 0 : index
    %get3A_399 = memref.load %arg0[%get3A_397, %get3A_398] : memref<32x4xf32, #tpu.memory_space<smem>>
    %get3A_400 = arith.constant 8 : index
    %get3A_401 = arith.constant 1 : index
    %get3A_402 = memref.load %arg0[%get3A_400, %get3A_401] : memref<32x4xf32, #tpu.memory_space<smem>>
    %get3A_403 = arith.constant 8 : index
    %get3A_404 = arith.constant 2 : index
    %get3A_405 = memref.load %arg0[%get3A_403, %get3A_404] : memref<32x4xf32, #tpu.memory_space<smem>>
    %get3A_406 = arith.constant 8 : index
    %get3A_407 = arith.constant 3 : index
    %get3A_408 = memref.load %arg0[%get3A_406, %get3A_407] : memref<32x4xf32, #tpu.memory_space<smem>>
    %min3A_409 = vector.broadcast %get3A_405 : f32 to vector<160x128xf32>
    %min3A_410 = arith.minimumf %get3A_13, %min3A_409 : vector<160x128xf32>
    %max3A_411 = vector.broadcast %get3A_399 : f32 to vector<160x128xf32>
    %max3A_412 = arith.maximumf %get3A_3, %max3A_411 : vector<160x128xf32>
    %sub3A_413 = arith.subf %min3A_410, %max3A_412 : vector<160x128xf32>
    %max3A_414 = arith.constant 0.000000e+00 : f32
    %max3A_415 = vector.broadcast %max3A_414 : f32 to vector<160x128xf32>
    %max3A_416 = arith.maximumf %sub3A_413, %max3A_415 : vector<160x128xf32>
    %min3A_417 = vector.broadcast %get3A_408 : f32 to vector<160x128xf32>
    %min3A_418 = arith.minimumf %get3A_18, %min3A_417 : vector<160x128xf32>
    %max3A_419 = vector.broadcast %get3A_402 : f32 to vector<160x128xf32>
    %max3A_420 = arith.maximumf %get3A_8, %max3A_419 : vector<160x128xf32>
    %sub3A_421 = arith.subf %min3A_418, %max3A_420 : vector<160x128xf32>
    %max3A_422 = arith.constant 0.000000e+00 : f32
    %max3A_423 = vector.broadcast %max3A_422 : f32 to vector<160x128xf32>
    %max3A_424 = arith.maximumf %sub3A_421, %max3A_423 : vector<160x128xf32>
    %mul3A_425 = arith.mulf %max3A_416, %max3A_424 : vector<160x128xf32>
    %sub3A_426 = arith.subf %get3A_405, %get3A_399 : f32
    %sub3A_427 = arith.subf %get3A_408, %get3A_402 : f32
    %mul3A_428 = arith.mulf %sub3A_426, %sub3A_427 : f32
    %add3A_429 = vector.broadcast %mul3A_428 : f32 to vector<160x128xf32>
    %add3A_430 = arith.addf %mul3A, %add3A_429 : vector<160x128xf32>
    %sub3A_431 = arith.subf %add3A_430, %mul3A_425 : vector<160x128xf32>
    %div3A_432 = arith.divf %mul3A_425, %sub3A_431 : vector<160x128xf32>
    %gt3A_433 = arith.cmpf ogt, %div3A_432, %select_n3A_388 : vector<160x128xf32>
    %select_n3A_434 = arith.select %gt3A_433, %div3A_432, %select_n3A_388 : vector<160x128xi1>, vector<160x128xf32>
    %broadcast_in_dim3A_435 = vector.broadcast %get3A_399 : f32 to vector<160x128xf32>
    %select_n3A_436 = arith.select %gt3A_433, %broadcast_in_dim3A_435, %select_n3A_390 : vector<160x128xi1>, vector<160x128xf32>
    %broadcast_in_dim3A_437 = vector.broadcast %get3A_402 : f32 to vector<160x128xf32>
    %select_n3A_438 = arith.select %gt3A_433, %broadcast_in_dim3A_437, %select_n3A_392 : vector<160x128xi1>, vector<160x128xf32>
    %broadcast_in_dim3A_439 = vector.broadcast %get3A_405 : f32 to vector<160x128xf32>
    %select_n3A_440 = arith.select %gt3A_433, %broadcast_in_dim3A_439, %select_n3A_394 : vector<160x128xi1>, vector<160x128xf32>
    %broadcast_in_dim3A_441 = vector.broadcast %get3A_408 : f32 to vector<160x128xf32>
    %select_n3A_442 = arith.select %gt3A_433, %broadcast_in_dim3A_441, %select_n3A_396 : vector<160x128xi1>, vector<160x128xf32>
    %get3A_443 = arith.constant 9 : index
    %get3A_444 = arith.constant 0 : index
    %get3A_445 = memref.load %arg0[%get3A_443, %get3A_444] : memref<32x4xf32, #tpu.memory_space<smem>>
    %get3A_446 = arith.constant 9 : index
    %get3A_447 = arith.constant 1 : index
    %get3A_448 = memref.load %arg0[%get3A_446, %get3A_447] : memref<32x4xf32, #tpu.memory_space<smem>>
    %get3A_449 = arith.constant 9 : index
    %get3A_450 = arith.constant 2 : index
    %get3A_451 = memref.load %arg0[%get3A_449, %get3A_450] : memref<32x4xf32, #tpu.memory_space<smem>>
    %get3A_452 = arith.constant 9 : index
    %get3A_453 = arith.constant 3 : index
    %get3A_454 = memref.load %arg0[%get3A_452, %get3A_453] : memref<32x4xf32, #tpu.memory_space<smem>>
    %min3A_455 = vector.broadcast %get3A_451 : f32 to vector<160x128xf32>
    %min3A_456 = arith.minimumf %get3A_13, %min3A_455 : vector<160x128xf32>
    %max3A_457 = vector.broadcast %get3A_445 : f32 to vector<160x128xf32>
    %max3A_458 = arith.maximumf %get3A_3, %max3A_457 : vector<160x128xf32>
    %sub3A_459 = arith.subf %min3A_456, %max3A_458 : vector<160x128xf32>
    %max3A_460 = arith.constant 0.000000e+00 : f32
    %max3A_461 = vector.broadcast %max3A_460 : f32 to vector<160x128xf32>
    %max3A_462 = arith.maximumf %sub3A_459, %max3A_461 : vector<160x128xf32>
    %min3A_463 = vector.broadcast %get3A_454 : f32 to vector<160x128xf32>
    %min3A_464 = arith.minimumf %get3A_18, %min3A_463 : vector<160x128xf32>
    %max3A_465 = vector.broadcast %get3A_448 : f32 to vector<160x128xf32>
    %max3A_466 = arith.maximumf %get3A_8, %max3A_465 : vector<160x128xf32>
    %sub3A_467 = arith.subf %min3A_464, %max3A_466 : vector<160x128xf32>
    %max3A_468 = arith.constant 0.000000e+00 : f32
    %max3A_469 = vector.broadcast %max3A_468 : f32 to vector<160x128xf32>
    %max3A_470 = arith.maximumf %sub3A_467, %max3A_469 : vector<160x128xf32>
    %mul3A_471 = arith.mulf %max3A_462, %max3A_470 : vector<160x128xf32>
    %sub3A_472 = arith.subf %get3A_451, %get3A_445 : f32
    %sub3A_473 = arith.subf %get3A_454, %get3A_448 : f32
    %mul3A_474 = arith.mulf %sub3A_472, %sub3A_473 : f32
    %add3A_475 = vector.broadcast %mul3A_474 : f32 to vector<160x128xf32>
    %add3A_476 = arith.addf %mul3A, %add3A_475 : vector<160x128xf32>
    %sub3A_477 = arith.subf %add3A_476, %mul3A_471 : vector<160x128xf32>
    %div3A_478 = arith.divf %mul3A_471, %sub3A_477 : vector<160x128xf32>
    %gt3A_479 = arith.cmpf ogt, %div3A_478, %select_n3A_434 : vector<160x128xf32>
    %select_n3A_480 = arith.select %gt3A_479, %div3A_478, %select_n3A_434 : vector<160x128xi1>, vector<160x128xf32>
    %broadcast_in_dim3A_481 = vector.broadcast %get3A_445 : f32 to vector<160x128xf32>
    %select_n3A_482 = arith.select %gt3A_479, %broadcast_in_dim3A_481, %select_n3A_436 : vector<160x128xi1>, vector<160x128xf32>
    %broadcast_in_dim3A_483 = vector.broadcast %get3A_448 : f32 to vector<160x128xf32>
    %select_n3A_484 = arith.select %gt3A_479, %broadcast_in_dim3A_483, %select_n3A_438 : vector<160x128xi1>, vector<160x128xf32>
    %broadcast_in_dim3A_485 = vector.broadcast %get3A_451 : f32 to vector<160x128xf32>
    %select_n3A_486 = arith.select %gt3A_479, %broadcast_in_dim3A_485, %select_n3A_440 : vector<160x128xi1>, vector<160x128xf32>
    %broadcast_in_dim3A_487 = vector.broadcast %get3A_454 : f32 to vector<160x128xf32>
    %select_n3A_488 = arith.select %gt3A_479, %broadcast_in_dim3A_487, %select_n3A_442 : vector<160x128xi1>, vector<160x128xf32>
    %get3A_489 = arith.constant 10 : index
    %get3A_490 = arith.constant 0 : index
    %get3A_491 = memref.load %arg0[%get3A_489, %get3A_490] : memref<32x4xf32, #tpu.memory_space<smem>>
    %get3A_492 = arith.constant 10 : index
    %get3A_493 = arith.constant 1 : index
    %get3A_494 = memref.load %arg0[%get3A_492, %get3A_493] : memref<32x4xf32, #tpu.memory_space<smem>>
    %get3A_495 = arith.constant 10 : index
    %get3A_496 = arith.constant 2 : index
    %get3A_497 = memref.load %arg0[%get3A_495, %get3A_496] : memref<32x4xf32, #tpu.memory_space<smem>>
    %get3A_498 = arith.constant 10 : index
    %get3A_499 = arith.constant 3 : index
    %get3A_500 = memref.load %arg0[%get3A_498, %get3A_499] : memref<32x4xf32, #tpu.memory_space<smem>>
    %min3A_501 = vector.broadcast %get3A_497 : f32 to vector<160x128xf32>
    %min3A_502 = arith.minimumf %get3A_13, %min3A_501 : vector<160x128xf32>
    %max3A_503 = vector.broadcast %get3A_491 : f32 to vector<160x128xf32>
    %max3A_504 = arith.maximumf %get3A_3, %max3A_503 : vector<160x128xf32>
    %sub3A_505 = arith.subf %min3A_502, %max3A_504 : vector<160x128xf32>
    %max3A_506 = arith.constant 0.000000e+00 : f32
    %max3A_507 = vector.broadcast %max3A_506 : f32 to vector<160x128xf32>
    %max3A_508 = arith.maximumf %sub3A_505, %max3A_507 : vector<160x128xf32>
    %min3A_509 = vector.broadcast %get3A_500 : f32 to vector<160x128xf32>
    %min3A_510 = arith.minimumf %get3A_18, %min3A_509 : vector<160x128xf32>
    %max3A_511 = vector.broadcast %get3A_494 : f32 to vector<160x128xf32>
    %max3A_512 = arith.maximumf %get3A_8, %max3A_511 : vector<160x128xf32>
    %sub3A_513 = arith.subf %min3A_510, %max3A_512 : vector<160x128xf32>
    %max3A_514 = arith.constant 0.000000e+00 : f32
    %max3A_515 = vector.broadcast %max3A_514 : f32 to vector<160x128xf32>
    %max3A_516 = arith.maximumf %sub3A_513, %max3A_515 : vector<160x128xf32>
    %mul3A_517 = arith.mulf %max3A_508, %max3A_516 : vector<160x128xf32>
    %sub3A_518 = arith.subf %get3A_497, %get3A_491 : f32
    %sub3A_519 = arith.subf %get3A_500, %get3A_494 : f32
    %mul3A_520 = arith.mulf %sub3A_518, %sub3A_519 : f32
    %add3A_521 = vector.broadcast %mul3A_520 : f32 to vector<160x128xf32>
    %add3A_522 = arith.addf %mul3A, %add3A_521 : vector<160x128xf32>
    %sub3A_523 = arith.subf %add3A_522, %mul3A_517 : vector<160x128xf32>
    %div3A_524 = arith.divf %mul3A_517, %sub3A_523 : vector<160x128xf32>
    %gt3A_525 = arith.cmpf ogt, %div3A_524, %select_n3A_480 : vector<160x128xf32>
    %select_n3A_526 = arith.select %gt3A_525, %div3A_524, %select_n3A_480 : vector<160x128xi1>, vector<160x128xf32>
    %broadcast_in_dim3A_527 = vector.broadcast %get3A_491 : f32 to vector<160x128xf32>
    %select_n3A_528 = arith.select %gt3A_525, %broadcast_in_dim3A_527, %select_n3A_482 : vector<160x128xi1>, vector<160x128xf32>
    %broadcast_in_dim3A_529 = vector.broadcast %get3A_494 : f32 to vector<160x128xf32>
    %select_n3A_530 = arith.select %gt3A_525, %broadcast_in_dim3A_529, %select_n3A_484 : vector<160x128xi1>, vector<160x128xf32>
    %broadcast_in_dim3A_531 = vector.broadcast %get3A_497 : f32 to vector<160x128xf32>
    %select_n3A_532 = arith.select %gt3A_525, %broadcast_in_dim3A_531, %select_n3A_486 : vector<160x128xi1>, vector<160x128xf32>
    %broadcast_in_dim3A_533 = vector.broadcast %get3A_500 : f32 to vector<160x128xf32>
    %select_n3A_534 = arith.select %gt3A_525, %broadcast_in_dim3A_533, %select_n3A_488 : vector<160x128xi1>, vector<160x128xf32>
    %get3A_535 = arith.constant 11 : index
    %get3A_536 = arith.constant 0 : index
    %get3A_537 = memref.load %arg0[%get3A_535, %get3A_536] : memref<32x4xf32, #tpu.memory_space<smem>>
    %get3A_538 = arith.constant 11 : index
    %get3A_539 = arith.constant 1 : index
    %get3A_540 = memref.load %arg0[%get3A_538, %get3A_539] : memref<32x4xf32, #tpu.memory_space<smem>>
    %get3A_541 = arith.constant 11 : index
    %get3A_542 = arith.constant 2 : index
    %get3A_543 = memref.load %arg0[%get3A_541, %get3A_542] : memref<32x4xf32, #tpu.memory_space<smem>>
    %get3A_544 = arith.constant 11 : index
    %get3A_545 = arith.constant 3 : index
    %get3A_546 = memref.load %arg0[%get3A_544, %get3A_545] : memref<32x4xf32, #tpu.memory_space<smem>>
    %min3A_547 = vector.broadcast %get3A_543 : f32 to vector<160x128xf32>
    %min3A_548 = arith.minimumf %get3A_13, %min3A_547 : vector<160x128xf32>
    %max3A_549 = vector.broadcast %get3A_537 : f32 to vector<160x128xf32>
    %max3A_550 = arith.maximumf %get3A_3, %max3A_549 : vector<160x128xf32>
    %sub3A_551 = arith.subf %min3A_548, %max3A_550 : vector<160x128xf32>
    %max3A_552 = arith.constant 0.000000e+00 : f32
    %max3A_553 = vector.broadcast %max3A_552 : f32 to vector<160x128xf32>
    %max3A_554 = arith.maximumf %sub3A_551, %max3A_553 : vector<160x128xf32>
    %min3A_555 = vector.broadcast %get3A_546 : f32 to vector<160x128xf32>
    %min3A_556 = arith.minimumf %get3A_18, %min3A_555 : vector<160x128xf32>
    %max3A_557 = vector.broadcast %get3A_540 : f32 to vector<160x128xf32>
    %max3A_558 = arith.maximumf %get3A_8, %max3A_557 : vector<160x128xf32>
    %sub3A_559 = arith.subf %min3A_556, %max3A_558 : vector<160x128xf32>
    %max3A_560 = arith.constant 0.000000e+00 : f32
    %max3A_561 = vector.broadcast %max3A_560 : f32 to vector<160x128xf32>
    %max3A_562 = arith.maximumf %sub3A_559, %max3A_561 : vector<160x128xf32>
    %mul3A_563 = arith.mulf %max3A_554, %max3A_562 : vector<160x128xf32>
    %sub3A_564 = arith.subf %get3A_543, %get3A_537 : f32
    %sub3A_565 = arith.subf %get3A_546, %get3A_540 : f32
    %mul3A_566 = arith.mulf %sub3A_564, %sub3A_565 : f32
    %add3A_567 = vector.broadcast %mul3A_566 : f32 to vector<160x128xf32>
    %add3A_568 = arith.addf %mul3A, %add3A_567 : vector<160x128xf32>
    %sub3A_569 = arith.subf %add3A_568, %mul3A_563 : vector<160x128xf32>
    %div3A_570 = arith.divf %mul3A_563, %sub3A_569 : vector<160x128xf32>
    %gt3A_571 = arith.cmpf ogt, %div3A_570, %select_n3A_526 : vector<160x128xf32>
    %select_n3A_572 = arith.select %gt3A_571, %div3A_570, %select_n3A_526 : vector<160x128xi1>, vector<160x128xf32>
    %broadcast_in_dim3A_573 = vector.broadcast %get3A_537 : f32 to vector<160x128xf32>
    %select_n3A_574 = arith.select %gt3A_571, %broadcast_in_dim3A_573, %select_n3A_528 : vector<160x128xi1>, vector<160x128xf32>
    %broadcast_in_dim3A_575 = vector.broadcast %get3A_540 : f32 to vector<160x128xf32>
    %select_n3A_576 = arith.select %gt3A_571, %broadcast_in_dim3A_575, %select_n3A_530 : vector<160x128xi1>, vector<160x128xf32>
    %broadcast_in_dim3A_577 = vector.broadcast %get3A_543 : f32 to vector<160x128xf32>
    %select_n3A_578 = arith.select %gt3A_571, %broadcast_in_dim3A_577, %select_n3A_532 : vector<160x128xi1>, vector<160x128xf32>
    %broadcast_in_dim3A_579 = vector.broadcast %get3A_546 : f32 to vector<160x128xf32>
    %select_n3A_580 = arith.select %gt3A_571, %broadcast_in_dim3A_579, %select_n3A_534 : vector<160x128xi1>, vector<160x128xf32>
    %get3A_581 = arith.constant 12 : index
    %get3A_582 = arith.constant 0 : index
    %get3A_583 = memref.load %arg0[%get3A_581, %get3A_582] : memref<32x4xf32, #tpu.memory_space<smem>>
    %get3A_584 = arith.constant 12 : index
    %get3A_585 = arith.constant 1 : index
    %get3A_586 = memref.load %arg0[%get3A_584, %get3A_585] : memref<32x4xf32, #tpu.memory_space<smem>>
    %get3A_587 = arith.constant 12 : index
    %get3A_588 = arith.constant 2 : index
    %get3A_589 = memref.load %arg0[%get3A_587, %get3A_588] : memref<32x4xf32, #tpu.memory_space<smem>>
    %get3A_590 = arith.constant 12 : index
    %get3A_591 = arith.constant 3 : index
    %get3A_592 = memref.load %arg0[%get3A_590, %get3A_591] : memref<32x4xf32, #tpu.memory_space<smem>>
    %min3A_593 = vector.broadcast %get3A_589 : f32 to vector<160x128xf32>
    %min3A_594 = arith.minimumf %get3A_13, %min3A_593 : vector<160x128xf32>
    %max3A_595 = vector.broadcast %get3A_583 : f32 to vector<160x128xf32>
    %max3A_596 = arith.maximumf %get3A_3, %max3A_595 : vector<160x128xf32>
    %sub3A_597 = arith.subf %min3A_594, %max3A_596 : vector<160x128xf32>
    %max3A_598 = arith.constant 0.000000e+00 : f32
    %max3A_599 = vector.broadcast %max3A_598 : f32 to vector<160x128xf32>
    %max3A_600 = arith.maximumf %sub3A_597, %max3A_599 : vector<160x128xf32>
    %min3A_601 = vector.broadcast %get3A_592 : f32 to vector<160x128xf32>
    %min3A_602 = arith.minimumf %get3A_18, %min3A_601 : vector<160x128xf32>
    %max3A_603 = vector.broadcast %get3A_586 : f32 to vector<160x128xf32>
    %max3A_604 = arith.maximumf %get3A_8, %max3A_603 : vector<160x128xf32>
    %sub3A_605 = arith.subf %min3A_602, %max3A_604 : vector<160x128xf32>
    %max3A_606 = arith.constant 0.000000e+00 : f32
    %max3A_607 = vector.broadcast %max3A_606 : f32 to vector<160x128xf32>
    %max3A_608 = arith.maximumf %sub3A_605, %max3A_607 : vector<160x128xf32>
    %mul3A_609 = arith.mulf %max3A_600, %max3A_608 : vector<160x128xf32>
    %sub3A_610 = arith.subf %get3A_589, %get3A_583 : f32
    %sub3A_611 = arith.subf %get3A_592, %get3A_586 : f32
    %mul3A_612 = arith.mulf %sub3A_610, %sub3A_611 : f32
    %add3A_613 = vector.broadcast %mul3A_612 : f32 to vector<160x128xf32>
    %add3A_614 = arith.addf %mul3A, %add3A_613 : vector<160x128xf32>
    %sub3A_615 = arith.subf %add3A_614, %mul3A_609 : vector<160x128xf32>
    %div3A_616 = arith.divf %mul3A_609, %sub3A_615 : vector<160x128xf32>
    %gt3A_617 = arith.cmpf ogt, %div3A_616, %select_n3A_572 : vector<160x128xf32>
    %select_n3A_618 = arith.select %gt3A_617, %div3A_616, %select_n3A_572 : vector<160x128xi1>, vector<160x128xf32>
    %broadcast_in_dim3A_619 = vector.broadcast %get3A_583 : f32 to vector<160x128xf32>
    %select_n3A_620 = arith.select %gt3A_617, %broadcast_in_dim3A_619, %select_n3A_574 : vector<160x128xi1>, vector<160x128xf32>
    %broadcast_in_dim3A_621 = vector.broadcast %get3A_586 : f32 to vector<160x128xf32>
    %select_n3A_622 = arith.select %gt3A_617, %broadcast_in_dim3A_621, %select_n3A_576 : vector<160x128xi1>, vector<160x128xf32>
    %broadcast_in_dim3A_623 = vector.broadcast %get3A_589 : f32 to vector<160x128xf32>
    %select_n3A_624 = arith.select %gt3A_617, %broadcast_in_dim3A_623, %select_n3A_578 : vector<160x128xi1>, vector<160x128xf32>
    %broadcast_in_dim3A_625 = vector.broadcast %get3A_592 : f32 to vector<160x128xf32>
    %select_n3A_626 = arith.select %gt3A_617, %broadcast_in_dim3A_625, %select_n3A_580 : vector<160x128xi1>, vector<160x128xf32>
    %get3A_627 = arith.constant 13 : index
    %get3A_628 = arith.constant 0 : index
    %get3A_629 = memref.load %arg0[%get3A_627, %get3A_628] : memref<32x4xf32, #tpu.memory_space<smem>>
    %get3A_630 = arith.constant 13 : index
    %get3A_631 = arith.constant 1 : index
    %get3A_632 = memref.load %arg0[%get3A_630, %get3A_631] : memref<32x4xf32, #tpu.memory_space<smem>>
    %get3A_633 = arith.constant 13 : index
    %get3A_634 = arith.constant 2 : index
    %get3A_635 = memref.load %arg0[%get3A_633, %get3A_634] : memref<32x4xf32, #tpu.memory_space<smem>>
    %get3A_636 = arith.constant 13 : index
    %get3A_637 = arith.constant 3 : index
    %get3A_638 = memref.load %arg0[%get3A_636, %get3A_637] : memref<32x4xf32, #tpu.memory_space<smem>>
    %min3A_639 = vector.broadcast %get3A_635 : f32 to vector<160x128xf32>
    %min3A_640 = arith.minimumf %get3A_13, %min3A_639 : vector<160x128xf32>
    %max3A_641 = vector.broadcast %get3A_629 : f32 to vector<160x128xf32>
    %max3A_642 = arith.maximumf %get3A_3, %max3A_641 : vector<160x128xf32>
    %sub3A_643 = arith.subf %min3A_640, %max3A_642 : vector<160x128xf32>
    %max3A_644 = arith.constant 0.000000e+00 : f32
    %max3A_645 = vector.broadcast %max3A_644 : f32 to vector<160x128xf32>
    %max3A_646 = arith.maximumf %sub3A_643, %max3A_645 : vector<160x128xf32>
    %min3A_647 = vector.broadcast %get3A_638 : f32 to vector<160x128xf32>
    %min3A_648 = arith.minimumf %get3A_18, %min3A_647 : vector<160x128xf32>
    %max3A_649 = vector.broadcast %get3A_632 : f32 to vector<160x128xf32>
    %max3A_650 = arith.maximumf %get3A_8, %max3A_649 : vector<160x128xf32>
    %sub3A_651 = arith.subf %min3A_648, %max3A_650 : vector<160x128xf32>
    %max3A_652 = arith.constant 0.000000e+00 : f32
    %max3A_653 = vector.broadcast %max3A_652 : f32 to vector<160x128xf32>
    %max3A_654 = arith.maximumf %sub3A_651, %max3A_653 : vector<160x128xf32>
    %mul3A_655 = arith.mulf %max3A_646, %max3A_654 : vector<160x128xf32>
    %sub3A_656 = arith.subf %get3A_635, %get3A_629 : f32
    %sub3A_657 = arith.subf %get3A_638, %get3A_632 : f32
    %mul3A_658 = arith.mulf %sub3A_656, %sub3A_657 : f32
    %add3A_659 = vector.broadcast %mul3A_658 : f32 to vector<160x128xf32>
    %add3A_660 = arith.addf %mul3A, %add3A_659 : vector<160x128xf32>
    %sub3A_661 = arith.subf %add3A_660, %mul3A_655 : vector<160x128xf32>
    %div3A_662 = arith.divf %mul3A_655, %sub3A_661 : vector<160x128xf32>
    %gt3A_663 = arith.cmpf ogt, %div3A_662, %select_n3A_618 : vector<160x128xf32>
    %select_n3A_664 = arith.select %gt3A_663, %div3A_662, %select_n3A_618 : vector<160x128xi1>, vector<160x128xf32>
    %broadcast_in_dim3A_665 = vector.broadcast %get3A_629 : f32 to vector<160x128xf32>
    %select_n3A_666 = arith.select %gt3A_663, %broadcast_in_dim3A_665, %select_n3A_620 : vector<160x128xi1>, vector<160x128xf32>
    %broadcast_in_dim3A_667 = vector.broadcast %get3A_632 : f32 to vector<160x128xf32>
    %select_n3A_668 = arith.select %gt3A_663, %broadcast_in_dim3A_667, %select_n3A_622 : vector<160x128xi1>, vector<160x128xf32>
    %broadcast_in_dim3A_669 = vector.broadcast %get3A_635 : f32 to vector<160x128xf32>
    %select_n3A_670 = arith.select %gt3A_663, %broadcast_in_dim3A_669, %select_n3A_624 : vector<160x128xi1>, vector<160x128xf32>
    %broadcast_in_dim3A_671 = vector.broadcast %get3A_638 : f32 to vector<160x128xf32>
    %select_n3A_672 = arith.select %gt3A_663, %broadcast_in_dim3A_671, %select_n3A_626 : vector<160x128xi1>, vector<160x128xf32>
    %get3A_673 = arith.constant 14 : index
    %get3A_674 = arith.constant 0 : index
    %get3A_675 = memref.load %arg0[%get3A_673, %get3A_674] : memref<32x4xf32, #tpu.memory_space<smem>>
    %get3A_676 = arith.constant 14 : index
    %get3A_677 = arith.constant 1 : index
    %get3A_678 = memref.load %arg0[%get3A_676, %get3A_677] : memref<32x4xf32, #tpu.memory_space<smem>>
    %get3A_679 = arith.constant 14 : index
    %get3A_680 = arith.constant 2 : index
    %get3A_681 = memref.load %arg0[%get3A_679, %get3A_680] : memref<32x4xf32, #tpu.memory_space<smem>>
    %get3A_682 = arith.constant 14 : index
    %get3A_683 = arith.constant 3 : index
    %get3A_684 = memref.load %arg0[%get3A_682, %get3A_683] : memref<32x4xf32, #tpu.memory_space<smem>>
    %min3A_685 = vector.broadcast %get3A_681 : f32 to vector<160x128xf32>
    %min3A_686 = arith.minimumf %get3A_13, %min3A_685 : vector<160x128xf32>
    %max3A_687 = vector.broadcast %get3A_675 : f32 to vector<160x128xf32>
    %max3A_688 = arith.maximumf %get3A_3, %max3A_687 : vector<160x128xf32>
    %sub3A_689 = arith.subf %min3A_686, %max3A_688 : vector<160x128xf32>
    %max3A_690 = arith.constant 0.000000e+00 : f32
    %max3A_691 = vector.broadcast %max3A_690 : f32 to vector<160x128xf32>
    %max3A_692 = arith.maximumf %sub3A_689, %max3A_691 : vector<160x128xf32>
    %min3A_693 = vector.broadcast %get3A_684 : f32 to vector<160x128xf32>
    %min3A_694 = arith.minimumf %get3A_18, %min3A_693 : vector<160x128xf32>
    %max3A_695 = vector.broadcast %get3A_678 : f32 to vector<160x128xf32>
    %max3A_696 = arith.maximumf %get3A_8, %max3A_695 : vector<160x128xf32>
    %sub3A_697 = arith.subf %min3A_694, %max3A_696 : vector<160x128xf32>
    %max3A_698 = arith.constant 0.000000e+00 : f32
    %max3A_699 = vector.broadcast %max3A_698 : f32 to vector<160x128xf32>
    %max3A_700 = arith.maximumf %sub3A_697, %max3A_699 : vector<160x128xf32>
    %mul3A_701 = arith.mulf %max3A_692, %max3A_700 : vector<160x128xf32>
    %sub3A_702 = arith.subf %get3A_681, %get3A_675 : f32
    %sub3A_703 = arith.subf %get3A_684, %get3A_678 : f32
    %mul3A_704 = arith.mulf %sub3A_702, %sub3A_703 : f32
    %add3A_705 = vector.broadcast %mul3A_704 : f32 to vector<160x128xf32>
    %add3A_706 = arith.addf %mul3A, %add3A_705 : vector<160x128xf32>
    %sub3A_707 = arith.subf %add3A_706, %mul3A_701 : vector<160x128xf32>
    %div3A_708 = arith.divf %mul3A_701, %sub3A_707 : vector<160x128xf32>
    %gt3A_709 = arith.cmpf ogt, %div3A_708, %select_n3A_664 : vector<160x128xf32>
    %select_n3A_710 = arith.select %gt3A_709, %div3A_708, %select_n3A_664 : vector<160x128xi1>, vector<160x128xf32>
    %broadcast_in_dim3A_711 = vector.broadcast %get3A_675 : f32 to vector<160x128xf32>
    %select_n3A_712 = arith.select %gt3A_709, %broadcast_in_dim3A_711, %select_n3A_666 : vector<160x128xi1>, vector<160x128xf32>
    %broadcast_in_dim3A_713 = vector.broadcast %get3A_678 : f32 to vector<160x128xf32>
    %select_n3A_714 = arith.select %gt3A_709, %broadcast_in_dim3A_713, %select_n3A_668 : vector<160x128xi1>, vector<160x128xf32>
    %broadcast_in_dim3A_715 = vector.broadcast %get3A_681 : f32 to vector<160x128xf32>
    %select_n3A_716 = arith.select %gt3A_709, %broadcast_in_dim3A_715, %select_n3A_670 : vector<160x128xi1>, vector<160x128xf32>
    %broadcast_in_dim3A_717 = vector.broadcast %get3A_684 : f32 to vector<160x128xf32>
    %select_n3A_718 = arith.select %gt3A_709, %broadcast_in_dim3A_717, %select_n3A_672 : vector<160x128xi1>, vector<160x128xf32>
    %get3A_719 = arith.constant 15 : index
    %get3A_720 = arith.constant 0 : index
    %get3A_721 = memref.load %arg0[%get3A_719, %get3A_720] : memref<32x4xf32, #tpu.memory_space<smem>>
    %get3A_722 = arith.constant 15 : index
    %get3A_723 = arith.constant 1 : index
    %get3A_724 = memref.load %arg0[%get3A_722, %get3A_723] : memref<32x4xf32, #tpu.memory_space<smem>>
    %get3A_725 = arith.constant 15 : index
    %get3A_726 = arith.constant 2 : index
    %get3A_727 = memref.load %arg0[%get3A_725, %get3A_726] : memref<32x4xf32, #tpu.memory_space<smem>>
    %get3A_728 = arith.constant 15 : index
    %get3A_729 = arith.constant 3 : index
    %get3A_730 = memref.load %arg0[%get3A_728, %get3A_729] : memref<32x4xf32, #tpu.memory_space<smem>>
    %min3A_731 = vector.broadcast %get3A_727 : f32 to vector<160x128xf32>
    %min3A_732 = arith.minimumf %get3A_13, %min3A_731 : vector<160x128xf32>
    %max3A_733 = vector.broadcast %get3A_721 : f32 to vector<160x128xf32>
    %max3A_734 = arith.maximumf %get3A_3, %max3A_733 : vector<160x128xf32>
    %sub3A_735 = arith.subf %min3A_732, %max3A_734 : vector<160x128xf32>
    %max3A_736 = arith.constant 0.000000e+00 : f32
    %max3A_737 = vector.broadcast %max3A_736 : f32 to vector<160x128xf32>
    %max3A_738 = arith.maximumf %sub3A_735, %max3A_737 : vector<160x128xf32>
    %min3A_739 = vector.broadcast %get3A_730 : f32 to vector<160x128xf32>
    %min3A_740 = arith.minimumf %get3A_18, %min3A_739 : vector<160x128xf32>
    %max3A_741 = vector.broadcast %get3A_724 : f32 to vector<160x128xf32>
    %max3A_742 = arith.maximumf %get3A_8, %max3A_741 : vector<160x128xf32>
    %sub3A_743 = arith.subf %min3A_740, %max3A_742 : vector<160x128xf32>
    %max3A_744 = arith.constant 0.000000e+00 : f32
    %max3A_745 = vector.broadcast %max3A_744 : f32 to vector<160x128xf32>
    %max3A_746 = arith.maximumf %sub3A_743, %max3A_745 : vector<160x128xf32>
    %mul3A_747 = arith.mulf %max3A_738, %max3A_746 : vector<160x128xf32>
    %sub3A_748 = arith.subf %get3A_727, %get3A_721 : f32
    %sub3A_749 = arith.subf %get3A_730, %get3A_724 : f32
    %mul3A_750 = arith.mulf %sub3A_748, %sub3A_749 : f32
    %add3A_751 = vector.broadcast %mul3A_750 : f32 to vector<160x128xf32>
    %add3A_752 = arith.addf %mul3A, %add3A_751 : vector<160x128xf32>
    %sub3A_753 = arith.subf %add3A_752, %mul3A_747 : vector<160x128xf32>
    %div3A_754 = arith.divf %mul3A_747, %sub3A_753 : vector<160x128xf32>
    %gt3A_755 = arith.cmpf ogt, %div3A_754, %select_n3A_710 : vector<160x128xf32>
    %select_n3A_756 = arith.select %gt3A_755, %div3A_754, %select_n3A_710 : vector<160x128xi1>, vector<160x128xf32>
    %broadcast_in_dim3A_757 = vector.broadcast %get3A_721 : f32 to vector<160x128xf32>
    %select_n3A_758 = arith.select %gt3A_755, %broadcast_in_dim3A_757, %select_n3A_712 : vector<160x128xi1>, vector<160x128xf32>
    %broadcast_in_dim3A_759 = vector.broadcast %get3A_724 : f32 to vector<160x128xf32>
    %select_n3A_760 = arith.select %gt3A_755, %broadcast_in_dim3A_759, %select_n3A_714 : vector<160x128xi1>, vector<160x128xf32>
    %broadcast_in_dim3A_761 = vector.broadcast %get3A_727 : f32 to vector<160x128xf32>
    %select_n3A_762 = arith.select %gt3A_755, %broadcast_in_dim3A_761, %select_n3A_716 : vector<160x128xi1>, vector<160x128xf32>
    %broadcast_in_dim3A_763 = vector.broadcast %get3A_730 : f32 to vector<160x128xf32>
    %select_n3A_764 = arith.select %gt3A_755, %broadcast_in_dim3A_763, %select_n3A_718 : vector<160x128xi1>, vector<160x128xf32>
    %get3A_765 = arith.constant 16 : index
    %get3A_766 = arith.constant 0 : index
    %get3A_767 = memref.load %arg0[%get3A_765, %get3A_766] : memref<32x4xf32, #tpu.memory_space<smem>>
    %get3A_768 = arith.constant 16 : index
    %get3A_769 = arith.constant 1 : index
    %get3A_770 = memref.load %arg0[%get3A_768, %get3A_769] : memref<32x4xf32, #tpu.memory_space<smem>>
    %get3A_771 = arith.constant 16 : index
    %get3A_772 = arith.constant 2 : index
    %get3A_773 = memref.load %arg0[%get3A_771, %get3A_772] : memref<32x4xf32, #tpu.memory_space<smem>>
    %get3A_774 = arith.constant 16 : index
    %get3A_775 = arith.constant 3 : index
    %get3A_776 = memref.load %arg0[%get3A_774, %get3A_775] : memref<32x4xf32, #tpu.memory_space<smem>>
    %min3A_777 = vector.broadcast %get3A_773 : f32 to vector<160x128xf32>
    %min3A_778 = arith.minimumf %get3A_13, %min3A_777 : vector<160x128xf32>
    %max3A_779 = vector.broadcast %get3A_767 : f32 to vector<160x128xf32>
    %max3A_780 = arith.maximumf %get3A_3, %max3A_779 : vector<160x128xf32>
    %sub3A_781 = arith.subf %min3A_778, %max3A_780 : vector<160x128xf32>
    %max3A_782 = arith.constant 0.000000e+00 : f32
    %max3A_783 = vector.broadcast %max3A_782 : f32 to vector<160x128xf32>
    %max3A_784 = arith.maximumf %sub3A_781, %max3A_783 : vector<160x128xf32>
    %min3A_785 = vector.broadcast %get3A_776 : f32 to vector<160x128xf32>
    %min3A_786 = arith.minimumf %get3A_18, %min3A_785 : vector<160x128xf32>
    %max3A_787 = vector.broadcast %get3A_770 : f32 to vector<160x128xf32>
    %max3A_788 = arith.maximumf %get3A_8, %max3A_787 : vector<160x128xf32>
    %sub3A_789 = arith.subf %min3A_786, %max3A_788 : vector<160x128xf32>
    %max3A_790 = arith.constant 0.000000e+00 : f32
    %max3A_791 = vector.broadcast %max3A_790 : f32 to vector<160x128xf32>
    %max3A_792 = arith.maximumf %sub3A_789, %max3A_791 : vector<160x128xf32>
    %mul3A_793 = arith.mulf %max3A_784, %max3A_792 : vector<160x128xf32>
    %sub3A_794 = arith.subf %get3A_773, %get3A_767 : f32
    %sub3A_795 = arith.subf %get3A_776, %get3A_770 : f32
    %mul3A_796 = arith.mulf %sub3A_794, %sub3A_795 : f32
    %add3A_797 = vector.broadcast %mul3A_796 : f32 to vector<160x128xf32>
    %add3A_798 = arith.addf %mul3A, %add3A_797 : vector<160x128xf32>
    %sub3A_799 = arith.subf %add3A_798, %mul3A_793 : vector<160x128xf32>
    %div3A_800 = arith.divf %mul3A_793, %sub3A_799 : vector<160x128xf32>
    %gt3A_801 = arith.cmpf ogt, %div3A_800, %select_n3A_756 : vector<160x128xf32>
    %select_n3A_802 = arith.select %gt3A_801, %div3A_800, %select_n3A_756 : vector<160x128xi1>, vector<160x128xf32>
    %broadcast_in_dim3A_803 = vector.broadcast %get3A_767 : f32 to vector<160x128xf32>
    %select_n3A_804 = arith.select %gt3A_801, %broadcast_in_dim3A_803, %select_n3A_758 : vector<160x128xi1>, vector<160x128xf32>
    %broadcast_in_dim3A_805 = vector.broadcast %get3A_770 : f32 to vector<160x128xf32>
    %select_n3A_806 = arith.select %gt3A_801, %broadcast_in_dim3A_805, %select_n3A_760 : vector<160x128xi1>, vector<160x128xf32>
    %broadcast_in_dim3A_807 = vector.broadcast %get3A_773 : f32 to vector<160x128xf32>
    %select_n3A_808 = arith.select %gt3A_801, %broadcast_in_dim3A_807, %select_n3A_762 : vector<160x128xi1>, vector<160x128xf32>
    %broadcast_in_dim3A_809 = vector.broadcast %get3A_776 : f32 to vector<160x128xf32>
    %select_n3A_810 = arith.select %gt3A_801, %broadcast_in_dim3A_809, %select_n3A_764 : vector<160x128xi1>, vector<160x128xf32>
    %get3A_811 = arith.constant 17 : index
    %get3A_812 = arith.constant 0 : index
    %get3A_813 = memref.load %arg0[%get3A_811, %get3A_812] : memref<32x4xf32, #tpu.memory_space<smem>>
    %get3A_814 = arith.constant 17 : index
    %get3A_815 = arith.constant 1 : index
    %get3A_816 = memref.load %arg0[%get3A_814, %get3A_815] : memref<32x4xf32, #tpu.memory_space<smem>>
    %get3A_817 = arith.constant 17 : index
    %get3A_818 = arith.constant 2 : index
    %get3A_819 = memref.load %arg0[%get3A_817, %get3A_818] : memref<32x4xf32, #tpu.memory_space<smem>>
    %get3A_820 = arith.constant 17 : index
    %get3A_821 = arith.constant 3 : index
    %get3A_822 = memref.load %arg0[%get3A_820, %get3A_821] : memref<32x4xf32, #tpu.memory_space<smem>>
    %min3A_823 = vector.broadcast %get3A_819 : f32 to vector<160x128xf32>
    %min3A_824 = arith.minimumf %get3A_13, %min3A_823 : vector<160x128xf32>
    %max3A_825 = vector.broadcast %get3A_813 : f32 to vector<160x128xf32>
    %max3A_826 = arith.maximumf %get3A_3, %max3A_825 : vector<160x128xf32>
    %sub3A_827 = arith.subf %min3A_824, %max3A_826 : vector<160x128xf32>
    %max3A_828 = arith.constant 0.000000e+00 : f32
    %max3A_829 = vector.broadcast %max3A_828 : f32 to vector<160x128xf32>
    %max3A_830 = arith.maximumf %sub3A_827, %max3A_829 : vector<160x128xf32>
    %min3A_831 = vector.broadcast %get3A_822 : f32 to vector<160x128xf32>
    %min3A_832 = arith.minimumf %get3A_18, %min3A_831 : vector<160x128xf32>
    %max3A_833 = vector.broadcast %get3A_816 : f32 to vector<160x128xf32>
    %max3A_834 = arith.maximumf %get3A_8, %max3A_833 : vector<160x128xf32>
    %sub3A_835 = arith.subf %min3A_832, %max3A_834 : vector<160x128xf32>
    %max3A_836 = arith.constant 0.000000e+00 : f32
    %max3A_837 = vector.broadcast %max3A_836 : f32 to vector<160x128xf32>
    %max3A_838 = arith.maximumf %sub3A_835, %max3A_837 : vector<160x128xf32>
    %mul3A_839 = arith.mulf %max3A_830, %max3A_838 : vector<160x128xf32>
    %sub3A_840 = arith.subf %get3A_819, %get3A_813 : f32
    %sub3A_841 = arith.subf %get3A_822, %get3A_816 : f32
    %mul3A_842 = arith.mulf %sub3A_840, %sub3A_841 : f32
    %add3A_843 = vector.broadcast %mul3A_842 : f32 to vector<160x128xf32>
    %add3A_844 = arith.addf %mul3A, %add3A_843 : vector<160x128xf32>
    %sub3A_845 = arith.subf %add3A_844, %mul3A_839 : vector<160x128xf32>
    %div3A_846 = arith.divf %mul3A_839, %sub3A_845 : vector<160x128xf32>
    %gt3A_847 = arith.cmpf ogt, %div3A_846, %select_n3A_802 : vector<160x128xf32>
    %select_n3A_848 = arith.select %gt3A_847, %div3A_846, %select_n3A_802 : vector<160x128xi1>, vector<160x128xf32>
    %broadcast_in_dim3A_849 = vector.broadcast %get3A_813 : f32 to vector<160x128xf32>
    %select_n3A_850 = arith.select %gt3A_847, %broadcast_in_dim3A_849, %select_n3A_804 : vector<160x128xi1>, vector<160x128xf32>
    %broadcast_in_dim3A_851 = vector.broadcast %get3A_816 : f32 to vector<160x128xf32>
    %select_n3A_852 = arith.select %gt3A_847, %broadcast_in_dim3A_851, %select_n3A_806 : vector<160x128xi1>, vector<160x128xf32>
    %broadcast_in_dim3A_853 = vector.broadcast %get3A_819 : f32 to vector<160x128xf32>
    %select_n3A_854 = arith.select %gt3A_847, %broadcast_in_dim3A_853, %select_n3A_808 : vector<160x128xi1>, vector<160x128xf32>
    %broadcast_in_dim3A_855 = vector.broadcast %get3A_822 : f32 to vector<160x128xf32>
    %select_n3A_856 = arith.select %gt3A_847, %broadcast_in_dim3A_855, %select_n3A_810 : vector<160x128xi1>, vector<160x128xf32>
    %get3A_857 = arith.constant 18 : index
    %get3A_858 = arith.constant 0 : index
    %get3A_859 = memref.load %arg0[%get3A_857, %get3A_858] : memref<32x4xf32, #tpu.memory_space<smem>>
    %get3A_860 = arith.constant 18 : index
    %get3A_861 = arith.constant 1 : index
    %get3A_862 = memref.load %arg0[%get3A_860, %get3A_861] : memref<32x4xf32, #tpu.memory_space<smem>>
    %get3A_863 = arith.constant 18 : index
    %get3A_864 = arith.constant 2 : index
    %get3A_865 = memref.load %arg0[%get3A_863, %get3A_864] : memref<32x4xf32, #tpu.memory_space<smem>>
    %get3A_866 = arith.constant 18 : index
    %get3A_867 = arith.constant 3 : index
    %get3A_868 = memref.load %arg0[%get3A_866, %get3A_867] : memref<32x4xf32, #tpu.memory_space<smem>>
    %min3A_869 = vector.broadcast %get3A_865 : f32 to vector<160x128xf32>
    %min3A_870 = arith.minimumf %get3A_13, %min3A_869 : vector<160x128xf32>
    %max3A_871 = vector.broadcast %get3A_859 : f32 to vector<160x128xf32>
    %max3A_872 = arith.maximumf %get3A_3, %max3A_871 : vector<160x128xf32>
    %sub3A_873 = arith.subf %min3A_870, %max3A_872 : vector<160x128xf32>
    %max3A_874 = arith.constant 0.000000e+00 : f32
    %max3A_875 = vector.broadcast %max3A_874 : f32 to vector<160x128xf32>
    %max3A_876 = arith.maximumf %sub3A_873, %max3A_875 : vector<160x128xf32>
    %min3A_877 = vector.broadcast %get3A_868 : f32 to vector<160x128xf32>
    %min3A_878 = arith.minimumf %get3A_18, %min3A_877 : vector<160x128xf32>
    %max3A_879 = vector.broadcast %get3A_862 : f32 to vector<160x128xf32>
    %max3A_880 = arith.maximumf %get3A_8, %max3A_879 : vector<160x128xf32>
    %sub3A_881 = arith.subf %min3A_878, %max3A_880 : vector<160x128xf32>
    %max3A_882 = arith.constant 0.000000e+00 : f32
    %max3A_883 = vector.broadcast %max3A_882 : f32 to vector<160x128xf32>
    %max3A_884 = arith.maximumf %sub3A_881, %max3A_883 : vector<160x128xf32>
    %mul3A_885 = arith.mulf %max3A_876, %max3A_884 : vector<160x128xf32>
    %sub3A_886 = arith.subf %get3A_865, %get3A_859 : f32
    %sub3A_887 = arith.subf %get3A_868, %get3A_862 : f32
    %mul3A_888 = arith.mulf %sub3A_886, %sub3A_887 : f32
    %add3A_889 = vector.broadcast %mul3A_888 : f32 to vector<160x128xf32>
    %add3A_890 = arith.addf %mul3A, %add3A_889 : vector<160x128xf32>
    %sub3A_891 = arith.subf %add3A_890, %mul3A_885 : vector<160x128xf32>
    %div3A_892 = arith.divf %mul3A_885, %sub3A_891 : vector<160x128xf32>
    %gt3A_893 = arith.cmpf ogt, %div3A_892, %select_n3A_848 : vector<160x128xf32>
    %select_n3A_894 = arith.select %gt3A_893, %div3A_892, %select_n3A_848 : vector<160x128xi1>, vector<160x128xf32>
    %broadcast_in_dim3A_895 = vector.broadcast %get3A_859 : f32 to vector<160x128xf32>
    %select_n3A_896 = arith.select %gt3A_893, %broadcast_in_dim3A_895, %select_n3A_850 : vector<160x128xi1>, vector<160x128xf32>
    %broadcast_in_dim3A_897 = vector.broadcast %get3A_862 : f32 to vector<160x128xf32>
    %select_n3A_898 = arith.select %gt3A_893, %broadcast_in_dim3A_897, %select_n3A_852 : vector<160x128xi1>, vector<160x128xf32>
    %broadcast_in_dim3A_899 = vector.broadcast %get3A_865 : f32 to vector<160x128xf32>
    %select_n3A_900 = arith.select %gt3A_893, %broadcast_in_dim3A_899, %select_n3A_854 : vector<160x128xi1>, vector<160x128xf32>
    %broadcast_in_dim3A_901 = vector.broadcast %get3A_868 : f32 to vector<160x128xf32>
    %select_n3A_902 = arith.select %gt3A_893, %broadcast_in_dim3A_901, %select_n3A_856 : vector<160x128xi1>, vector<160x128xf32>
    %get3A_903 = arith.constant 19 : index
    %get3A_904 = arith.constant 0 : index
    %get3A_905 = memref.load %arg0[%get3A_903, %get3A_904] : memref<32x4xf32, #tpu.memory_space<smem>>
    %get3A_906 = arith.constant 19 : index
    %get3A_907 = arith.constant 1 : index
    %get3A_908 = memref.load %arg0[%get3A_906, %get3A_907] : memref<32x4xf32, #tpu.memory_space<smem>>
    %get3A_909 = arith.constant 19 : index
    %get3A_910 = arith.constant 2 : index
    %get3A_911 = memref.load %arg0[%get3A_909, %get3A_910] : memref<32x4xf32, #tpu.memory_space<smem>>
    %get3A_912 = arith.constant 19 : index
    %get3A_913 = arith.constant 3 : index
    %get3A_914 = memref.load %arg0[%get3A_912, %get3A_913] : memref<32x4xf32, #tpu.memory_space<smem>>
    %min3A_915 = vector.broadcast %get3A_911 : f32 to vector<160x128xf32>
    %min3A_916 = arith.minimumf %get3A_13, %min3A_915 : vector<160x128xf32>
    %max3A_917 = vector.broadcast %get3A_905 : f32 to vector<160x128xf32>
    %max3A_918 = arith.maximumf %get3A_3, %max3A_917 : vector<160x128xf32>
    %sub3A_919 = arith.subf %min3A_916, %max3A_918 : vector<160x128xf32>
    %max3A_920 = arith.constant 0.000000e+00 : f32
    %max3A_921 = vector.broadcast %max3A_920 : f32 to vector<160x128xf32>
    %max3A_922 = arith.maximumf %sub3A_919, %max3A_921 : vector<160x128xf32>
    %min3A_923 = vector.broadcast %get3A_914 : f32 to vector<160x128xf32>
    %min3A_924 = arith.minimumf %get3A_18, %min3A_923 : vector<160x128xf32>
    %max3A_925 = vector.broadcast %get3A_908 : f32 to vector<160x128xf32>
    %max3A_926 = arith.maximumf %get3A_8, %max3A_925 : vector<160x128xf32>
    %sub3A_927 = arith.subf %min3A_924, %max3A_926 : vector<160x128xf32>
    %max3A_928 = arith.constant 0.000000e+00 : f32
    %max3A_929 = vector.broadcast %max3A_928 : f32 to vector<160x128xf32>
    %max3A_930 = arith.maximumf %sub3A_927, %max3A_929 : vector<160x128xf32>
    %mul3A_931 = arith.mulf %max3A_922, %max3A_930 : vector<160x128xf32>
    %sub3A_932 = arith.subf %get3A_911, %get3A_905 : f32
    %sub3A_933 = arith.subf %get3A_914, %get3A_908 : f32
    %mul3A_934 = arith.mulf %sub3A_932, %sub3A_933 : f32
    %add3A_935 = vector.broadcast %mul3A_934 : f32 to vector<160x128xf32>
    %add3A_936 = arith.addf %mul3A, %add3A_935 : vector<160x128xf32>
    %sub3A_937 = arith.subf %add3A_936, %mul3A_931 : vector<160x128xf32>
    %div3A_938 = arith.divf %mul3A_931, %sub3A_937 : vector<160x128xf32>
    %gt3A_939 = arith.cmpf ogt, %div3A_938, %select_n3A_894 : vector<160x128xf32>
    %select_n3A_940 = arith.select %gt3A_939, %div3A_938, %select_n3A_894 : vector<160x128xi1>, vector<160x128xf32>
    %broadcast_in_dim3A_941 = vector.broadcast %get3A_905 : f32 to vector<160x128xf32>
    %select_n3A_942 = arith.select %gt3A_939, %broadcast_in_dim3A_941, %select_n3A_896 : vector<160x128xi1>, vector<160x128xf32>
    %broadcast_in_dim3A_943 = vector.broadcast %get3A_908 : f32 to vector<160x128xf32>
    %select_n3A_944 = arith.select %gt3A_939, %broadcast_in_dim3A_943, %select_n3A_898 : vector<160x128xi1>, vector<160x128xf32>
    %broadcast_in_dim3A_945 = vector.broadcast %get3A_911 : f32 to vector<160x128xf32>
    %select_n3A_946 = arith.select %gt3A_939, %broadcast_in_dim3A_945, %select_n3A_900 : vector<160x128xi1>, vector<160x128xf32>
    %broadcast_in_dim3A_947 = vector.broadcast %get3A_914 : f32 to vector<160x128xf32>
    %select_n3A_948 = arith.select %gt3A_939, %broadcast_in_dim3A_947, %select_n3A_902 : vector<160x128xi1>, vector<160x128xf32>
    %get3A_949 = arith.constant 20 : index
    %get3A_950 = arith.constant 0 : index
    %get3A_951 = memref.load %arg0[%get3A_949, %get3A_950] : memref<32x4xf32, #tpu.memory_space<smem>>
    %get3A_952 = arith.constant 20 : index
    %get3A_953 = arith.constant 1 : index
    %get3A_954 = memref.load %arg0[%get3A_952, %get3A_953] : memref<32x4xf32, #tpu.memory_space<smem>>
    %get3A_955 = arith.constant 20 : index
    %get3A_956 = arith.constant 2 : index
    %get3A_957 = memref.load %arg0[%get3A_955, %get3A_956] : memref<32x4xf32, #tpu.memory_space<smem>>
    %get3A_958 = arith.constant 20 : index
    %get3A_959 = arith.constant 3 : index
    %get3A_960 = memref.load %arg0[%get3A_958, %get3A_959] : memref<32x4xf32, #tpu.memory_space<smem>>
    %min3A_961 = vector.broadcast %get3A_957 : f32 to vector<160x128xf32>
    %min3A_962 = arith.minimumf %get3A_13, %min3A_961 : vector<160x128xf32>
    %max3A_963 = vector.broadcast %get3A_951 : f32 to vector<160x128xf32>
    %max3A_964 = arith.maximumf %get3A_3, %max3A_963 : vector<160x128xf32>
    %sub3A_965 = arith.subf %min3A_962, %max3A_964 : vector<160x128xf32>
    %max3A_966 = arith.constant 0.000000e+00 : f32
    %max3A_967 = vector.broadcast %max3A_966 : f32 to vector<160x128xf32>
    %max3A_968 = arith.maximumf %sub3A_965, %max3A_967 : vector<160x128xf32>
    %min3A_969 = vector.broadcast %get3A_960 : f32 to vector<160x128xf32>
    %min3A_970 = arith.minimumf %get3A_18, %min3A_969 : vector<160x128xf32>
    %max3A_971 = vector.broadcast %get3A_954 : f32 to vector<160x128xf32>
    %max3A_972 = arith.maximumf %get3A_8, %max3A_971 : vector<160x128xf32>
    %sub3A_973 = arith.subf %min3A_970, %max3A_972 : vector<160x128xf32>
    %max3A_974 = arith.constant 0.000000e+00 : f32
    %max3A_975 = vector.broadcast %max3A_974 : f32 to vector<160x128xf32>
    %max3A_976 = arith.maximumf %sub3A_973, %max3A_975 : vector<160x128xf32>
    %mul3A_977 = arith.mulf %max3A_968, %max3A_976 : vector<160x128xf32>
    %sub3A_978 = arith.subf %get3A_957, %get3A_951 : f32
    %sub3A_979 = arith.subf %get3A_960, %get3A_954 : f32
    %mul3A_980 = arith.mulf %sub3A_978, %sub3A_979 : f32
    %add3A_981 = vector.broadcast %mul3A_980 : f32 to vector<160x128xf32>
    %add3A_982 = arith.addf %mul3A, %add3A_981 : vector<160x128xf32>
    %sub3A_983 = arith.subf %add3A_982, %mul3A_977 : vector<160x128xf32>
    %div3A_984 = arith.divf %mul3A_977, %sub3A_983 : vector<160x128xf32>
    %gt3A_985 = arith.cmpf ogt, %div3A_984, %select_n3A_940 : vector<160x128xf32>
    %select_n3A_986 = arith.select %gt3A_985, %div3A_984, %select_n3A_940 : vector<160x128xi1>, vector<160x128xf32>
    %broadcast_in_dim3A_987 = vector.broadcast %get3A_951 : f32 to vector<160x128xf32>
    %select_n3A_988 = arith.select %gt3A_985, %broadcast_in_dim3A_987, %select_n3A_942 : vector<160x128xi1>, vector<160x128xf32>
    %broadcast_in_dim3A_989 = vector.broadcast %get3A_954 : f32 to vector<160x128xf32>
    %select_n3A_990 = arith.select %gt3A_985, %broadcast_in_dim3A_989, %select_n3A_944 : vector<160x128xi1>, vector<160x128xf32>
    %broadcast_in_dim3A_991 = vector.broadcast %get3A_957 : f32 to vector<160x128xf32>
    %select_n3A_992 = arith.select %gt3A_985, %broadcast_in_dim3A_991, %select_n3A_946 : vector<160x128xi1>, vector<160x128xf32>
    %broadcast_in_dim3A_993 = vector.broadcast %get3A_960 : f32 to vector<160x128xf32>
    %select_n3A_994 = arith.select %gt3A_985, %broadcast_in_dim3A_993, %select_n3A_948 : vector<160x128xi1>, vector<160x128xf32>
    %get3A_995 = arith.constant 21 : index
    %get3A_996 = arith.constant 0 : index
    %get3A_997 = memref.load %arg0[%get3A_995, %get3A_996] : memref<32x4xf32, #tpu.memory_space<smem>>
    %get3A_998 = arith.constant 21 : index
    %get3A_999 = arith.constant 1 : index
    %get3A_1000 = memref.load %arg0[%get3A_998, %get3A_999] : memref<32x4xf32, #tpu.memory_space<smem>>
    %get3A_1001 = arith.constant 21 : index
    %get3A_1002 = arith.constant 2 : index
    %get3A_1003 = memref.load %arg0[%get3A_1001, %get3A_1002] : memref<32x4xf32, #tpu.memory_space<smem>>
    %get3A_1004 = arith.constant 21 : index
    %get3A_1005 = arith.constant 3 : index
    %get3A_1006 = memref.load %arg0[%get3A_1004, %get3A_1005] : memref<32x4xf32, #tpu.memory_space<smem>>
    %min3A_1007 = vector.broadcast %get3A_1003 : f32 to vector<160x128xf32>
    %min3A_1008 = arith.minimumf %get3A_13, %min3A_1007 : vector<160x128xf32>
    %max3A_1009 = vector.broadcast %get3A_997 : f32 to vector<160x128xf32>
    %max3A_1010 = arith.maximumf %get3A_3, %max3A_1009 : vector<160x128xf32>
    %sub3A_1011 = arith.subf %min3A_1008, %max3A_1010 : vector<160x128xf32>
    %max3A_1012 = arith.constant 0.000000e+00 : f32
    %max3A_1013 = vector.broadcast %max3A_1012 : f32 to vector<160x128xf32>
    %max3A_1014 = arith.maximumf %sub3A_1011, %max3A_1013 : vector<160x128xf32>
    %min3A_1015 = vector.broadcast %get3A_1006 : f32 to vector<160x128xf32>
    %min3A_1016 = arith.minimumf %get3A_18, %min3A_1015 : vector<160x128xf32>
    %max3A_1017 = vector.broadcast %get3A_1000 : f32 to vector<160x128xf32>
    %max3A_1018 = arith.maximumf %get3A_8, %max3A_1017 : vector<160x128xf32>
    %sub3A_1019 = arith.subf %min3A_1016, %max3A_1018 : vector<160x128xf32>
    %max3A_1020 = arith.constant 0.000000e+00 : f32
    %max3A_1021 = vector.broadcast %max3A_1020 : f32 to vector<160x128xf32>
    %max3A_1022 = arith.maximumf %sub3A_1019, %max3A_1021 : vector<160x128xf32>
    %mul3A_1023 = arith.mulf %max3A_1014, %max3A_1022 : vector<160x128xf32>
    %sub3A_1024 = arith.subf %get3A_1003, %get3A_997 : f32
    %sub3A_1025 = arith.subf %get3A_1006, %get3A_1000 : f32
    %mul3A_1026 = arith.mulf %sub3A_1024, %sub3A_1025 : f32
    %add3A_1027 = vector.broadcast %mul3A_1026 : f32 to vector<160x128xf32>
    %add3A_1028 = arith.addf %mul3A, %add3A_1027 : vector<160x128xf32>
    %sub3A_1029 = arith.subf %add3A_1028, %mul3A_1023 : vector<160x128xf32>
    %div3A_1030 = arith.divf %mul3A_1023, %sub3A_1029 : vector<160x128xf32>
    %gt3A_1031 = arith.cmpf ogt, %div3A_1030, %select_n3A_986 : vector<160x128xf32>
    %select_n3A_1032 = arith.select %gt3A_1031, %div3A_1030, %select_n3A_986 : vector<160x128xi1>, vector<160x128xf32>
    %broadcast_in_dim3A_1033 = vector.broadcast %get3A_997 : f32 to vector<160x128xf32>
    %select_n3A_1034 = arith.select %gt3A_1031, %broadcast_in_dim3A_1033, %select_n3A_988 : vector<160x128xi1>, vector<160x128xf32>
    %broadcast_in_dim3A_1035 = vector.broadcast %get3A_1000 : f32 to vector<160x128xf32>
    %select_n3A_1036 = arith.select %gt3A_1031, %broadcast_in_dim3A_1035, %select_n3A_990 : vector<160x128xi1>, vector<160x128xf32>
    %broadcast_in_dim3A_1037 = vector.broadcast %get3A_1003 : f32 to vector<160x128xf32>
    %select_n3A_1038 = arith.select %gt3A_1031, %broadcast_in_dim3A_1037, %select_n3A_992 : vector<160x128xi1>, vector<160x128xf32>
    %broadcast_in_dim3A_1039 = vector.broadcast %get3A_1006 : f32 to vector<160x128xf32>
    %select_n3A_1040 = arith.select %gt3A_1031, %broadcast_in_dim3A_1039, %select_n3A_994 : vector<160x128xi1>, vector<160x128xf32>
    %get3A_1041 = arith.constant 22 : index
    %get3A_1042 = arith.constant 0 : index
    %get3A_1043 = memref.load %arg0[%get3A_1041, %get3A_1042] : memref<32x4xf32, #tpu.memory_space<smem>>
    %get3A_1044 = arith.constant 22 : index
    %get3A_1045 = arith.constant 1 : index
    %get3A_1046 = memref.load %arg0[%get3A_1044, %get3A_1045] : memref<32x4xf32, #tpu.memory_space<smem>>
    %get3A_1047 = arith.constant 22 : index
    %get3A_1048 = arith.constant 2 : index
    %get3A_1049 = memref.load %arg0[%get3A_1047, %get3A_1048] : memref<32x4xf32, #tpu.memory_space<smem>>
    %get3A_1050 = arith.constant 22 : index
    %get3A_1051 = arith.constant 3 : index
    %get3A_1052 = memref.load %arg0[%get3A_1050, %get3A_1051] : memref<32x4xf32, #tpu.memory_space<smem>>
    %min3A_1053 = vector.broadcast %get3A_1049 : f32 to vector<160x128xf32>
    %min3A_1054 = arith.minimumf %get3A_13, %min3A_1053 : vector<160x128xf32>
    %max3A_1055 = vector.broadcast %get3A_1043 : f32 to vector<160x128xf32>
    %max3A_1056 = arith.maximumf %get3A_3, %max3A_1055 : vector<160x128xf32>
    %sub3A_1057 = arith.subf %min3A_1054, %max3A_1056 : vector<160x128xf32>
    %max3A_1058 = arith.constant 0.000000e+00 : f32
    %max3A_1059 = vector.broadcast %max3A_1058 : f32 to vector<160x128xf32>
    %max3A_1060 = arith.maximumf %sub3A_1057, %max3A_1059 : vector<160x128xf32>
    %min3A_1061 = vector.broadcast %get3A_1052 : f32 to vector<160x128xf32>
    %min3A_1062 = arith.minimumf %get3A_18, %min3A_1061 : vector<160x128xf32>
    %max3A_1063 = vector.broadcast %get3A_1046 : f32 to vector<160x128xf32>
    %max3A_1064 = arith.maximumf %get3A_8, %max3A_1063 : vector<160x128xf32>
    %sub3A_1065 = arith.subf %min3A_1062, %max3A_1064 : vector<160x128xf32>
    %max3A_1066 = arith.constant 0.000000e+00 : f32
    %max3A_1067 = vector.broadcast %max3A_1066 : f32 to vector<160x128xf32>
    %max3A_1068 = arith.maximumf %sub3A_1065, %max3A_1067 : vector<160x128xf32>
    %mul3A_1069 = arith.mulf %max3A_1060, %max3A_1068 : vector<160x128xf32>
    %sub3A_1070 = arith.subf %get3A_1049, %get3A_1043 : f32
    %sub3A_1071 = arith.subf %get3A_1052, %get3A_1046 : f32
    %mul3A_1072 = arith.mulf %sub3A_1070, %sub3A_1071 : f32
    %add3A_1073 = vector.broadcast %mul3A_1072 : f32 to vector<160x128xf32>
    %add3A_1074 = arith.addf %mul3A, %add3A_1073 : vector<160x128xf32>
    %sub3A_1075 = arith.subf %add3A_1074, %mul3A_1069 : vector<160x128xf32>
    %div3A_1076 = arith.divf %mul3A_1069, %sub3A_1075 : vector<160x128xf32>
    %gt3A_1077 = arith.cmpf ogt, %div3A_1076, %select_n3A_1032 : vector<160x128xf32>
    %select_n3A_1078 = arith.select %gt3A_1077, %div3A_1076, %select_n3A_1032 : vector<160x128xi1>, vector<160x128xf32>
    %broadcast_in_dim3A_1079 = vector.broadcast %get3A_1043 : f32 to vector<160x128xf32>
    %select_n3A_1080 = arith.select %gt3A_1077, %broadcast_in_dim3A_1079, %select_n3A_1034 : vector<160x128xi1>, vector<160x128xf32>
    %broadcast_in_dim3A_1081 = vector.broadcast %get3A_1046 : f32 to vector<160x128xf32>
    %select_n3A_1082 = arith.select %gt3A_1077, %broadcast_in_dim3A_1081, %select_n3A_1036 : vector<160x128xi1>, vector<160x128xf32>
    %broadcast_in_dim3A_1083 = vector.broadcast %get3A_1049 : f32 to vector<160x128xf32>
    %select_n3A_1084 = arith.select %gt3A_1077, %broadcast_in_dim3A_1083, %select_n3A_1038 : vector<160x128xi1>, vector<160x128xf32>
    %broadcast_in_dim3A_1085 = vector.broadcast %get3A_1052 : f32 to vector<160x128xf32>
    %select_n3A_1086 = arith.select %gt3A_1077, %broadcast_in_dim3A_1085, %select_n3A_1040 : vector<160x128xi1>, vector<160x128xf32>
    %get3A_1087 = arith.constant 23 : index
    %get3A_1088 = arith.constant 0 : index
    %get3A_1089 = memref.load %arg0[%get3A_1087, %get3A_1088] : memref<32x4xf32, #tpu.memory_space<smem>>
    %get3A_1090 = arith.constant 23 : index
    %get3A_1091 = arith.constant 1 : index
    %get3A_1092 = memref.load %arg0[%get3A_1090, %get3A_1091] : memref<32x4xf32, #tpu.memory_space<smem>>
    %get3A_1093 = arith.constant 23 : index
    %get3A_1094 = arith.constant 2 : index
    %get3A_1095 = memref.load %arg0[%get3A_1093, %get3A_1094] : memref<32x4xf32, #tpu.memory_space<smem>>
    %get3A_1096 = arith.constant 23 : index
    %get3A_1097 = arith.constant 3 : index
    %get3A_1098 = memref.load %arg0[%get3A_1096, %get3A_1097] : memref<32x4xf32, #tpu.memory_space<smem>>
    %min3A_1099 = vector.broadcast %get3A_1095 : f32 to vector<160x128xf32>
    %min3A_1100 = arith.minimumf %get3A_13, %min3A_1099 : vector<160x128xf32>
    %max3A_1101 = vector.broadcast %get3A_1089 : f32 to vector<160x128xf32>
    %max3A_1102 = arith.maximumf %get3A_3, %max3A_1101 : vector<160x128xf32>
    %sub3A_1103 = arith.subf %min3A_1100, %max3A_1102 : vector<160x128xf32>
    %max3A_1104 = arith.constant 0.000000e+00 : f32
    %max3A_1105 = vector.broadcast %max3A_1104 : f32 to vector<160x128xf32>
    %max3A_1106 = arith.maximumf %sub3A_1103, %max3A_1105 : vector<160x128xf32>
    %min3A_1107 = vector.broadcast %get3A_1098 : f32 to vector<160x128xf32>
    %min3A_1108 = arith.minimumf %get3A_18, %min3A_1107 : vector<160x128xf32>
    %max3A_1109 = vector.broadcast %get3A_1092 : f32 to vector<160x128xf32>
    %max3A_1110 = arith.maximumf %get3A_8, %max3A_1109 : vector<160x128xf32>
    %sub3A_1111 = arith.subf %min3A_1108, %max3A_1110 : vector<160x128xf32>
    %max3A_1112 = arith.constant 0.000000e+00 : f32
    %max3A_1113 = vector.broadcast %max3A_1112 : f32 to vector<160x128xf32>
    %max3A_1114 = arith.maximumf %sub3A_1111, %max3A_1113 : vector<160x128xf32>
    %mul3A_1115 = arith.mulf %max3A_1106, %max3A_1114 : vector<160x128xf32>
    %sub3A_1116 = arith.subf %get3A_1095, %get3A_1089 : f32
    %sub3A_1117 = arith.subf %get3A_1098, %get3A_1092 : f32
    %mul3A_1118 = arith.mulf %sub3A_1116, %sub3A_1117 : f32
    %add3A_1119 = vector.broadcast %mul3A_1118 : f32 to vector<160x128xf32>
    %add3A_1120 = arith.addf %mul3A, %add3A_1119 : vector<160x128xf32>
    %sub3A_1121 = arith.subf %add3A_1120, %mul3A_1115 : vector<160x128xf32>
    %div3A_1122 = arith.divf %mul3A_1115, %sub3A_1121 : vector<160x128xf32>
    %gt3A_1123 = arith.cmpf ogt, %div3A_1122, %select_n3A_1078 : vector<160x128xf32>
    %select_n3A_1124 = arith.select %gt3A_1123, %div3A_1122, %select_n3A_1078 : vector<160x128xi1>, vector<160x128xf32>
    %broadcast_in_dim3A_1125 = vector.broadcast %get3A_1089 : f32 to vector<160x128xf32>
    %select_n3A_1126 = arith.select %gt3A_1123, %broadcast_in_dim3A_1125, %select_n3A_1080 : vector<160x128xi1>, vector<160x128xf32>
    %broadcast_in_dim3A_1127 = vector.broadcast %get3A_1092 : f32 to vector<160x128xf32>
    %select_n3A_1128 = arith.select %gt3A_1123, %broadcast_in_dim3A_1127, %select_n3A_1082 : vector<160x128xi1>, vector<160x128xf32>
    %broadcast_in_dim3A_1129 = vector.broadcast %get3A_1095 : f32 to vector<160x128xf32>
    %select_n3A_1130 = arith.select %gt3A_1123, %broadcast_in_dim3A_1129, %select_n3A_1084 : vector<160x128xi1>, vector<160x128xf32>
    %broadcast_in_dim3A_1131 = vector.broadcast %get3A_1098 : f32 to vector<160x128xf32>
    %select_n3A_1132 = arith.select %gt3A_1123, %broadcast_in_dim3A_1131, %select_n3A_1086 : vector<160x128xi1>, vector<160x128xf32>
    %get3A_1133 = arith.constant 24 : index
    %get3A_1134 = arith.constant 0 : index
    %get3A_1135 = memref.load %arg0[%get3A_1133, %get3A_1134] : memref<32x4xf32, #tpu.memory_space<smem>>
    %get3A_1136 = arith.constant 24 : index
    %get3A_1137 = arith.constant 1 : index
    %get3A_1138 = memref.load %arg0[%get3A_1136, %get3A_1137] : memref<32x4xf32, #tpu.memory_space<smem>>
    %get3A_1139 = arith.constant 24 : index
    %get3A_1140 = arith.constant 2 : index
    %get3A_1141 = memref.load %arg0[%get3A_1139, %get3A_1140] : memref<32x4xf32, #tpu.memory_space<smem>>
    %get3A_1142 = arith.constant 24 : index
    %get3A_1143 = arith.constant 3 : index
    %get3A_1144 = memref.load %arg0[%get3A_1142, %get3A_1143] : memref<32x4xf32, #tpu.memory_space<smem>>
    %min3A_1145 = vector.broadcast %get3A_1141 : f32 to vector<160x128xf32>
    %min3A_1146 = arith.minimumf %get3A_13, %min3A_1145 : vector<160x128xf32>
    %max3A_1147 = vector.broadcast %get3A_1135 : f32 to vector<160x128xf32>
    %max3A_1148 = arith.maximumf %get3A_3, %max3A_1147 : vector<160x128xf32>
    %sub3A_1149 = arith.subf %min3A_1146, %max3A_1148 : vector<160x128xf32>
    %max3A_1150 = arith.constant 0.000000e+00 : f32
    %max3A_1151 = vector.broadcast %max3A_1150 : f32 to vector<160x128xf32>
    %max3A_1152 = arith.maximumf %sub3A_1149, %max3A_1151 : vector<160x128xf32>
    %min3A_1153 = vector.broadcast %get3A_1144 : f32 to vector<160x128xf32>
    %min3A_1154 = arith.minimumf %get3A_18, %min3A_1153 : vector<160x128xf32>
    %max3A_1155 = vector.broadcast %get3A_1138 : f32 to vector<160x128xf32>
    %max3A_1156 = arith.maximumf %get3A_8, %max3A_1155 : vector<160x128xf32>
    %sub3A_1157 = arith.subf %min3A_1154, %max3A_1156 : vector<160x128xf32>
    %max3A_1158 = arith.constant 0.000000e+00 : f32
    %max3A_1159 = vector.broadcast %max3A_1158 : f32 to vector<160x128xf32>
    %max3A_1160 = arith.maximumf %sub3A_1157, %max3A_1159 : vector<160x128xf32>
    %mul3A_1161 = arith.mulf %max3A_1152, %max3A_1160 : vector<160x128xf32>
    %sub3A_1162 = arith.subf %get3A_1141, %get3A_1135 : f32
    %sub3A_1163 = arith.subf %get3A_1144, %get3A_1138 : f32
    %mul3A_1164 = arith.mulf %sub3A_1162, %sub3A_1163 : f32
    %add3A_1165 = vector.broadcast %mul3A_1164 : f32 to vector<160x128xf32>
    %add3A_1166 = arith.addf %mul3A, %add3A_1165 : vector<160x128xf32>
    %sub3A_1167 = arith.subf %add3A_1166, %mul3A_1161 : vector<160x128xf32>
    %div3A_1168 = arith.divf %mul3A_1161, %sub3A_1167 : vector<160x128xf32>
    %gt3A_1169 = arith.cmpf ogt, %div3A_1168, %select_n3A_1124 : vector<160x128xf32>
    %select_n3A_1170 = arith.select %gt3A_1169, %div3A_1168, %select_n3A_1124 : vector<160x128xi1>, vector<160x128xf32>
    %broadcast_in_dim3A_1171 = vector.broadcast %get3A_1135 : f32 to vector<160x128xf32>
    %select_n3A_1172 = arith.select %gt3A_1169, %broadcast_in_dim3A_1171, %select_n3A_1126 : vector<160x128xi1>, vector<160x128xf32>
    %broadcast_in_dim3A_1173 = vector.broadcast %get3A_1138 : f32 to vector<160x128xf32>
    %select_n3A_1174 = arith.select %gt3A_1169, %broadcast_in_dim3A_1173, %select_n3A_1128 : vector<160x128xi1>, vector<160x128xf32>
    %broadcast_in_dim3A_1175 = vector.broadcast %get3A_1141 : f32 to vector<160x128xf32>
    %select_n3A_1176 = arith.select %gt3A_1169, %broadcast_in_dim3A_1175, %select_n3A_1130 : vector<160x128xi1>, vector<160x128xf32>
    %broadcast_in_dim3A_1177 = vector.broadcast %get3A_1144 : f32 to vector<160x128xf32>
    %select_n3A_1178 = arith.select %gt3A_1169, %broadcast_in_dim3A_1177, %select_n3A_1132 : vector<160x128xi1>, vector<160x128xf32>
    %get3A_1179 = arith.constant 25 : index
    %get3A_1180 = arith.constant 0 : index
    %get3A_1181 = memref.load %arg0[%get3A_1179, %get3A_1180] : memref<32x4xf32, #tpu.memory_space<smem>>
    %get3A_1182 = arith.constant 25 : index
    %get3A_1183 = arith.constant 1 : index
    %get3A_1184 = memref.load %arg0[%get3A_1182, %get3A_1183] : memref<32x4xf32, #tpu.memory_space<smem>>
    %get3A_1185 = arith.constant 25 : index
    %get3A_1186 = arith.constant 2 : index
    %get3A_1187 = memref.load %arg0[%get3A_1185, %get3A_1186] : memref<32x4xf32, #tpu.memory_space<smem>>
    %get3A_1188 = arith.constant 25 : index
    %get3A_1189 = arith.constant 3 : index
    %get3A_1190 = memref.load %arg0[%get3A_1188, %get3A_1189] : memref<32x4xf32, #tpu.memory_space<smem>>
    %min3A_1191 = vector.broadcast %get3A_1187 : f32 to vector<160x128xf32>
    %min3A_1192 = arith.minimumf %get3A_13, %min3A_1191 : vector<160x128xf32>
    %max3A_1193 = vector.broadcast %get3A_1181 : f32 to vector<160x128xf32>
    %max3A_1194 = arith.maximumf %get3A_3, %max3A_1193 : vector<160x128xf32>
    %sub3A_1195 = arith.subf %min3A_1192, %max3A_1194 : vector<160x128xf32>
    %max3A_1196 = arith.constant 0.000000e+00 : f32
    %max3A_1197 = vector.broadcast %max3A_1196 : f32 to vector<160x128xf32>
    %max3A_1198 = arith.maximumf %sub3A_1195, %max3A_1197 : vector<160x128xf32>
    %min3A_1199 = vector.broadcast %get3A_1190 : f32 to vector<160x128xf32>
    %min3A_1200 = arith.minimumf %get3A_18, %min3A_1199 : vector<160x128xf32>
    %max3A_1201 = vector.broadcast %get3A_1184 : f32 to vector<160x128xf32>
    %max3A_1202 = arith.maximumf %get3A_8, %max3A_1201 : vector<160x128xf32>
    %sub3A_1203 = arith.subf %min3A_1200, %max3A_1202 : vector<160x128xf32>
    %max3A_1204 = arith.constant 0.000000e+00 : f32
    %max3A_1205 = vector.broadcast %max3A_1204 : f32 to vector<160x128xf32>
    %max3A_1206 = arith.maximumf %sub3A_1203, %max3A_1205 : vector<160x128xf32>
    %mul3A_1207 = arith.mulf %max3A_1198, %max3A_1206 : vector<160x128xf32>
    %sub3A_1208 = arith.subf %get3A_1187, %get3A_1181 : f32
    %sub3A_1209 = arith.subf %get3A_1190, %get3A_1184 : f32
    %mul3A_1210 = arith.mulf %sub3A_1208, %sub3A_1209 : f32
    %add3A_1211 = vector.broadcast %mul3A_1210 : f32 to vector<160x128xf32>
    %add3A_1212 = arith.addf %mul3A, %add3A_1211 : vector<160x128xf32>
    %sub3A_1213 = arith.subf %add3A_1212, %mul3A_1207 : vector<160x128xf32>
    %div3A_1214 = arith.divf %mul3A_1207, %sub3A_1213 : vector<160x128xf32>
    %gt3A_1215 = arith.cmpf ogt, %div3A_1214, %select_n3A_1170 : vector<160x128xf32>
    %select_n3A_1216 = arith.select %gt3A_1215, %div3A_1214, %select_n3A_1170 : vector<160x128xi1>, vector<160x128xf32>
    %broadcast_in_dim3A_1217 = vector.broadcast %get3A_1181 : f32 to vector<160x128xf32>
    %select_n3A_1218 = arith.select %gt3A_1215, %broadcast_in_dim3A_1217, %select_n3A_1172 : vector<160x128xi1>, vector<160x128xf32>
    %broadcast_in_dim3A_1219 = vector.broadcast %get3A_1184 : f32 to vector<160x128xf32>
    %select_n3A_1220 = arith.select %gt3A_1215, %broadcast_in_dim3A_1219, %select_n3A_1174 : vector<160x128xi1>, vector<160x128xf32>
    %broadcast_in_dim3A_1221 = vector.broadcast %get3A_1187 : f32 to vector<160x128xf32>
    %select_n3A_1222 = arith.select %gt3A_1215, %broadcast_in_dim3A_1221, %select_n3A_1176 : vector<160x128xi1>, vector<160x128xf32>
    %broadcast_in_dim3A_1223 = vector.broadcast %get3A_1190 : f32 to vector<160x128xf32>
    %select_n3A_1224 = arith.select %gt3A_1215, %broadcast_in_dim3A_1223, %select_n3A_1178 : vector<160x128xi1>, vector<160x128xf32>
    %get3A_1225 = arith.constant 26 : index
    %get3A_1226 = arith.constant 0 : index
    %get3A_1227 = memref.load %arg0[%get3A_1225, %get3A_1226] : memref<32x4xf32, #tpu.memory_space<smem>>
    %get3A_1228 = arith.constant 26 : index
    %get3A_1229 = arith.constant 1 : index
    %get3A_1230 = memref.load %arg0[%get3A_1228, %get3A_1229] : memref<32x4xf32, #tpu.memory_space<smem>>
    %get3A_1231 = arith.constant 26 : index
    %get3A_1232 = arith.constant 2 : index
    %get3A_1233 = memref.load %arg0[%get3A_1231, %get3A_1232] : memref<32x4xf32, #tpu.memory_space<smem>>
    %get3A_1234 = arith.constant 26 : index
    %get3A_1235 = arith.constant 3 : index
    %get3A_1236 = memref.load %arg0[%get3A_1234, %get3A_1235] : memref<32x4xf32, #tpu.memory_space<smem>>
    %min3A_1237 = vector.broadcast %get3A_1233 : f32 to vector<160x128xf32>
    %min3A_1238 = arith.minimumf %get3A_13, %min3A_1237 : vector<160x128xf32>
    %max3A_1239 = vector.broadcast %get3A_1227 : f32 to vector<160x128xf32>
    %max3A_1240 = arith.maximumf %get3A_3, %max3A_1239 : vector<160x128xf32>
    %sub3A_1241 = arith.subf %min3A_1238, %max3A_1240 : vector<160x128xf32>
    %max3A_1242 = arith.constant 0.000000e+00 : f32
    %max3A_1243 = vector.broadcast %max3A_1242 : f32 to vector<160x128xf32>
    %max3A_1244 = arith.maximumf %sub3A_1241, %max3A_1243 : vector<160x128xf32>
    %min3A_1245 = vector.broadcast %get3A_1236 : f32 to vector<160x128xf32>
    %min3A_1246 = arith.minimumf %get3A_18, %min3A_1245 : vector<160x128xf32>
    %max3A_1247 = vector.broadcast %get3A_1230 : f32 to vector<160x128xf32>
    %max3A_1248 = arith.maximumf %get3A_8, %max3A_1247 : vector<160x128xf32>
    %sub3A_1249 = arith.subf %min3A_1246, %max3A_1248 : vector<160x128xf32>
    %max3A_1250 = arith.constant 0.000000e+00 : f32
    %max3A_1251 = vector.broadcast %max3A_1250 : f32 to vector<160x128xf32>
    %max3A_1252 = arith.maximumf %sub3A_1249, %max3A_1251 : vector<160x128xf32>
    %mul3A_1253 = arith.mulf %max3A_1244, %max3A_1252 : vector<160x128xf32>
    %sub3A_1254 = arith.subf %get3A_1233, %get3A_1227 : f32
    %sub3A_1255 = arith.subf %get3A_1236, %get3A_1230 : f32
    %mul3A_1256 = arith.mulf %sub3A_1254, %sub3A_1255 : f32
    %add3A_1257 = vector.broadcast %mul3A_1256 : f32 to vector<160x128xf32>
    %add3A_1258 = arith.addf %mul3A, %add3A_1257 : vector<160x128xf32>
    %sub3A_1259 = arith.subf %add3A_1258, %mul3A_1253 : vector<160x128xf32>
    %div3A_1260 = arith.divf %mul3A_1253, %sub3A_1259 : vector<160x128xf32>
    %gt3A_1261 = arith.cmpf ogt, %div3A_1260, %select_n3A_1216 : vector<160x128xf32>
    %select_n3A_1262 = arith.select %gt3A_1261, %div3A_1260, %select_n3A_1216 : vector<160x128xi1>, vector<160x128xf32>
    %broadcast_in_dim3A_1263 = vector.broadcast %get3A_1227 : f32 to vector<160x128xf32>
    %select_n3A_1264 = arith.select %gt3A_1261, %broadcast_in_dim3A_1263, %select_n3A_1218 : vector<160x128xi1>, vector<160x128xf32>
    %broadcast_in_dim3A_1265 = vector.broadcast %get3A_1230 : f32 to vector<160x128xf32>
    %select_n3A_1266 = arith.select %gt3A_1261, %broadcast_in_dim3A_1265, %select_n3A_1220 : vector<160x128xi1>, vector<160x128xf32>
    %broadcast_in_dim3A_1267 = vector.broadcast %get3A_1233 : f32 to vector<160x128xf32>
    %select_n3A_1268 = arith.select %gt3A_1261, %broadcast_in_dim3A_1267, %select_n3A_1222 : vector<160x128xi1>, vector<160x128xf32>
    %broadcast_in_dim3A_1269 = vector.broadcast %get3A_1236 : f32 to vector<160x128xf32>
    %select_n3A_1270 = arith.select %gt3A_1261, %broadcast_in_dim3A_1269, %select_n3A_1224 : vector<160x128xi1>, vector<160x128xf32>
    %get3A_1271 = arith.constant 27 : index
    %get3A_1272 = arith.constant 0 : index
    %get3A_1273 = memref.load %arg0[%get3A_1271, %get3A_1272] : memref<32x4xf32, #tpu.memory_space<smem>>
    %get3A_1274 = arith.constant 27 : index
    %get3A_1275 = arith.constant 1 : index
    %get3A_1276 = memref.load %arg0[%get3A_1274, %get3A_1275] : memref<32x4xf32, #tpu.memory_space<smem>>
    %get3A_1277 = arith.constant 27 : index
    %get3A_1278 = arith.constant 2 : index
    %get3A_1279 = memref.load %arg0[%get3A_1277, %get3A_1278] : memref<32x4xf32, #tpu.memory_space<smem>>
    %get3A_1280 = arith.constant 27 : index
    %get3A_1281 = arith.constant 3 : index
    %get3A_1282 = memref.load %arg0[%get3A_1280, %get3A_1281] : memref<32x4xf32, #tpu.memory_space<smem>>
    %min3A_1283 = vector.broadcast %get3A_1279 : f32 to vector<160x128xf32>
    %min3A_1284 = arith.minimumf %get3A_13, %min3A_1283 : vector<160x128xf32>
    %max3A_1285 = vector.broadcast %get3A_1273 : f32 to vector<160x128xf32>
    %max3A_1286 = arith.maximumf %get3A_3, %max3A_1285 : vector<160x128xf32>
    %sub3A_1287 = arith.subf %min3A_1284, %max3A_1286 : vector<160x128xf32>
    %max3A_1288 = arith.constant 0.000000e+00 : f32
    %max3A_1289 = vector.broadcast %max3A_1288 : f32 to vector<160x128xf32>
    %max3A_1290 = arith.maximumf %sub3A_1287, %max3A_1289 : vector<160x128xf32>
    %min3A_1291 = vector.broadcast %get3A_1282 : f32 to vector<160x128xf32>
    %min3A_1292 = arith.minimumf %get3A_18, %min3A_1291 : vector<160x128xf32>
    %max3A_1293 = vector.broadcast %get3A_1276 : f32 to vector<160x128xf32>
    %max3A_1294 = arith.maximumf %get3A_8, %max3A_1293 : vector<160x128xf32>
    %sub3A_1295 = arith.subf %min3A_1292, %max3A_1294 : vector<160x128xf32>
    %max3A_1296 = arith.constant 0.000000e+00 : f32
    %max3A_1297 = vector.broadcast %max3A_1296 : f32 to vector<160x128xf32>
    %max3A_1298 = arith.maximumf %sub3A_1295, %max3A_1297 : vector<160x128xf32>
    %mul3A_1299 = arith.mulf %max3A_1290, %max3A_1298 : vector<160x128xf32>
    %sub3A_1300 = arith.subf %get3A_1279, %get3A_1273 : f32
    %sub3A_1301 = arith.subf %get3A_1282, %get3A_1276 : f32
    %mul3A_1302 = arith.mulf %sub3A_1300, %sub3A_1301 : f32
    %add3A_1303 = vector.broadcast %mul3A_1302 : f32 to vector<160x128xf32>
    %add3A_1304 = arith.addf %mul3A, %add3A_1303 : vector<160x128xf32>
    %sub3A_1305 = arith.subf %add3A_1304, %mul3A_1299 : vector<160x128xf32>
    %div3A_1306 = arith.divf %mul3A_1299, %sub3A_1305 : vector<160x128xf32>
    %gt3A_1307 = arith.cmpf ogt, %div3A_1306, %select_n3A_1262 : vector<160x128xf32>
    %select_n3A_1308 = arith.select %gt3A_1307, %div3A_1306, %select_n3A_1262 : vector<160x128xi1>, vector<160x128xf32>
    %broadcast_in_dim3A_1309 = vector.broadcast %get3A_1273 : f32 to vector<160x128xf32>
    %select_n3A_1310 = arith.select %gt3A_1307, %broadcast_in_dim3A_1309, %select_n3A_1264 : vector<160x128xi1>, vector<160x128xf32>
    %broadcast_in_dim3A_1311 = vector.broadcast %get3A_1276 : f32 to vector<160x128xf32>
    %select_n3A_1312 = arith.select %gt3A_1307, %broadcast_in_dim3A_1311, %select_n3A_1266 : vector<160x128xi1>, vector<160x128xf32>
    %broadcast_in_dim3A_1313 = vector.broadcast %get3A_1279 : f32 to vector<160x128xf32>
    %select_n3A_1314 = arith.select %gt3A_1307, %broadcast_in_dim3A_1313, %select_n3A_1268 : vector<160x128xi1>, vector<160x128xf32>
    %broadcast_in_dim3A_1315 = vector.broadcast %get3A_1282 : f32 to vector<160x128xf32>
    %select_n3A_1316 = arith.select %gt3A_1307, %broadcast_in_dim3A_1315, %select_n3A_1270 : vector<160x128xi1>, vector<160x128xf32>
    %get3A_1317 = arith.constant 28 : index
    %get3A_1318 = arith.constant 0 : index
    %get3A_1319 = memref.load %arg0[%get3A_1317, %get3A_1318] : memref<32x4xf32, #tpu.memory_space<smem>>
    %get3A_1320 = arith.constant 28 : index
    %get3A_1321 = arith.constant 1 : index
    %get3A_1322 = memref.load %arg0[%get3A_1320, %get3A_1321] : memref<32x4xf32, #tpu.memory_space<smem>>
    %get3A_1323 = arith.constant 28 : index
    %get3A_1324 = arith.constant 2 : index
    %get3A_1325 = memref.load %arg0[%get3A_1323, %get3A_1324] : memref<32x4xf32, #tpu.memory_space<smem>>
    %get3A_1326 = arith.constant 28 : index
    %get3A_1327 = arith.constant 3 : index
    %get3A_1328 = memref.load %arg0[%get3A_1326, %get3A_1327] : memref<32x4xf32, #tpu.memory_space<smem>>
    %min3A_1329 = vector.broadcast %get3A_1325 : f32 to vector<160x128xf32>
    %min3A_1330 = arith.minimumf %get3A_13, %min3A_1329 : vector<160x128xf32>
    %max3A_1331 = vector.broadcast %get3A_1319 : f32 to vector<160x128xf32>
    %max3A_1332 = arith.maximumf %get3A_3, %max3A_1331 : vector<160x128xf32>
    %sub3A_1333 = arith.subf %min3A_1330, %max3A_1332 : vector<160x128xf32>
    %max3A_1334 = arith.constant 0.000000e+00 : f32
    %max3A_1335 = vector.broadcast %max3A_1334 : f32 to vector<160x128xf32>
    %max3A_1336 = arith.maximumf %sub3A_1333, %max3A_1335 : vector<160x128xf32>
    %min3A_1337 = vector.broadcast %get3A_1328 : f32 to vector<160x128xf32>
    %min3A_1338 = arith.minimumf %get3A_18, %min3A_1337 : vector<160x128xf32>
    %max3A_1339 = vector.broadcast %get3A_1322 : f32 to vector<160x128xf32>
    %max3A_1340 = arith.maximumf %get3A_8, %max3A_1339 : vector<160x128xf32>
    %sub3A_1341 = arith.subf %min3A_1338, %max3A_1340 : vector<160x128xf32>
    %max3A_1342 = arith.constant 0.000000e+00 : f32
    %max3A_1343 = vector.broadcast %max3A_1342 : f32 to vector<160x128xf32>
    %max3A_1344 = arith.maximumf %sub3A_1341, %max3A_1343 : vector<160x128xf32>
    %mul3A_1345 = arith.mulf %max3A_1336, %max3A_1344 : vector<160x128xf32>
    %sub3A_1346 = arith.subf %get3A_1325, %get3A_1319 : f32
    %sub3A_1347 = arith.subf %get3A_1328, %get3A_1322 : f32
    %mul3A_1348 = arith.mulf %sub3A_1346, %sub3A_1347 : f32
    %add3A_1349 = vector.broadcast %mul3A_1348 : f32 to vector<160x128xf32>
    %add3A_1350 = arith.addf %mul3A, %add3A_1349 : vector<160x128xf32>
    %sub3A_1351 = arith.subf %add3A_1350, %mul3A_1345 : vector<160x128xf32>
    %div3A_1352 = arith.divf %mul3A_1345, %sub3A_1351 : vector<160x128xf32>
    %gt3A_1353 = arith.cmpf ogt, %div3A_1352, %select_n3A_1308 : vector<160x128xf32>
    %select_n3A_1354 = arith.select %gt3A_1353, %div3A_1352, %select_n3A_1308 : vector<160x128xi1>, vector<160x128xf32>
    %broadcast_in_dim3A_1355 = vector.broadcast %get3A_1319 : f32 to vector<160x128xf32>
    %select_n3A_1356 = arith.select %gt3A_1353, %broadcast_in_dim3A_1355, %select_n3A_1310 : vector<160x128xi1>, vector<160x128xf32>
    %broadcast_in_dim3A_1357 = vector.broadcast %get3A_1322 : f32 to vector<160x128xf32>
    %select_n3A_1358 = arith.select %gt3A_1353, %broadcast_in_dim3A_1357, %select_n3A_1312 : vector<160x128xi1>, vector<160x128xf32>
    %broadcast_in_dim3A_1359 = vector.broadcast %get3A_1325 : f32 to vector<160x128xf32>
    %select_n3A_1360 = arith.select %gt3A_1353, %broadcast_in_dim3A_1359, %select_n3A_1314 : vector<160x128xi1>, vector<160x128xf32>
    %broadcast_in_dim3A_1361 = vector.broadcast %get3A_1328 : f32 to vector<160x128xf32>
    %select_n3A_1362 = arith.select %gt3A_1353, %broadcast_in_dim3A_1361, %select_n3A_1316 : vector<160x128xi1>, vector<160x128xf32>
    %get3A_1363 = arith.constant 29 : index
    %get3A_1364 = arith.constant 0 : index
    %get3A_1365 = memref.load %arg0[%get3A_1363, %get3A_1364] : memref<32x4xf32, #tpu.memory_space<smem>>
    %get3A_1366 = arith.constant 29 : index
    %get3A_1367 = arith.constant 1 : index
    %get3A_1368 = memref.load %arg0[%get3A_1366, %get3A_1367] : memref<32x4xf32, #tpu.memory_space<smem>>
    %get3A_1369 = arith.constant 29 : index
    %get3A_1370 = arith.constant 2 : index
    %get3A_1371 = memref.load %arg0[%get3A_1369, %get3A_1370] : memref<32x4xf32, #tpu.memory_space<smem>>
    %get3A_1372 = arith.constant 29 : index
    %get3A_1373 = arith.constant 3 : index
    %get3A_1374 = memref.load %arg0[%get3A_1372, %get3A_1373] : memref<32x4xf32, #tpu.memory_space<smem>>
    %min3A_1375 = vector.broadcast %get3A_1371 : f32 to vector<160x128xf32>
    %min3A_1376 = arith.minimumf %get3A_13, %min3A_1375 : vector<160x128xf32>
    %max3A_1377 = vector.broadcast %get3A_1365 : f32 to vector<160x128xf32>
    %max3A_1378 = arith.maximumf %get3A_3, %max3A_1377 : vector<160x128xf32>
    %sub3A_1379 = arith.subf %min3A_1376, %max3A_1378 : vector<160x128xf32>
    %max3A_1380 = arith.constant 0.000000e+00 : f32
    %max3A_1381 = vector.broadcast %max3A_1380 : f32 to vector<160x128xf32>
    %max3A_1382 = arith.maximumf %sub3A_1379, %max3A_1381 : vector<160x128xf32>
    %min3A_1383 = vector.broadcast %get3A_1374 : f32 to vector<160x128xf32>
    %min3A_1384 = arith.minimumf %get3A_18, %min3A_1383 : vector<160x128xf32>
    %max3A_1385 = vector.broadcast %get3A_1368 : f32 to vector<160x128xf32>
    %max3A_1386 = arith.maximumf %get3A_8, %max3A_1385 : vector<160x128xf32>
    %sub3A_1387 = arith.subf %min3A_1384, %max3A_1386 : vector<160x128xf32>
    %max3A_1388 = arith.constant 0.000000e+00 : f32
    %max3A_1389 = vector.broadcast %max3A_1388 : f32 to vector<160x128xf32>
    %max3A_1390 = arith.maximumf %sub3A_1387, %max3A_1389 : vector<160x128xf32>
    %mul3A_1391 = arith.mulf %max3A_1382, %max3A_1390 : vector<160x128xf32>
    %sub3A_1392 = arith.subf %get3A_1371, %get3A_1365 : f32
    %sub3A_1393 = arith.subf %get3A_1374, %get3A_1368 : f32
    %mul3A_1394 = arith.mulf %sub3A_1392, %sub3A_1393 : f32
    %add3A_1395 = vector.broadcast %mul3A_1394 : f32 to vector<160x128xf32>
    %add3A_1396 = arith.addf %mul3A, %add3A_1395 : vector<160x128xf32>
    %sub3A_1397 = arith.subf %add3A_1396, %mul3A_1391 : vector<160x128xf32>
    %div3A_1398 = arith.divf %mul3A_1391, %sub3A_1397 : vector<160x128xf32>
    %gt3A_1399 = arith.cmpf ogt, %div3A_1398, %select_n3A_1354 : vector<160x128xf32>
    %select_n3A_1400 = arith.select %gt3A_1399, %div3A_1398, %select_n3A_1354 : vector<160x128xi1>, vector<160x128xf32>
    %broadcast_in_dim3A_1401 = vector.broadcast %get3A_1365 : f32 to vector<160x128xf32>
    %select_n3A_1402 = arith.select %gt3A_1399, %broadcast_in_dim3A_1401, %select_n3A_1356 : vector<160x128xi1>, vector<160x128xf32>
    %broadcast_in_dim3A_1403 = vector.broadcast %get3A_1368 : f32 to vector<160x128xf32>
    %select_n3A_1404 = arith.select %gt3A_1399, %broadcast_in_dim3A_1403, %select_n3A_1358 : vector<160x128xi1>, vector<160x128xf32>
    %broadcast_in_dim3A_1405 = vector.broadcast %get3A_1371 : f32 to vector<160x128xf32>
    %select_n3A_1406 = arith.select %gt3A_1399, %broadcast_in_dim3A_1405, %select_n3A_1360 : vector<160x128xi1>, vector<160x128xf32>
    %broadcast_in_dim3A_1407 = vector.broadcast %get3A_1374 : f32 to vector<160x128xf32>
    %select_n3A_1408 = arith.select %gt3A_1399, %broadcast_in_dim3A_1407, %select_n3A_1362 : vector<160x128xi1>, vector<160x128xf32>
    %get3A_1409 = arith.constant 30 : index
    %get3A_1410 = arith.constant 0 : index
    %get3A_1411 = memref.load %arg0[%get3A_1409, %get3A_1410] : memref<32x4xf32, #tpu.memory_space<smem>>
    %get3A_1412 = arith.constant 30 : index
    %get3A_1413 = arith.constant 1 : index
    %get3A_1414 = memref.load %arg0[%get3A_1412, %get3A_1413] : memref<32x4xf32, #tpu.memory_space<smem>>
    %get3A_1415 = arith.constant 30 : index
    %get3A_1416 = arith.constant 2 : index
    %get3A_1417 = memref.load %arg0[%get3A_1415, %get3A_1416] : memref<32x4xf32, #tpu.memory_space<smem>>
    %get3A_1418 = arith.constant 30 : index
    %get3A_1419 = arith.constant 3 : index
    %get3A_1420 = memref.load %arg0[%get3A_1418, %get3A_1419] : memref<32x4xf32, #tpu.memory_space<smem>>
    %min3A_1421 = vector.broadcast %get3A_1417 : f32 to vector<160x128xf32>
    %min3A_1422 = arith.minimumf %get3A_13, %min3A_1421 : vector<160x128xf32>
    %max3A_1423 = vector.broadcast %get3A_1411 : f32 to vector<160x128xf32>
    %max3A_1424 = arith.maximumf %get3A_3, %max3A_1423 : vector<160x128xf32>
    %sub3A_1425 = arith.subf %min3A_1422, %max3A_1424 : vector<160x128xf32>
    %max3A_1426 = arith.constant 0.000000e+00 : f32
    %max3A_1427 = vector.broadcast %max3A_1426 : f32 to vector<160x128xf32>
    %max3A_1428 = arith.maximumf %sub3A_1425, %max3A_1427 : vector<160x128xf32>
    %min3A_1429 = vector.broadcast %get3A_1420 : f32 to vector<160x128xf32>
    %min3A_1430 = arith.minimumf %get3A_18, %min3A_1429 : vector<160x128xf32>
    %max3A_1431 = vector.broadcast %get3A_1414 : f32 to vector<160x128xf32>
    %max3A_1432 = arith.maximumf %get3A_8, %max3A_1431 : vector<160x128xf32>
    %sub3A_1433 = arith.subf %min3A_1430, %max3A_1432 : vector<160x128xf32>
    %max3A_1434 = arith.constant 0.000000e+00 : f32
    %max3A_1435 = vector.broadcast %max3A_1434 : f32 to vector<160x128xf32>
    %max3A_1436 = arith.maximumf %sub3A_1433, %max3A_1435 : vector<160x128xf32>
    %mul3A_1437 = arith.mulf %max3A_1428, %max3A_1436 : vector<160x128xf32>
    %sub3A_1438 = arith.subf %get3A_1417, %get3A_1411 : f32
    %sub3A_1439 = arith.subf %get3A_1420, %get3A_1414 : f32
    %mul3A_1440 = arith.mulf %sub3A_1438, %sub3A_1439 : f32
    %add3A_1441 = vector.broadcast %mul3A_1440 : f32 to vector<160x128xf32>
    %add3A_1442 = arith.addf %mul3A, %add3A_1441 : vector<160x128xf32>
    %sub3A_1443 = arith.subf %add3A_1442, %mul3A_1437 : vector<160x128xf32>
    %div3A_1444 = arith.divf %mul3A_1437, %sub3A_1443 : vector<160x128xf32>
    %gt3A_1445 = arith.cmpf ogt, %div3A_1444, %select_n3A_1400 : vector<160x128xf32>
    %select_n3A_1446 = arith.select %gt3A_1445, %div3A_1444, %select_n3A_1400 : vector<160x128xi1>, vector<160x128xf32>
    %broadcast_in_dim3A_1447 = vector.broadcast %get3A_1411 : f32 to vector<160x128xf32>
    %select_n3A_1448 = arith.select %gt3A_1445, %broadcast_in_dim3A_1447, %select_n3A_1402 : vector<160x128xi1>, vector<160x128xf32>
    %broadcast_in_dim3A_1449 = vector.broadcast %get3A_1414 : f32 to vector<160x128xf32>
    %select_n3A_1450 = arith.select %gt3A_1445, %broadcast_in_dim3A_1449, %select_n3A_1404 : vector<160x128xi1>, vector<160x128xf32>
    %broadcast_in_dim3A_1451 = vector.broadcast %get3A_1417 : f32 to vector<160x128xf32>
    %select_n3A_1452 = arith.select %gt3A_1445, %broadcast_in_dim3A_1451, %select_n3A_1406 : vector<160x128xi1>, vector<160x128xf32>
    %broadcast_in_dim3A_1453 = vector.broadcast %get3A_1420 : f32 to vector<160x128xf32>
    %select_n3A_1454 = arith.select %gt3A_1445, %broadcast_in_dim3A_1453, %select_n3A_1408 : vector<160x128xi1>, vector<160x128xf32>
    %get3A_1455 = arith.constant 31 : index
    %get3A_1456 = arith.constant 0 : index
    %get3A_1457 = memref.load %arg0[%get3A_1455, %get3A_1456] : memref<32x4xf32, #tpu.memory_space<smem>>
    %get3A_1458 = arith.constant 31 : index
    %get3A_1459 = arith.constant 1 : index
    %get3A_1460 = memref.load %arg0[%get3A_1458, %get3A_1459] : memref<32x4xf32, #tpu.memory_space<smem>>
    %get3A_1461 = arith.constant 31 : index
    %get3A_1462 = arith.constant 2 : index
    %get3A_1463 = memref.load %arg0[%get3A_1461, %get3A_1462] : memref<32x4xf32, #tpu.memory_space<smem>>
    %get3A_1464 = arith.constant 31 : index
    %get3A_1465 = arith.constant 3 : index
    %get3A_1466 = memref.load %arg0[%get3A_1464, %get3A_1465] : memref<32x4xf32, #tpu.memory_space<smem>>
    %min3A_1467 = vector.broadcast %get3A_1463 : f32 to vector<160x128xf32>
    %min3A_1468 = arith.minimumf %get3A_13, %min3A_1467 : vector<160x128xf32>
    %max3A_1469 = vector.broadcast %get3A_1457 : f32 to vector<160x128xf32>
    %max3A_1470 = arith.maximumf %get3A_3, %max3A_1469 : vector<160x128xf32>
    %sub3A_1471 = arith.subf %min3A_1468, %max3A_1470 : vector<160x128xf32>
    %max3A_1472 = arith.constant 0.000000e+00 : f32
    %max3A_1473 = vector.broadcast %max3A_1472 : f32 to vector<160x128xf32>
    %max3A_1474 = arith.maximumf %sub3A_1471, %max3A_1473 : vector<160x128xf32>
    %min3A_1475 = vector.broadcast %get3A_1466 : f32 to vector<160x128xf32>
    %min3A_1476 = arith.minimumf %get3A_18, %min3A_1475 : vector<160x128xf32>
    %max3A_1477 = vector.broadcast %get3A_1460 : f32 to vector<160x128xf32>
    %max3A_1478 = arith.maximumf %get3A_8, %max3A_1477 : vector<160x128xf32>
    %sub3A_1479 = arith.subf %min3A_1476, %max3A_1478 : vector<160x128xf32>
    %max3A_1480 = arith.constant 0.000000e+00 : f32
    %max3A_1481 = vector.broadcast %max3A_1480 : f32 to vector<160x128xf32>
    %max3A_1482 = arith.maximumf %sub3A_1479, %max3A_1481 : vector<160x128xf32>
    %mul3A_1483 = arith.mulf %max3A_1474, %max3A_1482 : vector<160x128xf32>
    %sub3A_1484 = arith.subf %get3A_1463, %get3A_1457 : f32
    %sub3A_1485 = arith.subf %get3A_1466, %get3A_1460 : f32
    %mul3A_1486 = arith.mulf %sub3A_1484, %sub3A_1485 : f32
    %add3A_1487 = vector.broadcast %mul3A_1486 : f32 to vector<160x128xf32>
    %add3A_1488 = arith.addf %mul3A, %add3A_1487 : vector<160x128xf32>
    %sub3A_1489 = arith.subf %add3A_1488, %mul3A_1483 : vector<160x128xf32>
    %div3A_1490 = arith.divf %mul3A_1483, %sub3A_1489 : vector<160x128xf32>
    %gt3A_1491 = arith.cmpf ogt, %div3A_1490, %select_n3A_1446 : vector<160x128xf32>
    %broadcast_in_dim3A_1492 = vector.broadcast %get3A_1457 : f32 to vector<160x128xf32>
    %select_n3A_1493 = arith.select %gt3A_1491, %broadcast_in_dim3A_1492, %select_n3A_1448 : vector<160x128xi1>, vector<160x128xf32>
    %broadcast_in_dim3A_1494 = vector.broadcast %get3A_1460 : f32 to vector<160x128xf32>
    %select_n3A_1495 = arith.select %gt3A_1491, %broadcast_in_dim3A_1494, %select_n3A_1450 : vector<160x128xi1>, vector<160x128xf32>
    %broadcast_in_dim3A_1496 = vector.broadcast %get3A_1463 : f32 to vector<160x128xf32>
    %select_n3A_1497 = arith.select %gt3A_1491, %broadcast_in_dim3A_1496, %select_n3A_1452 : vector<160x128xi1>, vector<160x128xf32>
    %broadcast_in_dim3A_1498 = vector.broadcast %get3A_1466 : f32 to vector<160x128xf32>
    %select_n3A_1499 = arith.select %gt3A_1491, %broadcast_in_dim3A_1498, %select_n3A_1454 : vector<160x128xi1>, vector<160x128xf32>
    %sub3A_1500 = arith.subf %get3A_13, %get3A_3 : vector<160x128xf32>
    %sub3A_1501 = arith.subf %get3A_18, %get3A_8 : vector<160x128xf32>
    %convert_element_type3A = arith.extui %and3A_30 : vector<160x128xi1> to vector<160x128xi32>
    %convert_element_type3A_1502 = arith.sitofp %convert_element_type3A : vector<160x128xi32> to vector<160x128xf32>
    %add3A_1503 = arith.addf %select_n3A_1493, %select_n3A_1497 : vector<160x128xf32>
    %div3A_1504 = arith.constant 2.000000e+00 : f32
    %div3A_1505 = vector.broadcast %div3A_1504 : f32 to vector<160x128xf32>
    %div3A_1506 = arith.divf %add3A_1503, %div3A_1505 : vector<160x128xf32>
    %add3A_1507 = arith.addf %get3A_3, %get3A_13 : vector<160x128xf32>
    %div3A_1508 = arith.constant 2.000000e+00 : f32
    %div3A_1509 = vector.broadcast %div3A_1508 : f32 to vector<160x128xf32>
    %div3A_1510 = arith.divf %add3A_1507, %div3A_1509 : vector<160x128xf32>
    %sub3A_1511 = arith.subf %div3A_1506, %div3A_1510 : vector<160x128xf32>
    %div3A_1512 = arith.divf %sub3A_1511, %sub3A_1500 : vector<160x128xf32>
    %jit3A = arith.constant 0.000000e+00 : f32
    %broadcast_in_dim3A_1513 = vector.broadcast %jit3A : f32 to vector<160x128xf32>
    %select_n3A_1514 = arith.select %and3A_30, %div3A_1512, %broadcast_in_dim3A_1513 : vector<160x128xi1>, vector<160x128xf32>
    %swap3A = arith.constant 0 : index
    %swap3A_1515 = arith.constant 0 : index
    %swap3A_1516 = arith.constant 0 : index
    %swap3A_1517 = vector.load %arg2[%swap3A, %swap3A_1515, %swap3A_1516] : memref<4x160x128xf32, #tpu.memory_space<vmem>>, vector<1x160x128xf32>
    %swap3A_1518 = vector.shape_cast %swap3A_1517 : vector<1x160x128xf32> to vector<160x128xf32>
    %swap3A_1519 = vector.shape_cast %select_n3A_1514 : vector<160x128xf32> to vector<1x160x128xf32>
    tpu.vector_store %arg2[%swap3A, %swap3A_1515, %swap3A_1516], %swap3A_1519 {strides = array<i32>} : memref<4x160x128xf32, #tpu.memory_space<vmem>>, vector<1x160x128xf32>,
    %add3A_1520 = arith.addf %select_n3A_1495, %select_n3A_1499 : vector<160x128xf32>
    %div3A_1521 = arith.constant 2.000000e+00 : f32
    %div3A_1522 = vector.broadcast %div3A_1521 : f32 to vector<160x128xf32>
    %div3A_1523 = arith.divf %add3A_1520, %div3A_1522 : vector<160x128xf32>
    %add3A_1524 = arith.addf %get3A_8, %get3A_18 : vector<160x128xf32>
    %div3A_1525 = arith.constant 2.000000e+00 : f32
    %div3A_1526 = vector.broadcast %div3A_1525 : f32 to vector<160x128xf32>
    %div3A_1527 = arith.divf %add3A_1524, %div3A_1526 : vector<160x128xf32>
    %sub3A_1528 = arith.subf %div3A_1523, %div3A_1527 : vector<160x128xf32>
    %div3A_1529 = arith.divf %sub3A_1528, %sub3A_1501 : vector<160x128xf32>
    %jit3A_1530 = arith.constant 0.000000e+00 : f32
    %broadcast_in_dim3A_1531 = vector.broadcast %jit3A_1530 : f32 to vector<160x128xf32>
    %select_n3A_1532 = arith.select %and3A_30, %div3A_1529, %broadcast_in_dim3A_1531 : vector<160x128xi1>, vector<160x128xf32>
    %swap3A_1533 = arith.constant 1 : index
    %swap3A_1534 = arith.constant 0 : index
    %swap3A_1535 = arith.constant 0 : index
    %swap3A_1536 = vector.load %arg2[%swap3A_1533, %swap3A_1534, %swap3A_1535] : memref<4x160x128xf32, #tpu.memory_space<vmem>>, vector<1x160x128xf32>
    %swap3A_1537 = vector.shape_cast %swap3A_1536 : vector<1x160x128xf32> to vector<160x128xf32>
    %swap3A_1538 = vector.shape_cast %select_n3A_1532 : vector<160x128xf32> to vector<1x160x128xf32>
    tpu.vector_store %arg2[%swap3A_1533, %swap3A_1534, %swap3A_1535], %swap3A_1538 {strides = array<i32>} : memref<4x160x128xf32, #tpu.memory_space<vmem>>, vector<1x160x128xf32>,
    %sub3A_1539 = arith.subf %select_n3A_1497, %select_n3A_1493 : vector<160x128xf32>
    %div3A_1540 = arith.divf %sub3A_1539, %sub3A_1500 : vector<160x128xf32>
    %jit3A_1541 = arith.constant 1.000000e+00 : f32
    %broadcast_in_dim3A_1542 = vector.broadcast %jit3A_1541 : f32 to vector<160x128xf32>
    %select_n3A_1543 = arith.select %and3A_30, %div3A_1540, %broadcast_in_dim3A_1542 : vector<160x128xi1>, vector<160x128xf32>
    %log3A = math.log %select_n3A_1543 : vector<160x128xf32>
    %mul3A_1544 = arith.mulf %convert_element_type3A_1502, %log3A : vector<160x128xf32>
    %swap3A_1545 = arith.constant 2 : index
    %swap3A_1546 = arith.constant 0 : index
    %swap3A_1547 = arith.constant 0 : index
    %swap3A_1548 = vector.load %arg2[%swap3A_1545, %swap3A_1546, %swap3A_1547] : memref<4x160x128xf32, #tpu.memory_space<vmem>>, vector<1x160x128xf32>
    %swap3A_1549 = vector.shape_cast %swap3A_1548 : vector<1x160x128xf32> to vector<160x128xf32>
    %swap3A_1550 = vector.shape_cast %mul3A_1544 : vector<160x128xf32> to vector<1x160x128xf32>
    tpu.vector_store %arg2[%swap3A_1545, %swap3A_1546, %swap3A_1547], %swap3A_1550 {strides = array<i32>} : memref<4x160x128xf32, #tpu.memory_space<vmem>>, vector<1x160x128xf32>,
    %sub3A_1551 = arith.subf %select_n3A_1499, %select_n3A_1495 : vector<160x128xf32>
    %div3A_1552 = arith.divf %sub3A_1551, %sub3A_1501 : vector<160x128xf32>
    %jit3A_1553 = arith.constant 1.000000e+00 : f32
    %broadcast_in_dim3A_1554 = vector.broadcast %jit3A_1553 : f32 to vector<160x128xf32>
    %select_n3A_1555 = arith.select %and3A_30, %div3A_1552, %broadcast_in_dim3A_1554 : vector<160x128xi1>, vector<160x128xf32>
    %log3A_1556 = math.log %select_n3A_1555 : vector<160x128xf32>
    %mul3A_1557 = arith.mulf %convert_element_type3A_1502, %log3A_1556 : vector<160x128xf32>
    %swap3A_1558 = arith.constant 3 : index
    %swap3A_1559 = arith.constant 0 : index
    %swap3A_1560 = arith.constant 0 : index
    %swap3A_1561 = vector.load %arg2[%swap3A_1558, %swap3A_1559, %swap3A_1560] : memref<4x160x128xf32, #tpu.memory_space<vmem>>, vector<1x160x128xf32>
    %swap3A_1562 = vector.shape_cast %swap3A_1561 : vector<1x160x128xf32> to vector<160x128xf32>
    %swap3A_1563 = vector.shape_cast %mul3A_1557 : vector<160x128xf32> to vector<1x160x128xf32>
    tpu.vector_store %arg2[%swap3A_1558, %swap3A_1559, %swap3A_1560], %swap3A_1563 {strides = array<i32>} : memref<4x160x128xf32, #tpu.memory_space<vmem>>, vector<1x160x128xf32>,
    return
  }
}

module attributes {stable_mosaic.version = 14 : i64} {
  func.func @_tc_a_body(%arg0: memref<32x4xf32, #tpu.memory_space<smem>>, %arg1: memref<4x160x128xf32, #tpu.memory_space<vmem>>, %arg2: memref<160x128xi32, #tpu.memory_space<vmem>>, %arg3: memref<8x128xi32, #tpu.memory_space<vmem>>) attributes {dimension_semantics = [], scalar_prefetch = 0 : i64, scratch_operands = 0 : i64, tpu.core_type = #tpu.core_type<tc>} {
    %get3A = arith.constant 0 : index
    %get3A_0 = arith.constant 0 : index
    %get3A_1 = arith.constant 0 : index
    %get3A_2 = vector.load %arg1[%get3A, %get3A_0, %get3A_1] : memref<4x160x128xf32, #tpu.memory_space<vmem>>, vector<1x160x128xf32>
    %get3A_3 = vector.shape_cast %get3A_2 : vector<1x160x128xf32> to vector<160x128xf32>
    %get3A_4 = arith.constant 1 : index
    %get3A_5 = arith.constant 0 : index
    %get3A_6 = arith.constant 0 : index
    %get3A_7 = vector.load %arg1[%get3A_4, %get3A_5, %get3A_6] : memref<4x160x128xf32, #tpu.memory_space<vmem>>, vector<1x160x128xf32>
    %get3A_8 = vector.shape_cast %get3A_7 : vector<1x160x128xf32> to vector<160x128xf32>
    %get3A_9 = arith.constant 2 : index
    %get3A_10 = arith.constant 0 : index
    %get3A_11 = arith.constant 0 : index
    %get3A_12 = vector.load %arg1[%get3A_9, %get3A_10, %get3A_11] : memref<4x160x128xf32, #tpu.memory_space<vmem>>, vector<1x160x128xf32>
    %get3A_13 = vector.shape_cast %get3A_12 : vector<1x160x128xf32> to vector<160x128xf32>
    %get3A_14 = arith.constant 3 : index
    %get3A_15 = arith.constant 0 : index
    %get3A_16 = arith.constant 0 : index
    %get3A_17 = vector.load %arg1[%get3A_14, %get3A_15, %get3A_16] : memref<4x160x128xf32, #tpu.memory_space<vmem>>, vector<1x160x128xf32>
    %get3A_18 = vector.shape_cast %get3A_17 : vector<1x160x128xf32> to vector<160x128xf32>
    %ge3A = arith.constant 0.000000e+00 : f32
    %ge3A_19 = vector.broadcast %ge3A : f32 to vector<160x128xf32>
    %ge3A_20 = arith.cmpf oge, %get3A_3, %ge3A_19 : vector<160x128xf32>
    %ge3A_21 = arith.constant 0.000000e+00 : f32
    %ge3A_22 = vector.broadcast %ge3A_21 : f32 to vector<160x128xf32>
    %ge3A_23 = arith.cmpf oge, %get3A_8, %ge3A_22 : vector<160x128xf32>
    %and3A = arith.andi %ge3A_20, %ge3A_23 : vector<160x128xi1>
    %lt3A = arith.constant 1.000000e+00 : f32
    %lt3A_24 = vector.broadcast %lt3A : f32 to vector<160x128xf32>
    %lt3A_25 = arith.cmpf olt, %get3A_13, %lt3A_24 : vector<160x128xf32>
    %and3A_26 = arith.andi %and3A, %lt3A_25 : vector<160x128xi1>
    %lt3A_27 = arith.constant 1.000000e+00 : f32
    %lt3A_28 = vector.broadcast %lt3A_27 : f32 to vector<160x128xf32>
    %lt3A_29 = arith.cmpf olt, %get3A_18, %lt3A_28 : vector<160x128xf32>
    %and3A_30 = arith.andi %and3A_26, %lt3A_29 : vector<160x128xi1>
    %sub3A = arith.subf %get3A_13, %get3A_3 : vector<160x128xf32>
    %sub3A_31 = arith.subf %get3A_18, %get3A_8 : vector<160x128xf32>
    %mul3A = arith.mulf %sub3A, %sub3A_31 : vector<160x128xf32>
    %iota3A = tpu.iota {dimensions = array<i32: 0>} : vector<160x128xi32>
    %mul3A_32 = arith.constant 128 : i32
    %mul3A_33 = vector.broadcast %mul3A_32 : i32 to vector<160x128xi32>
    %mul3A_34 = arith.muli %iota3A, %mul3A_33 : vector<160x128xi32>
    %iota3A_35 = tpu.iota {dimensions = array<i32: 1>} : vector<160x128xi32>
    %add3A = arith.addi %mul3A_34, %iota3A_35 : vector<160x128xi32>
    %broadcast_in_dim3A = arith.constant 0xFF800000 : f32
    %broadcast_in_dim3A_36 = vector.broadcast %broadcast_in_dim3A : f32 to vector<160x128xf32>
    %broadcast_in_dim3A_37 = arith.constant -2.000000e+00 : f32
    %broadcast_in_dim3A_38 = vector.broadcast %broadcast_in_dim3A_37 : f32 to vector<32x128xf32>
    %broadcast_in_dim3A_39 = arith.constant 20480 : i32
    %broadcast_in_dim3A_40 = vector.broadcast %broadcast_in_dim3A_39 : i32 to vector<32x128xi32>
    %iota3A_41 = tpu.iota {dimensions = array<i32: 0>} : vector<32x128xi32>
    %get3A_42 = arith.constant 0 : index
    %get3A_43 = arith.constant 0 : index
    %get3A_44 = memref.load %arg0[%get3A_42, %get3A_43] : memref<32x4xf32, #tpu.memory_space<smem>>
    %get3A_45 = arith.constant 0 : index
    %get3A_46 = arith.constant 1 : index
    %get3A_47 = memref.load %arg0[%get3A_45, %get3A_46] : memref<32x4xf32, #tpu.memory_space<smem>>
    %get3A_48 = arith.constant 0 : index
    %get3A_49 = arith.constant 2 : index
    %get3A_50 = memref.load %arg0[%get3A_48, %get3A_49] : memref<32x4xf32, #tpu.memory_space<smem>>
    %get3A_51 = arith.constant 0 : index
    %get3A_52 = arith.constant 3 : index
    %get3A_53 = memref.load %arg0[%get3A_51, %get3A_52] : memref<32x4xf32, #tpu.memory_space<smem>>
    %min3A = vector.broadcast %get3A_50 : f32 to vector<160x128xf32>
    %min3A_54 = arith.minimumf %get3A_13, %min3A : vector<160x128xf32>
    %max3A = vector.broadcast %get3A_44 : f32 to vector<160x128xf32>
    %max3A_55 = arith.maximumf %get3A_3, %max3A : vector<160x128xf32>
    %sub3A_56 = arith.subf %min3A_54, %max3A_55 : vector<160x128xf32>
    %max3A_57 = arith.constant 0.000000e+00 : f32
    %max3A_58 = vector.broadcast %max3A_57 : f32 to vector<160x128xf32>
    %max3A_59 = arith.maximumf %sub3A_56, %max3A_58 : vector<160x128xf32>
    %min3A_60 = vector.broadcast %get3A_53 : f32 to vector<160x128xf32>
    %min3A_61 = arith.minimumf %get3A_18, %min3A_60 : vector<160x128xf32>
    %max3A_62 = vector.broadcast %get3A_47 : f32 to vector<160x128xf32>
    %max3A_63 = arith.maximumf %get3A_8, %max3A_62 : vector<160x128xf32>
    %sub3A_64 = arith.subf %min3A_61, %max3A_63 : vector<160x128xf32>
    %max3A_65 = arith.constant 0.000000e+00 : f32
    %max3A_66 = vector.broadcast %max3A_65 : f32 to vector<160x128xf32>
    %max3A_67 = arith.maximumf %sub3A_64, %max3A_66 : vector<160x128xf32>
    %mul3A_68 = arith.mulf %max3A_59, %max3A_67 : vector<160x128xf32>
    %sub3A_69 = arith.subf %get3A_50, %get3A_44 : f32
    %sub3A_70 = arith.subf %get3A_53, %get3A_47 : f32
    %mul3A_71 = arith.mulf %sub3A_69, %sub3A_70 : f32
    %add3A_72 = vector.broadcast %mul3A_71 : f32 to vector<160x128xf32>
    %add3A_73 = arith.addf %mul3A, %add3A_72 : vector<160x128xf32>
    %sub3A_74 = arith.subf %add3A_73, %mul3A_68 : vector<160x128xf32>
    %div3A = arith.divf %mul3A_68, %sub3A_74 : vector<160x128xf32>
    %max3A_75 = arith.maximumf %broadcast_in_dim3A_36, %div3A : vector<160x128xf32>
    %jit3A = arith.constant -1.000000e+00 : f32
    %broadcast_in_dim3A_76 = vector.broadcast %jit3A : f32 to vector<160x128xf32>
    %select_n3A = arith.select %and3A_30, %div3A, %broadcast_in_dim3A_76 : vector<160x128xi1>, vector<160x128xf32>
    %reduce_max3A = arith.constant dense<0xFF800000> : vector<128xf32>
    %reduce_max3A_77 = vector.multi_reduction <maximumf>, %select_n3A, %reduce_max3A [0] : vector<160x128xf32> to vector<128xf32>
    %broadcast_in_dim3A_78 = vector.shape_cast %reduce_max3A_77 : vector<128xf32> to vector<1x128xf32>
    %eq3A = vector.broadcast %broadcast_in_dim3A_78 : vector<1x128xf32> to vector<160x128xf32>
    %eq3A_79 = arith.cmpf oeq, %select_n3A, %eq3A : vector<160x128xf32>
    %jit3A_80 = arith.constant 20480 : i32
    %broadcast_in_dim3A_81 = vector.broadcast %jit3A_80 : i32 to vector<160x128xi32>
    %select_n3A_82 = arith.select %eq3A_79, %add3A, %broadcast_in_dim3A_81 : vector<160x128xi1>, vector<160x128xi32>
    %reduce_min3A = arith.constant dense<2147483647> : vector<128xi32>
    %reduce_min3A_83 = vector.multi_reduction <minsi>, %select_n3A_82, %reduce_min3A [0] : vector<160x128xi32> to vector<128xi32>
    %broadcast_in_dim3A_84 = vector.shape_cast %reduce_min3A_83 : vector<128xi32> to vector<1x128xi32>
    %eq3A_85 = arith.constant 0 : i32
    %eq3A_86 = vector.broadcast %eq3A_85 : i32 to vector<32x128xi32>
    %eq3A_87 = arith.cmpi eq, %iota3A_41, %eq3A_86 : vector<32x128xi32>
    %broadcast_in_dim3A_88 = vector.shape_cast %broadcast_in_dim3A_78 : vector<1x128xf32> to vector<1x128xf32>
    %broadcast_in_dim3A_89 = vector.broadcast %broadcast_in_dim3A_88 : vector<1x128xf32> to vector<32x128xf32>
    %select_n3A_90 = arith.select %eq3A_87, %broadcast_in_dim3A_89, %broadcast_in_dim3A_38 : vector<32x128xi1>, vector<32x128xf32>
    %eq3A_91 = arith.constant 0 : i32
    %eq3A_92 = vector.broadcast %eq3A_91 : i32 to vector<32x128xi32>
    %eq3A_93 = arith.cmpi eq, %iota3A_41, %eq3A_92 : vector<32x128xi32>
    %broadcast_in_dim3A_94 = vector.shape_cast %broadcast_in_dim3A_84 : vector<1x128xi32> to vector<1x128xi32>
    %broadcast_in_dim3A_95 = vector.broadcast %broadcast_in_dim3A_94 : vector<1x128xi32> to vector<32x128xi32>
    %select_n3A_96 = arith.select %eq3A_93, %broadcast_in_dim3A_95, %broadcast_in_dim3A_40 : vector<32x128xi1>, vector<32x128xi32>
    %get3A_97 = arith.constant 1 : index
    %get3A_98 = arith.constant 0 : index
    %get3A_99 = memref.load %arg0[%get3A_97, %get3A_98] : memref<32x4xf32, #tpu.memory_space<smem>>
    %get3A_100 = arith.constant 1 : index
    %get3A_101 = arith.constant 1 : index
    %get3A_102 = memref.load %arg0[%get3A_100, %get3A_101] : memref<32x4xf32, #tpu.memory_space<smem>>
    %get3A_103 = arith.constant 1 : index
    %get3A_104 = arith.constant 2 : index
    %get3A_105 = memref.load %arg0[%get3A_103, %get3A_104] : memref<32x4xf32, #tpu.memory_space<smem>>
    %get3A_106 = arith.constant 1 : index
    %get3A_107 = arith.constant 3 : index
    %get3A_108 = memref.load %arg0[%get3A_106, %get3A_107] : memref<32x4xf32, #tpu.memory_space<smem>>
    %min3A_109 = vector.broadcast %get3A_105 : f32 to vector<160x128xf32>
    %min3A_110 = arith.minimumf %get3A_13, %min3A_109 : vector<160x128xf32>
    %max3A_111 = vector.broadcast %get3A_99 : f32 to vector<160x128xf32>
    %max3A_112 = arith.maximumf %get3A_3, %max3A_111 : vector<160x128xf32>
    %sub3A_113 = arith.subf %min3A_110, %max3A_112 : vector<160x128xf32>
    %max3A_114 = arith.constant 0.000000e+00 : f32
    %max3A_115 = vector.broadcast %max3A_114 : f32 to vector<160x128xf32>
    %max3A_116 = arith.maximumf %sub3A_113, %max3A_115 : vector<160x128xf32>
    %min3A_117 = vector.broadcast %get3A_108 : f32 to vector<160x128xf32>
    %min3A_118 = arith.minimumf %get3A_18, %min3A_117 : vector<160x128xf32>
    %max3A_119 = vector.broadcast %get3A_102 : f32 to vector<160x128xf32>
    %max3A_120 = arith.maximumf %get3A_8, %max3A_119 : vector<160x128xf32>
    %sub3A_121 = arith.subf %min3A_118, %max3A_120 : vector<160x128xf32>
    %max3A_122 = arith.constant 0.000000e+00 : f32
    %max3A_123 = vector.broadcast %max3A_122 : f32 to vector<160x128xf32>
    %max3A_124 = arith.maximumf %sub3A_121, %max3A_123 : vector<160x128xf32>
    %mul3A_125 = arith.mulf %max3A_116, %max3A_124 : vector<160x128xf32>
    %sub3A_126 = arith.subf %get3A_105, %get3A_99 : f32
    %sub3A_127 = arith.subf %get3A_108, %get3A_102 : f32
    %mul3A_128 = arith.mulf %sub3A_126, %sub3A_127 : f32
    %add3A_129 = vector.broadcast %mul3A_128 : f32 to vector<160x128xf32>
    %add3A_130 = arith.addf %mul3A, %add3A_129 : vector<160x128xf32>
    %sub3A_131 = arith.subf %add3A_130, %mul3A_125 : vector<160x128xf32>
    %div3A_132 = arith.divf %mul3A_125, %sub3A_131 : vector<160x128xf32>
    %max3A_133 = arith.maximumf %max3A_75, %div3A_132 : vector<160x128xf32>
    %jit3A_134 = arith.constant -1.000000e+00 : f32
    %broadcast_in_dim3A_135 = vector.broadcast %jit3A_134 : f32 to vector<160x128xf32>
    %select_n3A_136 = arith.select %and3A_30, %div3A_132, %broadcast_in_dim3A_135 : vector<160x128xi1>, vector<160x128xf32>
    %reduce_max3A_137 = arith.constant dense<0xFF800000> : vector<128xf32>
    %reduce_max3A_138 = vector.multi_reduction <maximumf>, %select_n3A_136, %reduce_max3A_137 [0] : vector<160x128xf32> to vector<128xf32>
    %broadcast_in_dim3A_139 = vector.shape_cast %reduce_max3A_138 : vector<128xf32> to vector<1x128xf32>
    %eq3A_140 = vector.broadcast %broadcast_in_dim3A_139 : vector<1x128xf32> to vector<160x128xf32>
    %eq3A_141 = arith.cmpf oeq, %select_n3A_136, %eq3A_140 : vector<160x128xf32>
    %jit3A_142 = arith.constant 20480 : i32
    %broadcast_in_dim3A_143 = vector.broadcast %jit3A_142 : i32 to vector<160x128xi32>
    %select_n3A_144 = arith.select %eq3A_141, %add3A, %broadcast_in_dim3A_143 : vector<160x128xi1>, vector<160x128xi32>
    %reduce_min3A_145 = arith.constant dense<2147483647> : vector<128xi32>
    %reduce_min3A_146 = vector.multi_reduction <minsi>, %select_n3A_144, %reduce_min3A_145 [0] : vector<160x128xi32> to vector<128xi32>
    %broadcast_in_dim3A_147 = vector.shape_cast %reduce_min3A_146 : vector<128xi32> to vector<1x128xi32>
    %eq3A_148 = arith.constant 1 : i32
    %eq3A_149 = vector.broadcast %eq3A_148 : i32 to vector<32x128xi32>
    %eq3A_150 = arith.cmpi eq, %iota3A_41, %eq3A_149 : vector<32x128xi32>
    %broadcast_in_dim3A_151 = vector.shape_cast %broadcast_in_dim3A_139 : vector<1x128xf32> to vector<1x128xf32>
    %broadcast_in_dim3A_152 = vector.broadcast %broadcast_in_dim3A_151 : vector<1x128xf32> to vector<32x128xf32>
    %select_n3A_153 = arith.select %eq3A_150, %broadcast_in_dim3A_152, %select_n3A_90 : vector<32x128xi1>, vector<32x128xf32>
    %eq3A_154 = arith.constant 1 : i32
    %eq3A_155 = vector.broadcast %eq3A_154 : i32 to vector<32x128xi32>
    %eq3A_156 = arith.cmpi eq, %iota3A_41, %eq3A_155 : vector<32x128xi32>
    %broadcast_in_dim3A_157 = vector.shape_cast %broadcast_in_dim3A_147 : vector<1x128xi32> to vector<1x128xi32>
    %broadcast_in_dim3A_158 = vector.broadcast %broadcast_in_dim3A_157 : vector<1x128xi32> to vector<32x128xi32>
    %select_n3A_159 = arith.select %eq3A_156, %broadcast_in_dim3A_158, %select_n3A_96 : vector<32x128xi1>, vector<32x128xi32>
    %get3A_160 = arith.constant 2 : index
    %get3A_161 = arith.constant 0 : index
    %get3A_162 = memref.load %arg0[%get3A_160, %get3A_161] : memref<32x4xf32, #tpu.memory_space<smem>>
    %get3A_163 = arith.constant 2 : index
    %get3A_164 = arith.constant 1 : index
    %get3A_165 = memref.load %arg0[%get3A_163, %get3A_164] : memref<32x4xf32, #tpu.memory_space<smem>>
    %get3A_166 = arith.constant 2 : index
    %get3A_167 = arith.constant 2 : index
    %get3A_168 = memref.load %arg0[%get3A_166, %get3A_167] : memref<32x4xf32, #tpu.memory_space<smem>>
    %get3A_169 = arith.constant 2 : index
    %get3A_170 = arith.constant 3 : index
    %get3A_171 = memref.load %arg0[%get3A_169, %get3A_170] : memref<32x4xf32, #tpu.memory_space<smem>>
    %min3A_172 = vector.broadcast %get3A_168 : f32 to vector<160x128xf32>
    %min3A_173 = arith.minimumf %get3A_13, %min3A_172 : vector<160x128xf32>
    %max3A_174 = vector.broadcast %get3A_162 : f32 to vector<160x128xf32>
    %max3A_175 = arith.maximumf %get3A_3, %max3A_174 : vector<160x128xf32>
    %sub3A_176 = arith.subf %min3A_173, %max3A_175 : vector<160x128xf32>
    %max3A_177 = arith.constant 0.000000e+00 : f32
    %max3A_178 = vector.broadcast %max3A_177 : f32 to vector<160x128xf32>
    %max3A_179 = arith.maximumf %sub3A_176, %max3A_178 : vector<160x128xf32>
    %min3A_180 = vector.broadcast %get3A_171 : f32 to vector<160x128xf32>
    %min3A_181 = arith.minimumf %get3A_18, %min3A_180 : vector<160x128xf32>
    %max3A_182 = vector.broadcast %get3A_165 : f32 to vector<160x128xf32>
    %max3A_183 = arith.maximumf %get3A_8, %max3A_182 : vector<160x128xf32>
    %sub3A_184 = arith.subf %min3A_181, %max3A_183 : vector<160x128xf32>
    %max3A_185 = arith.constant 0.000000e+00 : f32
    %max3A_186 = vector.broadcast %max3A_185 : f32 to vector<160x128xf32>
    %max3A_187 = arith.maximumf %sub3A_184, %max3A_186 : vector<160x128xf32>
    %mul3A_188 = arith.mulf %max3A_179, %max3A_187 : vector<160x128xf32>
    %sub3A_189 = arith.subf %get3A_168, %get3A_162 : f32
    %sub3A_190 = arith.subf %get3A_171, %get3A_165 : f32
    %mul3A_191 = arith.mulf %sub3A_189, %sub3A_190 : f32
    %add3A_192 = vector.broadcast %mul3A_191 : f32 to vector<160x128xf32>
    %add3A_193 = arith.addf %mul3A, %add3A_192 : vector<160x128xf32>
    %sub3A_194 = arith.subf %add3A_193, %mul3A_188 : vector<160x128xf32>
    %div3A_195 = arith.divf %mul3A_188, %sub3A_194 : vector<160x128xf32>
    %max3A_196 = arith.maximumf %max3A_133, %div3A_195 : vector<160x128xf32>
    %jit3A_197 = arith.constant -1.000000e+00 : f32
    %broadcast_in_dim3A_198 = vector.broadcast %jit3A_197 : f32 to vector<160x128xf32>
    %select_n3A_199 = arith.select %and3A_30, %div3A_195, %broadcast_in_dim3A_198 : vector<160x128xi1>, vector<160x128xf32>
    %reduce_max3A_200 = arith.constant dense<0xFF800000> : vector<128xf32>
    %reduce_max3A_201 = vector.multi_reduction <maximumf>, %select_n3A_199, %reduce_max3A_200 [0] : vector<160x128xf32> to vector<128xf32>
    %broadcast_in_dim3A_202 = vector.shape_cast %reduce_max3A_201 : vector<128xf32> to vector<1x128xf32>
    %eq3A_203 = vector.broadcast %broadcast_in_dim3A_202 : vector<1x128xf32> to vector<160x128xf32>
    %eq3A_204 = arith.cmpf oeq, %select_n3A_199, %eq3A_203 : vector<160x128xf32>
    %jit3A_205 = arith.constant 20480 : i32
    %broadcast_in_dim3A_206 = vector.broadcast %jit3A_205 : i32 to vector<160x128xi32>
    %select_n3A_207 = arith.select %eq3A_204, %add3A, %broadcast_in_dim3A_206 : vector<160x128xi1>, vector<160x128xi32>
    %reduce_min3A_208 = arith.constant dense<2147483647> : vector<128xi32>
    %reduce_min3A_209 = vector.multi_reduction <minsi>, %select_n3A_207, %reduce_min3A_208 [0] : vector<160x128xi32> to vector<128xi32>
    %broadcast_in_dim3A_210 = vector.shape_cast %reduce_min3A_209 : vector<128xi32> to vector<1x128xi32>
    %eq3A_211 = arith.constant 2 : i32
    %eq3A_212 = vector.broadcast %eq3A_211 : i32 to vector<32x128xi32>
    %eq3A_213 = arith.cmpi eq, %iota3A_41, %eq3A_212 : vector<32x128xi32>
    %broadcast_in_dim3A_214 = vector.shape_cast %broadcast_in_dim3A_202 : vector<1x128xf32> to vector<1x128xf32>
    %broadcast_in_dim3A_215 = vector.broadcast %broadcast_in_dim3A_214 : vector<1x128xf32> to vector<32x128xf32>
    %select_n3A_216 = arith.select %eq3A_213, %broadcast_in_dim3A_215, %select_n3A_153 : vector<32x128xi1>, vector<32x128xf32>
    %eq3A_217 = arith.constant 2 : i32
    %eq3A_218 = vector.broadcast %eq3A_217 : i32 to vector<32x128xi32>
    %eq3A_219 = arith.cmpi eq, %iota3A_41, %eq3A_218 : vector<32x128xi32>
    %broadcast_in_dim3A_220 = vector.shape_cast %broadcast_in_dim3A_210 : vector<1x128xi32> to vector<1x128xi32>
    %broadcast_in_dim3A_221 = vector.broadcast %broadcast_in_dim3A_220 : vector<1x128xi32> to vector<32x128xi32>
    %select_n3A_222 = arith.select %eq3A_219, %broadcast_in_dim3A_221, %select_n3A_159 : vector<32x128xi1>, vector<32x128xi32>
    %get3A_223 = arith.constant 3 : index
    %get3A_224 = arith.constant 0 : index
    %get3A_225 = memref.load %arg0[%get3A_223, %get3A_224] : memref<32x4xf32, #tpu.memory_space<smem>>
    %get3A_226 = arith.constant 3 : index
    %get3A_227 = arith.constant 1 : index
    %get3A_228 = memref.load %arg0[%get3A_226, %get3A_227] : memref<32x4xf32, #tpu.memory_space<smem>>
    %get3A_229 = arith.constant 3 : index
    %get3A_230 = arith.constant 2 : index
    %get3A_231 = memref.load %arg0[%get3A_229, %get3A_230] : memref<32x4xf32, #tpu.memory_space<smem>>
    %get3A_232 = arith.constant 3 : index
    %get3A_233 = arith.constant 3 : index
    %get3A_234 = memref.load %arg0[%get3A_232, %get3A_233] : memref<32x4xf32, #tpu.memory_space<smem>>
    %min3A_235 = vector.broadcast %get3A_231 : f32 to vector<160x128xf32>
    %min3A_236 = arith.minimumf %get3A_13, %min3A_235 : vector<160x128xf32>
    %max3A_237 = vector.broadcast %get3A_225 : f32 to vector<160x128xf32>
    %max3A_238 = arith.maximumf %get3A_3, %max3A_237 : vector<160x128xf32>
    %sub3A_239 = arith.subf %min3A_236, %max3A_238 : vector<160x128xf32>
    %max3A_240 = arith.constant 0.000000e+00 : f32
    %max3A_241 = vector.broadcast %max3A_240 : f32 to vector<160x128xf32>
    %max3A_242 = arith.maximumf %sub3A_239, %max3A_241 : vector<160x128xf32>
    %min3A_243 = vector.broadcast %get3A_234 : f32 to vector<160x128xf32>
    %min3A_244 = arith.minimumf %get3A_18, %min3A_243 : vector<160x128xf32>
    %max3A_245 = vector.broadcast %get3A_228 : f32 to vector<160x128xf32>
    %max3A_246 = arith.maximumf %get3A_8, %max3A_245 : vector<160x128xf32>
    %sub3A_247 = arith.subf %min3A_244, %max3A_246 : vector<160x128xf32>
    %max3A_248 = arith.constant 0.000000e+00 : f32
    %max3A_249 = vector.broadcast %max3A_248 : f32 to vector<160x128xf32>
    %max3A_250 = arith.maximumf %sub3A_247, %max3A_249 : vector<160x128xf32>
    %mul3A_251 = arith.mulf %max3A_242, %max3A_250 : vector<160x128xf32>
    %sub3A_252 = arith.subf %get3A_231, %get3A_225 : f32
    %sub3A_253 = arith.subf %get3A_234, %get3A_228 : f32
    %mul3A_254 = arith.mulf %sub3A_252, %sub3A_253 : f32
    %add3A_255 = vector.broadcast %mul3A_254 : f32 to vector<160x128xf32>
    %add3A_256 = arith.addf %mul3A, %add3A_255 : vector<160x128xf32>
    %sub3A_257 = arith.subf %add3A_256, %mul3A_251 : vector<160x128xf32>
    %div3A_258 = arith.divf %mul3A_251, %sub3A_257 : vector<160x128xf32>
    %max3A_259 = arith.maximumf %max3A_196, %div3A_258 : vector<160x128xf32>
    %jit3A_260 = arith.constant -1.000000e+00 : f32
    %broadcast_in_dim3A_261 = vector.broadcast %jit3A_260 : f32 to vector<160x128xf32>
    %select_n3A_262 = arith.select %and3A_30, %div3A_258, %broadcast_in_dim3A_261 : vector<160x128xi1>, vector<160x128xf32>
    %reduce_max3A_263 = arith.constant dense<0xFF800000> : vector<128xf32>
    %reduce_max3A_264 = vector.multi_reduction <maximumf>, %select_n3A_262, %reduce_max3A_263 [0] : vector<160x128xf32> to vector<128xf32>
    %broadcast_in_dim3A_265 = vector.shape_cast %reduce_max3A_264 : vector<128xf32> to vector<1x128xf32>
    %eq3A_266 = vector.broadcast %broadcast_in_dim3A_265 : vector<1x128xf32> to vector<160x128xf32>
    %eq3A_267 = arith.cmpf oeq, %select_n3A_262, %eq3A_266 : vector<160x128xf32>
    %jit3A_268 = arith.constant 20480 : i32
    %broadcast_in_dim3A_269 = vector.broadcast %jit3A_268 : i32 to vector<160x128xi32>
    %select_n3A_270 = arith.select %eq3A_267, %add3A, %broadcast_in_dim3A_269 : vector<160x128xi1>, vector<160x128xi32>
    %reduce_min3A_271 = arith.constant dense<2147483647> : vector<128xi32>
    %reduce_min3A_272 = vector.multi_reduction <minsi>, %select_n3A_270, %reduce_min3A_271 [0] : vector<160x128xi32> to vector<128xi32>
    %broadcast_in_dim3A_273 = vector.shape_cast %reduce_min3A_272 : vector<128xi32> to vector<1x128xi32>
    %eq3A_274 = arith.constant 3 : i32
    %eq3A_275 = vector.broadcast %eq3A_274 : i32 to vector<32x128xi32>
    %eq3A_276 = arith.cmpi eq, %iota3A_41, %eq3A_275 : vector<32x128xi32>
    %broadcast_in_dim3A_277 = vector.shape_cast %broadcast_in_dim3A_265 : vector<1x128xf32> to vector<1x128xf32>
    %broadcast_in_dim3A_278 = vector.broadcast %broadcast_in_dim3A_277 : vector<1x128xf32> to vector<32x128xf32>
    %select_n3A_279 = arith.select %eq3A_276, %broadcast_in_dim3A_278, %select_n3A_216 : vector<32x128xi1>, vector<32x128xf32>
    %eq3A_280 = arith.constant 3 : i32
    %eq3A_281 = vector.broadcast %eq3A_280 : i32 to vector<32x128xi32>
    %eq3A_282 = arith.cmpi eq, %iota3A_41, %eq3A_281 : vector<32x128xi32>
    %broadcast_in_dim3A_283 = vector.shape_cast %broadcast_in_dim3A_273 : vector<1x128xi32> to vector<1x128xi32>
    %broadcast_in_dim3A_284 = vector.broadcast %broadcast_in_dim3A_283 : vector<1x128xi32> to vector<32x128xi32>
    %select_n3A_285 = arith.select %eq3A_282, %broadcast_in_dim3A_284, %select_n3A_222 : vector<32x128xi1>, vector<32x128xi32>
    %get3A_286 = arith.constant 4 : index
    %get3A_287 = arith.constant 0 : index
    %get3A_288 = memref.load %arg0[%get3A_286, %get3A_287] : memref<32x4xf32, #tpu.memory_space<smem>>
    %get3A_289 = arith.constant 4 : index
    %get3A_290 = arith.constant 1 : index
    %get3A_291 = memref.load %arg0[%get3A_289, %get3A_290] : memref<32x4xf32, #tpu.memory_space<smem>>
    %get3A_292 = arith.constant 4 : index
    %get3A_293 = arith.constant 2 : index
    %get3A_294 = memref.load %arg0[%get3A_292, %get3A_293] : memref<32x4xf32, #tpu.memory_space<smem>>
    %get3A_295 = arith.constant 4 : index
    %get3A_296 = arith.constant 3 : index
    %get3A_297 = memref.load %arg0[%get3A_295, %get3A_296] : memref<32x4xf32, #tpu.memory_space<smem>>
    %min3A_298 = vector.broadcast %get3A_294 : f32 to vector<160x128xf32>
    %min3A_299 = arith.minimumf %get3A_13, %min3A_298 : vector<160x128xf32>
    %max3A_300 = vector.broadcast %get3A_288 : f32 to vector<160x128xf32>
    %max3A_301 = arith.maximumf %get3A_3, %max3A_300 : vector<160x128xf32>
    %sub3A_302 = arith.subf %min3A_299, %max3A_301 : vector<160x128xf32>
    %max3A_303 = arith.constant 0.000000e+00 : f32
    %max3A_304 = vector.broadcast %max3A_303 : f32 to vector<160x128xf32>
    %max3A_305 = arith.maximumf %sub3A_302, %max3A_304 : vector<160x128xf32>
    %min3A_306 = vector.broadcast %get3A_297 : f32 to vector<160x128xf32>
    %min3A_307 = arith.minimumf %get3A_18, %min3A_306 : vector<160x128xf32>
    %max3A_308 = vector.broadcast %get3A_291 : f32 to vector<160x128xf32>
    %max3A_309 = arith.maximumf %get3A_8, %max3A_308 : vector<160x128xf32>
    %sub3A_310 = arith.subf %min3A_307, %max3A_309 : vector<160x128xf32>
    %max3A_311 = arith.constant 0.000000e+00 : f32
    %max3A_312 = vector.broadcast %max3A_311 : f32 to vector<160x128xf32>
    %max3A_313 = arith.maximumf %sub3A_310, %max3A_312 : vector<160x128xf32>
    %mul3A_314 = arith.mulf %max3A_305, %max3A_313 : vector<160x128xf32>
    %sub3A_315 = arith.subf %get3A_294, %get3A_288 : f32
    %sub3A_316 = arith.subf %get3A_297, %get3A_291 : f32
    %mul3A_317 = arith.mulf %sub3A_315, %sub3A_316 : f32
    %add3A_318 = vector.broadcast %mul3A_317 : f32 to vector<160x128xf32>
    %add3A_319 = arith.addf %mul3A, %add3A_318 : vector<160x128xf32>
    %sub3A_320 = arith.subf %add3A_319, %mul3A_314 : vector<160x128xf32>
    %div3A_321 = arith.divf %mul3A_314, %sub3A_320 : vector<160x128xf32>
    %max3A_322 = arith.maximumf %max3A_259, %div3A_321 : vector<160x128xf32>
    %jit3A_323 = arith.constant -1.000000e+00 : f32
    %broadcast_in_dim3A_324 = vector.broadcast %jit3A_323 : f32 to vector<160x128xf32>
    %select_n3A_325 = arith.select %and3A_30, %div3A_321, %broadcast_in_dim3A_324 : vector<160x128xi1>, vector<160x128xf32>
    %reduce_max3A_326 = arith.constant dense<0xFF800000> : vector<128xf32>
    %reduce_max3A_327 = vector.multi_reduction <maximumf>, %select_n3A_325, %reduce_max3A_326 [0] : vector<160x128xf32> to vector<128xf32>
    %broadcast_in_dim3A_328 = vector.shape_cast %reduce_max3A_327 : vector<128xf32> to vector<1x128xf32>
    %eq3A_329 = vector.broadcast %broadcast_in_dim3A_328 : vector<1x128xf32> to vector<160x128xf32>
    %eq3A_330 = arith.cmpf oeq, %select_n3A_325, %eq3A_329 : vector<160x128xf32>
    %jit3A_331 = arith.constant 20480 : i32
    %broadcast_in_dim3A_332 = vector.broadcast %jit3A_331 : i32 to vector<160x128xi32>
    %select_n3A_333 = arith.select %eq3A_330, %add3A, %broadcast_in_dim3A_332 : vector<160x128xi1>, vector<160x128xi32>
    %reduce_min3A_334 = arith.constant dense<2147483647> : vector<128xi32>
    %reduce_min3A_335 = vector.multi_reduction <minsi>, %select_n3A_333, %reduce_min3A_334 [0] : vector<160x128xi32> to vector<128xi32>
    %broadcast_in_dim3A_336 = vector.shape_cast %reduce_min3A_335 : vector<128xi32> to vector<1x128xi32>
    %eq3A_337 = arith.constant 4 : i32
    %eq3A_338 = vector.broadcast %eq3A_337 : i32 to vector<32x128xi32>
    %eq3A_339 = arith.cmpi eq, %iota3A_41, %eq3A_338 : vector<32x128xi32>
    %broadcast_in_dim3A_340 = vector.shape_cast %broadcast_in_dim3A_328 : vector<1x128xf32> to vector<1x128xf32>
    %broadcast_in_dim3A_341 = vector.broadcast %broadcast_in_dim3A_340 : vector<1x128xf32> to vector<32x128xf32>
    %select_n3A_342 = arith.select %eq3A_339, %broadcast_in_dim3A_341, %select_n3A_279 : vector<32x128xi1>, vector<32x128xf32>
    %eq3A_343 = arith.constant 4 : i32
    %eq3A_344 = vector.broadcast %eq3A_343 : i32 to vector<32x128xi32>
    %eq3A_345 = arith.cmpi eq, %iota3A_41, %eq3A_344 : vector<32x128xi32>
    %broadcast_in_dim3A_346 = vector.shape_cast %broadcast_in_dim3A_336 : vector<1x128xi32> to vector<1x128xi32>
    %broadcast_in_dim3A_347 = vector.broadcast %broadcast_in_dim3A_346 : vector<1x128xi32> to vector<32x128xi32>
    %select_n3A_348 = arith.select %eq3A_345, %broadcast_in_dim3A_347, %select_n3A_285 : vector<32x128xi1>, vector<32x128xi32>
    %get3A_349 = arith.constant 5 : index
    %get3A_350 = arith.constant 0 : index
    %get3A_351 = memref.load %arg0[%get3A_349, %get3A_350] : memref<32x4xf32, #tpu.memory_space<smem>>
    %get3A_352 = arith.constant 5 : index
    %get3A_353 = arith.constant 1 : index
    %get3A_354 = memref.load %arg0[%get3A_352, %get3A_353] : memref<32x4xf32, #tpu.memory_space<smem>>
    %get3A_355 = arith.constant 5 : index
    %get3A_356 = arith.constant 2 : index
    %get3A_357 = memref.load %arg0[%get3A_355, %get3A_356] : memref<32x4xf32, #tpu.memory_space<smem>>
    %get3A_358 = arith.constant 5 : index
    %get3A_359 = arith.constant 3 : index
    %get3A_360 = memref.load %arg0[%get3A_358, %get3A_359] : memref<32x4xf32, #tpu.memory_space<smem>>
    %min3A_361 = vector.broadcast %get3A_357 : f32 to vector<160x128xf32>
    %min3A_362 = arith.minimumf %get3A_13, %min3A_361 : vector<160x128xf32>
    %max3A_363 = vector.broadcast %get3A_351 : f32 to vector<160x128xf32>
    %max3A_364 = arith.maximumf %get3A_3, %max3A_363 : vector<160x128xf32>
    %sub3A_365 = arith.subf %min3A_362, %max3A_364 : vector<160x128xf32>
    %max3A_366 = arith.constant 0.000000e+00 : f32
    %max3A_367 = vector.broadcast %max3A_366 : f32 to vector<160x128xf32>
    %max3A_368 = arith.maximumf %sub3A_365, %max3A_367 : vector<160x128xf32>
    %min3A_369 = vector.broadcast %get3A_360 : f32 to vector<160x128xf32>
    %min3A_370 = arith.minimumf %get3A_18, %min3A_369 : vector<160x128xf32>
    %max3A_371 = vector.broadcast %get3A_354 : f32 to vector<160x128xf32>
    %max3A_372 = arith.maximumf %get3A_8, %max3A_371 : vector<160x128xf32>
    %sub3A_373 = arith.subf %min3A_370, %max3A_372 : vector<160x128xf32>
    %max3A_374 = arith.constant 0.000000e+00 : f32
    %max3A_375 = vector.broadcast %max3A_374 : f32 to vector<160x128xf32>
    %max3A_376 = arith.maximumf %sub3A_373, %max3A_375 : vector<160x128xf32>
    %mul3A_377 = arith.mulf %max3A_368, %max3A_376 : vector<160x128xf32>
    %sub3A_378 = arith.subf %get3A_357, %get3A_351 : f32
    %sub3A_379 = arith.subf %get3A_360, %get3A_354 : f32
    %mul3A_380 = arith.mulf %sub3A_378, %sub3A_379 : f32
    %add3A_381 = vector.broadcast %mul3A_380 : f32 to vector<160x128xf32>
    %add3A_382 = arith.addf %mul3A, %add3A_381 : vector<160x128xf32>
    %sub3A_383 = arith.subf %add3A_382, %mul3A_377 : vector<160x128xf32>
    %div3A_384 = arith.divf %mul3A_377, %sub3A_383 : vector<160x128xf32>
    %max3A_385 = arith.maximumf %max3A_322, %div3A_384 : vector<160x128xf32>
    %jit3A_386 = arith.constant -1.000000e+00 : f32
    %broadcast_in_dim3A_387 = vector.broadcast %jit3A_386 : f32 to vector<160x128xf32>
    %select_n3A_388 = arith.select %and3A_30, %div3A_384, %broadcast_in_dim3A_387 : vector<160x128xi1>, vector<160x128xf32>
    %reduce_max3A_389 = arith.constant dense<0xFF800000> : vector<128xf32>
    %reduce_max3A_390 = vector.multi_reduction <maximumf>, %select_n3A_388, %reduce_max3A_389 [0] : vector<160x128xf32> to vector<128xf32>
    %broadcast_in_dim3A_391 = vector.shape_cast %reduce_max3A_390 : vector<128xf32> to vector<1x128xf32>
    %eq3A_392 = vector.broadcast %broadcast_in_dim3A_391 : vector<1x128xf32> to vector<160x128xf32>
    %eq3A_393 = arith.cmpf oeq, %select_n3A_388, %eq3A_392 : vector<160x128xf32>
    %jit3A_394 = arith.constant 20480 : i32
    %broadcast_in_dim3A_395 = vector.broadcast %jit3A_394 : i32 to vector<160x128xi32>
    %select_n3A_396 = arith.select %eq3A_393, %add3A, %broadcast_in_dim3A_395 : vector<160x128xi1>, vector<160x128xi32>
    %reduce_min3A_397 = arith.constant dense<2147483647> : vector<128xi32>
    %reduce_min3A_398 = vector.multi_reduction <minsi>, %select_n3A_396, %reduce_min3A_397 [0] : vector<160x128xi32> to vector<128xi32>
    %broadcast_in_dim3A_399 = vector.shape_cast %reduce_min3A_398 : vector<128xi32> to vector<1x128xi32>
    %eq3A_400 = arith.constant 5 : i32
    %eq3A_401 = vector.broadcast %eq3A_400 : i32 to vector<32x128xi32>
    %eq3A_402 = arith.cmpi eq, %iota3A_41, %eq3A_401 : vector<32x128xi32>
    %broadcast_in_dim3A_403 = vector.shape_cast %broadcast_in_dim3A_391 : vector<1x128xf32> to vector<1x128xf32>
    %broadcast_in_dim3A_404 = vector.broadcast %broadcast_in_dim3A_403 : vector<1x128xf32> to vector<32x128xf32>
    %select_n3A_405 = arith.select %eq3A_402, %broadcast_in_dim3A_404, %select_n3A_342 : vector<32x128xi1>, vector<32x128xf32>
    %eq3A_406 = arith.constant 5 : i32
    %eq3A_407 = vector.broadcast %eq3A_406 : i32 to vector<32x128xi32>
    %eq3A_408 = arith.cmpi eq, %iota3A_41, %eq3A_407 : vector<32x128xi32>
    %broadcast_in_dim3A_409 = vector.shape_cast %broadcast_in_dim3A_399 : vector<1x128xi32> to vector<1x128xi32>
    %broadcast_in_dim3A_410 = vector.broadcast %broadcast_in_dim3A_409 : vector<1x128xi32> to vector<32x128xi32>
    %select_n3A_411 = arith.select %eq3A_408, %broadcast_in_dim3A_410, %select_n3A_348 : vector<32x128xi1>, vector<32x128xi32>
    %get3A_412 = arith.constant 6 : index
    %get3A_413 = arith.constant 0 : index
    %get3A_414 = memref.load %arg0[%get3A_412, %get3A_413] : memref<32x4xf32, #tpu.memory_space<smem>>
    %get3A_415 = arith.constant 6 : index
    %get3A_416 = arith.constant 1 : index
    %get3A_417 = memref.load %arg0[%get3A_415, %get3A_416] : memref<32x4xf32, #tpu.memory_space<smem>>
    %get3A_418 = arith.constant 6 : index
    %get3A_419 = arith.constant 2 : index
    %get3A_420 = memref.load %arg0[%get3A_418, %get3A_419] : memref<32x4xf32, #tpu.memory_space<smem>>
    %get3A_421 = arith.constant 6 : index
    %get3A_422 = arith.constant 3 : index
    %get3A_423 = memref.load %arg0[%get3A_421, %get3A_422] : memref<32x4xf32, #tpu.memory_space<smem>>
    %min3A_424 = vector.broadcast %get3A_420 : f32 to vector<160x128xf32>
    %min3A_425 = arith.minimumf %get3A_13, %min3A_424 : vector<160x128xf32>
    %max3A_426 = vector.broadcast %get3A_414 : f32 to vector<160x128xf32>
    %max3A_427 = arith.maximumf %get3A_3, %max3A_426 : vector<160x128xf32>
    %sub3A_428 = arith.subf %min3A_425, %max3A_427 : vector<160x128xf32>
    %max3A_429 = arith.constant 0.000000e+00 : f32
    %max3A_430 = vector.broadcast %max3A_429 : f32 to vector<160x128xf32>
    %max3A_431 = arith.maximumf %sub3A_428, %max3A_430 : vector<160x128xf32>
    %min3A_432 = vector.broadcast %get3A_423 : f32 to vector<160x128xf32>
    %min3A_433 = arith.minimumf %get3A_18, %min3A_432 : vector<160x128xf32>
    %max3A_434 = vector.broadcast %get3A_417 : f32 to vector<160x128xf32>
    %max3A_435 = arith.maximumf %get3A_8, %max3A_434 : vector<160x128xf32>
    %sub3A_436 = arith.subf %min3A_433, %max3A_435 : vector<160x128xf32>
    %max3A_437 = arith.constant 0.000000e+00 : f32
    %max3A_438 = vector.broadcast %max3A_437 : f32 to vector<160x128xf32>
    %max3A_439 = arith.maximumf %sub3A_436, %max3A_438 : vector<160x128xf32>
    %mul3A_440 = arith.mulf %max3A_431, %max3A_439 : vector<160x128xf32>
    %sub3A_441 = arith.subf %get3A_420, %get3A_414 : f32
    %sub3A_442 = arith.subf %get3A_423, %get3A_417 : f32
    %mul3A_443 = arith.mulf %sub3A_441, %sub3A_442 : f32
    %add3A_444 = vector.broadcast %mul3A_443 : f32 to vector<160x128xf32>
    %add3A_445 = arith.addf %mul3A, %add3A_444 : vector<160x128xf32>
    %sub3A_446 = arith.subf %add3A_445, %mul3A_440 : vector<160x128xf32>
    %div3A_447 = arith.divf %mul3A_440, %sub3A_446 : vector<160x128xf32>
    %max3A_448 = arith.maximumf %max3A_385, %div3A_447 : vector<160x128xf32>
    %jit3A_449 = arith.constant -1.000000e+00 : f32
    %broadcast_in_dim3A_450 = vector.broadcast %jit3A_449 : f32 to vector<160x128xf32>
    %select_n3A_451 = arith.select %and3A_30, %div3A_447, %broadcast_in_dim3A_450 : vector<160x128xi1>, vector<160x128xf32>
    %reduce_max3A_452 = arith.constant dense<0xFF800000> : vector<128xf32>
    %reduce_max3A_453 = vector.multi_reduction <maximumf>, %select_n3A_451, %reduce_max3A_452 [0] : vector<160x128xf32> to vector<128xf32>
    %broadcast_in_dim3A_454 = vector.shape_cast %reduce_max3A_453 : vector<128xf32> to vector<1x128xf32>
    %eq3A_455 = vector.broadcast %broadcast_in_dim3A_454 : vector<1x128xf32> to vector<160x128xf32>
    %eq3A_456 = arith.cmpf oeq, %select_n3A_451, %eq3A_455 : vector<160x128xf32>
    %jit3A_457 = arith.constant 20480 : i32
    %broadcast_in_dim3A_458 = vector.broadcast %jit3A_457 : i32 to vector<160x128xi32>
    %select_n3A_459 = arith.select %eq3A_456, %add3A, %broadcast_in_dim3A_458 : vector<160x128xi1>, vector<160x128xi32>
    %reduce_min3A_460 = arith.constant dense<2147483647> : vector<128xi32>
    %reduce_min3A_461 = vector.multi_reduction <minsi>, %select_n3A_459, %reduce_min3A_460 [0] : vector<160x128xi32> to vector<128xi32>
    %broadcast_in_dim3A_462 = vector.shape_cast %reduce_min3A_461 : vector<128xi32> to vector<1x128xi32>
    %eq3A_463 = arith.constant 6 : i32
    %eq3A_464 = vector.broadcast %eq3A_463 : i32 to vector<32x128xi32>
    %eq3A_465 = arith.cmpi eq, %iota3A_41, %eq3A_464 : vector<32x128xi32>
    %broadcast_in_dim3A_466 = vector.shape_cast %broadcast_in_dim3A_454 : vector<1x128xf32> to vector<1x128xf32>
    %broadcast_in_dim3A_467 = vector.broadcast %broadcast_in_dim3A_466 : vector<1x128xf32> to vector<32x128xf32>
    %select_n3A_468 = arith.select %eq3A_465, %broadcast_in_dim3A_467, %select_n3A_405 : vector<32x128xi1>, vector<32x128xf32>
    %eq3A_469 = arith.constant 6 : i32
    %eq3A_470 = vector.broadcast %eq3A_469 : i32 to vector<32x128xi32>
    %eq3A_471 = arith.cmpi eq, %iota3A_41, %eq3A_470 : vector<32x128xi32>
    %broadcast_in_dim3A_472 = vector.shape_cast %broadcast_in_dim3A_462 : vector<1x128xi32> to vector<1x128xi32>
    %broadcast_in_dim3A_473 = vector.broadcast %broadcast_in_dim3A_472 : vector<1x128xi32> to vector<32x128xi32>
    %select_n3A_474 = arith.select %eq3A_471, %broadcast_in_dim3A_473, %select_n3A_411 : vector<32x128xi1>, vector<32x128xi32>
    %get3A_475 = arith.constant 7 : index
    %get3A_476 = arith.constant 0 : index
    %get3A_477 = memref.load %arg0[%get3A_475, %get3A_476] : memref<32x4xf32, #tpu.memory_space<smem>>
    %get3A_478 = arith.constant 7 : index
    %get3A_479 = arith.constant 1 : index
    %get3A_480 = memref.load %arg0[%get3A_478, %get3A_479] : memref<32x4xf32, #tpu.memory_space<smem>>
    %get3A_481 = arith.constant 7 : index
    %get3A_482 = arith.constant 2 : index
    %get3A_483 = memref.load %arg0[%get3A_481, %get3A_482] : memref<32x4xf32, #tpu.memory_space<smem>>
    %get3A_484 = arith.constant 7 : index
    %get3A_485 = arith.constant 3 : index
    %get3A_486 = memref.load %arg0[%get3A_484, %get3A_485] : memref<32x4xf32, #tpu.memory_space<smem>>
    %min3A_487 = vector.broadcast %get3A_483 : f32 to vector<160x128xf32>
    %min3A_488 = arith.minimumf %get3A_13, %min3A_487 : vector<160x128xf32>
    %max3A_489 = vector.broadcast %get3A_477 : f32 to vector<160x128xf32>
    %max3A_490 = arith.maximumf %get3A_3, %max3A_489 : vector<160x128xf32>
    %sub3A_491 = arith.subf %min3A_488, %max3A_490 : vector<160x128xf32>
    %max3A_492 = arith.constant 0.000000e+00 : f32
    %max3A_493 = vector.broadcast %max3A_492 : f32 to vector<160x128xf32>
    %max3A_494 = arith.maximumf %sub3A_491, %max3A_493 : vector<160x128xf32>
    %min3A_495 = vector.broadcast %get3A_486 : f32 to vector<160x128xf32>
    %min3A_496 = arith.minimumf %get3A_18, %min3A_495 : vector<160x128xf32>
    %max3A_497 = vector.broadcast %get3A_480 : f32 to vector<160x128xf32>
    %max3A_498 = arith.maximumf %get3A_8, %max3A_497 : vector<160x128xf32>
    %sub3A_499 = arith.subf %min3A_496, %max3A_498 : vector<160x128xf32>
    %max3A_500 = arith.constant 0.000000e+00 : f32
    %max3A_501 = vector.broadcast %max3A_500 : f32 to vector<160x128xf32>
    %max3A_502 = arith.maximumf %sub3A_499, %max3A_501 : vector<160x128xf32>
    %mul3A_503 = arith.mulf %max3A_494, %max3A_502 : vector<160x128xf32>
    %sub3A_504 = arith.subf %get3A_483, %get3A_477 : f32
    %sub3A_505 = arith.subf %get3A_486, %get3A_480 : f32
    %mul3A_506 = arith.mulf %sub3A_504, %sub3A_505 : f32
    %add3A_507 = vector.broadcast %mul3A_506 : f32 to vector<160x128xf32>
    %add3A_508 = arith.addf %mul3A, %add3A_507 : vector<160x128xf32>
    %sub3A_509 = arith.subf %add3A_508, %mul3A_503 : vector<160x128xf32>
    %div3A_510 = arith.divf %mul3A_503, %sub3A_509 : vector<160x128xf32>
    %max3A_511 = arith.maximumf %max3A_448, %div3A_510 : vector<160x128xf32>
    %jit3A_512 = arith.constant -1.000000e+00 : f32
    %broadcast_in_dim3A_513 = vector.broadcast %jit3A_512 : f32 to vector<160x128xf32>
    %select_n3A_514 = arith.select %and3A_30, %div3A_510, %broadcast_in_dim3A_513 : vector<160x128xi1>, vector<160x128xf32>
    %reduce_max3A_515 = arith.constant dense<0xFF800000> : vector<128xf32>
    %reduce_max3A_516 = vector.multi_reduction <maximumf>, %select_n3A_514, %reduce_max3A_515 [0] : vector<160x128xf32> to vector<128xf32>
    %broadcast_in_dim3A_517 = vector.shape_cast %reduce_max3A_516 : vector<128xf32> to vector<1x128xf32>
    %eq3A_518 = vector.broadcast %broadcast_in_dim3A_517 : vector<1x128xf32> to vector<160x128xf32>
    %eq3A_519 = arith.cmpf oeq, %select_n3A_514, %eq3A_518 : vector<160x128xf32>
    %jit3A_520 = arith.constant 20480 : i32
    %broadcast_in_dim3A_521 = vector.broadcast %jit3A_520 : i32 to vector<160x128xi32>
    %select_n3A_522 = arith.select %eq3A_519, %add3A, %broadcast_in_dim3A_521 : vector<160x128xi1>, vector<160x128xi32>
    %reduce_min3A_523 = arith.constant dense<2147483647> : vector<128xi32>
    %reduce_min3A_524 = vector.multi_reduction <minsi>, %select_n3A_522, %reduce_min3A_523 [0] : vector<160x128xi32> to vector<128xi32>
    %broadcast_in_dim3A_525 = vector.shape_cast %reduce_min3A_524 : vector<128xi32> to vector<1x128xi32>
    %eq3A_526 = arith.constant 7 : i32
    %eq3A_527 = vector.broadcast %eq3A_526 : i32 to vector<32x128xi32>
    %eq3A_528 = arith.cmpi eq, %iota3A_41, %eq3A_527 : vector<32x128xi32>
    %broadcast_in_dim3A_529 = vector.shape_cast %broadcast_in_dim3A_517 : vector<1x128xf32> to vector<1x128xf32>
    %broadcast_in_dim3A_530 = vector.broadcast %broadcast_in_dim3A_529 : vector<1x128xf32> to vector<32x128xf32>
    %select_n3A_531 = arith.select %eq3A_528, %broadcast_in_dim3A_530, %select_n3A_468 : vector<32x128xi1>, vector<32x128xf32>
    %eq3A_532 = arith.constant 7 : i32
    %eq3A_533 = vector.broadcast %eq3A_532 : i32 to vector<32x128xi32>
    %eq3A_534 = arith.cmpi eq, %iota3A_41, %eq3A_533 : vector<32x128xi32>
    %broadcast_in_dim3A_535 = vector.shape_cast %broadcast_in_dim3A_525 : vector<1x128xi32> to vector<1x128xi32>
    %broadcast_in_dim3A_536 = vector.broadcast %broadcast_in_dim3A_535 : vector<1x128xi32> to vector<32x128xi32>
    %select_n3A_537 = arith.select %eq3A_534, %broadcast_in_dim3A_536, %select_n3A_474 : vector<32x128xi1>, vector<32x128xi32>
    %get3A_538 = arith.constant 8 : index
    %get3A_539 = arith.constant 0 : index
    %get3A_540 = memref.load %arg0[%get3A_538, %get3A_539] : memref<32x4xf32, #tpu.memory_space<smem>>
    %get3A_541 = arith.constant 8 : index
    %get3A_542 = arith.constant 1 : index
    %get3A_543 = memref.load %arg0[%get3A_541, %get3A_542] : memref<32x4xf32, #tpu.memory_space<smem>>
    %get3A_544 = arith.constant 8 : index
    %get3A_545 = arith.constant 2 : index
    %get3A_546 = memref.load %arg0[%get3A_544, %get3A_545] : memref<32x4xf32, #tpu.memory_space<smem>>
    %get3A_547 = arith.constant 8 : index
    %get3A_548 = arith.constant 3 : index
    %get3A_549 = memref.load %arg0[%get3A_547, %get3A_548] : memref<32x4xf32, #tpu.memory_space<smem>>
    %min3A_550 = vector.broadcast %get3A_546 : f32 to vector<160x128xf32>
    %min3A_551 = arith.minimumf %get3A_13, %min3A_550 : vector<160x128xf32>
    %max3A_552 = vector.broadcast %get3A_540 : f32 to vector<160x128xf32>
    %max3A_553 = arith.maximumf %get3A_3, %max3A_552 : vector<160x128xf32>
    %sub3A_554 = arith.subf %min3A_551, %max3A_553 : vector<160x128xf32>
    %max3A_555 = arith.constant 0.000000e+00 : f32
    %max3A_556 = vector.broadcast %max3A_555 : f32 to vector<160x128xf32>
    %max3A_557 = arith.maximumf %sub3A_554, %max3A_556 : vector<160x128xf32>
    %min3A_558 = vector.broadcast %get3A_549 : f32 to vector<160x128xf32>
    %min3A_559 = arith.minimumf %get3A_18, %min3A_558 : vector<160x128xf32>
    %max3A_560 = vector.broadcast %get3A_543 : f32 to vector<160x128xf32>
    %max3A_561 = arith.maximumf %get3A_8, %max3A_560 : vector<160x128xf32>
    %sub3A_562 = arith.subf %min3A_559, %max3A_561 : vector<160x128xf32>
    %max3A_563 = arith.constant 0.000000e+00 : f32
    %max3A_564 = vector.broadcast %max3A_563 : f32 to vector<160x128xf32>
    %max3A_565 = arith.maximumf %sub3A_562, %max3A_564 : vector<160x128xf32>
    %mul3A_566 = arith.mulf %max3A_557, %max3A_565 : vector<160x128xf32>
    %sub3A_567 = arith.subf %get3A_546, %get3A_540 : f32
    %sub3A_568 = arith.subf %get3A_549, %get3A_543 : f32
    %mul3A_569 = arith.mulf %sub3A_567, %sub3A_568 : f32
    %add3A_570 = vector.broadcast %mul3A_569 : f32 to vector<160x128xf32>
    %add3A_571 = arith.addf %mul3A, %add3A_570 : vector<160x128xf32>
    %sub3A_572 = arith.subf %add3A_571, %mul3A_566 : vector<160x128xf32>
    %div3A_573 = arith.divf %mul3A_566, %sub3A_572 : vector<160x128xf32>
    %max3A_574 = arith.maximumf %max3A_511, %div3A_573 : vector<160x128xf32>
    %jit3A_575 = arith.constant -1.000000e+00 : f32
    %broadcast_in_dim3A_576 = vector.broadcast %jit3A_575 : f32 to vector<160x128xf32>
    %select_n3A_577 = arith.select %and3A_30, %div3A_573, %broadcast_in_dim3A_576 : vector<160x128xi1>, vector<160x128xf32>
    %reduce_max3A_578 = arith.constant dense<0xFF800000> : vector<128xf32>
    %reduce_max3A_579 = vector.multi_reduction <maximumf>, %select_n3A_577, %reduce_max3A_578 [0] : vector<160x128xf32> to vector<128xf32>
    %broadcast_in_dim3A_580 = vector.shape_cast %reduce_max3A_579 : vector<128xf32> to vector<1x128xf32>
    %eq3A_581 = vector.broadcast %broadcast_in_dim3A_580 : vector<1x128xf32> to vector<160x128xf32>
    %eq3A_582 = arith.cmpf oeq, %select_n3A_577, %eq3A_581 : vector<160x128xf32>
    %jit3A_583 = arith.constant 20480 : i32
    %broadcast_in_dim3A_584 = vector.broadcast %jit3A_583 : i32 to vector<160x128xi32>
    %select_n3A_585 = arith.select %eq3A_582, %add3A, %broadcast_in_dim3A_584 : vector<160x128xi1>, vector<160x128xi32>
    %reduce_min3A_586 = arith.constant dense<2147483647> : vector<128xi32>
    %reduce_min3A_587 = vector.multi_reduction <minsi>, %select_n3A_585, %reduce_min3A_586 [0] : vector<160x128xi32> to vector<128xi32>
    %broadcast_in_dim3A_588 = vector.shape_cast %reduce_min3A_587 : vector<128xi32> to vector<1x128xi32>
    %eq3A_589 = arith.constant 8 : i32
    %eq3A_590 = vector.broadcast %eq3A_589 : i32 to vector<32x128xi32>
    %eq3A_591 = arith.cmpi eq, %iota3A_41, %eq3A_590 : vector<32x128xi32>
    %broadcast_in_dim3A_592 = vector.shape_cast %broadcast_in_dim3A_580 : vector<1x128xf32> to vector<1x128xf32>
    %broadcast_in_dim3A_593 = vector.broadcast %broadcast_in_dim3A_592 : vector<1x128xf32> to vector<32x128xf32>
    %select_n3A_594 = arith.select %eq3A_591, %broadcast_in_dim3A_593, %select_n3A_531 : vector<32x128xi1>, vector<32x128xf32>
    %eq3A_595 = arith.constant 8 : i32
    %eq3A_596 = vector.broadcast %eq3A_595 : i32 to vector<32x128xi32>
    %eq3A_597 = arith.cmpi eq, %iota3A_41, %eq3A_596 : vector<32x128xi32>
    %broadcast_in_dim3A_598 = vector.shape_cast %broadcast_in_dim3A_588 : vector<1x128xi32> to vector<1x128xi32>
    %broadcast_in_dim3A_599 = vector.broadcast %broadcast_in_dim3A_598 : vector<1x128xi32> to vector<32x128xi32>
    %select_n3A_600 = arith.select %eq3A_597, %broadcast_in_dim3A_599, %select_n3A_537 : vector<32x128xi1>, vector<32x128xi32>
    %get3A_601 = arith.constant 9 : index
    %get3A_602 = arith.constant 0 : index
    %get3A_603 = memref.load %arg0[%get3A_601, %get3A_602] : memref<32x4xf32, #tpu.memory_space<smem>>
    %get3A_604 = arith.constant 9 : index
    %get3A_605 = arith.constant 1 : index
    %get3A_606 = memref.load %arg0[%get3A_604, %get3A_605] : memref<32x4xf32, #tpu.memory_space<smem>>
    %get3A_607 = arith.constant 9 : index
    %get3A_608 = arith.constant 2 : index
    %get3A_609 = memref.load %arg0[%get3A_607, %get3A_608] : memref<32x4xf32, #tpu.memory_space<smem>>
    %get3A_610 = arith.constant 9 : index
    %get3A_611 = arith.constant 3 : index
    %get3A_612 = memref.load %arg0[%get3A_610, %get3A_611] : memref<32x4xf32, #tpu.memory_space<smem>>
    %min3A_613 = vector.broadcast %get3A_609 : f32 to vector<160x128xf32>
    %min3A_614 = arith.minimumf %get3A_13, %min3A_613 : vector<160x128xf32>
    %max3A_615 = vector.broadcast %get3A_603 : f32 to vector<160x128xf32>
    %max3A_616 = arith.maximumf %get3A_3, %max3A_615 : vector<160x128xf32>
    %sub3A_617 = arith.subf %min3A_614, %max3A_616 : vector<160x128xf32>
    %max3A_618 = arith.constant 0.000000e+00 : f32
    %max3A_619 = vector.broadcast %max3A_618 : f32 to vector<160x128xf32>
    %max3A_620 = arith.maximumf %sub3A_617, %max3A_619 : vector<160x128xf32>
    %min3A_621 = vector.broadcast %get3A_612 : f32 to vector<160x128xf32>
    %min3A_622 = arith.minimumf %get3A_18, %min3A_621 : vector<160x128xf32>
    %max3A_623 = vector.broadcast %get3A_606 : f32 to vector<160x128xf32>
    %max3A_624 = arith.maximumf %get3A_8, %max3A_623 : vector<160x128xf32>
    %sub3A_625 = arith.subf %min3A_622, %max3A_624 : vector<160x128xf32>
    %max3A_626 = arith.constant 0.000000e+00 : f32
    %max3A_627 = vector.broadcast %max3A_626 : f32 to vector<160x128xf32>
    %max3A_628 = arith.maximumf %sub3A_625, %max3A_627 : vector<160x128xf32>
    %mul3A_629 = arith.mulf %max3A_620, %max3A_628 : vector<160x128xf32>
    %sub3A_630 = arith.subf %get3A_609, %get3A_603 : f32
    %sub3A_631 = arith.subf %get3A_612, %get3A_606 : f32
    %mul3A_632 = arith.mulf %sub3A_630, %sub3A_631 : f32
    %add3A_633 = vector.broadcast %mul3A_632 : f32 to vector<160x128xf32>
    %add3A_634 = arith.addf %mul3A, %add3A_633 : vector<160x128xf32>
    %sub3A_635 = arith.subf %add3A_634, %mul3A_629 : vector<160x128xf32>
    %div3A_636 = arith.divf %mul3A_629, %sub3A_635 : vector<160x128xf32>
    %max3A_637 = arith.maximumf %max3A_574, %div3A_636 : vector<160x128xf32>
    %jit3A_638 = arith.constant -1.000000e+00 : f32
    %broadcast_in_dim3A_639 = vector.broadcast %jit3A_638 : f32 to vector<160x128xf32>
    %select_n3A_640 = arith.select %and3A_30, %div3A_636, %broadcast_in_dim3A_639 : vector<160x128xi1>, vector<160x128xf32>
    %reduce_max3A_641 = arith.constant dense<0xFF800000> : vector<128xf32>
    %reduce_max3A_642 = vector.multi_reduction <maximumf>, %select_n3A_640, %reduce_max3A_641 [0] : vector<160x128xf32> to vector<128xf32>
    %broadcast_in_dim3A_643 = vector.shape_cast %reduce_max3A_642 : vector<128xf32> to vector<1x128xf32>
    %eq3A_644 = vector.broadcast %broadcast_in_dim3A_643 : vector<1x128xf32> to vector<160x128xf32>
    %eq3A_645 = arith.cmpf oeq, %select_n3A_640, %eq3A_644 : vector<160x128xf32>
    %jit3A_646 = arith.constant 20480 : i32
    %broadcast_in_dim3A_647 = vector.broadcast %jit3A_646 : i32 to vector<160x128xi32>
    %select_n3A_648 = arith.select %eq3A_645, %add3A, %broadcast_in_dim3A_647 : vector<160x128xi1>, vector<160x128xi32>
    %reduce_min3A_649 = arith.constant dense<2147483647> : vector<128xi32>
    %reduce_min3A_650 = vector.multi_reduction <minsi>, %select_n3A_648, %reduce_min3A_649 [0] : vector<160x128xi32> to vector<128xi32>
    %broadcast_in_dim3A_651 = vector.shape_cast %reduce_min3A_650 : vector<128xi32> to vector<1x128xi32>
    %eq3A_652 = arith.constant 9 : i32
    %eq3A_653 = vector.broadcast %eq3A_652 : i32 to vector<32x128xi32>
    %eq3A_654 = arith.cmpi eq, %iota3A_41, %eq3A_653 : vector<32x128xi32>
    %broadcast_in_dim3A_655 = vector.shape_cast %broadcast_in_dim3A_643 : vector<1x128xf32> to vector<1x128xf32>
    %broadcast_in_dim3A_656 = vector.broadcast %broadcast_in_dim3A_655 : vector<1x128xf32> to vector<32x128xf32>
    %select_n3A_657 = arith.select %eq3A_654, %broadcast_in_dim3A_656, %select_n3A_594 : vector<32x128xi1>, vector<32x128xf32>
    %eq3A_658 = arith.constant 9 : i32
    %eq3A_659 = vector.broadcast %eq3A_658 : i32 to vector<32x128xi32>
    %eq3A_660 = arith.cmpi eq, %iota3A_41, %eq3A_659 : vector<32x128xi32>
    %broadcast_in_dim3A_661 = vector.shape_cast %broadcast_in_dim3A_651 : vector<1x128xi32> to vector<1x128xi32>
    %broadcast_in_dim3A_662 = vector.broadcast %broadcast_in_dim3A_661 : vector<1x128xi32> to vector<32x128xi32>
    %select_n3A_663 = arith.select %eq3A_660, %broadcast_in_dim3A_662, %select_n3A_600 : vector<32x128xi1>, vector<32x128xi32>
    %get3A_664 = arith.constant 10 : index
    %get3A_665 = arith.constant 0 : index
    %get3A_666 = memref.load %arg0[%get3A_664, %get3A_665] : memref<32x4xf32, #tpu.memory_space<smem>>
    %get3A_667 = arith.constant 10 : index
    %get3A_668 = arith.constant 1 : index
    %get3A_669 = memref.load %arg0[%get3A_667, %get3A_668] : memref<32x4xf32, #tpu.memory_space<smem>>
    %get3A_670 = arith.constant 10 : index
    %get3A_671 = arith.constant 2 : index
    %get3A_672 = memref.load %arg0[%get3A_670, %get3A_671] : memref<32x4xf32, #tpu.memory_space<smem>>
    %get3A_673 = arith.constant 10 : index
    %get3A_674 = arith.constant 3 : index
    %get3A_675 = memref.load %arg0[%get3A_673, %get3A_674] : memref<32x4xf32, #tpu.memory_space<smem>>
    %min3A_676 = vector.broadcast %get3A_672 : f32 to vector<160x128xf32>
    %min3A_677 = arith.minimumf %get3A_13, %min3A_676 : vector<160x128xf32>
    %max3A_678 = vector.broadcast %get3A_666 : f32 to vector<160x128xf32>
    %max3A_679 = arith.maximumf %get3A_3, %max3A_678 : vector<160x128xf32>
    %sub3A_680 = arith.subf %min3A_677, %max3A_679 : vector<160x128xf32>
    %max3A_681 = arith.constant 0.000000e+00 : f32
    %max3A_682 = vector.broadcast %max3A_681 : f32 to vector<160x128xf32>
    %max3A_683 = arith.maximumf %sub3A_680, %max3A_682 : vector<160x128xf32>
    %min3A_684 = vector.broadcast %get3A_675 : f32 to vector<160x128xf32>
    %min3A_685 = arith.minimumf %get3A_18, %min3A_684 : vector<160x128xf32>
    %max3A_686 = vector.broadcast %get3A_669 : f32 to vector<160x128xf32>
    %max3A_687 = arith.maximumf %get3A_8, %max3A_686 : vector<160x128xf32>
    %sub3A_688 = arith.subf %min3A_685, %max3A_687 : vector<160x128xf32>
    %max3A_689 = arith.constant 0.000000e+00 : f32
    %max3A_690 = vector.broadcast %max3A_689 : f32 to vector<160x128xf32>
    %max3A_691 = arith.maximumf %sub3A_688, %max3A_690 : vector<160x128xf32>
    %mul3A_692 = arith.mulf %max3A_683, %max3A_691 : vector<160x128xf32>
    %sub3A_693 = arith.subf %get3A_672, %get3A_666 : f32
    %sub3A_694 = arith.subf %get3A_675, %get3A_669 : f32
    %mul3A_695 = arith.mulf %sub3A_693, %sub3A_694 : f32
    %add3A_696 = vector.broadcast %mul3A_695 : f32 to vector<160x128xf32>
    %add3A_697 = arith.addf %mul3A, %add3A_696 : vector<160x128xf32>
    %sub3A_698 = arith.subf %add3A_697, %mul3A_692 : vector<160x128xf32>
    %div3A_699 = arith.divf %mul3A_692, %sub3A_698 : vector<160x128xf32>
    %max3A_700 = arith.maximumf %max3A_637, %div3A_699 : vector<160x128xf32>
    %jit3A_701 = arith.constant -1.000000e+00 : f32
    %broadcast_in_dim3A_702 = vector.broadcast %jit3A_701 : f32 to vector<160x128xf32>
    %select_n3A_703 = arith.select %and3A_30, %div3A_699, %broadcast_in_dim3A_702 : vector<160x128xi1>, vector<160x128xf32>
    %reduce_max3A_704 = arith.constant dense<0xFF800000> : vector<128xf32>
    %reduce_max3A_705 = vector.multi_reduction <maximumf>, %select_n3A_703, %reduce_max3A_704 [0] : vector<160x128xf32> to vector<128xf32>
    %broadcast_in_dim3A_706 = vector.shape_cast %reduce_max3A_705 : vector<128xf32> to vector<1x128xf32>
    %eq3A_707 = vector.broadcast %broadcast_in_dim3A_706 : vector<1x128xf32> to vector<160x128xf32>
    %eq3A_708 = arith.cmpf oeq, %select_n3A_703, %eq3A_707 : vector<160x128xf32>
    %jit3A_709 = arith.constant 20480 : i32
    %broadcast_in_dim3A_710 = vector.broadcast %jit3A_709 : i32 to vector<160x128xi32>
    %select_n3A_711 = arith.select %eq3A_708, %add3A, %broadcast_in_dim3A_710 : vector<160x128xi1>, vector<160x128xi32>
    %reduce_min3A_712 = arith.constant dense<2147483647> : vector<128xi32>
    %reduce_min3A_713 = vector.multi_reduction <minsi>, %select_n3A_711, %reduce_min3A_712 [0] : vector<160x128xi32> to vector<128xi32>
    %broadcast_in_dim3A_714 = vector.shape_cast %reduce_min3A_713 : vector<128xi32> to vector<1x128xi32>
    %eq3A_715 = arith.constant 10 : i32
    %eq3A_716 = vector.broadcast %eq3A_715 : i32 to vector<32x128xi32>
    %eq3A_717 = arith.cmpi eq, %iota3A_41, %eq3A_716 : vector<32x128xi32>
    %broadcast_in_dim3A_718 = vector.shape_cast %broadcast_in_dim3A_706 : vector<1x128xf32> to vector<1x128xf32>
    %broadcast_in_dim3A_719 = vector.broadcast %broadcast_in_dim3A_718 : vector<1x128xf32> to vector<32x128xf32>
    %select_n3A_720 = arith.select %eq3A_717, %broadcast_in_dim3A_719, %select_n3A_657 : vector<32x128xi1>, vector<32x128xf32>
    %eq3A_721 = arith.constant 10 : i32
    %eq3A_722 = vector.broadcast %eq3A_721 : i32 to vector<32x128xi32>
    %eq3A_723 = arith.cmpi eq, %iota3A_41, %eq3A_722 : vector<32x128xi32>
    %broadcast_in_dim3A_724 = vector.shape_cast %broadcast_in_dim3A_714 : vector<1x128xi32> to vector<1x128xi32>
    %broadcast_in_dim3A_725 = vector.broadcast %broadcast_in_dim3A_724 : vector<1x128xi32> to vector<32x128xi32>
    %select_n3A_726 = arith.select %eq3A_723, %broadcast_in_dim3A_725, %select_n3A_663 : vector<32x128xi1>, vector<32x128xi32>
    %get3A_727 = arith.constant 11 : index
    %get3A_728 = arith.constant 0 : index
    %get3A_729 = memref.load %arg0[%get3A_727, %get3A_728] : memref<32x4xf32, #tpu.memory_space<smem>>
    %get3A_730 = arith.constant 11 : index
    %get3A_731 = arith.constant 1 : index
    %get3A_732 = memref.load %arg0[%get3A_730, %get3A_731] : memref<32x4xf32, #tpu.memory_space<smem>>
    %get3A_733 = arith.constant 11 : index
    %get3A_734 = arith.constant 2 : index
    %get3A_735 = memref.load %arg0[%get3A_733, %get3A_734] : memref<32x4xf32, #tpu.memory_space<smem>>
    %get3A_736 = arith.constant 11 : index
    %get3A_737 = arith.constant 3 : index
    %get3A_738 = memref.load %arg0[%get3A_736, %get3A_737] : memref<32x4xf32, #tpu.memory_space<smem>>
    %min3A_739 = vector.broadcast %get3A_735 : f32 to vector<160x128xf32>
    %min3A_740 = arith.minimumf %get3A_13, %min3A_739 : vector<160x128xf32>
    %max3A_741 = vector.broadcast %get3A_729 : f32 to vector<160x128xf32>
    %max3A_742 = arith.maximumf %get3A_3, %max3A_741 : vector<160x128xf32>
    %sub3A_743 = arith.subf %min3A_740, %max3A_742 : vector<160x128xf32>
    %max3A_744 = arith.constant 0.000000e+00 : f32
    %max3A_745 = vector.broadcast %max3A_744 : f32 to vector<160x128xf32>
    %max3A_746 = arith.maximumf %sub3A_743, %max3A_745 : vector<160x128xf32>
    %min3A_747 = vector.broadcast %get3A_738 : f32 to vector<160x128xf32>
    %min3A_748 = arith.minimumf %get3A_18, %min3A_747 : vector<160x128xf32>
    %max3A_749 = vector.broadcast %get3A_732 : f32 to vector<160x128xf32>
    %max3A_750 = arith.maximumf %get3A_8, %max3A_749 : vector<160x128xf32>
    %sub3A_751 = arith.subf %min3A_748, %max3A_750 : vector<160x128xf32>
    %max3A_752 = arith.constant 0.000000e+00 : f32
    %max3A_753 = vector.broadcast %max3A_752 : f32 to vector<160x128xf32>
    %max3A_754 = arith.maximumf %sub3A_751, %max3A_753 : vector<160x128xf32>
    %mul3A_755 = arith.mulf %max3A_746, %max3A_754 : vector<160x128xf32>
    %sub3A_756 = arith.subf %get3A_735, %get3A_729 : f32
    %sub3A_757 = arith.subf %get3A_738, %get3A_732 : f32
    %mul3A_758 = arith.mulf %sub3A_756, %sub3A_757 : f32
    %add3A_759 = vector.broadcast %mul3A_758 : f32 to vector<160x128xf32>
    %add3A_760 = arith.addf %mul3A, %add3A_759 : vector<160x128xf32>
    %sub3A_761 = arith.subf %add3A_760, %mul3A_755 : vector<160x128xf32>
    %div3A_762 = arith.divf %mul3A_755, %sub3A_761 : vector<160x128xf32>
    %max3A_763 = arith.maximumf %max3A_700, %div3A_762 : vector<160x128xf32>
    %jit3A_764 = arith.constant -1.000000e+00 : f32
    %broadcast_in_dim3A_765 = vector.broadcast %jit3A_764 : f32 to vector<160x128xf32>
    %select_n3A_766 = arith.select %and3A_30, %div3A_762, %broadcast_in_dim3A_765 : vector<160x128xi1>, vector<160x128xf32>
    %reduce_max3A_767 = arith.constant dense<0xFF800000> : vector<128xf32>
    %reduce_max3A_768 = vector.multi_reduction <maximumf>, %select_n3A_766, %reduce_max3A_767 [0] : vector<160x128xf32> to vector<128xf32>
    %broadcast_in_dim3A_769 = vector.shape_cast %reduce_max3A_768 : vector<128xf32> to vector<1x128xf32>
    %eq3A_770 = vector.broadcast %broadcast_in_dim3A_769 : vector<1x128xf32> to vector<160x128xf32>
    %eq3A_771 = arith.cmpf oeq, %select_n3A_766, %eq3A_770 : vector<160x128xf32>
    %jit3A_772 = arith.constant 20480 : i32
    %broadcast_in_dim3A_773 = vector.broadcast %jit3A_772 : i32 to vector<160x128xi32>
    %select_n3A_774 = arith.select %eq3A_771, %add3A, %broadcast_in_dim3A_773 : vector<160x128xi1>, vector<160x128xi32>
    %reduce_min3A_775 = arith.constant dense<2147483647> : vector<128xi32>
    %reduce_min3A_776 = vector.multi_reduction <minsi>, %select_n3A_774, %reduce_min3A_775 [0] : vector<160x128xi32> to vector<128xi32>
    %broadcast_in_dim3A_777 = vector.shape_cast %reduce_min3A_776 : vector<128xi32> to vector<1x128xi32>
    %eq3A_778 = arith.constant 11 : i32
    %eq3A_779 = vector.broadcast %eq3A_778 : i32 to vector<32x128xi32>
    %eq3A_780 = arith.cmpi eq, %iota3A_41, %eq3A_779 : vector<32x128xi32>
    %broadcast_in_dim3A_781 = vector.shape_cast %broadcast_in_dim3A_769 : vector<1x128xf32> to vector<1x128xf32>
    %broadcast_in_dim3A_782 = vector.broadcast %broadcast_in_dim3A_781 : vector<1x128xf32> to vector<32x128xf32>
    %select_n3A_783 = arith.select %eq3A_780, %broadcast_in_dim3A_782, %select_n3A_720 : vector<32x128xi1>, vector<32x128xf32>
    %eq3A_784 = arith.constant 11 : i32
    %eq3A_785 = vector.broadcast %eq3A_784 : i32 to vector<32x128xi32>
    %eq3A_786 = arith.cmpi eq, %iota3A_41, %eq3A_785 : vector<32x128xi32>
    %broadcast_in_dim3A_787 = vector.shape_cast %broadcast_in_dim3A_777 : vector<1x128xi32> to vector<1x128xi32>
    %broadcast_in_dim3A_788 = vector.broadcast %broadcast_in_dim3A_787 : vector<1x128xi32> to vector<32x128xi32>
    %select_n3A_789 = arith.select %eq3A_786, %broadcast_in_dim3A_788, %select_n3A_726 : vector<32x128xi1>, vector<32x128xi32>
    %get3A_790 = arith.constant 12 : index
    %get3A_791 = arith.constant 0 : index
    %get3A_792 = memref.load %arg0[%get3A_790, %get3A_791] : memref<32x4xf32, #tpu.memory_space<smem>>
    %get3A_793 = arith.constant 12 : index
    %get3A_794 = arith.constant 1 : index
    %get3A_795 = memref.load %arg0[%get3A_793, %get3A_794] : memref<32x4xf32, #tpu.memory_space<smem>>
    %get3A_796 = arith.constant 12 : index
    %get3A_797 = arith.constant 2 : index
    %get3A_798 = memref.load %arg0[%get3A_796, %get3A_797] : memref<32x4xf32, #tpu.memory_space<smem>>
    %get3A_799 = arith.constant 12 : index
    %get3A_800 = arith.constant 3 : index
    %get3A_801 = memref.load %arg0[%get3A_799, %get3A_800] : memref<32x4xf32, #tpu.memory_space<smem>>
    %min3A_802 = vector.broadcast %get3A_798 : f32 to vector<160x128xf32>
    %min3A_803 = arith.minimumf %get3A_13, %min3A_802 : vector<160x128xf32>
    %max3A_804 = vector.broadcast %get3A_792 : f32 to vector<160x128xf32>
    %max3A_805 = arith.maximumf %get3A_3, %max3A_804 : vector<160x128xf32>
    %sub3A_806 = arith.subf %min3A_803, %max3A_805 : vector<160x128xf32>
    %max3A_807 = arith.constant 0.000000e+00 : f32
    %max3A_808 = vector.broadcast %max3A_807 : f32 to vector<160x128xf32>
    %max3A_809 = arith.maximumf %sub3A_806, %max3A_808 : vector<160x128xf32>
    %min3A_810 = vector.broadcast %get3A_801 : f32 to vector<160x128xf32>
    %min3A_811 = arith.minimumf %get3A_18, %min3A_810 : vector<160x128xf32>
    %max3A_812 = vector.broadcast %get3A_795 : f32 to vector<160x128xf32>
    %max3A_813 = arith.maximumf %get3A_8, %max3A_812 : vector<160x128xf32>
    %sub3A_814 = arith.subf %min3A_811, %max3A_813 : vector<160x128xf32>
    %max3A_815 = arith.constant 0.000000e+00 : f32
    %max3A_816 = vector.broadcast %max3A_815 : f32 to vector<160x128xf32>
    %max3A_817 = arith.maximumf %sub3A_814, %max3A_816 : vector<160x128xf32>
    %mul3A_818 = arith.mulf %max3A_809, %max3A_817 : vector<160x128xf32>
    %sub3A_819 = arith.subf %get3A_798, %get3A_792 : f32
    %sub3A_820 = arith.subf %get3A_801, %get3A_795 : f32
    %mul3A_821 = arith.mulf %sub3A_819, %sub3A_820 : f32
    %add3A_822 = vector.broadcast %mul3A_821 : f32 to vector<160x128xf32>
    %add3A_823 = arith.addf %mul3A, %add3A_822 : vector<160x128xf32>
    %sub3A_824 = arith.subf %add3A_823, %mul3A_818 : vector<160x128xf32>
    %div3A_825 = arith.divf %mul3A_818, %sub3A_824 : vector<160x128xf32>
    %max3A_826 = arith.maximumf %max3A_763, %div3A_825 : vector<160x128xf32>
    %jit3A_827 = arith.constant -1.000000e+00 : f32
    %broadcast_in_dim3A_828 = vector.broadcast %jit3A_827 : f32 to vector<160x128xf32>
    %select_n3A_829 = arith.select %and3A_30, %div3A_825, %broadcast_in_dim3A_828 : vector<160x128xi1>, vector<160x128xf32>
    %reduce_max3A_830 = arith.constant dense<0xFF800000> : vector<128xf32>
    %reduce_max3A_831 = vector.multi_reduction <maximumf>, %select_n3A_829, %reduce_max3A_830 [0] : vector<160x128xf32> to vector<128xf32>
    %broadcast_in_dim3A_832 = vector.shape_cast %reduce_max3A_831 : vector<128xf32> to vector<1x128xf32>
    %eq3A_833 = vector.broadcast %broadcast_in_dim3A_832 : vector<1x128xf32> to vector<160x128xf32>
    %eq3A_834 = arith.cmpf oeq, %select_n3A_829, %eq3A_833 : vector<160x128xf32>
    %jit3A_835 = arith.constant 20480 : i32
    %broadcast_in_dim3A_836 = vector.broadcast %jit3A_835 : i32 to vector<160x128xi32>
    %select_n3A_837 = arith.select %eq3A_834, %add3A, %broadcast_in_dim3A_836 : vector<160x128xi1>, vector<160x128xi32>
    %reduce_min3A_838 = arith.constant dense<2147483647> : vector<128xi32>
    %reduce_min3A_839 = vector.multi_reduction <minsi>, %select_n3A_837, %reduce_min3A_838 [0] : vector<160x128xi32> to vector<128xi32>
    %broadcast_in_dim3A_840 = vector.shape_cast %reduce_min3A_839 : vector<128xi32> to vector<1x128xi32>
    %eq3A_841 = arith.constant 12 : i32
    %eq3A_842 = vector.broadcast %eq3A_841 : i32 to vector<32x128xi32>
    %eq3A_843 = arith.cmpi eq, %iota3A_41, %eq3A_842 : vector<32x128xi32>
    %broadcast_in_dim3A_844 = vector.shape_cast %broadcast_in_dim3A_832 : vector<1x128xf32> to vector<1x128xf32>
    %broadcast_in_dim3A_845 = vector.broadcast %broadcast_in_dim3A_844 : vector<1x128xf32> to vector<32x128xf32>
    %select_n3A_846 = arith.select %eq3A_843, %broadcast_in_dim3A_845, %select_n3A_783 : vector<32x128xi1>, vector<32x128xf32>
    %eq3A_847 = arith.constant 12 : i32
    %eq3A_848 = vector.broadcast %eq3A_847 : i32 to vector<32x128xi32>
    %eq3A_849 = arith.cmpi eq, %iota3A_41, %eq3A_848 : vector<32x128xi32>
    %broadcast_in_dim3A_850 = vector.shape_cast %broadcast_in_dim3A_840 : vector<1x128xi32> to vector<1x128xi32>
    %broadcast_in_dim3A_851 = vector.broadcast %broadcast_in_dim3A_850 : vector<1x128xi32> to vector<32x128xi32>
    %select_n3A_852 = arith.select %eq3A_849, %broadcast_in_dim3A_851, %select_n3A_789 : vector<32x128xi1>, vector<32x128xi32>
    %get3A_853 = arith.constant 13 : index
    %get3A_854 = arith.constant 0 : index
    %get3A_855 = memref.load %arg0[%get3A_853, %get3A_854] : memref<32x4xf32, #tpu.memory_space<smem>>
    %get3A_856 = arith.constant 13 : index
    %get3A_857 = arith.constant 1 : index
    %get3A_858 = memref.load %arg0[%get3A_856, %get3A_857] : memref<32x4xf32, #tpu.memory_space<smem>>
    %get3A_859 = arith.constant 13 : index
    %get3A_860 = arith.constant 2 : index
    %get3A_861 = memref.load %arg0[%get3A_859, %get3A_860] : memref<32x4xf32, #tpu.memory_space<smem>>
    %get3A_862 = arith.constant 13 : index
    %get3A_863 = arith.constant 3 : index
    %get3A_864 = memref.load %arg0[%get3A_862, %get3A_863] : memref<32x4xf32, #tpu.memory_space<smem>>
    %min3A_865 = vector.broadcast %get3A_861 : f32 to vector<160x128xf32>
    %min3A_866 = arith.minimumf %get3A_13, %min3A_865 : vector<160x128xf32>
    %max3A_867 = vector.broadcast %get3A_855 : f32 to vector<160x128xf32>
    %max3A_868 = arith.maximumf %get3A_3, %max3A_867 : vector<160x128xf32>
    %sub3A_869 = arith.subf %min3A_866, %max3A_868 : vector<160x128xf32>
    %max3A_870 = arith.constant 0.000000e+00 : f32
    %max3A_871 = vector.broadcast %max3A_870 : f32 to vector<160x128xf32>
    %max3A_872 = arith.maximumf %sub3A_869, %max3A_871 : vector<160x128xf32>
    %min3A_873 = vector.broadcast %get3A_864 : f32 to vector<160x128xf32>
    %min3A_874 = arith.minimumf %get3A_18, %min3A_873 : vector<160x128xf32>
    %max3A_875 = vector.broadcast %get3A_858 : f32 to vector<160x128xf32>
    %max3A_876 = arith.maximumf %get3A_8, %max3A_875 : vector<160x128xf32>
    %sub3A_877 = arith.subf %min3A_874, %max3A_876 : vector<160x128xf32>
    %max3A_878 = arith.constant 0.000000e+00 : f32
    %max3A_879 = vector.broadcast %max3A_878 : f32 to vector<160x128xf32>
    %max3A_880 = arith.maximumf %sub3A_877, %max3A_879 : vector<160x128xf32>
    %mul3A_881 = arith.mulf %max3A_872, %max3A_880 : vector<160x128xf32>
    %sub3A_882 = arith.subf %get3A_861, %get3A_855 : f32
    %sub3A_883 = arith.subf %get3A_864, %get3A_858 : f32
    %mul3A_884 = arith.mulf %sub3A_882, %sub3A_883 : f32
    %add3A_885 = vector.broadcast %mul3A_884 : f32 to vector<160x128xf32>
    %add3A_886 = arith.addf %mul3A, %add3A_885 : vector<160x128xf32>
    %sub3A_887 = arith.subf %add3A_886, %mul3A_881 : vector<160x128xf32>
    %div3A_888 = arith.divf %mul3A_881, %sub3A_887 : vector<160x128xf32>
    %max3A_889 = arith.maximumf %max3A_826, %div3A_888 : vector<160x128xf32>
    %jit3A_890 = arith.constant -1.000000e+00 : f32
    %broadcast_in_dim3A_891 = vector.broadcast %jit3A_890 : f32 to vector<160x128xf32>
    %select_n3A_892 = arith.select %and3A_30, %div3A_888, %broadcast_in_dim3A_891 : vector<160x128xi1>, vector<160x128xf32>
    %reduce_max3A_893 = arith.constant dense<0xFF800000> : vector<128xf32>
    %reduce_max3A_894 = vector.multi_reduction <maximumf>, %select_n3A_892, %reduce_max3A_893 [0] : vector<160x128xf32> to vector<128xf32>
    %broadcast_in_dim3A_895 = vector.shape_cast %reduce_max3A_894 : vector<128xf32> to vector<1x128xf32>
    %eq3A_896 = vector.broadcast %broadcast_in_dim3A_895 : vector<1x128xf32> to vector<160x128xf32>
    %eq3A_897 = arith.cmpf oeq, %select_n3A_892, %eq3A_896 : vector<160x128xf32>
    %jit3A_898 = arith.constant 20480 : i32
    %broadcast_in_dim3A_899 = vector.broadcast %jit3A_898 : i32 to vector<160x128xi32>
    %select_n3A_900 = arith.select %eq3A_897, %add3A, %broadcast_in_dim3A_899 : vector<160x128xi1>, vector<160x128xi32>
    %reduce_min3A_901 = arith.constant dense<2147483647> : vector<128xi32>
    %reduce_min3A_902 = vector.multi_reduction <minsi>, %select_n3A_900, %reduce_min3A_901 [0] : vector<160x128xi32> to vector<128xi32>
    %broadcast_in_dim3A_903 = vector.shape_cast %reduce_min3A_902 : vector<128xi32> to vector<1x128xi32>
    %eq3A_904 = arith.constant 13 : i32
    %eq3A_905 = vector.broadcast %eq3A_904 : i32 to vector<32x128xi32>
    %eq3A_906 = arith.cmpi eq, %iota3A_41, %eq3A_905 : vector<32x128xi32>
    %broadcast_in_dim3A_907 = vector.shape_cast %broadcast_in_dim3A_895 : vector<1x128xf32> to vector<1x128xf32>
    %broadcast_in_dim3A_908 = vector.broadcast %broadcast_in_dim3A_907 : vector<1x128xf32> to vector<32x128xf32>
    %select_n3A_909 = arith.select %eq3A_906, %broadcast_in_dim3A_908, %select_n3A_846 : vector<32x128xi1>, vector<32x128xf32>
    %eq3A_910 = arith.constant 13 : i32
    %eq3A_911 = vector.broadcast %eq3A_910 : i32 to vector<32x128xi32>
    %eq3A_912 = arith.cmpi eq, %iota3A_41, %eq3A_911 : vector<32x128xi32>
    %broadcast_in_dim3A_913 = vector.shape_cast %broadcast_in_dim3A_903 : vector<1x128xi32> to vector<1x128xi32>
    %broadcast_in_dim3A_914 = vector.broadcast %broadcast_in_dim3A_913 : vector<1x128xi32> to vector<32x128xi32>
    %select_n3A_915 = arith.select %eq3A_912, %broadcast_in_dim3A_914, %select_n3A_852 : vector<32x128xi1>, vector<32x128xi32>
    %get3A_916 = arith.constant 14 : index
    %get3A_917 = arith.constant 0 : index
    %get3A_918 = memref.load %arg0[%get3A_916, %get3A_917] : memref<32x4xf32, #tpu.memory_space<smem>>
    %get3A_919 = arith.constant 14 : index
    %get3A_920 = arith.constant 1 : index
    %get3A_921 = memref.load %arg0[%get3A_919, %get3A_920] : memref<32x4xf32, #tpu.memory_space<smem>>
    %get3A_922 = arith.constant 14 : index
    %get3A_923 = arith.constant 2 : index
    %get3A_924 = memref.load %arg0[%get3A_922, %get3A_923] : memref<32x4xf32, #tpu.memory_space<smem>>
    %get3A_925 = arith.constant 14 : index
    %get3A_926 = arith.constant 3 : index
    %get3A_927 = memref.load %arg0[%get3A_925, %get3A_926] : memref<32x4xf32, #tpu.memory_space<smem>>
    %min3A_928 = vector.broadcast %get3A_924 : f32 to vector<160x128xf32>
    %min3A_929 = arith.minimumf %get3A_13, %min3A_928 : vector<160x128xf32>
    %max3A_930 = vector.broadcast %get3A_918 : f32 to vector<160x128xf32>
    %max3A_931 = arith.maximumf %get3A_3, %max3A_930 : vector<160x128xf32>
    %sub3A_932 = arith.subf %min3A_929, %max3A_931 : vector<160x128xf32>
    %max3A_933 = arith.constant 0.000000e+00 : f32
    %max3A_934 = vector.broadcast %max3A_933 : f32 to vector<160x128xf32>
    %max3A_935 = arith.maximumf %sub3A_932, %max3A_934 : vector<160x128xf32>
    %min3A_936 = vector.broadcast %get3A_927 : f32 to vector<160x128xf32>
    %min3A_937 = arith.minimumf %get3A_18, %min3A_936 : vector<160x128xf32>
    %max3A_938 = vector.broadcast %get3A_921 : f32 to vector<160x128xf32>
    %max3A_939 = arith.maximumf %get3A_8, %max3A_938 : vector<160x128xf32>
    %sub3A_940 = arith.subf %min3A_937, %max3A_939 : vector<160x128xf32>
    %max3A_941 = arith.constant 0.000000e+00 : f32
    %max3A_942 = vector.broadcast %max3A_941 : f32 to vector<160x128xf32>
    %max3A_943 = arith.maximumf %sub3A_940, %max3A_942 : vector<160x128xf32>
    %mul3A_944 = arith.mulf %max3A_935, %max3A_943 : vector<160x128xf32>
    %sub3A_945 = arith.subf %get3A_924, %get3A_918 : f32
    %sub3A_946 = arith.subf %get3A_927, %get3A_921 : f32
    %mul3A_947 = arith.mulf %sub3A_945, %sub3A_946 : f32
    %add3A_948 = vector.broadcast %mul3A_947 : f32 to vector<160x128xf32>
    %add3A_949 = arith.addf %mul3A, %add3A_948 : vector<160x128xf32>
    %sub3A_950 = arith.subf %add3A_949, %mul3A_944 : vector<160x128xf32>
    %div3A_951 = arith.divf %mul3A_944, %sub3A_950 : vector<160x128xf32>
    %max3A_952 = arith.maximumf %max3A_889, %div3A_951 : vector<160x128xf32>
    %jit3A_953 = arith.constant -1.000000e+00 : f32
    %broadcast_in_dim3A_954 = vector.broadcast %jit3A_953 : f32 to vector<160x128xf32>
    %select_n3A_955 = arith.select %and3A_30, %div3A_951, %broadcast_in_dim3A_954 : vector<160x128xi1>, vector<160x128xf32>
    %reduce_max3A_956 = arith.constant dense<0xFF800000> : vector<128xf32>
    %reduce_max3A_957 = vector.multi_reduction <maximumf>, %select_n3A_955, %reduce_max3A_956 [0] : vector<160x128xf32> to vector<128xf32>
    %broadcast_in_dim3A_958 = vector.shape_cast %reduce_max3A_957 : vector<128xf32> to vector<1x128xf32>
    %eq3A_959 = vector.broadcast %broadcast_in_dim3A_958 : vector<1x128xf32> to vector<160x128xf32>
    %eq3A_960 = arith.cmpf oeq, %select_n3A_955, %eq3A_959 : vector<160x128xf32>
    %jit3A_961 = arith.constant 20480 : i32
    %broadcast_in_dim3A_962 = vector.broadcast %jit3A_961 : i32 to vector<160x128xi32>
    %select_n3A_963 = arith.select %eq3A_960, %add3A, %broadcast_in_dim3A_962 : vector<160x128xi1>, vector<160x128xi32>
    %reduce_min3A_964 = arith.constant dense<2147483647> : vector<128xi32>
    %reduce_min3A_965 = vector.multi_reduction <minsi>, %select_n3A_963, %reduce_min3A_964 [0] : vector<160x128xi32> to vector<128xi32>
    %broadcast_in_dim3A_966 = vector.shape_cast %reduce_min3A_965 : vector<128xi32> to vector<1x128xi32>
    %eq3A_967 = arith.constant 14 : i32
    %eq3A_968 = vector.broadcast %eq3A_967 : i32 to vector<32x128xi32>
    %eq3A_969 = arith.cmpi eq, %iota3A_41, %eq3A_968 : vector<32x128xi32>
    %broadcast_in_dim3A_970 = vector.shape_cast %broadcast_in_dim3A_958 : vector<1x128xf32> to vector<1x128xf32>
    %broadcast_in_dim3A_971 = vector.broadcast %broadcast_in_dim3A_970 : vector<1x128xf32> to vector<32x128xf32>
    %select_n3A_972 = arith.select %eq3A_969, %broadcast_in_dim3A_971, %select_n3A_909 : vector<32x128xi1>, vector<32x128xf32>
    %eq3A_973 = arith.constant 14 : i32
    %eq3A_974 = vector.broadcast %eq3A_973 : i32 to vector<32x128xi32>
    %eq3A_975 = arith.cmpi eq, %iota3A_41, %eq3A_974 : vector<32x128xi32>
    %broadcast_in_dim3A_976 = vector.shape_cast %broadcast_in_dim3A_966 : vector<1x128xi32> to vector<1x128xi32>
    %broadcast_in_dim3A_977 = vector.broadcast %broadcast_in_dim3A_976 : vector<1x128xi32> to vector<32x128xi32>
    %select_n3A_978 = arith.select %eq3A_975, %broadcast_in_dim3A_977, %select_n3A_915 : vector<32x128xi1>, vector<32x128xi32>
    %get3A_979 = arith.constant 15 : index
    %get3A_980 = arith.constant 0 : index
    %get3A_981 = memref.load %arg0[%get3A_979, %get3A_980] : memref<32x4xf32, #tpu.memory_space<smem>>
    %get3A_982 = arith.constant 15 : index
    %get3A_983 = arith.constant 1 : index
    %get3A_984 = memref.load %arg0[%get3A_982, %get3A_983] : memref<32x4xf32, #tpu.memory_space<smem>>
    %get3A_985 = arith.constant 15 : index
    %get3A_986 = arith.constant 2 : index
    %get3A_987 = memref.load %arg0[%get3A_985, %get3A_986] : memref<32x4xf32, #tpu.memory_space<smem>>
    %get3A_988 = arith.constant 15 : index
    %get3A_989 = arith.constant 3 : index
    %get3A_990 = memref.load %arg0[%get3A_988, %get3A_989] : memref<32x4xf32, #tpu.memory_space<smem>>
    %min3A_991 = vector.broadcast %get3A_987 : f32 to vector<160x128xf32>
    %min3A_992 = arith.minimumf %get3A_13, %min3A_991 : vector<160x128xf32>
    %max3A_993 = vector.broadcast %get3A_981 : f32 to vector<160x128xf32>
    %max3A_994 = arith.maximumf %get3A_3, %max3A_993 : vector<160x128xf32>
    %sub3A_995 = arith.subf %min3A_992, %max3A_994 : vector<160x128xf32>
    %max3A_996 = arith.constant 0.000000e+00 : f32
    %max3A_997 = vector.broadcast %max3A_996 : f32 to vector<160x128xf32>
    %max3A_998 = arith.maximumf %sub3A_995, %max3A_997 : vector<160x128xf32>
    %min3A_999 = vector.broadcast %get3A_990 : f32 to vector<160x128xf32>
    %min3A_1000 = arith.minimumf %get3A_18, %min3A_999 : vector<160x128xf32>
    %max3A_1001 = vector.broadcast %get3A_984 : f32 to vector<160x128xf32>
    %max3A_1002 = arith.maximumf %get3A_8, %max3A_1001 : vector<160x128xf32>
    %sub3A_1003 = arith.subf %min3A_1000, %max3A_1002 : vector<160x128xf32>
    %max3A_1004 = arith.constant 0.000000e+00 : f32
    %max3A_1005 = vector.broadcast %max3A_1004 : f32 to vector<160x128xf32>
    %max3A_1006 = arith.maximumf %sub3A_1003, %max3A_1005 : vector<160x128xf32>
    %mul3A_1007 = arith.mulf %max3A_998, %max3A_1006 : vector<160x128xf32>
    %sub3A_1008 = arith.subf %get3A_987, %get3A_981 : f32
    %sub3A_1009 = arith.subf %get3A_990, %get3A_984 : f32
    %mul3A_1010 = arith.mulf %sub3A_1008, %sub3A_1009 : f32
    %add3A_1011 = vector.broadcast %mul3A_1010 : f32 to vector<160x128xf32>
    %add3A_1012 = arith.addf %mul3A, %add3A_1011 : vector<160x128xf32>
    %sub3A_1013 = arith.subf %add3A_1012, %mul3A_1007 : vector<160x128xf32>
    %div3A_1014 = arith.divf %mul3A_1007, %sub3A_1013 : vector<160x128xf32>
    %max3A_1015 = arith.maximumf %max3A_952, %div3A_1014 : vector<160x128xf32>
    %jit3A_1016 = arith.constant -1.000000e+00 : f32
    %broadcast_in_dim3A_1017 = vector.broadcast %jit3A_1016 : f32 to vector<160x128xf32>
    %select_n3A_1018 = arith.select %and3A_30, %div3A_1014, %broadcast_in_dim3A_1017 : vector<160x128xi1>, vector<160x128xf32>
    %reduce_max3A_1019 = arith.constant dense<0xFF800000> : vector<128xf32>
    %reduce_max3A_1020 = vector.multi_reduction <maximumf>, %select_n3A_1018, %reduce_max3A_1019 [0] : vector<160x128xf32> to vector<128xf32>
    %broadcast_in_dim3A_1021 = vector.shape_cast %reduce_max3A_1020 : vector<128xf32> to vector<1x128xf32>
    %eq3A_1022 = vector.broadcast %broadcast_in_dim3A_1021 : vector<1x128xf32> to vector<160x128xf32>
    %eq3A_1023 = arith.cmpf oeq, %select_n3A_1018, %eq3A_1022 : vector<160x128xf32>
    %jit3A_1024 = arith.constant 20480 : i32
    %broadcast_in_dim3A_1025 = vector.broadcast %jit3A_1024 : i32 to vector<160x128xi32>
    %select_n3A_1026 = arith.select %eq3A_1023, %add3A, %broadcast_in_dim3A_1025 : vector<160x128xi1>, vector<160x128xi32>
    %reduce_min3A_1027 = arith.constant dense<2147483647> : vector<128xi32>
    %reduce_min3A_1028 = vector.multi_reduction <minsi>, %select_n3A_1026, %reduce_min3A_1027 [0] : vector<160x128xi32> to vector<128xi32>
    %broadcast_in_dim3A_1029 = vector.shape_cast %reduce_min3A_1028 : vector<128xi32> to vector<1x128xi32>
    %eq3A_1030 = arith.constant 15 : i32
    %eq3A_1031 = vector.broadcast %eq3A_1030 : i32 to vector<32x128xi32>
    %eq3A_1032 = arith.cmpi eq, %iota3A_41, %eq3A_1031 : vector<32x128xi32>
    %broadcast_in_dim3A_1033 = vector.shape_cast %broadcast_in_dim3A_1021 : vector<1x128xf32> to vector<1x128xf32>
    %broadcast_in_dim3A_1034 = vector.broadcast %broadcast_in_dim3A_1033 : vector<1x128xf32> to vector<32x128xf32>
    %select_n3A_1035 = arith.select %eq3A_1032, %broadcast_in_dim3A_1034, %select_n3A_972 : vector<32x128xi1>, vector<32x128xf32>
    %eq3A_1036 = arith.constant 15 : i32
    %eq3A_1037 = vector.broadcast %eq3A_1036 : i32 to vector<32x128xi32>
    %eq3A_1038 = arith.cmpi eq, %iota3A_41, %eq3A_1037 : vector<32x128xi32>
    %broadcast_in_dim3A_1039 = vector.shape_cast %broadcast_in_dim3A_1029 : vector<1x128xi32> to vector<1x128xi32>
    %broadcast_in_dim3A_1040 = vector.broadcast %broadcast_in_dim3A_1039 : vector<1x128xi32> to vector<32x128xi32>
    %select_n3A_1041 = arith.select %eq3A_1038, %broadcast_in_dim3A_1040, %select_n3A_978 : vector<32x128xi1>, vector<32x128xi32>
    %get3A_1042 = arith.constant 16 : index
    %get3A_1043 = arith.constant 0 : index
    %get3A_1044 = memref.load %arg0[%get3A_1042, %get3A_1043] : memref<32x4xf32, #tpu.memory_space<smem>>
    %get3A_1045 = arith.constant 16 : index
    %get3A_1046 = arith.constant 1 : index
    %get3A_1047 = memref.load %arg0[%get3A_1045, %get3A_1046] : memref<32x4xf32, #tpu.memory_space<smem>>
    %get3A_1048 = arith.constant 16 : index
    %get3A_1049 = arith.constant 2 : index
    %get3A_1050 = memref.load %arg0[%get3A_1048, %get3A_1049] : memref<32x4xf32, #tpu.memory_space<smem>>
    %get3A_1051 = arith.constant 16 : index
    %get3A_1052 = arith.constant 3 : index
    %get3A_1053 = memref.load %arg0[%get3A_1051, %get3A_1052] : memref<32x4xf32, #tpu.memory_space<smem>>
    %min3A_1054 = vector.broadcast %get3A_1050 : f32 to vector<160x128xf32>
    %min3A_1055 = arith.minimumf %get3A_13, %min3A_1054 : vector<160x128xf32>
    %max3A_1056 = vector.broadcast %get3A_1044 : f32 to vector<160x128xf32>
    %max3A_1057 = arith.maximumf %get3A_3, %max3A_1056 : vector<160x128xf32>
    %sub3A_1058 = arith.subf %min3A_1055, %max3A_1057 : vector<160x128xf32>
    %max3A_1059 = arith.constant 0.000000e+00 : f32
    %max3A_1060 = vector.broadcast %max3A_1059 : f32 to vector<160x128xf32>
    %max3A_1061 = arith.maximumf %sub3A_1058, %max3A_1060 : vector<160x128xf32>
    %min3A_1062 = vector.broadcast %get3A_1053 : f32 to vector<160x128xf32>
    %min3A_1063 = arith.minimumf %get3A_18, %min3A_1062 : vector<160x128xf32>
    %max3A_1064 = vector.broadcast %get3A_1047 : f32 to vector<160x128xf32>
    %max3A_1065 = arith.maximumf %get3A_8, %max3A_1064 : vector<160x128xf32>
    %sub3A_1066 = arith.subf %min3A_1063, %max3A_1065 : vector<160x128xf32>
    %max3A_1067 = arith.constant 0.000000e+00 : f32
    %max3A_1068 = vector.broadcast %max3A_1067 : f32 to vector<160x128xf32>
    %max3A_1069 = arith.maximumf %sub3A_1066, %max3A_1068 : vector<160x128xf32>
    %mul3A_1070 = arith.mulf %max3A_1061, %max3A_1069 : vector<160x128xf32>
    %sub3A_1071 = arith.subf %get3A_1050, %get3A_1044 : f32
    %sub3A_1072 = arith.subf %get3A_1053, %get3A_1047 : f32
    %mul3A_1073 = arith.mulf %sub3A_1071, %sub3A_1072 : f32
    %add3A_1074 = vector.broadcast %mul3A_1073 : f32 to vector<160x128xf32>
    %add3A_1075 = arith.addf %mul3A, %add3A_1074 : vector<160x128xf32>
    %sub3A_1076 = arith.subf %add3A_1075, %mul3A_1070 : vector<160x128xf32>
    %div3A_1077 = arith.divf %mul3A_1070, %sub3A_1076 : vector<160x128xf32>
    %max3A_1078 = arith.maximumf %max3A_1015, %div3A_1077 : vector<160x128xf32>
    %jit3A_1079 = arith.constant -1.000000e+00 : f32
    %broadcast_in_dim3A_1080 = vector.broadcast %jit3A_1079 : f32 to vector<160x128xf32>
    %select_n3A_1081 = arith.select %and3A_30, %div3A_1077, %broadcast_in_dim3A_1080 : vector<160x128xi1>, vector<160x128xf32>
    %reduce_max3A_1082 = arith.constant dense<0xFF800000> : vector<128xf32>
    %reduce_max3A_1083 = vector.multi_reduction <maximumf>, %select_n3A_1081, %reduce_max3A_1082 [0] : vector<160x128xf32> to vector<128xf32>
    %broadcast_in_dim3A_1084 = vector.shape_cast %reduce_max3A_1083 : vector<128xf32> to vector<1x128xf32>
    %eq3A_1085 = vector.broadcast %broadcast_in_dim3A_1084 : vector<1x128xf32> to vector<160x128xf32>
    %eq3A_1086 = arith.cmpf oeq, %select_n3A_1081, %eq3A_1085 : vector<160x128xf32>
    %jit3A_1087 = arith.constant 20480 : i32
    %broadcast_in_dim3A_1088 = vector.broadcast %jit3A_1087 : i32 to vector<160x128xi32>
    %select_n3A_1089 = arith.select %eq3A_1086, %add3A, %broadcast_in_dim3A_1088 : vector<160x128xi1>, vector<160x128xi32>
    %reduce_min3A_1090 = arith.constant dense<2147483647> : vector<128xi32>
    %reduce_min3A_1091 = vector.multi_reduction <minsi>, %select_n3A_1089, %reduce_min3A_1090 [0] : vector<160x128xi32> to vector<128xi32>
    %broadcast_in_dim3A_1092 = vector.shape_cast %reduce_min3A_1091 : vector<128xi32> to vector<1x128xi32>
    %eq3A_1093 = arith.constant 16 : i32
    %eq3A_1094 = vector.broadcast %eq3A_1093 : i32 to vector<32x128xi32>
    %eq3A_1095 = arith.cmpi eq, %iota3A_41, %eq3A_1094 : vector<32x128xi32>
    %broadcast_in_dim3A_1096 = vector.shape_cast %broadcast_in_dim3A_1084 : vector<1x128xf32> to vector<1x128xf32>
    %broadcast_in_dim3A_1097 = vector.broadcast %broadcast_in_dim3A_1096 : vector<1x128xf32> to vector<32x128xf32>
    %select_n3A_1098 = arith.select %eq3A_1095, %broadcast_in_dim3A_1097, %select_n3A_1035 : vector<32x128xi1>, vector<32x128xf32>
    %eq3A_1099 = arith.constant 16 : i32
    %eq3A_1100 = vector.broadcast %eq3A_1099 : i32 to vector<32x128xi32>
    %eq3A_1101 = arith.cmpi eq, %iota3A_41, %eq3A_1100 : vector<32x128xi32>
    %broadcast_in_dim3A_1102 = vector.shape_cast %broadcast_in_dim3A_1092 : vector<1x128xi32> to vector<1x128xi32>
    %broadcast_in_dim3A_1103 = vector.broadcast %broadcast_in_dim3A_1102 : vector<1x128xi32> to vector<32x128xi32>
    %select_n3A_1104 = arith.select %eq3A_1101, %broadcast_in_dim3A_1103, %select_n3A_1041 : vector<32x128xi1>, vector<32x128xi32>
    %get3A_1105 = arith.constant 17 : index
    %get3A_1106 = arith.constant 0 : index
    %get3A_1107 = memref.load %arg0[%get3A_1105, %get3A_1106] : memref<32x4xf32, #tpu.memory_space<smem>>
    %get3A_1108 = arith.constant 17 : index
    %get3A_1109 = arith.constant 1 : index
    %get3A_1110 = memref.load %arg0[%get3A_1108, %get3A_1109] : memref<32x4xf32, #tpu.memory_space<smem>>
    %get3A_1111 = arith.constant 17 : index
    %get3A_1112 = arith.constant 2 : index
    %get3A_1113 = memref.load %arg0[%get3A_1111, %get3A_1112] : memref<32x4xf32, #tpu.memory_space<smem>>
    %get3A_1114 = arith.constant 17 : index
    %get3A_1115 = arith.constant 3 : index
    %get3A_1116 = memref.load %arg0[%get3A_1114, %get3A_1115] : memref<32x4xf32, #tpu.memory_space<smem>>
    %min3A_1117 = vector.broadcast %get3A_1113 : f32 to vector<160x128xf32>
    %min3A_1118 = arith.minimumf %get3A_13, %min3A_1117 : vector<160x128xf32>
    %max3A_1119 = vector.broadcast %get3A_1107 : f32 to vector<160x128xf32>
    %max3A_1120 = arith.maximumf %get3A_3, %max3A_1119 : vector<160x128xf32>
    %sub3A_1121 = arith.subf %min3A_1118, %max3A_1120 : vector<160x128xf32>
    %max3A_1122 = arith.constant 0.000000e+00 : f32
    %max3A_1123 = vector.broadcast %max3A_1122 : f32 to vector<160x128xf32>
    %max3A_1124 = arith.maximumf %sub3A_1121, %max3A_1123 : vector<160x128xf32>
    %min3A_1125 = vector.broadcast %get3A_1116 : f32 to vector<160x128xf32>
    %min3A_1126 = arith.minimumf %get3A_18, %min3A_1125 : vector<160x128xf32>
    %max3A_1127 = vector.broadcast %get3A_1110 : f32 to vector<160x128xf32>
    %max3A_1128 = arith.maximumf %get3A_8, %max3A_1127 : vector<160x128xf32>
    %sub3A_1129 = arith.subf %min3A_1126, %max3A_1128 : vector<160x128xf32>
    %max3A_1130 = arith.constant 0.000000e+00 : f32
    %max3A_1131 = vector.broadcast %max3A_1130 : f32 to vector<160x128xf32>
    %max3A_1132 = arith.maximumf %sub3A_1129, %max3A_1131 : vector<160x128xf32>
    %mul3A_1133 = arith.mulf %max3A_1124, %max3A_1132 : vector<160x128xf32>
    %sub3A_1134 = arith.subf %get3A_1113, %get3A_1107 : f32
    %sub3A_1135 = arith.subf %get3A_1116, %get3A_1110 : f32
    %mul3A_1136 = arith.mulf %sub3A_1134, %sub3A_1135 : f32
    %add3A_1137 = vector.broadcast %mul3A_1136 : f32 to vector<160x128xf32>
    %add3A_1138 = arith.addf %mul3A, %add3A_1137 : vector<160x128xf32>
    %sub3A_1139 = arith.subf %add3A_1138, %mul3A_1133 : vector<160x128xf32>
    %div3A_1140 = arith.divf %mul3A_1133, %sub3A_1139 : vector<160x128xf32>
    %max3A_1141 = arith.maximumf %max3A_1078, %div3A_1140 : vector<160x128xf32>
    %jit3A_1142 = arith.constant -1.000000e+00 : f32
    %broadcast_in_dim3A_1143 = vector.broadcast %jit3A_1142 : f32 to vector<160x128xf32>
    %select_n3A_1144 = arith.select %and3A_30, %div3A_1140, %broadcast_in_dim3A_1143 : vector<160x128xi1>, vector<160x128xf32>
    %reduce_max3A_1145 = arith.constant dense<0xFF800000> : vector<128xf32>
    %reduce_max3A_1146 = vector.multi_reduction <maximumf>, %select_n3A_1144, %reduce_max3A_1145 [0] : vector<160x128xf32> to vector<128xf32>
    %broadcast_in_dim3A_1147 = vector.shape_cast %reduce_max3A_1146 : vector<128xf32> to vector<1x128xf32>
    %eq3A_1148 = vector.broadcast %broadcast_in_dim3A_1147 : vector<1x128xf32> to vector<160x128xf32>
    %eq3A_1149 = arith.cmpf oeq, %select_n3A_1144, %eq3A_1148 : vector<160x128xf32>
    %jit3A_1150 = arith.constant 20480 : i32
    %broadcast_in_dim3A_1151 = vector.broadcast %jit3A_1150 : i32 to vector<160x128xi32>
    %select_n3A_1152 = arith.select %eq3A_1149, %add3A, %broadcast_in_dim3A_1151 : vector<160x128xi1>, vector<160x128xi32>
    %reduce_min3A_1153 = arith.constant dense<2147483647> : vector<128xi32>
    %reduce_min3A_1154 = vector.multi_reduction <minsi>, %select_n3A_1152, %reduce_min3A_1153 [0] : vector<160x128xi32> to vector<128xi32>
    %broadcast_in_dim3A_1155 = vector.shape_cast %reduce_min3A_1154 : vector<128xi32> to vector<1x128xi32>
    %eq3A_1156 = arith.constant 17 : i32
    %eq3A_1157 = vector.broadcast %eq3A_1156 : i32 to vector<32x128xi32>
    %eq3A_1158 = arith.cmpi eq, %iota3A_41, %eq3A_1157 : vector<32x128xi32>
    %broadcast_in_dim3A_1159 = vector.shape_cast %broadcast_in_dim3A_1147 : vector<1x128xf32> to vector<1x128xf32>
    %broadcast_in_dim3A_1160 = vector.broadcast %broadcast_in_dim3A_1159 : vector<1x128xf32> to vector<32x128xf32>
    %select_n3A_1161 = arith.select %eq3A_1158, %broadcast_in_dim3A_1160, %select_n3A_1098 : vector<32x128xi1>, vector<32x128xf32>
    %eq3A_1162 = arith.constant 17 : i32
    %eq3A_1163 = vector.broadcast %eq3A_1162 : i32 to vector<32x128xi32>
    %eq3A_1164 = arith.cmpi eq, %iota3A_41, %eq3A_1163 : vector<32x128xi32>
    %broadcast_in_dim3A_1165 = vector.shape_cast %broadcast_in_dim3A_1155 : vector<1x128xi32> to vector<1x128xi32>
    %broadcast_in_dim3A_1166 = vector.broadcast %broadcast_in_dim3A_1165 : vector<1x128xi32> to vector<32x128xi32>
    %select_n3A_1167 = arith.select %eq3A_1164, %broadcast_in_dim3A_1166, %select_n3A_1104 : vector<32x128xi1>, vector<32x128xi32>
    %get3A_1168 = arith.constant 18 : index
    %get3A_1169 = arith.constant 0 : index
    %get3A_1170 = memref.load %arg0[%get3A_1168, %get3A_1169] : memref<32x4xf32, #tpu.memory_space<smem>>
    %get3A_1171 = arith.constant 18 : index
    %get3A_1172 = arith.constant 1 : index
    %get3A_1173 = memref.load %arg0[%get3A_1171, %get3A_1172] : memref<32x4xf32, #tpu.memory_space<smem>>
    %get3A_1174 = arith.constant 18 : index
    %get3A_1175 = arith.constant 2 : index
    %get3A_1176 = memref.load %arg0[%get3A_1174, %get3A_1175] : memref<32x4xf32, #tpu.memory_space<smem>>
    %get3A_1177 = arith.constant 18 : index
    %get3A_1178 = arith.constant 3 : index
    %get3A_1179 = memref.load %arg0[%get3A_1177, %get3A_1178] : memref<32x4xf32, #tpu.memory_space<smem>>
    %min3A_1180 = vector.broadcast %get3A_1176 : f32 to vector<160x128xf32>
    %min3A_1181 = arith.minimumf %get3A_13, %min3A_1180 : vector<160x128xf32>
    %max3A_1182 = vector.broadcast %get3A_1170 : f32 to vector<160x128xf32>
    %max3A_1183 = arith.maximumf %get3A_3, %max3A_1182 : vector<160x128xf32>
    %sub3A_1184 = arith.subf %min3A_1181, %max3A_1183 : vector<160x128xf32>
    %max3A_1185 = arith.constant 0.000000e+00 : f32
    %max3A_1186 = vector.broadcast %max3A_1185 : f32 to vector<160x128xf32>
    %max3A_1187 = arith.maximumf %sub3A_1184, %max3A_1186 : vector<160x128xf32>
    %min3A_1188 = vector.broadcast %get3A_1179 : f32 to vector<160x128xf32>
    %min3A_1189 = arith.minimumf %get3A_18, %min3A_1188 : vector<160x128xf32>
    %max3A_1190 = vector.broadcast %get3A_1173 : f32 to vector<160x128xf32>
    %max3A_1191 = arith.maximumf %get3A_8, %max3A_1190 : vector<160x128xf32>
    %sub3A_1192 = arith.subf %min3A_1189, %max3A_1191 : vector<160x128xf32>
    %max3A_1193 = arith.constant 0.000000e+00 : f32
    %max3A_1194 = vector.broadcast %max3A_1193 : f32 to vector<160x128xf32>
    %max3A_1195 = arith.maximumf %sub3A_1192, %max3A_1194 : vector<160x128xf32>
    %mul3A_1196 = arith.mulf %max3A_1187, %max3A_1195 : vector<160x128xf32>
    %sub3A_1197 = arith.subf %get3A_1176, %get3A_1170 : f32
    %sub3A_1198 = arith.subf %get3A_1179, %get3A_1173 : f32
    %mul3A_1199 = arith.mulf %sub3A_1197, %sub3A_1198 : f32
    %add3A_1200 = vector.broadcast %mul3A_1199 : f32 to vector<160x128xf32>
    %add3A_1201 = arith.addf %mul3A, %add3A_1200 : vector<160x128xf32>
    %sub3A_1202 = arith.subf %add3A_1201, %mul3A_1196 : vector<160x128xf32>
    %div3A_1203 = arith.divf %mul3A_1196, %sub3A_1202 : vector<160x128xf32>
    %max3A_1204 = arith.maximumf %max3A_1141, %div3A_1203 : vector<160x128xf32>
    %jit3A_1205 = arith.constant -1.000000e+00 : f32
    %broadcast_in_dim3A_1206 = vector.broadcast %jit3A_1205 : f32 to vector<160x128xf32>
    %select_n3A_1207 = arith.select %and3A_30, %div3A_1203, %broadcast_in_dim3A_1206 : vector<160x128xi1>, vector<160x128xf32>
    %reduce_max3A_1208 = arith.constant dense<0xFF800000> : vector<128xf32>
    %reduce_max3A_1209 = vector.multi_reduction <maximumf>, %select_n3A_1207, %reduce_max3A_1208 [0] : vector<160x128xf32> to vector<128xf32>
    %broadcast_in_dim3A_1210 = vector.shape_cast %reduce_max3A_1209 : vector<128xf32> to vector<1x128xf32>
    %eq3A_1211 = vector.broadcast %broadcast_in_dim3A_1210 : vector<1x128xf32> to vector<160x128xf32>
    %eq3A_1212 = arith.cmpf oeq, %select_n3A_1207, %eq3A_1211 : vector<160x128xf32>
    %jit3A_1213 = arith.constant 20480 : i32
    %broadcast_in_dim3A_1214 = vector.broadcast %jit3A_1213 : i32 to vector<160x128xi32>
    %select_n3A_1215 = arith.select %eq3A_1212, %add3A, %broadcast_in_dim3A_1214 : vector<160x128xi1>, vector<160x128xi32>
    %reduce_min3A_1216 = arith.constant dense<2147483647> : vector<128xi32>
    %reduce_min3A_1217 = vector.multi_reduction <minsi>, %select_n3A_1215, %reduce_min3A_1216 [0] : vector<160x128xi32> to vector<128xi32>
    %broadcast_in_dim3A_1218 = vector.shape_cast %reduce_min3A_1217 : vector<128xi32> to vector<1x128xi32>
    %eq3A_1219 = arith.constant 18 : i32
    %eq3A_1220 = vector.broadcast %eq3A_1219 : i32 to vector<32x128xi32>
    %eq3A_1221 = arith.cmpi eq, %iota3A_41, %eq3A_1220 : vector<32x128xi32>
    %broadcast_in_dim3A_1222 = vector.shape_cast %broadcast_in_dim3A_1210 : vector<1x128xf32> to vector<1x128xf32>
    %broadcast_in_dim3A_1223 = vector.broadcast %broadcast_in_dim3A_1222 : vector<1x128xf32> to vector<32x128xf32>
    %select_n3A_1224 = arith.select %eq3A_1221, %broadcast_in_dim3A_1223, %select_n3A_1161 : vector<32x128xi1>, vector<32x128xf32>
    %eq3A_1225 = arith.constant 18 : i32
    %eq3A_1226 = vector.broadcast %eq3A_1225 : i32 to vector<32x128xi32>
    %eq3A_1227 = arith.cmpi eq, %iota3A_41, %eq3A_1226 : vector<32x128xi32>
    %broadcast_in_dim3A_1228 = vector.shape_cast %broadcast_in_dim3A_1218 : vector<1x128xi32> to vector<1x128xi32>
    %broadcast_in_dim3A_1229 = vector.broadcast %broadcast_in_dim3A_1228 : vector<1x128xi32> to vector<32x128xi32>
    %select_n3A_1230 = arith.select %eq3A_1227, %broadcast_in_dim3A_1229, %select_n3A_1167 : vector<32x128xi1>, vector<32x128xi32>
    %get3A_1231 = arith.constant 19 : index
    %get3A_1232 = arith.constant 0 : index
    %get3A_1233 = memref.load %arg0[%get3A_1231, %get3A_1232] : memref<32x4xf32, #tpu.memory_space<smem>>
    %get3A_1234 = arith.constant 19 : index
    %get3A_1235 = arith.constant 1 : index
    %get3A_1236 = memref.load %arg0[%get3A_1234, %get3A_1235] : memref<32x4xf32, #tpu.memory_space<smem>>
    %get3A_1237 = arith.constant 19 : index
    %get3A_1238 = arith.constant 2 : index
    %get3A_1239 = memref.load %arg0[%get3A_1237, %get3A_1238] : memref<32x4xf32, #tpu.memory_space<smem>>
    %get3A_1240 = arith.constant 19 : index
    %get3A_1241 = arith.constant 3 : index
    %get3A_1242 = memref.load %arg0[%get3A_1240, %get3A_1241] : memref<32x4xf32, #tpu.memory_space<smem>>
    %min3A_1243 = vector.broadcast %get3A_1239 : f32 to vector<160x128xf32>
    %min3A_1244 = arith.minimumf %get3A_13, %min3A_1243 : vector<160x128xf32>
    %max3A_1245 = vector.broadcast %get3A_1233 : f32 to vector<160x128xf32>
    %max3A_1246 = arith.maximumf %get3A_3, %max3A_1245 : vector<160x128xf32>
    %sub3A_1247 = arith.subf %min3A_1244, %max3A_1246 : vector<160x128xf32>
    %max3A_1248 = arith.constant 0.000000e+00 : f32
    %max3A_1249 = vector.broadcast %max3A_1248 : f32 to vector<160x128xf32>
    %max3A_1250 = arith.maximumf %sub3A_1247, %max3A_1249 : vector<160x128xf32>
    %min3A_1251 = vector.broadcast %get3A_1242 : f32 to vector<160x128xf32>
    %min3A_1252 = arith.minimumf %get3A_18, %min3A_1251 : vector<160x128xf32>
    %max3A_1253 = vector.broadcast %get3A_1236 : f32 to vector<160x128xf32>
    %max3A_1254 = arith.maximumf %get3A_8, %max3A_1253 : vector<160x128xf32>
    %sub3A_1255 = arith.subf %min3A_1252, %max3A_1254 : vector<160x128xf32>
    %max3A_1256 = arith.constant 0.000000e+00 : f32
    %max3A_1257 = vector.broadcast %max3A_1256 : f32 to vector<160x128xf32>
    %max3A_1258 = arith.maximumf %sub3A_1255, %max3A_1257 : vector<160x128xf32>
    %mul3A_1259 = arith.mulf %max3A_1250, %max3A_1258 : vector<160x128xf32>
    %sub3A_1260 = arith.subf %get3A_1239, %get3A_1233 : f32
    %sub3A_1261 = arith.subf %get3A_1242, %get3A_1236 : f32
    %mul3A_1262 = arith.mulf %sub3A_1260, %sub3A_1261 : f32
    %add3A_1263 = vector.broadcast %mul3A_1262 : f32 to vector<160x128xf32>
    %add3A_1264 = arith.addf %mul3A, %add3A_1263 : vector<160x128xf32>
    %sub3A_1265 = arith.subf %add3A_1264, %mul3A_1259 : vector<160x128xf32>
    %div3A_1266 = arith.divf %mul3A_1259, %sub3A_1265 : vector<160x128xf32>
    %max3A_1267 = arith.maximumf %max3A_1204, %div3A_1266 : vector<160x128xf32>
    %jit3A_1268 = arith.constant -1.000000e+00 : f32
    %broadcast_in_dim3A_1269 = vector.broadcast %jit3A_1268 : f32 to vector<160x128xf32>
    %select_n3A_1270 = arith.select %and3A_30, %div3A_1266, %broadcast_in_dim3A_1269 : vector<160x128xi1>, vector<160x128xf32>
    %reduce_max3A_1271 = arith.constant dense<0xFF800000> : vector<128xf32>
    %reduce_max3A_1272 = vector.multi_reduction <maximumf>, %select_n3A_1270, %reduce_max3A_1271 [0] : vector<160x128xf32> to vector<128xf32>
    %broadcast_in_dim3A_1273 = vector.shape_cast %reduce_max3A_1272 : vector<128xf32> to vector<1x128xf32>
    %eq3A_1274 = vector.broadcast %broadcast_in_dim3A_1273 : vector<1x128xf32> to vector<160x128xf32>
    %eq3A_1275 = arith.cmpf oeq, %select_n3A_1270, %eq3A_1274 : vector<160x128xf32>
    %jit3A_1276 = arith.constant 20480 : i32
    %broadcast_in_dim3A_1277 = vector.broadcast %jit3A_1276 : i32 to vector<160x128xi32>
    %select_n3A_1278 = arith.select %eq3A_1275, %add3A, %broadcast_in_dim3A_1277 : vector<160x128xi1>, vector<160x128xi32>
    %reduce_min3A_1279 = arith.constant dense<2147483647> : vector<128xi32>
    %reduce_min3A_1280 = vector.multi_reduction <minsi>, %select_n3A_1278, %reduce_min3A_1279 [0] : vector<160x128xi32> to vector<128xi32>
    %broadcast_in_dim3A_1281 = vector.shape_cast %reduce_min3A_1280 : vector<128xi32> to vector<1x128xi32>
    %eq3A_1282 = arith.constant 19 : i32
    %eq3A_1283 = vector.broadcast %eq3A_1282 : i32 to vector<32x128xi32>
    %eq3A_1284 = arith.cmpi eq, %iota3A_41, %eq3A_1283 : vector<32x128xi32>
    %broadcast_in_dim3A_1285 = vector.shape_cast %broadcast_in_dim3A_1273 : vector<1x128xf32> to vector<1x128xf32>
    %broadcast_in_dim3A_1286 = vector.broadcast %broadcast_in_dim3A_1285 : vector<1x128xf32> to vector<32x128xf32>
    %select_n3A_1287 = arith.select %eq3A_1284, %broadcast_in_dim3A_1286, %select_n3A_1224 : vector<32x128xi1>, vector<32x128xf32>
    %eq3A_1288 = arith.constant 19 : i32
    %eq3A_1289 = vector.broadcast %eq3A_1288 : i32 to vector<32x128xi32>
    %eq3A_1290 = arith.cmpi eq, %iota3A_41, %eq3A_1289 : vector<32x128xi32>
    %broadcast_in_dim3A_1291 = vector.shape_cast %broadcast_in_dim3A_1281 : vector<1x128xi32> to vector<1x128xi32>
    %broadcast_in_dim3A_1292 = vector.broadcast %broadcast_in_dim3A_1291 : vector<1x128xi32> to vector<32x128xi32>
    %select_n3A_1293 = arith.select %eq3A_1290, %broadcast_in_dim3A_1292, %select_n3A_1230 : vector<32x128xi1>, vector<32x128xi32>
    %get3A_1294 = arith.constant 20 : index
    %get3A_1295 = arith.constant 0 : index
    %get3A_1296 = memref.load %arg0[%get3A_1294, %get3A_1295] : memref<32x4xf32, #tpu.memory_space<smem>>
    %get3A_1297 = arith.constant 20 : index
    %get3A_1298 = arith.constant 1 : index
    %get3A_1299 = memref.load %arg0[%get3A_1297, %get3A_1298] : memref<32x4xf32, #tpu.memory_space<smem>>
    %get3A_1300 = arith.constant 20 : index
    %get3A_1301 = arith.constant 2 : index
    %get3A_1302 = memref.load %arg0[%get3A_1300, %get3A_1301] : memref<32x4xf32, #tpu.memory_space<smem>>
    %get3A_1303 = arith.constant 20 : index
    %get3A_1304 = arith.constant 3 : index
    %get3A_1305 = memref.load %arg0[%get3A_1303, %get3A_1304] : memref<32x4xf32, #tpu.memory_space<smem>>
    %min3A_1306 = vector.broadcast %get3A_1302 : f32 to vector<160x128xf32>
    %min3A_1307 = arith.minimumf %get3A_13, %min3A_1306 : vector<160x128xf32>
    %max3A_1308 = vector.broadcast %get3A_1296 : f32 to vector<160x128xf32>
    %max3A_1309 = arith.maximumf %get3A_3, %max3A_1308 : vector<160x128xf32>
    %sub3A_1310 = arith.subf %min3A_1307, %max3A_1309 : vector<160x128xf32>
    %max3A_1311 = arith.constant 0.000000e+00 : f32
    %max3A_1312 = vector.broadcast %max3A_1311 : f32 to vector<160x128xf32>
    %max3A_1313 = arith.maximumf %sub3A_1310, %max3A_1312 : vector<160x128xf32>
    %min3A_1314 = vector.broadcast %get3A_1305 : f32 to vector<160x128xf32>
    %min3A_1315 = arith.minimumf %get3A_18, %min3A_1314 : vector<160x128xf32>
    %max3A_1316 = vector.broadcast %get3A_1299 : f32 to vector<160x128xf32>
    %max3A_1317 = arith.maximumf %get3A_8, %max3A_1316 : vector<160x128xf32>
    %sub3A_1318 = arith.subf %min3A_1315, %max3A_1317 : vector<160x128xf32>
    %max3A_1319 = arith.constant 0.000000e+00 : f32
    %max3A_1320 = vector.broadcast %max3A_1319 : f32 to vector<160x128xf32>
    %max3A_1321 = arith.maximumf %sub3A_1318, %max3A_1320 : vector<160x128xf32>
    %mul3A_1322 = arith.mulf %max3A_1313, %max3A_1321 : vector<160x128xf32>
    %sub3A_1323 = arith.subf %get3A_1302, %get3A_1296 : f32
    %sub3A_1324 = arith.subf %get3A_1305, %get3A_1299 : f32
    %mul3A_1325 = arith.mulf %sub3A_1323, %sub3A_1324 : f32
    %add3A_1326 = vector.broadcast %mul3A_1325 : f32 to vector<160x128xf32>
    %add3A_1327 = arith.addf %mul3A, %add3A_1326 : vector<160x128xf32>
    %sub3A_1328 = arith.subf %add3A_1327, %mul3A_1322 : vector<160x128xf32>
    %div3A_1329 = arith.divf %mul3A_1322, %sub3A_1328 : vector<160x128xf32>
    %max3A_1330 = arith.maximumf %max3A_1267, %div3A_1329 : vector<160x128xf32>
    %jit3A_1331 = arith.constant -1.000000e+00 : f32
    %broadcast_in_dim3A_1332 = vector.broadcast %jit3A_1331 : f32 to vector<160x128xf32>
    %select_n3A_1333 = arith.select %and3A_30, %div3A_1329, %broadcast_in_dim3A_1332 : vector<160x128xi1>, vector<160x128xf32>
    %reduce_max3A_1334 = arith.constant dense<0xFF800000> : vector<128xf32>
    %reduce_max3A_1335 = vector.multi_reduction <maximumf>, %select_n3A_1333, %reduce_max3A_1334 [0] : vector<160x128xf32> to vector<128xf32>
    %broadcast_in_dim3A_1336 = vector.shape_cast %reduce_max3A_1335 : vector<128xf32> to vector<1x128xf32>
    %eq3A_1337 = vector.broadcast %broadcast_in_dim3A_1336 : vector<1x128xf32> to vector<160x128xf32>
    %eq3A_1338 = arith.cmpf oeq, %select_n3A_1333, %eq3A_1337 : vector<160x128xf32>
    %jit3A_1339 = arith.constant 20480 : i32
    %broadcast_in_dim3A_1340 = vector.broadcast %jit3A_1339 : i32 to vector<160x128xi32>
    %select_n3A_1341 = arith.select %eq3A_1338, %add3A, %broadcast_in_dim3A_1340 : vector<160x128xi1>, vector<160x128xi32>
    %reduce_min3A_1342 = arith.constant dense<2147483647> : vector<128xi32>
    %reduce_min3A_1343 = vector.multi_reduction <minsi>, %select_n3A_1341, %reduce_min3A_1342 [0] : vector<160x128xi32> to vector<128xi32>
    %broadcast_in_dim3A_1344 = vector.shape_cast %reduce_min3A_1343 : vector<128xi32> to vector<1x128xi32>
    %eq3A_1345 = arith.constant 20 : i32
    %eq3A_1346 = vector.broadcast %eq3A_1345 : i32 to vector<32x128xi32>
    %eq3A_1347 = arith.cmpi eq, %iota3A_41, %eq3A_1346 : vector<32x128xi32>
    %broadcast_in_dim3A_1348 = vector.shape_cast %broadcast_in_dim3A_1336 : vector<1x128xf32> to vector<1x128xf32>
    %broadcast_in_dim3A_1349 = vector.broadcast %broadcast_in_dim3A_1348 : vector<1x128xf32> to vector<32x128xf32>
    %select_n3A_1350 = arith.select %eq3A_1347, %broadcast_in_dim3A_1349, %select_n3A_1287 : vector<32x128xi1>, vector<32x128xf32>
    %eq3A_1351 = arith.constant 20 : i32
    %eq3A_1352 = vector.broadcast %eq3A_1351 : i32 to vector<32x128xi32>
    %eq3A_1353 = arith.cmpi eq, %iota3A_41, %eq3A_1352 : vector<32x128xi32>
    %broadcast_in_dim3A_1354 = vector.shape_cast %broadcast_in_dim3A_1344 : vector<1x128xi32> to vector<1x128xi32>
    %broadcast_in_dim3A_1355 = vector.broadcast %broadcast_in_dim3A_1354 : vector<1x128xi32> to vector<32x128xi32>
    %select_n3A_1356 = arith.select %eq3A_1353, %broadcast_in_dim3A_1355, %select_n3A_1293 : vector<32x128xi1>, vector<32x128xi32>
    %get3A_1357 = arith.constant 21 : index
    %get3A_1358 = arith.constant 0 : index
    %get3A_1359 = memref.load %arg0[%get3A_1357, %get3A_1358] : memref<32x4xf32, #tpu.memory_space<smem>>
    %get3A_1360 = arith.constant 21 : index
    %get3A_1361 = arith.constant 1 : index
    %get3A_1362 = memref.load %arg0[%get3A_1360, %get3A_1361] : memref<32x4xf32, #tpu.memory_space<smem>>
    %get3A_1363 = arith.constant 21 : index
    %get3A_1364 = arith.constant 2 : index
    %get3A_1365 = memref.load %arg0[%get3A_1363, %get3A_1364] : memref<32x4xf32, #tpu.memory_space<smem>>
    %get3A_1366 = arith.constant 21 : index
    %get3A_1367 = arith.constant 3 : index
    %get3A_1368 = memref.load %arg0[%get3A_1366, %get3A_1367] : memref<32x4xf32, #tpu.memory_space<smem>>
    %min3A_1369 = vector.broadcast %get3A_1365 : f32 to vector<160x128xf32>
    %min3A_1370 = arith.minimumf %get3A_13, %min3A_1369 : vector<160x128xf32>
    %max3A_1371 = vector.broadcast %get3A_1359 : f32 to vector<160x128xf32>
    %max3A_1372 = arith.maximumf %get3A_3, %max3A_1371 : vector<160x128xf32>
    %sub3A_1373 = arith.subf %min3A_1370, %max3A_1372 : vector<160x128xf32>
    %max3A_1374 = arith.constant 0.000000e+00 : f32
    %max3A_1375 = vector.broadcast %max3A_1374 : f32 to vector<160x128xf32>
    %max3A_1376 = arith.maximumf %sub3A_1373, %max3A_1375 : vector<160x128xf32>
    %min3A_1377 = vector.broadcast %get3A_1368 : f32 to vector<160x128xf32>
    %min3A_1378 = arith.minimumf %get3A_18, %min3A_1377 : vector<160x128xf32>
    %max3A_1379 = vector.broadcast %get3A_1362 : f32 to vector<160x128xf32>
    %max3A_1380 = arith.maximumf %get3A_8, %max3A_1379 : vector<160x128xf32>
    %sub3A_1381 = arith.subf %min3A_1378, %max3A_1380 : vector<160x128xf32>
    %max3A_1382 = arith.constant 0.000000e+00 : f32
    %max3A_1383 = vector.broadcast %max3A_1382 : f32 to vector<160x128xf32>
    %max3A_1384 = arith.maximumf %sub3A_1381, %max3A_1383 : vector<160x128xf32>
    %mul3A_1385 = arith.mulf %max3A_1376, %max3A_1384 : vector<160x128xf32>
    %sub3A_1386 = arith.subf %get3A_1365, %get3A_1359 : f32
    %sub3A_1387 = arith.subf %get3A_1368, %get3A_1362 : f32
    %mul3A_1388 = arith.mulf %sub3A_1386, %sub3A_1387 : f32
    %add3A_1389 = vector.broadcast %mul3A_1388 : f32 to vector<160x128xf32>
    %add3A_1390 = arith.addf %mul3A, %add3A_1389 : vector<160x128xf32>
    %sub3A_1391 = arith.subf %add3A_1390, %mul3A_1385 : vector<160x128xf32>
    %div3A_1392 = arith.divf %mul3A_1385, %sub3A_1391 : vector<160x128xf32>
    %max3A_1393 = arith.maximumf %max3A_1330, %div3A_1392 : vector<160x128xf32>
    %jit3A_1394 = arith.constant -1.000000e+00 : f32
    %broadcast_in_dim3A_1395 = vector.broadcast %jit3A_1394 : f32 to vector<160x128xf32>
    %select_n3A_1396 = arith.select %and3A_30, %div3A_1392, %broadcast_in_dim3A_1395 : vector<160x128xi1>, vector<160x128xf32>
    %reduce_max3A_1397 = arith.constant dense<0xFF800000> : vector<128xf32>
    %reduce_max3A_1398 = vector.multi_reduction <maximumf>, %select_n3A_1396, %reduce_max3A_1397 [0] : vector<160x128xf32> to vector<128xf32>
    %broadcast_in_dim3A_1399 = vector.shape_cast %reduce_max3A_1398 : vector<128xf32> to vector<1x128xf32>
    %eq3A_1400 = vector.broadcast %broadcast_in_dim3A_1399 : vector<1x128xf32> to vector<160x128xf32>
    %eq3A_1401 = arith.cmpf oeq, %select_n3A_1396, %eq3A_1400 : vector<160x128xf32>
    %jit3A_1402 = arith.constant 20480 : i32
    %broadcast_in_dim3A_1403 = vector.broadcast %jit3A_1402 : i32 to vector<160x128xi32>
    %select_n3A_1404 = arith.select %eq3A_1401, %add3A, %broadcast_in_dim3A_1403 : vector<160x128xi1>, vector<160x128xi32>
    %reduce_min3A_1405 = arith.constant dense<2147483647> : vector<128xi32>
    %reduce_min3A_1406 = vector.multi_reduction <minsi>, %select_n3A_1404, %reduce_min3A_1405 [0] : vector<160x128xi32> to vector<128xi32>
    %broadcast_in_dim3A_1407 = vector.shape_cast %reduce_min3A_1406 : vector<128xi32> to vector<1x128xi32>
    %eq3A_1408 = arith.constant 21 : i32
    %eq3A_1409 = vector.broadcast %eq3A_1408 : i32 to vector<32x128xi32>
    %eq3A_1410 = arith.cmpi eq, %iota3A_41, %eq3A_1409 : vector<32x128xi32>
    %broadcast_in_dim3A_1411 = vector.shape_cast %broadcast_in_dim3A_1399 : vector<1x128xf32> to vector<1x128xf32>
    %broadcast_in_dim3A_1412 = vector.broadcast %broadcast_in_dim3A_1411 : vector<1x128xf32> to vector<32x128xf32>
    %select_n3A_1413 = arith.select %eq3A_1410, %broadcast_in_dim3A_1412, %select_n3A_1350 : vector<32x128xi1>, vector<32x128xf32>
    %eq3A_1414 = arith.constant 21 : i32
    %eq3A_1415 = vector.broadcast %eq3A_1414 : i32 to vector<32x128xi32>
    %eq3A_1416 = arith.cmpi eq, %iota3A_41, %eq3A_1415 : vector<32x128xi32>
    %broadcast_in_dim3A_1417 = vector.shape_cast %broadcast_in_dim3A_1407 : vector<1x128xi32> to vector<1x128xi32>
    %broadcast_in_dim3A_1418 = vector.broadcast %broadcast_in_dim3A_1417 : vector<1x128xi32> to vector<32x128xi32>
    %select_n3A_1419 = arith.select %eq3A_1416, %broadcast_in_dim3A_1418, %select_n3A_1356 : vector<32x128xi1>, vector<32x128xi32>
    %get3A_1420 = arith.constant 22 : index
    %get3A_1421 = arith.constant 0 : index
    %get3A_1422 = memref.load %arg0[%get3A_1420, %get3A_1421] : memref<32x4xf32, #tpu.memory_space<smem>>
    %get3A_1423 = arith.constant 22 : index
    %get3A_1424 = arith.constant 1 : index
    %get3A_1425 = memref.load %arg0[%get3A_1423, %get3A_1424] : memref<32x4xf32, #tpu.memory_space<smem>>
    %get3A_1426 = arith.constant 22 : index
    %get3A_1427 = arith.constant 2 : index
    %get3A_1428 = memref.load %arg0[%get3A_1426, %get3A_1427] : memref<32x4xf32, #tpu.memory_space<smem>>
    %get3A_1429 = arith.constant 22 : index
    %get3A_1430 = arith.constant 3 : index
    %get3A_1431 = memref.load %arg0[%get3A_1429, %get3A_1430] : memref<32x4xf32, #tpu.memory_space<smem>>
    %min3A_1432 = vector.broadcast %get3A_1428 : f32 to vector<160x128xf32>
    %min3A_1433 = arith.minimumf %get3A_13, %min3A_1432 : vector<160x128xf32>
    %max3A_1434 = vector.broadcast %get3A_1422 : f32 to vector<160x128xf32>
    %max3A_1435 = arith.maximumf %get3A_3, %max3A_1434 : vector<160x128xf32>
    %sub3A_1436 = arith.subf %min3A_1433, %max3A_1435 : vector<160x128xf32>
    %max3A_1437 = arith.constant 0.000000e+00 : f32
    %max3A_1438 = vector.broadcast %max3A_1437 : f32 to vector<160x128xf32>
    %max3A_1439 = arith.maximumf %sub3A_1436, %max3A_1438 : vector<160x128xf32>
    %min3A_1440 = vector.broadcast %get3A_1431 : f32 to vector<160x128xf32>
    %min3A_1441 = arith.minimumf %get3A_18, %min3A_1440 : vector<160x128xf32>
    %max3A_1442 = vector.broadcast %get3A_1425 : f32 to vector<160x128xf32>
    %max3A_1443 = arith.maximumf %get3A_8, %max3A_1442 : vector<160x128xf32>
    %sub3A_1444 = arith.subf %min3A_1441, %max3A_1443 : vector<160x128xf32>
    %max3A_1445 = arith.constant 0.000000e+00 : f32
    %max3A_1446 = vector.broadcast %max3A_1445 : f32 to vector<160x128xf32>
    %max3A_1447 = arith.maximumf %sub3A_1444, %max3A_1446 : vector<160x128xf32>
    %mul3A_1448 = arith.mulf %max3A_1439, %max3A_1447 : vector<160x128xf32>
    %sub3A_1449 = arith.subf %get3A_1428, %get3A_1422 : f32
    %sub3A_1450 = arith.subf %get3A_1431, %get3A_1425 : f32
    %mul3A_1451 = arith.mulf %sub3A_1449, %sub3A_1450 : f32
    %add3A_1452 = vector.broadcast %mul3A_1451 : f32 to vector<160x128xf32>
    %add3A_1453 = arith.addf %mul3A, %add3A_1452 : vector<160x128xf32>
    %sub3A_1454 = arith.subf %add3A_1453, %mul3A_1448 : vector<160x128xf32>
    %div3A_1455 = arith.divf %mul3A_1448, %sub3A_1454 : vector<160x128xf32>
    %max3A_1456 = arith.maximumf %max3A_1393, %div3A_1455 : vector<160x128xf32>
    %jit3A_1457 = arith.constant -1.000000e+00 : f32
    %broadcast_in_dim3A_1458 = vector.broadcast %jit3A_1457 : f32 to vector<160x128xf32>
    %select_n3A_1459 = arith.select %and3A_30, %div3A_1455, %broadcast_in_dim3A_1458 : vector<160x128xi1>, vector<160x128xf32>
    %reduce_max3A_1460 = arith.constant dense<0xFF800000> : vector<128xf32>
    %reduce_max3A_1461 = vector.multi_reduction <maximumf>, %select_n3A_1459, %reduce_max3A_1460 [0] : vector<160x128xf32> to vector<128xf32>
    %broadcast_in_dim3A_1462 = vector.shape_cast %reduce_max3A_1461 : vector<128xf32> to vector<1x128xf32>
    %eq3A_1463 = vector.broadcast %broadcast_in_dim3A_1462 : vector<1x128xf32> to vector<160x128xf32>
    %eq3A_1464 = arith.cmpf oeq, %select_n3A_1459, %eq3A_1463 : vector<160x128xf32>
    %jit3A_1465 = arith.constant 20480 : i32
    %broadcast_in_dim3A_1466 = vector.broadcast %jit3A_1465 : i32 to vector<160x128xi32>
    %select_n3A_1467 = arith.select %eq3A_1464, %add3A, %broadcast_in_dim3A_1466 : vector<160x128xi1>, vector<160x128xi32>
    %reduce_min3A_1468 = arith.constant dense<2147483647> : vector<128xi32>
    %reduce_min3A_1469 = vector.multi_reduction <minsi>, %select_n3A_1467, %reduce_min3A_1468 [0] : vector<160x128xi32> to vector<128xi32>
    %broadcast_in_dim3A_1470 = vector.shape_cast %reduce_min3A_1469 : vector<128xi32> to vector<1x128xi32>
    %eq3A_1471 = arith.constant 22 : i32
    %eq3A_1472 = vector.broadcast %eq3A_1471 : i32 to vector<32x128xi32>
    %eq3A_1473 = arith.cmpi eq, %iota3A_41, %eq3A_1472 : vector<32x128xi32>
    %broadcast_in_dim3A_1474 = vector.shape_cast %broadcast_in_dim3A_1462 : vector<1x128xf32> to vector<1x128xf32>
    %broadcast_in_dim3A_1475 = vector.broadcast %broadcast_in_dim3A_1474 : vector<1x128xf32> to vector<32x128xf32>
    %select_n3A_1476 = arith.select %eq3A_1473, %broadcast_in_dim3A_1475, %select_n3A_1413 : vector<32x128xi1>, vector<32x128xf32>
    %eq3A_1477 = arith.constant 22 : i32
    %eq3A_1478 = vector.broadcast %eq3A_1477 : i32 to vector<32x128xi32>
    %eq3A_1479 = arith.cmpi eq, %iota3A_41, %eq3A_1478 : vector<32x128xi32>
    %broadcast_in_dim3A_1480 = vector.shape_cast %broadcast_in_dim3A_1470 : vector<1x128xi32> to vector<1x128xi32>
    %broadcast_in_dim3A_1481 = vector.broadcast %broadcast_in_dim3A_1480 : vector<1x128xi32> to vector<32x128xi32>
    %select_n3A_1482 = arith.select %eq3A_1479, %broadcast_in_dim3A_1481, %select_n3A_1419 : vector<32x128xi1>, vector<32x128xi32>
    %get3A_1483 = arith.constant 23 : index
    %get3A_1484 = arith.constant 0 : index
    %get3A_1485 = memref.load %arg0[%get3A_1483, %get3A_1484] : memref<32x4xf32, #tpu.memory_space<smem>>
    %get3A_1486 = arith.constant 23 : index
    %get3A_1487 = arith.constant 1 : index
    %get3A_1488 = memref.load %arg0[%get3A_1486, %get3A_1487] : memref<32x4xf32, #tpu.memory_space<smem>>
    %get3A_1489 = arith.constant 23 : index
    %get3A_1490 = arith.constant 2 : index
    %get3A_1491 = memref.load %arg0[%get3A_1489, %get3A_1490] : memref<32x4xf32, #tpu.memory_space<smem>>
    %get3A_1492 = arith.constant 23 : index
    %get3A_1493 = arith.constant 3 : index
    %get3A_1494 = memref.load %arg0[%get3A_1492, %get3A_1493] : memref<32x4xf32, #tpu.memory_space<smem>>
    %min3A_1495 = vector.broadcast %get3A_1491 : f32 to vector<160x128xf32>
    %min3A_1496 = arith.minimumf %get3A_13, %min3A_1495 : vector<160x128xf32>
    %max3A_1497 = vector.broadcast %get3A_1485 : f32 to vector<160x128xf32>
    %max3A_1498 = arith.maximumf %get3A_3, %max3A_1497 : vector<160x128xf32>
    %sub3A_1499 = arith.subf %min3A_1496, %max3A_1498 : vector<160x128xf32>
    %max3A_1500 = arith.constant 0.000000e+00 : f32
    %max3A_1501 = vector.broadcast %max3A_1500 : f32 to vector<160x128xf32>
    %max3A_1502 = arith.maximumf %sub3A_1499, %max3A_1501 : vector<160x128xf32>
    %min3A_1503 = vector.broadcast %get3A_1494 : f32 to vector<160x128xf32>
    %min3A_1504 = arith.minimumf %get3A_18, %min3A_1503 : vector<160x128xf32>
    %max3A_1505 = vector.broadcast %get3A_1488 : f32 to vector<160x128xf32>
    %max3A_1506 = arith.maximumf %get3A_8, %max3A_1505 : vector<160x128xf32>
    %sub3A_1507 = arith.subf %min3A_1504, %max3A_1506 : vector<160x128xf32>
    %max3A_1508 = arith.constant 0.000000e+00 : f32
    %max3A_1509 = vector.broadcast %max3A_1508 : f32 to vector<160x128xf32>
    %max3A_1510 = arith.maximumf %sub3A_1507, %max3A_1509 : vector<160x128xf32>
    %mul3A_1511 = arith.mulf %max3A_1502, %max3A_1510 : vector<160x128xf32>
    %sub3A_1512 = arith.subf %get3A_1491, %get3A_1485 : f32
    %sub3A_1513 = arith.subf %get3A_1494, %get3A_1488 : f32
    %mul3A_1514 = arith.mulf %sub3A_1512, %sub3A_1513 : f32
    %add3A_1515 = vector.broadcast %mul3A_1514 : f32 to vector<160x128xf32>
    %add3A_1516 = arith.addf %mul3A, %add3A_1515 : vector<160x128xf32>
    %sub3A_1517 = arith.subf %add3A_1516, %mul3A_1511 : vector<160x128xf32>
    %div3A_1518 = arith.divf %mul3A_1511, %sub3A_1517 : vector<160x128xf32>
    %max3A_1519 = arith.maximumf %max3A_1456, %div3A_1518 : vector<160x128xf32>
    %jit3A_1520 = arith.constant -1.000000e+00 : f32
    %broadcast_in_dim3A_1521 = vector.broadcast %jit3A_1520 : f32 to vector<160x128xf32>
    %select_n3A_1522 = arith.select %and3A_30, %div3A_1518, %broadcast_in_dim3A_1521 : vector<160x128xi1>, vector<160x128xf32>
    %reduce_max3A_1523 = arith.constant dense<0xFF800000> : vector<128xf32>
    %reduce_max3A_1524 = vector.multi_reduction <maximumf>, %select_n3A_1522, %reduce_max3A_1523 [0] : vector<160x128xf32> to vector<128xf32>
    %broadcast_in_dim3A_1525 = vector.shape_cast %reduce_max3A_1524 : vector<128xf32> to vector<1x128xf32>
    %eq3A_1526 = vector.broadcast %broadcast_in_dim3A_1525 : vector<1x128xf32> to vector<160x128xf32>
    %eq3A_1527 = arith.cmpf oeq, %select_n3A_1522, %eq3A_1526 : vector<160x128xf32>
    %jit3A_1528 = arith.constant 20480 : i32
    %broadcast_in_dim3A_1529 = vector.broadcast %jit3A_1528 : i32 to vector<160x128xi32>
    %select_n3A_1530 = arith.select %eq3A_1527, %add3A, %broadcast_in_dim3A_1529 : vector<160x128xi1>, vector<160x128xi32>
    %reduce_min3A_1531 = arith.constant dense<2147483647> : vector<128xi32>
    %reduce_min3A_1532 = vector.multi_reduction <minsi>, %select_n3A_1530, %reduce_min3A_1531 [0] : vector<160x128xi32> to vector<128xi32>
    %broadcast_in_dim3A_1533 = vector.shape_cast %reduce_min3A_1532 : vector<128xi32> to vector<1x128xi32>
    %eq3A_1534 = arith.constant 23 : i32
    %eq3A_1535 = vector.broadcast %eq3A_1534 : i32 to vector<32x128xi32>
    %eq3A_1536 = arith.cmpi eq, %iota3A_41, %eq3A_1535 : vector<32x128xi32>
    %broadcast_in_dim3A_1537 = vector.shape_cast %broadcast_in_dim3A_1525 : vector<1x128xf32> to vector<1x128xf32>
    %broadcast_in_dim3A_1538 = vector.broadcast %broadcast_in_dim3A_1537 : vector<1x128xf32> to vector<32x128xf32>
    %select_n3A_1539 = arith.select %eq3A_1536, %broadcast_in_dim3A_1538, %select_n3A_1476 : vector<32x128xi1>, vector<32x128xf32>
    %eq3A_1540 = arith.constant 23 : i32
    %eq3A_1541 = vector.broadcast %eq3A_1540 : i32 to vector<32x128xi32>
    %eq3A_1542 = arith.cmpi eq, %iota3A_41, %eq3A_1541 : vector<32x128xi32>
    %broadcast_in_dim3A_1543 = vector.shape_cast %broadcast_in_dim3A_1533 : vector<1x128xi32> to vector<1x128xi32>
    %broadcast_in_dim3A_1544 = vector.broadcast %broadcast_in_dim3A_1543 : vector<1x128xi32> to vector<32x128xi32>
    %select_n3A_1545 = arith.select %eq3A_1542, %broadcast_in_dim3A_1544, %select_n3A_1482 : vector<32x128xi1>, vector<32x128xi32>
    %get3A_1546 = arith.constant 24 : index
    %get3A_1547 = arith.constant 0 : index
    %get3A_1548 = memref.load %arg0[%get3A_1546, %get3A_1547] : memref<32x4xf32, #tpu.memory_space<smem>>
    %get3A_1549 = arith.constant 24 : index
    %get3A_1550 = arith.constant 1 : index
    %get3A_1551 = memref.load %arg0[%get3A_1549, %get3A_1550] : memref<32x4xf32, #tpu.memory_space<smem>>
    %get3A_1552 = arith.constant 24 : index
    %get3A_1553 = arith.constant 2 : index
    %get3A_1554 = memref.load %arg0[%get3A_1552, %get3A_1553] : memref<32x4xf32, #tpu.memory_space<smem>>
    %get3A_1555 = arith.constant 24 : index
    %get3A_1556 = arith.constant 3 : index
    %get3A_1557 = memref.load %arg0[%get3A_1555, %get3A_1556] : memref<32x4xf32, #tpu.memory_space<smem>>
    %min3A_1558 = vector.broadcast %get3A_1554 : f32 to vector<160x128xf32>
    %min3A_1559 = arith.minimumf %get3A_13, %min3A_1558 : vector<160x128xf32>
    %max3A_1560 = vector.broadcast %get3A_1548 : f32 to vector<160x128xf32>
    %max3A_1561 = arith.maximumf %get3A_3, %max3A_1560 : vector<160x128xf32>
    %sub3A_1562 = arith.subf %min3A_1559, %max3A_1561 : vector<160x128xf32>
    %max3A_1563 = arith.constant 0.000000e+00 : f32
    %max3A_1564 = vector.broadcast %max3A_1563 : f32 to vector<160x128xf32>
    %max3A_1565 = arith.maximumf %sub3A_1562, %max3A_1564 : vector<160x128xf32>
    %min3A_1566 = vector.broadcast %get3A_1557 : f32 to vector<160x128xf32>
    %min3A_1567 = arith.minimumf %get3A_18, %min3A_1566 : vector<160x128xf32>
    %max3A_1568 = vector.broadcast %get3A_1551 : f32 to vector<160x128xf32>
    %max3A_1569 = arith.maximumf %get3A_8, %max3A_1568 : vector<160x128xf32>
    %sub3A_1570 = arith.subf %min3A_1567, %max3A_1569 : vector<160x128xf32>
    %max3A_1571 = arith.constant 0.000000e+00 : f32
    %max3A_1572 = vector.broadcast %max3A_1571 : f32 to vector<160x128xf32>
    %max3A_1573 = arith.maximumf %sub3A_1570, %max3A_1572 : vector<160x128xf32>
    %mul3A_1574 = arith.mulf %max3A_1565, %max3A_1573 : vector<160x128xf32>
    %sub3A_1575 = arith.subf %get3A_1554, %get3A_1548 : f32
    %sub3A_1576 = arith.subf %get3A_1557, %get3A_1551 : f32
    %mul3A_1577 = arith.mulf %sub3A_1575, %sub3A_1576 : f32
    %add3A_1578 = vector.broadcast %mul3A_1577 : f32 to vector<160x128xf32>
    %add3A_1579 = arith.addf %mul3A, %add3A_1578 : vector<160x128xf32>
    %sub3A_1580 = arith.subf %add3A_1579, %mul3A_1574 : vector<160x128xf32>
    %div3A_1581 = arith.divf %mul3A_1574, %sub3A_1580 : vector<160x128xf32>
    %max3A_1582 = arith.maximumf %max3A_1519, %div3A_1581 : vector<160x128xf32>
    %jit3A_1583 = arith.constant -1.000000e+00 : f32
    %broadcast_in_dim3A_1584 = vector.broadcast %jit3A_1583 : f32 to vector<160x128xf32>
    %select_n3A_1585 = arith.select %and3A_30, %div3A_1581, %broadcast_in_dim3A_1584 : vector<160x128xi1>, vector<160x128xf32>
    %reduce_max3A_1586 = arith.constant dense<0xFF800000> : vector<128xf32>
    %reduce_max3A_1587 = vector.multi_reduction <maximumf>, %select_n3A_1585, %reduce_max3A_1586 [0] : vector<160x128xf32> to vector<128xf32>
    %broadcast_in_dim3A_1588 = vector.shape_cast %reduce_max3A_1587 : vector<128xf32> to vector<1x128xf32>
    %eq3A_1589 = vector.broadcast %broadcast_in_dim3A_1588 : vector<1x128xf32> to vector<160x128xf32>
    %eq3A_1590 = arith.cmpf oeq, %select_n3A_1585, %eq3A_1589 : vector<160x128xf32>
    %jit3A_1591 = arith.constant 20480 : i32
    %broadcast_in_dim3A_1592 = vector.broadcast %jit3A_1591 : i32 to vector<160x128xi32>
    %select_n3A_1593 = arith.select %eq3A_1590, %add3A, %broadcast_in_dim3A_1592 : vector<160x128xi1>, vector<160x128xi32>
    %reduce_min3A_1594 = arith.constant dense<2147483647> : vector<128xi32>
    %reduce_min3A_1595 = vector.multi_reduction <minsi>, %select_n3A_1593, %reduce_min3A_1594 [0] : vector<160x128xi32> to vector<128xi32>
    %broadcast_in_dim3A_1596 = vector.shape_cast %reduce_min3A_1595 : vector<128xi32> to vector<1x128xi32>
    %eq3A_1597 = arith.constant 24 : i32
    %eq3A_1598 = vector.broadcast %eq3A_1597 : i32 to vector<32x128xi32>
    %eq3A_1599 = arith.cmpi eq, %iota3A_41, %eq3A_1598 : vector<32x128xi32>
    %broadcast_in_dim3A_1600 = vector.shape_cast %broadcast_in_dim3A_1588 : vector<1x128xf32> to vector<1x128xf32>
    %broadcast_in_dim3A_1601 = vector.broadcast %broadcast_in_dim3A_1600 : vector<1x128xf32> to vector<32x128xf32>
    %select_n3A_1602 = arith.select %eq3A_1599, %broadcast_in_dim3A_1601, %select_n3A_1539 : vector<32x128xi1>, vector<32x128xf32>
    %eq3A_1603 = arith.constant 24 : i32
    %eq3A_1604 = vector.broadcast %eq3A_1603 : i32 to vector<32x128xi32>
    %eq3A_1605 = arith.cmpi eq, %iota3A_41, %eq3A_1604 : vector<32x128xi32>
    %broadcast_in_dim3A_1606 = vector.shape_cast %broadcast_in_dim3A_1596 : vector<1x128xi32> to vector<1x128xi32>
    %broadcast_in_dim3A_1607 = vector.broadcast %broadcast_in_dim3A_1606 : vector<1x128xi32> to vector<32x128xi32>
    %select_n3A_1608 = arith.select %eq3A_1605, %broadcast_in_dim3A_1607, %select_n3A_1545 : vector<32x128xi1>, vector<32x128xi32>
    %get3A_1609 = arith.constant 25 : index
    %get3A_1610 = arith.constant 0 : index
    %get3A_1611 = memref.load %arg0[%get3A_1609, %get3A_1610] : memref<32x4xf32, #tpu.memory_space<smem>>
    %get3A_1612 = arith.constant 25 : index
    %get3A_1613 = arith.constant 1 : index
    %get3A_1614 = memref.load %arg0[%get3A_1612, %get3A_1613] : memref<32x4xf32, #tpu.memory_space<smem>>
    %get3A_1615 = arith.constant 25 : index
    %get3A_1616 = arith.constant 2 : index
    %get3A_1617 = memref.load %arg0[%get3A_1615, %get3A_1616] : memref<32x4xf32, #tpu.memory_space<smem>>
    %get3A_1618 = arith.constant 25 : index
    %get3A_1619 = arith.constant 3 : index
    %get3A_1620 = memref.load %arg0[%get3A_1618, %get3A_1619] : memref<32x4xf32, #tpu.memory_space<smem>>
    %min3A_1621 = vector.broadcast %get3A_1617 : f32 to vector<160x128xf32>
    %min3A_1622 = arith.minimumf %get3A_13, %min3A_1621 : vector<160x128xf32>
    %max3A_1623 = vector.broadcast %get3A_1611 : f32 to vector<160x128xf32>
    %max3A_1624 = arith.maximumf %get3A_3, %max3A_1623 : vector<160x128xf32>
    %sub3A_1625 = arith.subf %min3A_1622, %max3A_1624 : vector<160x128xf32>
    %max3A_1626 = arith.constant 0.000000e+00 : f32
    %max3A_1627 = vector.broadcast %max3A_1626 : f32 to vector<160x128xf32>
    %max3A_1628 = arith.maximumf %sub3A_1625, %max3A_1627 : vector<160x128xf32>
    %min3A_1629 = vector.broadcast %get3A_1620 : f32 to vector<160x128xf32>
    %min3A_1630 = arith.minimumf %get3A_18, %min3A_1629 : vector<160x128xf32>
    %max3A_1631 = vector.broadcast %get3A_1614 : f32 to vector<160x128xf32>
    %max3A_1632 = arith.maximumf %get3A_8, %max3A_1631 : vector<160x128xf32>
    %sub3A_1633 = arith.subf %min3A_1630, %max3A_1632 : vector<160x128xf32>
    %max3A_1634 = arith.constant 0.000000e+00 : f32
    %max3A_1635 = vector.broadcast %max3A_1634 : f32 to vector<160x128xf32>
    %max3A_1636 = arith.maximumf %sub3A_1633, %max3A_1635 : vector<160x128xf32>
    %mul3A_1637 = arith.mulf %max3A_1628, %max3A_1636 : vector<160x128xf32>
    %sub3A_1638 = arith.subf %get3A_1617, %get3A_1611 : f32
    %sub3A_1639 = arith.subf %get3A_1620, %get3A_1614 : f32
    %mul3A_1640 = arith.mulf %sub3A_1638, %sub3A_1639 : f32
    %add3A_1641 = vector.broadcast %mul3A_1640 : f32 to vector<160x128xf32>
    %add3A_1642 = arith.addf %mul3A, %add3A_1641 : vector<160x128xf32>
    %sub3A_1643 = arith.subf %add3A_1642, %mul3A_1637 : vector<160x128xf32>
    %div3A_1644 = arith.divf %mul3A_1637, %sub3A_1643 : vector<160x128xf32>
    %max3A_1645 = arith.maximumf %max3A_1582, %div3A_1644 : vector<160x128xf32>
    %jit3A_1646 = arith.constant -1.000000e+00 : f32
    %broadcast_in_dim3A_1647 = vector.broadcast %jit3A_1646 : f32 to vector<160x128xf32>
    %select_n3A_1648 = arith.select %and3A_30, %div3A_1644, %broadcast_in_dim3A_1647 : vector<160x128xi1>, vector<160x128xf32>
    %reduce_max3A_1649 = arith.constant dense<0xFF800000> : vector<128xf32>
    %reduce_max3A_1650 = vector.multi_reduction <maximumf>, %select_n3A_1648, %reduce_max3A_1649 [0] : vector<160x128xf32> to vector<128xf32>
    %broadcast_in_dim3A_1651 = vector.shape_cast %reduce_max3A_1650 : vector<128xf32> to vector<1x128xf32>
    %eq3A_1652 = vector.broadcast %broadcast_in_dim3A_1651 : vector<1x128xf32> to vector<160x128xf32>
    %eq3A_1653 = arith.cmpf oeq, %select_n3A_1648, %eq3A_1652 : vector<160x128xf32>
    %jit3A_1654 = arith.constant 20480 : i32
    %broadcast_in_dim3A_1655 = vector.broadcast %jit3A_1654 : i32 to vector<160x128xi32>
    %select_n3A_1656 = arith.select %eq3A_1653, %add3A, %broadcast_in_dim3A_1655 : vector<160x128xi1>, vector<160x128xi32>
    %reduce_min3A_1657 = arith.constant dense<2147483647> : vector<128xi32>
    %reduce_min3A_1658 = vector.multi_reduction <minsi>, %select_n3A_1656, %reduce_min3A_1657 [0] : vector<160x128xi32> to vector<128xi32>
    %broadcast_in_dim3A_1659 = vector.shape_cast %reduce_min3A_1658 : vector<128xi32> to vector<1x128xi32>
    %eq3A_1660 = arith.constant 25 : i32
    %eq3A_1661 = vector.broadcast %eq3A_1660 : i32 to vector<32x128xi32>
    %eq3A_1662 = arith.cmpi eq, %iota3A_41, %eq3A_1661 : vector<32x128xi32>
    %broadcast_in_dim3A_1663 = vector.shape_cast %broadcast_in_dim3A_1651 : vector<1x128xf32> to vector<1x128xf32>
    %broadcast_in_dim3A_1664 = vector.broadcast %broadcast_in_dim3A_1663 : vector<1x128xf32> to vector<32x128xf32>
    %select_n3A_1665 = arith.select %eq3A_1662, %broadcast_in_dim3A_1664, %select_n3A_1602 : vector<32x128xi1>, vector<32x128xf32>
    %eq3A_1666 = arith.constant 25 : i32
    %eq3A_1667 = vector.broadcast %eq3A_1666 : i32 to vector<32x128xi32>
    %eq3A_1668 = arith.cmpi eq, %iota3A_41, %eq3A_1667 : vector<32x128xi32>
    %broadcast_in_dim3A_1669 = vector.shape_cast %broadcast_in_dim3A_1659 : vector<1x128xi32> to vector<1x128xi32>
    %broadcast_in_dim3A_1670 = vector.broadcast %broadcast_in_dim3A_1669 : vector<1x128xi32> to vector<32x128xi32>
    %select_n3A_1671 = arith.select %eq3A_1668, %broadcast_in_dim3A_1670, %select_n3A_1608 : vector<32x128xi1>, vector<32x128xi32>
    %get3A_1672 = arith.constant 26 : index
    %get3A_1673 = arith.constant 0 : index
    %get3A_1674 = memref.load %arg0[%get3A_1672, %get3A_1673] : memref<32x4xf32, #tpu.memory_space<smem>>
    %get3A_1675 = arith.constant 26 : index
    %get3A_1676 = arith.constant 1 : index
    %get3A_1677 = memref.load %arg0[%get3A_1675, %get3A_1676] : memref<32x4xf32, #tpu.memory_space<smem>>
    %get3A_1678 = arith.constant 26 : index
    %get3A_1679 = arith.constant 2 : index
    %get3A_1680 = memref.load %arg0[%get3A_1678, %get3A_1679] : memref<32x4xf32, #tpu.memory_space<smem>>
    %get3A_1681 = arith.constant 26 : index
    %get3A_1682 = arith.constant 3 : index
    %get3A_1683 = memref.load %arg0[%get3A_1681, %get3A_1682] : memref<32x4xf32, #tpu.memory_space<smem>>
    %min3A_1684 = vector.broadcast %get3A_1680 : f32 to vector<160x128xf32>
    %min3A_1685 = arith.minimumf %get3A_13, %min3A_1684 : vector<160x128xf32>
    %max3A_1686 = vector.broadcast %get3A_1674 : f32 to vector<160x128xf32>
    %max3A_1687 = arith.maximumf %get3A_3, %max3A_1686 : vector<160x128xf32>
    %sub3A_1688 = arith.subf %min3A_1685, %max3A_1687 : vector<160x128xf32>
    %max3A_1689 = arith.constant 0.000000e+00 : f32
    %max3A_1690 = vector.broadcast %max3A_1689 : f32 to vector<160x128xf32>
    %max3A_1691 = arith.maximumf %sub3A_1688, %max3A_1690 : vector<160x128xf32>
    %min3A_1692 = vector.broadcast %get3A_1683 : f32 to vector<160x128xf32>
    %min3A_1693 = arith.minimumf %get3A_18, %min3A_1692 : vector<160x128xf32>
    %max3A_1694 = vector.broadcast %get3A_1677 : f32 to vector<160x128xf32>
    %max3A_1695 = arith.maximumf %get3A_8, %max3A_1694 : vector<160x128xf32>
    %sub3A_1696 = arith.subf %min3A_1693, %max3A_1695 : vector<160x128xf32>
    %max3A_1697 = arith.constant 0.000000e+00 : f32
    %max3A_1698 = vector.broadcast %max3A_1697 : f32 to vector<160x128xf32>
    %max3A_1699 = arith.maximumf %sub3A_1696, %max3A_1698 : vector<160x128xf32>
    %mul3A_1700 = arith.mulf %max3A_1691, %max3A_1699 : vector<160x128xf32>
    %sub3A_1701 = arith.subf %get3A_1680, %get3A_1674 : f32
    %sub3A_1702 = arith.subf %get3A_1683, %get3A_1677 : f32
    %mul3A_1703 = arith.mulf %sub3A_1701, %sub3A_1702 : f32
    %add3A_1704 = vector.broadcast %mul3A_1703 : f32 to vector<160x128xf32>
    %add3A_1705 = arith.addf %mul3A, %add3A_1704 : vector<160x128xf32>
    %sub3A_1706 = arith.subf %add3A_1705, %mul3A_1700 : vector<160x128xf32>
    %div3A_1707 = arith.divf %mul3A_1700, %sub3A_1706 : vector<160x128xf32>
    %max3A_1708 = arith.maximumf %max3A_1645, %div3A_1707 : vector<160x128xf32>
    %jit3A_1709 = arith.constant -1.000000e+00 : f32
    %broadcast_in_dim3A_1710 = vector.broadcast %jit3A_1709 : f32 to vector<160x128xf32>
    %select_n3A_1711 = arith.select %and3A_30, %div3A_1707, %broadcast_in_dim3A_1710 : vector<160x128xi1>, vector<160x128xf32>
    %reduce_max3A_1712 = arith.constant dense<0xFF800000> : vector<128xf32>
    %reduce_max3A_1713 = vector.multi_reduction <maximumf>, %select_n3A_1711, %reduce_max3A_1712 [0] : vector<160x128xf32> to vector<128xf32>
    %broadcast_in_dim3A_1714 = vector.shape_cast %reduce_max3A_1713 : vector<128xf32> to vector<1x128xf32>
    %eq3A_1715 = vector.broadcast %broadcast_in_dim3A_1714 : vector<1x128xf32> to vector<160x128xf32>
    %eq3A_1716 = arith.cmpf oeq, %select_n3A_1711, %eq3A_1715 : vector<160x128xf32>
    %jit3A_1717 = arith.constant 20480 : i32
    %broadcast_in_dim3A_1718 = vector.broadcast %jit3A_1717 : i32 to vector<160x128xi32>
    %select_n3A_1719 = arith.select %eq3A_1716, %add3A, %broadcast_in_dim3A_1718 : vector<160x128xi1>, vector<160x128xi32>
    %reduce_min3A_1720 = arith.constant dense<2147483647> : vector<128xi32>
    %reduce_min3A_1721 = vector.multi_reduction <minsi>, %select_n3A_1719, %reduce_min3A_1720 [0] : vector<160x128xi32> to vector<128xi32>
    %broadcast_in_dim3A_1722 = vector.shape_cast %reduce_min3A_1721 : vector<128xi32> to vector<1x128xi32>
    %eq3A_1723 = arith.constant 26 : i32
    %eq3A_1724 = vector.broadcast %eq3A_1723 : i32 to vector<32x128xi32>
    %eq3A_1725 = arith.cmpi eq, %iota3A_41, %eq3A_1724 : vector<32x128xi32>
    %broadcast_in_dim3A_1726 = vector.shape_cast %broadcast_in_dim3A_1714 : vector<1x128xf32> to vector<1x128xf32>
    %broadcast_in_dim3A_1727 = vector.broadcast %broadcast_in_dim3A_1726 : vector<1x128xf32> to vector<32x128xf32>
    %select_n3A_1728 = arith.select %eq3A_1725, %broadcast_in_dim3A_1727, %select_n3A_1665 : vector<32x128xi1>, vector<32x128xf32>
    %eq3A_1729 = arith.constant 26 : i32
    %eq3A_1730 = vector.broadcast %eq3A_1729 : i32 to vector<32x128xi32>
    %eq3A_1731 = arith.cmpi eq, %iota3A_41, %eq3A_1730 : vector<32x128xi32>
    %broadcast_in_dim3A_1732 = vector.shape_cast %broadcast_in_dim3A_1722 : vector<1x128xi32> to vector<1x128xi32>
    %broadcast_in_dim3A_1733 = vector.broadcast %broadcast_in_dim3A_1732 : vector<1x128xi32> to vector<32x128xi32>
    %select_n3A_1734 = arith.select %eq3A_1731, %broadcast_in_dim3A_1733, %select_n3A_1671 : vector<32x128xi1>, vector<32x128xi32>
    %get3A_1735 = arith.constant 27 : index
    %get3A_1736 = arith.constant 0 : index
    %get3A_1737 = memref.load %arg0[%get3A_1735, %get3A_1736] : memref<32x4xf32, #tpu.memory_space<smem>>
    %get3A_1738 = arith.constant 27 : index
    %get3A_1739 = arith.constant 1 : index
    %get3A_1740 = memref.load %arg0[%get3A_1738, %get3A_1739] : memref<32x4xf32, #tpu.memory_space<smem>>
    %get3A_1741 = arith.constant 27 : index
    %get3A_1742 = arith.constant 2 : index
    %get3A_1743 = memref.load %arg0[%get3A_1741, %get3A_1742] : memref<32x4xf32, #tpu.memory_space<smem>>
    %get3A_1744 = arith.constant 27 : index
    %get3A_1745 = arith.constant 3 : index
    %get3A_1746 = memref.load %arg0[%get3A_1744, %get3A_1745] : memref<32x4xf32, #tpu.memory_space<smem>>
    %min3A_1747 = vector.broadcast %get3A_1743 : f32 to vector<160x128xf32>
    %min3A_1748 = arith.minimumf %get3A_13, %min3A_1747 : vector<160x128xf32>
    %max3A_1749 = vector.broadcast %get3A_1737 : f32 to vector<160x128xf32>
    %max3A_1750 = arith.maximumf %get3A_3, %max3A_1749 : vector<160x128xf32>
    %sub3A_1751 = arith.subf %min3A_1748, %max3A_1750 : vector<160x128xf32>
    %max3A_1752 = arith.constant 0.000000e+00 : f32
    %max3A_1753 = vector.broadcast %max3A_1752 : f32 to vector<160x128xf32>
    %max3A_1754 = arith.maximumf %sub3A_1751, %max3A_1753 : vector<160x128xf32>
    %min3A_1755 = vector.broadcast %get3A_1746 : f32 to vector<160x128xf32>
    %min3A_1756 = arith.minimumf %get3A_18, %min3A_1755 : vector<160x128xf32>
    %max3A_1757 = vector.broadcast %get3A_1740 : f32 to vector<160x128xf32>
    %max3A_1758 = arith.maximumf %get3A_8, %max3A_1757 : vector<160x128xf32>
    %sub3A_1759 = arith.subf %min3A_1756, %max3A_1758 : vector<160x128xf32>
    %max3A_1760 = arith.constant 0.000000e+00 : f32
    %max3A_1761 = vector.broadcast %max3A_1760 : f32 to vector<160x128xf32>
    %max3A_1762 = arith.maximumf %sub3A_1759, %max3A_1761 : vector<160x128xf32>
    %mul3A_1763 = arith.mulf %max3A_1754, %max3A_1762 : vector<160x128xf32>
    %sub3A_1764 = arith.subf %get3A_1743, %get3A_1737 : f32
    %sub3A_1765 = arith.subf %get3A_1746, %get3A_1740 : f32
    %mul3A_1766 = arith.mulf %sub3A_1764, %sub3A_1765 : f32
    %add3A_1767 = vector.broadcast %mul3A_1766 : f32 to vector<160x128xf32>
    %add3A_1768 = arith.addf %mul3A, %add3A_1767 : vector<160x128xf32>
    %sub3A_1769 = arith.subf %add3A_1768, %mul3A_1763 : vector<160x128xf32>
    %div3A_1770 = arith.divf %mul3A_1763, %sub3A_1769 : vector<160x128xf32>
    %max3A_1771 = arith.maximumf %max3A_1708, %div3A_1770 : vector<160x128xf32>
    %jit3A_1772 = arith.constant -1.000000e+00 : f32
    %broadcast_in_dim3A_1773 = vector.broadcast %jit3A_1772 : f32 to vector<160x128xf32>
    %select_n3A_1774 = arith.select %and3A_30, %div3A_1770, %broadcast_in_dim3A_1773 : vector<160x128xi1>, vector<160x128xf32>
    %reduce_max3A_1775 = arith.constant dense<0xFF800000> : vector<128xf32>
    %reduce_max3A_1776 = vector.multi_reduction <maximumf>, %select_n3A_1774, %reduce_max3A_1775 [0] : vector<160x128xf32> to vector<128xf32>
    %broadcast_in_dim3A_1777 = vector.shape_cast %reduce_max3A_1776 : vector<128xf32> to vector<1x128xf32>
    %eq3A_1778 = vector.broadcast %broadcast_in_dim3A_1777 : vector<1x128xf32> to vector<160x128xf32>
    %eq3A_1779 = arith.cmpf oeq, %select_n3A_1774, %eq3A_1778 : vector<160x128xf32>
    %jit3A_1780 = arith.constant 20480 : i32
    %broadcast_in_dim3A_1781 = vector.broadcast %jit3A_1780 : i32 to vector<160x128xi32>
    %select_n3A_1782 = arith.select %eq3A_1779, %add3A, %broadcast_in_dim3A_1781 : vector<160x128xi1>, vector<160x128xi32>
    %reduce_min3A_1783 = arith.constant dense<2147483647> : vector<128xi32>
    %reduce_min3A_1784 = vector.multi_reduction <minsi>, %select_n3A_1782, %reduce_min3A_1783 [0] : vector<160x128xi32> to vector<128xi32>
    %broadcast_in_dim3A_1785 = vector.shape_cast %reduce_min3A_1784 : vector<128xi32> to vector<1x128xi32>
    %eq3A_1786 = arith.constant 27 : i32
    %eq3A_1787 = vector.broadcast %eq3A_1786 : i32 to vector<32x128xi32>
    %eq3A_1788 = arith.cmpi eq, %iota3A_41, %eq3A_1787 : vector<32x128xi32>
    %broadcast_in_dim3A_1789 = vector.shape_cast %broadcast_in_dim3A_1777 : vector<1x128xf32> to vector<1x128xf32>
    %broadcast_in_dim3A_1790 = vector.broadcast %broadcast_in_dim3A_1789 : vector<1x128xf32> to vector<32x128xf32>
    %select_n3A_1791 = arith.select %eq3A_1788, %broadcast_in_dim3A_1790, %select_n3A_1728 : vector<32x128xi1>, vector<32x128xf32>
    %eq3A_1792 = arith.constant 27 : i32
    %eq3A_1793 = vector.broadcast %eq3A_1792 : i32 to vector<32x128xi32>
    %eq3A_1794 = arith.cmpi eq, %iota3A_41, %eq3A_1793 : vector<32x128xi32>
    %broadcast_in_dim3A_1795 = vector.shape_cast %broadcast_in_dim3A_1785 : vector<1x128xi32> to vector<1x128xi32>
    %broadcast_in_dim3A_1796 = vector.broadcast %broadcast_in_dim3A_1795 : vector<1x128xi32> to vector<32x128xi32>
    %select_n3A_1797 = arith.select %eq3A_1794, %broadcast_in_dim3A_1796, %select_n3A_1734 : vector<32x128xi1>, vector<32x128xi32>
    %get3A_1798 = arith.constant 28 : index
    %get3A_1799 = arith.constant 0 : index
    %get3A_1800 = memref.load %arg0[%get3A_1798, %get3A_1799] : memref<32x4xf32, #tpu.memory_space<smem>>
    %get3A_1801 = arith.constant 28 : index
    %get3A_1802 = arith.constant 1 : index
    %get3A_1803 = memref.load %arg0[%get3A_1801, %get3A_1802] : memref<32x4xf32, #tpu.memory_space<smem>>
    %get3A_1804 = arith.constant 28 : index
    %get3A_1805 = arith.constant 2 : index
    %get3A_1806 = memref.load %arg0[%get3A_1804, %get3A_1805] : memref<32x4xf32, #tpu.memory_space<smem>>
    %get3A_1807 = arith.constant 28 : index
    %get3A_1808 = arith.constant 3 : index
    %get3A_1809 = memref.load %arg0[%get3A_1807, %get3A_1808] : memref<32x4xf32, #tpu.memory_space<smem>>
    %min3A_1810 = vector.broadcast %get3A_1806 : f32 to vector<160x128xf32>
    %min3A_1811 = arith.minimumf %get3A_13, %min3A_1810 : vector<160x128xf32>
    %max3A_1812 = vector.broadcast %get3A_1800 : f32 to vector<160x128xf32>
    %max3A_1813 = arith.maximumf %get3A_3, %max3A_1812 : vector<160x128xf32>
    %sub3A_1814 = arith.subf %min3A_1811, %max3A_1813 : vector<160x128xf32>
    %max3A_1815 = arith.constant 0.000000e+00 : f32
    %max3A_1816 = vector.broadcast %max3A_1815 : f32 to vector<160x128xf32>
    %max3A_1817 = arith.maximumf %sub3A_1814, %max3A_1816 : vector<160x128xf32>
    %min3A_1818 = vector.broadcast %get3A_1809 : f32 to vector<160x128xf32>
    %min3A_1819 = arith.minimumf %get3A_18, %min3A_1818 : vector<160x128xf32>
    %max3A_1820 = vector.broadcast %get3A_1803 : f32 to vector<160x128xf32>
    %max3A_1821 = arith.maximumf %get3A_8, %max3A_1820 : vector<160x128xf32>
    %sub3A_1822 = arith.subf %min3A_1819, %max3A_1821 : vector<160x128xf32>
    %max3A_1823 = arith.constant 0.000000e+00 : f32
    %max3A_1824 = vector.broadcast %max3A_1823 : f32 to vector<160x128xf32>
    %max3A_1825 = arith.maximumf %sub3A_1822, %max3A_1824 : vector<160x128xf32>
    %mul3A_1826 = arith.mulf %max3A_1817, %max3A_1825 : vector<160x128xf32>
    %sub3A_1827 = arith.subf %get3A_1806, %get3A_1800 : f32
    %sub3A_1828 = arith.subf %get3A_1809, %get3A_1803 : f32
    %mul3A_1829 = arith.mulf %sub3A_1827, %sub3A_1828 : f32
    %add3A_1830 = vector.broadcast %mul3A_1829 : f32 to vector<160x128xf32>
    %add3A_1831 = arith.addf %mul3A, %add3A_1830 : vector<160x128xf32>
    %sub3A_1832 = arith.subf %add3A_1831, %mul3A_1826 : vector<160x128xf32>
    %div3A_1833 = arith.divf %mul3A_1826, %sub3A_1832 : vector<160x128xf32>
    %max3A_1834 = arith.maximumf %max3A_1771, %div3A_1833 : vector<160x128xf32>
    %jit3A_1835 = arith.constant -1.000000e+00 : f32
    %broadcast_in_dim3A_1836 = vector.broadcast %jit3A_1835 : f32 to vector<160x128xf32>
    %select_n3A_1837 = arith.select %and3A_30, %div3A_1833, %broadcast_in_dim3A_1836 : vector<160x128xi1>, vector<160x128xf32>
    %reduce_max3A_1838 = arith.constant dense<0xFF800000> : vector<128xf32>
    %reduce_max3A_1839 = vector.multi_reduction <maximumf>, %select_n3A_1837, %reduce_max3A_1838 [0] : vector<160x128xf32> to vector<128xf32>
    %broadcast_in_dim3A_1840 = vector.shape_cast %reduce_max3A_1839 : vector<128xf32> to vector<1x128xf32>
    %eq3A_1841 = vector.broadcast %broadcast_in_dim3A_1840 : vector<1x128xf32> to vector<160x128xf32>
    %eq3A_1842 = arith.cmpf oeq, %select_n3A_1837, %eq3A_1841 : vector<160x128xf32>
    %jit3A_1843 = arith.constant 20480 : i32
    %broadcast_in_dim3A_1844 = vector.broadcast %jit3A_1843 : i32 to vector<160x128xi32>
    %select_n3A_1845 = arith.select %eq3A_1842, %add3A, %broadcast_in_dim3A_1844 : vector<160x128xi1>, vector<160x128xi32>
    %reduce_min3A_1846 = arith.constant dense<2147483647> : vector<128xi32>
    %reduce_min3A_1847 = vector.multi_reduction <minsi>, %select_n3A_1845, %reduce_min3A_1846 [0] : vector<160x128xi32> to vector<128xi32>
    %broadcast_in_dim3A_1848 = vector.shape_cast %reduce_min3A_1847 : vector<128xi32> to vector<1x128xi32>
    %eq3A_1849 = arith.constant 28 : i32
    %eq3A_1850 = vector.broadcast %eq3A_1849 : i32 to vector<32x128xi32>
    %eq3A_1851 = arith.cmpi eq, %iota3A_41, %eq3A_1850 : vector<32x128xi32>
    %broadcast_in_dim3A_1852 = vector.shape_cast %broadcast_in_dim3A_1840 : vector<1x128xf32> to vector<1x128xf32>
    %broadcast_in_dim3A_1853 = vector.broadcast %broadcast_in_dim3A_1852 : vector<1x128xf32> to vector<32x128xf32>
    %select_n3A_1854 = arith.select %eq3A_1851, %broadcast_in_dim3A_1853, %select_n3A_1791 : vector<32x128xi1>, vector<32x128xf32>
    %eq3A_1855 = arith.constant 28 : i32
    %eq3A_1856 = vector.broadcast %eq3A_1855 : i32 to vector<32x128xi32>
    %eq3A_1857 = arith.cmpi eq, %iota3A_41, %eq3A_1856 : vector<32x128xi32>
    %broadcast_in_dim3A_1858 = vector.shape_cast %broadcast_in_dim3A_1848 : vector<1x128xi32> to vector<1x128xi32>
    %broadcast_in_dim3A_1859 = vector.broadcast %broadcast_in_dim3A_1858 : vector<1x128xi32> to vector<32x128xi32>
    %select_n3A_1860 = arith.select %eq3A_1857, %broadcast_in_dim3A_1859, %select_n3A_1797 : vector<32x128xi1>, vector<32x128xi32>
    %get3A_1861 = arith.constant 29 : index
    %get3A_1862 = arith.constant 0 : index
    %get3A_1863 = memref.load %arg0[%get3A_1861, %get3A_1862] : memref<32x4xf32, #tpu.memory_space<smem>>
    %get3A_1864 = arith.constant 29 : index
    %get3A_1865 = arith.constant 1 : index
    %get3A_1866 = memref.load %arg0[%get3A_1864, %get3A_1865] : memref<32x4xf32, #tpu.memory_space<smem>>
    %get3A_1867 = arith.constant 29 : index
    %get3A_1868 = arith.constant 2 : index
    %get3A_1869 = memref.load %arg0[%get3A_1867, %get3A_1868] : memref<32x4xf32, #tpu.memory_space<smem>>
    %get3A_1870 = arith.constant 29 : index
    %get3A_1871 = arith.constant 3 : index
    %get3A_1872 = memref.load %arg0[%get3A_1870, %get3A_1871] : memref<32x4xf32, #tpu.memory_space<smem>>
    %min3A_1873 = vector.broadcast %get3A_1869 : f32 to vector<160x128xf32>
    %min3A_1874 = arith.minimumf %get3A_13, %min3A_1873 : vector<160x128xf32>
    %max3A_1875 = vector.broadcast %get3A_1863 : f32 to vector<160x128xf32>
    %max3A_1876 = arith.maximumf %get3A_3, %max3A_1875 : vector<160x128xf32>
    %sub3A_1877 = arith.subf %min3A_1874, %max3A_1876 : vector<160x128xf32>
    %max3A_1878 = arith.constant 0.000000e+00 : f32
    %max3A_1879 = vector.broadcast %max3A_1878 : f32 to vector<160x128xf32>
    %max3A_1880 = arith.maximumf %sub3A_1877, %max3A_1879 : vector<160x128xf32>
    %min3A_1881 = vector.broadcast %get3A_1872 : f32 to vector<160x128xf32>
    %min3A_1882 = arith.minimumf %get3A_18, %min3A_1881 : vector<160x128xf32>
    %max3A_1883 = vector.broadcast %get3A_1866 : f32 to vector<160x128xf32>
    %max3A_1884 = arith.maximumf %get3A_8, %max3A_1883 : vector<160x128xf32>
    %sub3A_1885 = arith.subf %min3A_1882, %max3A_1884 : vector<160x128xf32>
    %max3A_1886 = arith.constant 0.000000e+00 : f32
    %max3A_1887 = vector.broadcast %max3A_1886 : f32 to vector<160x128xf32>
    %max3A_1888 = arith.maximumf %sub3A_1885, %max3A_1887 : vector<160x128xf32>
    %mul3A_1889 = arith.mulf %max3A_1880, %max3A_1888 : vector<160x128xf32>
    %sub3A_1890 = arith.subf %get3A_1869, %get3A_1863 : f32
    %sub3A_1891 = arith.subf %get3A_1872, %get3A_1866 : f32
    %mul3A_1892 = arith.mulf %sub3A_1890, %sub3A_1891 : f32
    %add3A_1893 = vector.broadcast %mul3A_1892 : f32 to vector<160x128xf32>
    %add3A_1894 = arith.addf %mul3A, %add3A_1893 : vector<160x128xf32>
    %sub3A_1895 = arith.subf %add3A_1894, %mul3A_1889 : vector<160x128xf32>
    %div3A_1896 = arith.divf %mul3A_1889, %sub3A_1895 : vector<160x128xf32>
    %max3A_1897 = arith.maximumf %max3A_1834, %div3A_1896 : vector<160x128xf32>
    %jit3A_1898 = arith.constant -1.000000e+00 : f32
    %broadcast_in_dim3A_1899 = vector.broadcast %jit3A_1898 : f32 to vector<160x128xf32>
    %select_n3A_1900 = arith.select %and3A_30, %div3A_1896, %broadcast_in_dim3A_1899 : vector<160x128xi1>, vector<160x128xf32>
    %reduce_max3A_1901 = arith.constant dense<0xFF800000> : vector<128xf32>
    %reduce_max3A_1902 = vector.multi_reduction <maximumf>, %select_n3A_1900, %reduce_max3A_1901 [0] : vector<160x128xf32> to vector<128xf32>
    %broadcast_in_dim3A_1903 = vector.shape_cast %reduce_max3A_1902 : vector<128xf32> to vector<1x128xf32>
    %eq3A_1904 = vector.broadcast %broadcast_in_dim3A_1903 : vector<1x128xf32> to vector<160x128xf32>
    %eq3A_1905 = arith.cmpf oeq, %select_n3A_1900, %eq3A_1904 : vector<160x128xf32>
    %jit3A_1906 = arith.constant 20480 : i32
    %broadcast_in_dim3A_1907 = vector.broadcast %jit3A_1906 : i32 to vector<160x128xi32>
    %select_n3A_1908 = arith.select %eq3A_1905, %add3A, %broadcast_in_dim3A_1907 : vector<160x128xi1>, vector<160x128xi32>
    %reduce_min3A_1909 = arith.constant dense<2147483647> : vector<128xi32>
    %reduce_min3A_1910 = vector.multi_reduction <minsi>, %select_n3A_1908, %reduce_min3A_1909 [0] : vector<160x128xi32> to vector<128xi32>
    %broadcast_in_dim3A_1911 = vector.shape_cast %reduce_min3A_1910 : vector<128xi32> to vector<1x128xi32>
    %eq3A_1912 = arith.constant 29 : i32
    %eq3A_1913 = vector.broadcast %eq3A_1912 : i32 to vector<32x128xi32>
    %eq3A_1914 = arith.cmpi eq, %iota3A_41, %eq3A_1913 : vector<32x128xi32>
    %broadcast_in_dim3A_1915 = vector.shape_cast %broadcast_in_dim3A_1903 : vector<1x128xf32> to vector<1x128xf32>
    %broadcast_in_dim3A_1916 = vector.broadcast %broadcast_in_dim3A_1915 : vector<1x128xf32> to vector<32x128xf32>
    %select_n3A_1917 = arith.select %eq3A_1914, %broadcast_in_dim3A_1916, %select_n3A_1854 : vector<32x128xi1>, vector<32x128xf32>
    %eq3A_1918 = arith.constant 29 : i32
    %eq3A_1919 = vector.broadcast %eq3A_1918 : i32 to vector<32x128xi32>
    %eq3A_1920 = arith.cmpi eq, %iota3A_41, %eq3A_1919 : vector<32x128xi32>
    %broadcast_in_dim3A_1921 = vector.shape_cast %broadcast_in_dim3A_1911 : vector<1x128xi32> to vector<1x128xi32>
    %broadcast_in_dim3A_1922 = vector.broadcast %broadcast_in_dim3A_1921 : vector<1x128xi32> to vector<32x128xi32>
    %select_n3A_1923 = arith.select %eq3A_1920, %broadcast_in_dim3A_1922, %select_n3A_1860 : vector<32x128xi1>, vector<32x128xi32>
    %get3A_1924 = arith.constant 30 : index
    %get3A_1925 = arith.constant 0 : index
    %get3A_1926 = memref.load %arg0[%get3A_1924, %get3A_1925] : memref<32x4xf32, #tpu.memory_space<smem>>
    %get3A_1927 = arith.constant 30 : index
    %get3A_1928 = arith.constant 1 : index
    %get3A_1929 = memref.load %arg0[%get3A_1927, %get3A_1928] : memref<32x4xf32, #tpu.memory_space<smem>>
    %get3A_1930 = arith.constant 30 : index
    %get3A_1931 = arith.constant 2 : index
    %get3A_1932 = memref.load %arg0[%get3A_1930, %get3A_1931] : memref<32x4xf32, #tpu.memory_space<smem>>
    %get3A_1933 = arith.constant 30 : index
    %get3A_1934 = arith.constant 3 : index
    %get3A_1935 = memref.load %arg0[%get3A_1933, %get3A_1934] : memref<32x4xf32, #tpu.memory_space<smem>>
    %min3A_1936 = vector.broadcast %get3A_1932 : f32 to vector<160x128xf32>
    %min3A_1937 = arith.minimumf %get3A_13, %min3A_1936 : vector<160x128xf32>
    %max3A_1938 = vector.broadcast %get3A_1926 : f32 to vector<160x128xf32>
    %max3A_1939 = arith.maximumf %get3A_3, %max3A_1938 : vector<160x128xf32>
    %sub3A_1940 = arith.subf %min3A_1937, %max3A_1939 : vector<160x128xf32>
    %max3A_1941 = arith.constant 0.000000e+00 : f32
    %max3A_1942 = vector.broadcast %max3A_1941 : f32 to vector<160x128xf32>
    %max3A_1943 = arith.maximumf %sub3A_1940, %max3A_1942 : vector<160x128xf32>
    %min3A_1944 = vector.broadcast %get3A_1935 : f32 to vector<160x128xf32>
    %min3A_1945 = arith.minimumf %get3A_18, %min3A_1944 : vector<160x128xf32>
    %max3A_1946 = vector.broadcast %get3A_1929 : f32 to vector<160x128xf32>
    %max3A_1947 = arith.maximumf %get3A_8, %max3A_1946 : vector<160x128xf32>
    %sub3A_1948 = arith.subf %min3A_1945, %max3A_1947 : vector<160x128xf32>
    %max3A_1949 = arith.constant 0.000000e+00 : f32
    %max3A_1950 = vector.broadcast %max3A_1949 : f32 to vector<160x128xf32>
    %max3A_1951 = arith.maximumf %sub3A_1948, %max3A_1950 : vector<160x128xf32>
    %mul3A_1952 = arith.mulf %max3A_1943, %max3A_1951 : vector<160x128xf32>
    %sub3A_1953 = arith.subf %get3A_1932, %get3A_1926 : f32
    %sub3A_1954 = arith.subf %get3A_1935, %get3A_1929 : f32
    %mul3A_1955 = arith.mulf %sub3A_1953, %sub3A_1954 : f32
    %add3A_1956 = vector.broadcast %mul3A_1955 : f32 to vector<160x128xf32>
    %add3A_1957 = arith.addf %mul3A, %add3A_1956 : vector<160x128xf32>
    %sub3A_1958 = arith.subf %add3A_1957, %mul3A_1952 : vector<160x128xf32>
    %div3A_1959 = arith.divf %mul3A_1952, %sub3A_1958 : vector<160x128xf32>
    %max3A_1960 = arith.maximumf %max3A_1897, %div3A_1959 : vector<160x128xf32>
    %jit3A_1961 = arith.constant -1.000000e+00 : f32
    %broadcast_in_dim3A_1962 = vector.broadcast %jit3A_1961 : f32 to vector<160x128xf32>
    %select_n3A_1963 = arith.select %and3A_30, %div3A_1959, %broadcast_in_dim3A_1962 : vector<160x128xi1>, vector<160x128xf32>
    %reduce_max3A_1964 = arith.constant dense<0xFF800000> : vector<128xf32>
    %reduce_max3A_1965 = vector.multi_reduction <maximumf>, %select_n3A_1963, %reduce_max3A_1964 [0] : vector<160x128xf32> to vector<128xf32>
    %broadcast_in_dim3A_1966 = vector.shape_cast %reduce_max3A_1965 : vector<128xf32> to vector<1x128xf32>
    %eq3A_1967 = vector.broadcast %broadcast_in_dim3A_1966 : vector<1x128xf32> to vector<160x128xf32>
    %eq3A_1968 = arith.cmpf oeq, %select_n3A_1963, %eq3A_1967 : vector<160x128xf32>
    %jit3A_1969 = arith.constant 20480 : i32
    %broadcast_in_dim3A_1970 = vector.broadcast %jit3A_1969 : i32 to vector<160x128xi32>
    %select_n3A_1971 = arith.select %eq3A_1968, %add3A, %broadcast_in_dim3A_1970 : vector<160x128xi1>, vector<160x128xi32>
    %reduce_min3A_1972 = arith.constant dense<2147483647> : vector<128xi32>
    %reduce_min3A_1973 = vector.multi_reduction <minsi>, %select_n3A_1971, %reduce_min3A_1972 [0] : vector<160x128xi32> to vector<128xi32>
    %broadcast_in_dim3A_1974 = vector.shape_cast %reduce_min3A_1973 : vector<128xi32> to vector<1x128xi32>
    %eq3A_1975 = arith.constant 30 : i32
    %eq3A_1976 = vector.broadcast %eq3A_1975 : i32 to vector<32x128xi32>
    %eq3A_1977 = arith.cmpi eq, %iota3A_41, %eq3A_1976 : vector<32x128xi32>
    %broadcast_in_dim3A_1978 = vector.shape_cast %broadcast_in_dim3A_1966 : vector<1x128xf32> to vector<1x128xf32>
    %broadcast_in_dim3A_1979 = vector.broadcast %broadcast_in_dim3A_1978 : vector<1x128xf32> to vector<32x128xf32>
    %select_n3A_1980 = arith.select %eq3A_1977, %broadcast_in_dim3A_1979, %select_n3A_1917 : vector<32x128xi1>, vector<32x128xf32>
    %eq3A_1981 = arith.constant 30 : i32
    %eq3A_1982 = vector.broadcast %eq3A_1981 : i32 to vector<32x128xi32>
    %eq3A_1983 = arith.cmpi eq, %iota3A_41, %eq3A_1982 : vector<32x128xi32>
    %broadcast_in_dim3A_1984 = vector.shape_cast %broadcast_in_dim3A_1974 : vector<1x128xi32> to vector<1x128xi32>
    %broadcast_in_dim3A_1985 = vector.broadcast %broadcast_in_dim3A_1984 : vector<1x128xi32> to vector<32x128xi32>
    %select_n3A_1986 = arith.select %eq3A_1983, %broadcast_in_dim3A_1985, %select_n3A_1923 : vector<32x128xi1>, vector<32x128xi32>
    %get3A_1987 = arith.constant 31 : index
    %get3A_1988 = arith.constant 0 : index
    %get3A_1989 = memref.load %arg0[%get3A_1987, %get3A_1988] : memref<32x4xf32, #tpu.memory_space<smem>>
    %get3A_1990 = arith.constant 31 : index
    %get3A_1991 = arith.constant 1 : index
    %get3A_1992 = memref.load %arg0[%get3A_1990, %get3A_1991] : memref<32x4xf32, #tpu.memory_space<smem>>
    %get3A_1993 = arith.constant 31 : index
    %get3A_1994 = arith.constant 2 : index
    %get3A_1995 = memref.load %arg0[%get3A_1993, %get3A_1994] : memref<32x4xf32, #tpu.memory_space<smem>>
    %get3A_1996 = arith.constant 31 : index
    %get3A_1997 = arith.constant 3 : index
    %get3A_1998 = memref.load %arg0[%get3A_1996, %get3A_1997] : memref<32x4xf32, #tpu.memory_space<smem>>
    %min3A_1999 = vector.broadcast %get3A_1995 : f32 to vector<160x128xf32>
    %min3A_2000 = arith.minimumf %get3A_13, %min3A_1999 : vector<160x128xf32>
    %max3A_2001 = vector.broadcast %get3A_1989 : f32 to vector<160x128xf32>
    %max3A_2002 = arith.maximumf %get3A_3, %max3A_2001 : vector<160x128xf32>
    %sub3A_2003 = arith.subf %min3A_2000, %max3A_2002 : vector<160x128xf32>
    %max3A_2004 = arith.constant 0.000000e+00 : f32
    %max3A_2005 = vector.broadcast %max3A_2004 : f32 to vector<160x128xf32>
    %max3A_2006 = arith.maximumf %sub3A_2003, %max3A_2005 : vector<160x128xf32>
    %min3A_2007 = vector.broadcast %get3A_1998 : f32 to vector<160x128xf32>
    %min3A_2008 = arith.minimumf %get3A_18, %min3A_2007 : vector<160x128xf32>
    %max3A_2009 = vector.broadcast %get3A_1992 : f32 to vector<160x128xf32>
    %max3A_2010 = arith.maximumf %get3A_8, %max3A_2009 : vector<160x128xf32>
    %sub3A_2011 = arith.subf %min3A_2008, %max3A_2010 : vector<160x128xf32>
    %max3A_2012 = arith.constant 0.000000e+00 : f32
    %max3A_2013 = vector.broadcast %max3A_2012 : f32 to vector<160x128xf32>
    %max3A_2014 = arith.maximumf %sub3A_2011, %max3A_2013 : vector<160x128xf32>
    %mul3A_2015 = arith.mulf %max3A_2006, %max3A_2014 : vector<160x128xf32>
    %sub3A_2016 = arith.subf %get3A_1995, %get3A_1989 : f32
    %sub3A_2017 = arith.subf %get3A_1998, %get3A_1992 : f32
    %mul3A_2018 = arith.mulf %sub3A_2016, %sub3A_2017 : f32
    %add3A_2019 = vector.broadcast %mul3A_2018 : f32 to vector<160x128xf32>
    %add3A_2020 = arith.addf %mul3A, %add3A_2019 : vector<160x128xf32>
    %sub3A_2021 = arith.subf %add3A_2020, %mul3A_2015 : vector<160x128xf32>
    %div3A_2022 = arith.divf %mul3A_2015, %sub3A_2021 : vector<160x128xf32>
    %max3A_2023 = arith.maximumf %max3A_1960, %div3A_2022 : vector<160x128xf32>
    %jit3A_2024 = arith.constant -1.000000e+00 : f32
    %broadcast_in_dim3A_2025 = vector.broadcast %jit3A_2024 : f32 to vector<160x128xf32>
    %select_n3A_2026 = arith.select %and3A_30, %div3A_2022, %broadcast_in_dim3A_2025 : vector<160x128xi1>, vector<160x128xf32>
    %reduce_max3A_2027 = arith.constant dense<0xFF800000> : vector<128xf32>
    %reduce_max3A_2028 = vector.multi_reduction <maximumf>, %select_n3A_2026, %reduce_max3A_2027 [0] : vector<160x128xf32> to vector<128xf32>
    %broadcast_in_dim3A_2029 = vector.shape_cast %reduce_max3A_2028 : vector<128xf32> to vector<1x128xf32>
    %eq3A_2030 = vector.broadcast %broadcast_in_dim3A_2029 : vector<1x128xf32> to vector<160x128xf32>
    %eq3A_2031 = arith.cmpf oeq, %select_n3A_2026, %eq3A_2030 : vector<160x128xf32>
    %jit3A_2032 = arith.constant 20480 : i32
    %broadcast_in_dim3A_2033 = vector.broadcast %jit3A_2032 : i32 to vector<160x128xi32>
    %select_n3A_2034 = arith.select %eq3A_2031, %add3A, %broadcast_in_dim3A_2033 : vector<160x128xi1>, vector<160x128xi32>
    %reduce_min3A_2035 = arith.constant dense<2147483647> : vector<128xi32>
    %reduce_min3A_2036 = vector.multi_reduction <minsi>, %select_n3A_2034, %reduce_min3A_2035 [0] : vector<160x128xi32> to vector<128xi32>
    %broadcast_in_dim3A_2037 = vector.shape_cast %reduce_min3A_2036 : vector<128xi32> to vector<1x128xi32>
    %eq3A_2038 = arith.constant 31 : i32
    %eq3A_2039 = vector.broadcast %eq3A_2038 : i32 to vector<32x128xi32>
    %eq3A_2040 = arith.cmpi eq, %iota3A_41, %eq3A_2039 : vector<32x128xi32>
    %broadcast_in_dim3A_2041 = vector.shape_cast %broadcast_in_dim3A_2029 : vector<1x128xf32> to vector<1x128xf32>
    %broadcast_in_dim3A_2042 = vector.broadcast %broadcast_in_dim3A_2041 : vector<1x128xf32> to vector<32x128xf32>
    %select_n3A_2043 = arith.select %eq3A_2040, %broadcast_in_dim3A_2042, %select_n3A_1980 : vector<32x128xi1>, vector<32x128xf32>
    %eq3A_2044 = arith.constant 31 : i32
    %eq3A_2045 = vector.broadcast %eq3A_2044 : i32 to vector<32x128xi32>
    %eq3A_2046 = arith.cmpi eq, %iota3A_41, %eq3A_2045 : vector<32x128xi32>
    %broadcast_in_dim3A_2047 = vector.shape_cast %broadcast_in_dim3A_2037 : vector<1x128xi32> to vector<1x128xi32>
    %broadcast_in_dim3A_2048 = vector.broadcast %broadcast_in_dim3A_2047 : vector<1x128xi32> to vector<32x128xi32>
    %select_n3A_2049 = arith.select %eq3A_2046, %broadcast_in_dim3A_2048, %select_n3A_1986 : vector<32x128xi1>, vector<32x128xi32>
    %reduce_max3A_2050 = arith.constant dense<0xFF800000> : vector<32xf32>
    %reduce_max3A_2051 = vector.multi_reduction <maximumf>, %select_n3A_2043, %reduce_max3A_2050 [1] : vector<32x128xf32> to vector<32xf32>
    %broadcast_in_dim3A_2052 = vector.shape_cast %reduce_max3A_2051 : vector<32xf32> to vector<32x1xf32>
    %eq3A_2053 = vector.broadcast %broadcast_in_dim3A_2052 : vector<32x1xf32> to vector<32x128xf32>
    %eq3A_2054 = arith.cmpf oeq, %select_n3A_2043, %eq3A_2053 : vector<32x128xf32>
    %jit3A_2055 = arith.constant 20480 : i32
    %broadcast_in_dim3A_2056 = vector.broadcast %jit3A_2055 : i32 to vector<32x128xi32>
    %select_n3A_2057 = arith.select %eq3A_2054, %select_n3A_2049, %broadcast_in_dim3A_2056 : vector<32x128xi1>, vector<32x128xi32>
    %reduce_min3A_2058 = arith.constant dense<2147483647> : vector<32xi32>
    %reduce_min3A_2059 = vector.multi_reduction <minsi>, %select_n3A_2057, %reduce_min3A_2058 [1] : vector<32x128xi32> to vector<32xi32>
    %broadcast_in_dim3A_2060 = vector.shape_cast %reduce_min3A_2059 : vector<32xi32> to vector<32x1xi32>
    %lt3A_2061 = arith.constant 3.000000e-01 : f32
    %lt3A_2062 = vector.broadcast %lt3A_2061 : f32 to vector<160x128xf32>
    %lt3A_2063 = arith.cmpf olt, %max3A_2023, %lt3A_2062 : vector<160x128xf32>
    %and3A_2064 = arith.andi %and3A_30, %lt3A_2063 : vector<160x128xi1>
    %jit3A_2065 = arith.constant 0 : i32
    %jit3A_2066 = arith.constant -1 : i32
    %broadcast_in_dim3A_2067 = vector.broadcast %jit3A_2065 : i32 to vector<160x128xi32>
    %broadcast_in_dim3A_2068 = vector.broadcast %jit3A_2066 : i32 to vector<160x128xi32>
    %select_n3A_2069 = arith.select %and3A_2064, %broadcast_in_dim3A_2067, %broadcast_in_dim3A_2068 : vector<160x128xi1>, vector<160x128xi32>
    %gt3A = arith.constant 0.699999988 : f32
    %gt3A_2070 = vector.broadcast %gt3A : f32 to vector<160x128xf32>
    %gt3A_2071 = arith.cmpf ogt, %max3A_2023, %gt3A_2070 : vector<160x128xf32>
    %and3A_2072 = arith.andi %and3A_30, %gt3A_2071 : vector<160x128xi1>
    %jit3A_2073 = arith.constant 1 : i32
    %broadcast_in_dim3A_2074 = vector.broadcast %jit3A_2073 : i32 to vector<160x128xi32>
    %select_n3A_2075 = arith.select %and3A_2072, %broadcast_in_dim3A_2074, %select_n3A_2069 : vector<160x128xi1>, vector<160x128xi32>
    %swap3A = arith.constant 0 : index
    %swap3A_2076 = arith.constant 0 : index
    %swap3A_2077 = vector.load %arg2[%swap3A, %swap3A_2076] : memref<160x128xi32, #tpu.memory_space<vmem>>, vector<160x128xi32>
    tpu.vector_store %arg2[%swap3A, %swap3A_2076], %select_n3A_2075 {strides = array<i32>} : memref<160x128xi32, #tpu.memory_space<vmem>>, vector<160x128xi32>,
    %reshape3A = vector.shape_cast %broadcast_in_dim3A_2060 : vector<32x1xi32> to vector<1x32xi32>
    %broadcast_in_dim3A_2078 = arith.constant 0 : i32
    %broadcast_in_dim3A_2079 = vector.broadcast %broadcast_in_dim3A_2078 : i32 to vector<1x96xi32>
    %concatenate3A = tpu.concatenate %reshape3A, %broadcast_in_dim3A_2079 in 1 : vector<1x32xi32>, vector<1x96xi32> -> vector<1x128xi32>
    %broadcast_in_dim3A_2080 = arith.constant 0 : i32
    %broadcast_in_dim3A_2081 = vector.broadcast %broadcast_in_dim3A_2080 : i32 to vector<7x128xi32>
    %concatenate3A_2082 = tpu.concatenate %concatenate3A, %broadcast_in_dim3A_2081 in 0 : vector<1x128xi32>, vector<7x128xi32> -> vector<8x128xi32>
    %swap3A_2083 = arith.constant 0 : index
    %swap3A_2084 = arith.constant 0 : index
    %swap3A_2085 = vector.load %arg3[%swap3A_2083, %swap3A_2084] : memref<8x128xi32, #tpu.memory_space<vmem>>, vector<8x128xi32>
    tpu.vector_store %arg3[%swap3A_2083, %swap3A_2084], %concatenate3A_2082 {strides = array<i32>} : memref<8x128xi32, #tpu.memory_space<vmem>>, vector<8x128xi32>,
    return
  }
}

</mosaic_0001>

<sc_bundles>
// kernel: kernel.5.cloned.1.call-start
scs
__scs_entry_jumppad:
0x0: {  	(pc) =	sbr.rel $0x88, $3  }
0x1: {  	(tag) =	ssettag $0x0;
	lr =	simm.s32 $0x1  }
0x2: {  	[smem:$0x3F9F] =	sst lr;
	_ =	strace $0xD0000000  }
0x3: {  	_ = 	snop  }
0x4: {  	_ = 	snop  }
0x5: {  	_ = 	snop  }
0x6: {  	_ = 	snop  }
0x7: {  	_ = 	snop  }
__scs_overlays_trampoline_lowered:
0x8: {  	[smem:$0x3FAE] =	sst s0  }
0x9: {  	[smem:$0x3FAF] =	sst s1  }
0xa: {  	[smem:$0x3FB0] =	sst s2  }
0xb: {  	[smem:$0x3FB1] =	sst s3  }
0xc: {  	[smem:$0x3FB2] =	sst s4  }
0xd: {  	[smem:$0x3FB3] =	sst s5  }
0xe: {  	[smem:$0x3FB4] =	sst s6  }
0xf: {  	[smem:$0x3FB5] =	sst s7  }
0x10: {  	[smem:$0x3FB6] =	sst s8  }
0x11: {  	[smem:$0x3FB7] =	sst s9;
	s0 =	simm.s32 @!p0 $0x0  }
0x12: {  	s1 =	sld [smem:$0x3F9D];
	s0 =	simm.s32 @p0 $0x1  }
0x13: {  	[smem:$0x3FB8] =	sst s0;
	s0 =	simm.s32 @!p1 $0x0  }
0x14: {  	s2 =	sld [smem:$0x3F9C];
	s0 =	simm.s32 @p1 $0x1  }
0x15: {  	[smem:$0x3FB9] =	sst s0;
	s0 =	simm.s32 @!p2 $0x0  }
0x16: {  	s3 =	sld [smem:$0x3FDB];
	s0 =	simm.s32 @p2 $0x1  }
0x17: {  	s4 =	simm.s32 $0x1BF5;
	[smem:$0x3FBB] =	sst s0  }
0x18: {  	s0 =	sld [smem:$0x3F9E];
	_ =	swait.ge [sflag:s4], $0x0  }
0x19: {  	s7 =	sld [smem:$0x3F9F]  }
0x1a: {  	s8 =	sadd.s32 $0xFFFFE003, lr  }
0x1b: {  	s9 =	sadd.s32 $0xFFFFFEF7, lr;
	s5 =	simm.s32 $0xFFFFFFFF;
	p2 =	slt.u32 s8, $0xFFFFF086  }
0x1c: {  	p1 =	slt.u32 s9, $0xF7A;
	s5 =	simm.s32 @!p2 $0x0  }
0x1d: {  	s5 =	simm.s32 @p1 $0x1;
	p0 =	seq.s32 s7, s2  }
0x1e: {  	s7 =	smul.u32 @!p0 $0xF7A, s2;
	p2 =	seq.s32 @!p0 s5, $0x0  }
0x1f: {  	s9 =	smul.u32 $0xF7A, s1;
	s8 =	simm.s32 @!p0 $0x1BF5;
	p2 =	por !p2, p0  }
0x20: {  	[sflag:s8] =	ssyncset.s32 @!p0 $0xFFFFF086;
	s6 =	sadd.s32 @!p0 s3, s7;
	s7 =	simm.s32 @!p0 $0x108  }
0x21: {  	s3 =	sadd.s32 s3, s9;
	s6 =	sadd.s32 @!p0 $0x88, s6;
	s7 =	simm.s32 @p2 $0x1082  }
0x22: {  	[simem:s7], [sflag:s8] =	dma.local @!p0 [hbm:s6], $0xF7A  }
0x23: {  	s9 =	sor.u32 $0xD0000000, s2;
	s6 =	simm.s32 $0x108;
	_ =	swait.ge @!p0 [sflag:s8], $0x0  }
0x24: {  	s3 =	sadd.s32 $0x88, s3;
	s6 =	simm.s32 @!p1 $0x1082;
	[sflag:s4] =	ssyncset.s32 $0xFFFFF086  }
0x25: {  	[simem:s6], [sflag:s4] =	dma.local [hbm:s3], $0xF7A  }
0x26: {  	[smem:$0x3F9F] =	sst s1;
	(tag) =	ssettag s2;
	_ =	strace s9  }
0x27: {  	s1 =	sld [smem:$0x3FAF]  }
0x28: {  	s2 =	sld [smem:$0x3FB0]  }
0x29: {  	s4 =	sld [smem:$0x3FB2]  }
0x2a: {  	p0 =	seq.s32 s5, $0x0;
	s5 =	sld [smem:$0x3FB3]  }
0x2b: {  	s6 =	sld [smem:$0x3FB4]  }
0x2c: {  	s7 =	sld [smem:$0x3FB5]  }
0x2d: {  	s3 =	simm.s32 $0x108;
	s8 =	sld [smem:$0x3FB6]  }
0x2e: {  	s3 =	simm.s32 @!p0 $0x1082;
	s9 =	sld [smem:$0x3FB7]  }
0x2f: {  	lr =	sadd.s32 s0, s3;
	s0 =	sld [smem:$0x3FAE]  }
0x30: {  	s3 =	sld [smem:$0x3FB1]  }
0x31: {  	[smem:$0x3FBA] =	sst s10  }
0x32: {  	s10 =	sld [smem:$0x3FB8];
	_ =	sdelay $0x3  }
0x33: {  	p0 =	seq.s32 s10, $0x1;
	s10 =	sld [smem:$0x3FBA];
	_ =	sdelay $0x3  }
0x34: {  	[smem:$0x3FBA] =	sst s10  }
0x35: {  	s10 =	sld [smem:$0x3FB9];
	_ =	sdelay $0x3  }
0x36: {  	p1 =	seq.s32 s10, $0x1;
	s10 =	sld [smem:$0x3FBA];
	_ =	sdelay $0x3  }
0x37: {  	[smem:$0x3FBA] =	sst s10  }
0x38: {  	s10 =	sld [smem:$0x3FBB]  }
0x39: {  	_ = 	snop;
	(pc) =	sbr.ind lr, $3  }
0x3a: {  	_ = 	snop  }
0x3b: {  	_ = 	snop  }
0x3c: {  	p2 =	seq.s32 s10, $0x1;
	s10 =	sld [smem:$0x3FBA]  }
0x3d: {  	_ =	shalt  }
0x3e: {  	_ =	shalt  }
0x3f: {  	_ =	shalt  }
0x40: {  	_ =	shalt  }
0x41: {  	_ =	shalt  }
0x42: {  	_ =	shalt  }
0x43: {  	_ =	shalt  }
0x44: {  	_ =	shalt  }
0x45: {  	_ =	shalt  }
0x46: {  	_ =	shalt  }
0x47: {  	_ =	shalt  }
0x48: {  	_ =	shalt  }
0x49: {  	_ =	shalt  }
0x4a: {  	_ =	shalt  }
0x4b: {  	_ =	shalt  }
0x4c: {  	_ =	shalt  }
0x4d: {  	_ =	shalt  }
0x4e: {  	_ =	shalt  }
0x4f: {  	_ =	shalt  }
0x50: {  	_ =	shalt  }
0x51: {  	_ =	shalt  }
0x52: {  	_ =	shalt  }
0x53: {  	_ =	shalt  }
0x54: {  	_ =	shalt  }
0x55: {  	_ =	shalt  }
0x56: {  	_ =	shalt  }
0x57: {  	_ =	shalt  }
0x58: {  	_ =	shalt  }
0x59: {  	_ =	shalt  }
0x5a: {  	_ =	shalt  }
0x5b: {  	_ =	shalt  }
0x5c: {  	_ =	shalt  }
0x5d: {  	_ =	shalt  }
0x5e: {  	_ =	shalt  }
0x5f: {  	_ =	shalt  }
0x60: {  	_ =	shalt  }
0x61: {  	_ =	shalt  }
0x62: {  	_ =	shalt  }
0x63: {  	_ =	shalt  }
0x64: {  	_ =	shalt  }
0x65: {  	_ =	shalt  }
0x66: {  	_ =	shalt  }
0x67: {  	_ =	shalt  }
0x68: {  	_ =	shalt  }
0x69: {  	_ =	shalt  }
0x6a: {  	_ =	shalt  }
0x6b: {  	_ =	shalt  }
0x6c: {  	_ =	shalt  }
0x6d: {  	_ =	shalt  }
0x6e: {  	_ =	shalt  }
0x6f: {  	_ =	shalt  }
0x70: {  	_ =	shalt  }
0x71: {  	_ =	shalt  }
0x72: {  	_ =	shalt  }
0x73: {  	_ =	shalt  }
0x74: {  	_ =	shalt  }
0x75: {  	_ =	shalt  }
0x76: {  	_ =	shalt  }
0x77: {  	_ =	shalt  }
0x78: {  	_ =	shalt  }
0x79: {  	_ =	shalt  }
0x7a: {  	_ =	shalt  }
0x7b: {  	_ =	shalt  }
0x7c: {  	_ =	shalt  }
0x7d: {  	_ =	shalt  }
0x7e: {  	_ =	shalt  }
0x7f: {  	_ =	shalt  }
0x80: {  	_ =	shalt  }
0x81: {  	_ =	shalt  }
0x82: {  	_ =	shalt  }
0x83: {  	_ =	shalt  }
0x84: {  	_ =	shalt  }
0x85: {  	_ =	shalt  }
0x86: {  	_ =	shalt  }
0x87: {  	_ =	shalt  }
.Lfunc_end0:
.L_simem_size_0:
called_computation_lowered:
.L_overlay_start_0:
0x88: {  	s0 =	sld [smem:$0x3FD9]  }
0x89: {  	s1 =	sld [smem:$0x3FFE];
	_ =	sdelay $0x3  }
0x8a: {  	s0 =	sadd.s32 s1, s0  }
0x8b: {  	[smem:$0x3FC6] =	sst s0  }
0x8c: {  	_ = 	snop  }
0x8d: {  	s0 =	sld [smem:$0x3FD0];
	_ =	sdelay $0x2  }
0x8e: {  	s13 =	simm.s32 $0xA;
	s2 =	simm.s32 $0x10  }
0x8f: {  	[smem:s2], [sflag:s13] =	dma.local [hbm:s0], $0x1  }
0x90: {  	_ =	swait.eq [sflag:s13], $0x1  }
0x91: {  	[sflag:s13] =	ssyncset.done $0x0  }
0x92: {  	[sflag:s13] =	ssyncadd.s32 $0xFFFFFFFF  }
0x93: {  	s14 =	sld [smem:$0x10];
	(tm) =	ssettm $0x1  }
0x94: {  	s15 =	sld [smem:$0x3FFB];
	_ =	sdelay $0x3  }
0x95: {  	_ =	strace s15  }
0x96: {  	s1 =	sld [smem:$0x3FFC];
	_ =	sdelay $0x3  }
0x97: {  	_ =	strace s1  }
0x98: {  	s1 =	sld [smem:$0x3FFD];
	_ =	sdelay $0x3  }
0x99: {  	_ =	strace s1  }
0x9a: {  	_ =	strace $0x8FFFFFFF  }
0x9b: {  	s16 =	sld [smem:$0x3FDB];
	_ =	sdelay $0x1  }
0x9c: {  	s17 =	simm.s32 $_scs_section_size  }
0x9d: {  	s3 =	simm.s32 $_size__tile_overlayer_lowered;
	s4 =	simm.s32 $_tile_overlayer_lowered  }
0x9e: {  	s20 =	simm.s32 $0x1BFF;
	s19 =	sshll.u32 s4, $0x1;
	s1 =	sadd.s32 s17, s16  }
0x9f: {  	s5 =	simm.s32 $0x0;
	s18 =	sshll.u32 s3, $0x1;
	s3 =	sadd.s32 s19, s1  }
0xa0: {  	[timem:s5], [sflag:s20] =	dma.local [hbm:s3], s18  }
0xa1: {  	_ =	swait.ge [sflag:s20], s18  }
0xa2: {  	s2 =	ssub.s32 $0x0, s18;
	[sflag:s20] =	ssyncset.done $0x0  }
0xa3: {  	[sflag:s20] =	ssyncadd.s32 s2;
	_ =	sdelay $0x1  }
0xa4: {  	s21 =	simm.s32 $0x1B8B  }
0xa5: {  	_ =	swait.ge [sflag:s21], $0x1  }
0xa6: {  	[sflag:s21] =	ssyncset.done $0x0  }
0xa7: {  	s23 =	simm.s32 $0x1B8E;
	s22 =	sld [smem:$0x3FFE];
	[sflag:s21] =	ssyncadd.s32 $0xFFFFFFFF  }
0xa8: {  	s24 =	simm.s32 $execute0_lowered;
	[smem:$0x3FD2] =	sst s23  }
0xa9: {  	s3 =	sshll.u32 s24, $0x1;
	_ =	strace $0x80000046;
	[dreg:$0x1] =	wrdreg $0xFFFFFFFF  }
0xaa: {  	s25 =	simm.s32 $_size_execute0_lowered;
	s1 =	sadd.s32 s1, s3;
	[dreg:$0x0] =	wrdreg $0x0  }
0xab: {  	s3 =	sshll.u32 s25, $0x1;
	[dreg:$0x2] =	wrdreg s1  }
0xac: {  	[dreg:$0x3] =	wrdreg s3  }
0xad: {  	[dreg:$0x4] =	wrdreg $0xC0  }
0xae: {  	_ =	task [dreg:s5], $0x5FFFF  }
0xaf: {  	[dreg:$0x1] =	wrdreg $0xFFFFFFFF  }
0xb0: {  	[dreg:$0x0] =	wrdreg $0x60  }
0xb1: {  	[dreg:$0x2] =	wrdreg s22  }
0xb2: {  	[dreg:$0x3] =	wrdreg s14  }
0xb3: {  	[dreg:$0x4] =	wrdreg $0x176000  }
0xb4: {  	[dreg:$0x5] =	wrdreg $0x176100  }
0xb5: {  	[dreg:$0x6] =	wrdreg $0x176200  }
0xb6: {  	[dreg:$0x7] =	wrdreg $0x17B200  }
0xb7: {  	[dreg:$0x8] =	wrdreg $0x180200  }
0xb8: {  	[dreg:$0x9] =	wrdreg $0x185200  }
0xb9: {  	[dreg:$0xa] =	wrdreg $0x9  }
0xba: {  	_ =	task.clear_ibuf [dreg:s5], $0xBFFFF;
	_ =	strace $0x90000046  }
0xbb: {  	s26 =	simm.s32 $0x9;
	_ =	strace $0x80000048  }
0xbc: {  	_ =	swait.ge [sflag:s26], $0x1  }
0xbd: {  	[sflag:s26] =	ssyncadd.s32 $0xFFFFFFFF  }
0xbe: {  	_ =	strace $0x90000048  }
0xbf: {  	_ =	sfence  }
0xc0: {  	s28 =	sld [smem:$0x0];
	_ =	sdelay $0x1  }
0xc1: {  	s29 =	srdreg.scid  }
0xc2: {  	s30 =	sshll.u32 s29, $0xD;
	s31 =	sshrl.u32 s29, $0x2  }
0xc3: {  	s2 =	sand.u32 $0x4000, s30;
	s1 =	sand.u32 $0x1, s29;
	s0 =	sadd.s32 s31, s28  }
0xc4: {  	s1 =	sor.u32 s2, s1;
	s0 =	sshll.u32 s0, $0x11  }
0xc5: {  	s0 =	sor.u32 s0, s1  }
0xc6: {  	s0 =	sadd.s32 $0x8F2B, s0  }
0xc7: {  	[sflag:s0] =	ssyncadd.remote.s32 $0x1  }
0xc8: {  	_ =	sfence.sel $0xFFFF  }
0xc9: {  	[dreg:$0x0] =	wrdreg $0xFFFFFFFF;
	(pc) =	sbr.abs _section_cstart, $3  }
0xca: {  	[dreg:$0x1] =	wrdreg $0xFFFFFFFF  }
0xcb: {  	_ =	task.clear_ibuf [dreg:s5], $0x2FFFF;
	_ =	strace $0x9FFFFFFF  }
0xcc: {  	(tm) =	ssettm $0x7FFFFFFF  }
0xcd: {  	_ =	shalt  }
tec
execute0_lowered:
.L_overlay_start_1:
0x0: {  	(tag) =	ssettag $0x1  }
0x1: {  	s12 =	rddreg [dreg:$0x0]  }
0x2: {  	s8 =	rddreg [dreg:$0x1]  }
0x3: {  	s13 =	rddreg [dreg:$0x2]  }
0x4: {  	s11 =	rddreg [dreg:$0x3]  }
0x5: {  	s3 =	rddreg [dreg:$0x4]  }
0x6: {  	s2 =	rddreg [dreg:$0x5]  }
0x7: {  	s7 =	rddreg [dreg:$0x6]  }
0x8: {  	s6 =	rddreg [dreg:$0x7]  }
0x9: {  	s1 =	stileid.u32;
	s0 =	rddreg [dreg:$0x8]  }
0xa: {  	s14 =	simm.s32 $0x0;
	s15 =	simm.s32 $0x80;
	s10 =	smul.u32 $0x500, s1  }
0xb: {  	s16 =	simm.s32 $0x400;
	s5 =	simm.s32 $0x2D80;
	[smem:$0x7FF] =	sst s14  }
0xc: {  	s4 =	sadd.s32 $0x1C50, s12;
	_ =	strace $0x80000047;
	s9 =	sshrl.u32 s10, $0x3  }
0xd: {  	[tilespmem:s5], [sflag:$0x1] =	stream.strided.gather [hbm4b:s4+s15], $0x5000, s16, s15, $0x38;
	[tilespmem:$0x18A20] =	vst v63  }
0xe: {  	s18 =	simm.s32 $0xCD80;
	s5 =	sadd.s32 $0x1C70, s12;
	s17 =	sadd.s32 s9, s12  }
0xf: {  	[tilespmem:s18], [sflag:$0x2] =	stream.strided.gather [hbm4b:s5+s15], $0x5000, s16, s15, $0x38;
	[tilespmem:$0x18A20] =	vst v63  }
0x10: {  	s29 =	simm.s32 $0x3;
	s28 =	sadd.s32 $0x1000, s17  }
0x11: {  	[tilespmem:s14], [sflag:$0x3] =	stream.linear.gather [hbm4b:s28+s14], $0x500, $0x38;
	[tilespmem:$0x18A20] =	vst v63  }
0x12: {  	_ =	swait.ge [sflag:s29], $0x500  }
0x13: {  	[sflag:s29] =	ssyncset.done $0x0  }
0x14: {  	s31 =	simm.s32 $0x500;
	s30 =	sadd.s32 $0x1A00, s12;
	[sflag:s29] =	ssyncadd.s32 $0xFFFFFB00  }
0x15: {  	[tilespmem:s31], [sflag:$0x3] =	stream.linear.gather [hbm4b:s30+s14], $0x80, $0x38;
	[tilespmem:$0x18A20] =	vst v63  }
0x16: {  	_ =	swait.ge [sflag:s29], $0x80  }
0x17: {  	[sflag:s29] =	ssyncset.done $0x0  }
0x18: {  	[sflag:s29] =	ssyncadd.s32 $0xFFFFFF80  }
0x19: {  	v0 =	vld [tilespmem:$0x500];
	_ =	sdelay $0x3  }
0x1a: {  	v1 =	vmov s10  }
0x1b: {  	v0 =	vsub.s32 v0, v1  }
0x1c: {  	vm0 =	vgt.s32 v0, $0x0  }
0x1d: {  	vm1 =	vlt.u32 v0, $0x500;
	v0 =	vnsel vm0, $0x0, v0  }
0x1e: {  	v0 =	vmin.u32 v0, $0x4FF;
	_ =	sdelay $0x3  }
0x1f: {  	v2 =	vimm.s32 $0x1  }
0x20: {  	[tilespmem:v0+s14+$0x0] =	vst.idx.msk vm1, v2  }
0x21: {  	v0 =	vld [tilespmem:$0x510];
	_ =	sdelay $0x4  }
0x22: {  	v0 =	vsub.s32 v0, v1  }
0x23: {  	vm0 =	vgt.s32 v0, $0x0  }
0x24: {  	vm1 =	vlt.u32 v0, $0x500;
	v0 =	vnsel vm0, $0x0, v0  }
0x25: {  	v0 =	vmin.u32 v0, $0x4FF;
	_ =	sdelay $0x4  }
0x26: {  	s15 =	simm.s32 $0x0;
	[tilespmem:v0+s14+$0x0] =	vst.idx.msk vm1, v2  }
0x27: {  	v1 =	vld [tilespmem:s15+$0x0]  }
0x28: {  	v2 =	vld [tilespmem:s15+$0x10];
	_ =	sdelay $0x2  }
0x29: {  	s14 =	simm.s32 $0x20  }
0x2a: {  	v0 =	vimm.s32 $0x0;
	v3 =	vld [tilespmem:s14+$0x0];
	vm0 =	veq.s32 v1, $0x1  }
0x2b: {  	vm1 =	veq.s32 v1, $0x0;
	vm2 =	veq.s32 v2, $0x1;
	vm3 =	veq.s32 v2, $0x0  }
0x2c: {  	v2 =	vld [tilespmem:s14+$0x10];
	v1 =	vmpcnt.ones.xlane vm0;
	v5 =	vmpcnt.ones.xlane vm1;
	v4 =	vsel vm0, $0x1, v0  }
0x2d: {  	v13 =	vimm.s32 $0x0;
	v6 =	vmpcnt.ones.xlane vm2;
	v8 =	vmpcnt.ones.xlane vm3;
	(xrf0) =	vadd.scan.msk.s32 $0xffff, v4  }
0x2e: {  	v9 =	vsel vm1, $0x1, v0;
	v4 =	vadd.s32 v0, v1;
	v1 =	vadd.s32 v0, v5  }
0x2f: {  	v5 =	vsel vm2, $0x1, v0;
	vm2 =	veq.s32 v3, $0x0;
	(xrf0) =	vadd.scan.msk.s32 $0xffff, v9;
	v9 =	vimm.s32 $0x0  }
0x30: {  	v7 =	vadd.s32 v6, v4;
	v6 =	vsel vm3, $0x1, v0;
	vm3 =	veq.s32 v3, $0x1;
	(xrf0) =	vadd.scan.msk.s32 $0xffff, v5  }
0x31: {  	s16 =	simm.s32 $0x40;
	v12 =	vmpcnt.ones.xlane vm2;
	vm1 =	veq.s32 v2, $0x1;
	vm0 =	veq.s32 v2, $0x0;
	(xrf0) =	vadd.scan.msk.s32 $0xffff, v6  }
0x32: {  	v5 =	vld [tilespmem:s16+$0x0];
	v11 =	vmpcnt.ones.xlane vm3;
	v2 =	vadd.s32 v8, v1;
	v15 =	vsel vm3, $0x1, v0  }
0x33: {  	s12 =	sadd.s32 $0x1C00, s12;
	s17 =	simm.s32 $0x180;
	s18 =	simm.s32 $0x200;
	v6 =	vld [tilespmem:s16+$0x10];
	v3 =	vmov v7;
	v10 =	vmpcnt.ones.xlane vm1;
	v8 =	vmpcnt.ones.xlane vm0;
	v14, _, _ =	vpop (xrf0)  }
.LBB2_1:
0x34: {  	v16 =	vsel vm2, $0x1, v0  }
0x35: {  	p0 =	sne.s32 s18, $0x1380;
	v11 =	vadd.s32 v7, v11;
	v12 =	vadd.s32 v2, v12;
	(xrf0) =	vadd.scan.msk.s32 $0xffff, v15;
	v15, _, _ =	vpop (xrf0);
	v17 =	vmov v2;
	s19 =	smov.u32 s16  }
0x36: {  	v18 =	vsel vm1, $0x1, v0;
	v7 =	vadd.s32 v10, v11;
	v2 =	vadd.s32 v8, v12;
	(xrf0) =	vadd.scan.msk.s32 $0xffff, v16;
	v8, _, _ =	vpop (xrf0)  }
.Ltmp0:
0x37: {  	v10 =	vsel vm0, $0x1, v0;
	v13 =	vadd.s32 v13, v15;
	(xrf0) =	vadd.scan.msk.s32 $0xffff, v18;
	v18 =	vadd.s32 v9, v14;
	v14, _, _ =	vpop (xrf0);
	(pc) =	sbr.rel @p0 .LBB2_1-.Ltmp0, $4  }
0x38: {  	v8 =	vadd.s32 v8, v4;
	v4 =	vmovc v11;
	(xrf0) =	vadd.scan.msk.s32 $0xffff, v10;
	[tilespmem:s15+$0x580] =	vst v18;
	v16 =	vadd.s32 v14, v1  }
0x39: {  	s16 =	sshra.s32 s17, $0x2;
	s17 =	smov.u32 s18;
	v9 =	vmovc v3;
	vm3 =	veq.s32 v5, $0x1;
	vm2 =	veq.s32 v5, $0x0;
	v1 =	vmovc v12;
	vm1 =	veq.s32 v6, $0x1;
	[tilespmem:s15+$0xA80] =	vst v13  }
0x3a: {  	v3 =	vmovc v7;
	vm0 =	veq.s32 v6, $0x0;
	v11 =	vmpcnt.ones.xlane vm3;
	v12 =	vmpcnt.ones.xlane vm2;
	v13 =	vmovc v17;
	v5 =	vld [tilespmem:s16+$0x0];
	[tilespmem:s15+$0x590] =	vst v8  }
0x3b: {  	s18 =	sadd.s32 $0x80, s18;
	v15 =	vsel vm3, $0x1, v0;
	v10 =	vmpcnt.ones.xlane vm1;
	v8 =	vmpcnt.ones.xlane vm0;
	v6 =	vld [tilespmem:s16+$0x10];
	v14, _, _ =	vpop (xrf0);
	[tilespmem:s15+$0xA90] =	vst v16;
	s15 =	smov.u32 s14;
	s14 =	smov.u32 s19  }
0x3c: {  	v16, _, _ =	vpop (xrf0);
	v9 =	vadd.s32 v9, v14  }
0x3d: {  	v7 =	vadd.s32 v7, v11;
	v11 =	vadd.s32 v2, v12;
	v13 =	vadd.s32 v13, v16;
	[tilespmem:s15+$0x580] =	vst v9;
	v12, _, _ =	vpop (xrf0)  }
0x3e: {  	s17 =	sshra.s32 s17, $0x2;
	v14 =	vsel vm0, $0x1, v0;
	v9 =	vsel vm2, $0x1, v0;
	[tilespmem:s15+$0xA80] =	vst v13;
	v4 =	vadd.s32 v12, v4  }
0x3f: {  	(xrf0) =	vadd.scan.msk.s32 $0xffff, v15;
	v10 =	vadd.s32 v10, v7;
	v8 =	vadd.s32 v8, v11;
	v12 =	vld [tilespmem:s17+$0x0];
	[tilespmem:s15+$0x590] =	vst v4  }
0x40: {  	v13 =	vsel vm1, $0x1, v0;
	(xrf0) =	vadd.scan.msk.s32 $0xffff, v9;
	vm0 =	veq.s32 v5, $0x1;
	vm1 =	veq.s32 v5, $0x0;
	v5 =	vld [tilespmem:s17+$0x10]  }
0x41: {  	(xrf0) =	vadd.scan.msk.s32 $0xffff, v13;
	vm2 =	veq.s32 v6, $0x1;
	v4 =	vmpcnt.ones.xlane vm0;
	vm3 =	veq.s32 v6, $0x0  }
0x42: {  	v6 =	vmpcnt.ones.xlane vm1;
	(xrf0) =	vadd.scan.msk.s32 $0xffff, v14;
	v14 =	vsel vm0, $0x1, v0;
	v15 =	vsel vm1, $0x1, v0  }
0x43: {  	v9 =	vmpcnt.ones.xlane vm2;
	v13 =	vmpcnt.ones.xlane vm3;
	(xrf0) =	vadd.scan.msk.s32 $0xffff, v14;
	v14 =	vsel vm2, $0x1, v0  }
0x44: {  	v16, _, _ =	vpop (xrf0);
	v4 =	vadd.s32 v10, v4;
	v6 =	vadd.s32 v8, v6;
	(xrf0) =	vadd.scan.msk.s32 $0xffff, v15;
	v15 =	vsel vm3, $0x1, v0  }
0x45: {  	vm0 =	veq.s32 v12, $0x1;
	vm1 =	veq.s32 v12, $0x0;
	vm2 =	veq.s32 v5, $0x1  }
0x46: {  	v17, _, _ =	vpop (xrf0);
	(xrf0) =	vadd.scan.msk.s32 $0xffff, v14;
	vm3 =	veq.s32 v5, $0x0;
	v5 =	vmpcnt.ones.xlane vm0;
	v14 =	vsel vm0, $0x1, v0  }
0x47: {  	v9 =	vadd.s32 v9, v4;
	v12, _, _ =	vpop (xrf0);
	(xrf0) =	vadd.scan.msk.s32 $0xffff, v15;
	v20 =	vsel vm1, $0x1, v0;
	v19 =	vmpcnt.ones.xlane vm2  }
0x48: {  	v15, _, _ =	vpop (xrf0);
	v18 =	vmpcnt.ones.xlane vm1;
	(xrf0) =	vadd.scan.msk.s32 $0xffff, v14;
	v22 =	vsel vm2, $0x1, v0;
	v5 =	vadd.s32 v9, v5  }
0x49: {  	v13 =	vadd.s32 v13, v6;
	v21 =	vmpcnt.ones.xlane vm3;
	v14, _, _ =	vpop (xrf0);
	(xrf0) =	vadd.scan.msk.s32 $0xffff, v20;
	v19 =	vadd.s32 v19, v5  }
0x4a: {  	v0 =	vsel vm3, $0x1, v0;
	v18 =	vadd.s32 v13, v18;
	v20, _, _ =	vpop (xrf0);
	(xrf0) =	vadd.scan.msk.s32 $0xffff, v22  }
0x4b: {  	v21 =	vadd.s32 v21, v18;
	v22, _, _ =	vpop (xrf0);
	(xrf0) =	vadd.scan.msk.s32 $0xffff, v0;
	v0 =	vxor.u32 $0x80000000, v19  }
0x4c: {  	v19, _, _ =	vpop (xrf0);
	(xrf0) =	vmax.scan.msk.u32 $0xffff, v0;
	v0 =	vxor.u32 $0x80000000, v21;
	_ =	sdelay $0x1  }
0x4d: {  	v21, _, _ =	vpop (xrf0);
	(xrf0) =	vmax.scan.msk.u32 $0xffff, v0  }
0x4e: {  	v0, _, _ =	vpop (xrf0)  }
0x4f: {  	v23, _, _ =	vpop (xrf0)  }
0x50: {  	v24, _, _ =	vpop (xrf0)  }
0x51: {  	v25, _, _ =	vpop (xrf0)  }
0x52: {  	v26, _, _ =	vpop (xrf0)  }
0x53: {  	(v2sf) =	vpush v26, $0xF;
	v60, _, _ =	vpop (xrf0)  }
0x54: {  	(v2sf) =	vpush v60, $0xF;
	_ =	sdelay $0x5  }
0x55: {  	v1 =	vadd.s32 v16, v1  }
0x56: {  	[tilespmem:s15+$0xA90] =	vst v1;
	v1 =	vadd.s32 v3, v17  }
0x57: {  	v2 =	vadd.s32 v2, v12;
	[tilespmem:s14+$0x580] =	vst v1  }
0x58: {  	v1 =	vadd.s32 v15, v7;
	[tilespmem:s14+$0xA80] =	vst v2  }
0x59: {  	[tilespmem:s14+$0x590] =	vst v1;
	v2 =	vadd.s32 v14, v11  }
0x5a: {  	[tilespmem:s14+$0xA90] =	vst v2;
	v1 =	vadd.s32 v10, v20  }
0x5b: {  	v2 =	vadd.s32 v8, v22;
	[tilespmem:s16+$0x580] =	vst v1  }
0x5c: {  	v1 =	vadd.s32 v19, v4;
	[tilespmem:s16+$0xA80] =	vst v2  }
0x5d: {  	v2 =	vadd.s32 v21, v6;
	[tilespmem:s16+$0x590] =	vst v1;
	s21 =	spop (v2sf)  }
0x5e: {  	[tilespmem:s16+$0xA90] =	vst v2;
	v0 =	vadd.s32 v9, v0;
	s22 =	spop (v2sf)  }
0x5f: {  	vm0 =	vcmask $0x300;
	vm1 =	vcmask $0x704;
	v1 =	vadd.s32 v13, v23;
	[tilespmem:s17+$0x580] =	vst v0;
	s14 =	sxor.u32 $0x80000000, s21;
	s15 =	sxor.u32 $0x80000000, s22  }
0x60: {  	v0 =	vadd.s32 v24, v5;
	[tilespmem:s17+$0xA80] =	vst v1;
	v2 =	vmov s14;
	v1 =	vmov s15  }
0x61: {  	v3 =	vadd.s32 v25, v18;
	[tilespmem:s17+$0x590] =	vst v0;
	v0 =	vnsel vm0, $0x0, v2;
	v1 =	vnsel vm1, $0x0, v1  }
0x62: {  	[tilespmem:s17+$0xA90] =	vst v3;
	s15 =	sshll.u32 s1, $0x7;
	v0 =	vadd.s32 v0, v1  }
0x63: {  	s24 =	simm.s32 $0x16D80;
	s25 =	simm.s32 $0x3;
	s23 =	sadd.s32 s15, s13;
	[tilespmem:$0x16D80] =	vst v0  }
0x64: {  	[spmem:s23] =	stream.linear.scatter [tilespmem:s24], [sflag:$0x3], $0x80, $0x38;
	[tilespmem:$0x18A20] =	vst v63  }
0x65: {  	v0 =	vlaneseq.u32;
	_ =	swait.ge [sflag:s25], $0x80  }
0x66: {  	v0 =	vmul.u32 $0x80, v0;
	[sflag:s25] =	ssyncset.done $0x0  }
0x67: {  	[sflag:s25] =	ssyncadd.s32 $0xFFFFFF80  }
0x68: {  	s26 =	simm.s32 $0x16E00;
	v1 =	vor.u32 $0x1, v0;
	[bflag:$0x0] =	sbarrier.arrive $0xFFFF  }
0x69: {  	[tilespmem:s26], [sflag:$0x3] =	stream.linear.gather [spmem:s13], $0x800, $0x38;
	[tilespmem:$0x18A20] =	vst v63  }
0x6a: {  	_ =	swait.ge [sflag:s25], $0x800  }
0x6b: {  	[sflag:s25] =	ssyncset.done $0x0  }
0x6c: {  	[sflag:s25] =	ssyncadd.s32 $0xFFFFF800  }
0x6d: {  	v1 =	vld.idx.msk [tilespmem:v1+s26+$0x0], $0xffff;
	_ =	sdelay $0x4  }
0x6e: {  	(xrf0) =	vadd.scan.msk.s32 $0xffff, v1;
	_ =	sdelay $0x3  }
0x6f: {  	s28 =	sadd.s32 s10, s12;
	s30 =	simm.s32 $0x80  }
0x70: {  	s18 =	simm.s32 $0x400;
	s19 =	simm.s32 $0xF80;
	s29 =	sadd.s32 $0x40, s28  }
0x71: {  	v2 =	vld.idx.msk [tilespmem:v0+s26+$0x0], $0xffff;
	[tilespmem:s19], [sflag:$0x3] =	stream.strided.gather [hbm4b:s29+s30], $0x500, s18, s30, $0x38;
	v7, _, _ =	vpop (xrf0)  }
0x72: {  	_ =	swait.ge [sflag:s25], $0x500  }
0x73: {  	[sflag:s25] =	ssyncset.done $0x0  }
0x74: {  	s31 =	simm.s32 $0x1480;
	s13 =	sadd.s32 $0x60, s28;
	[sflag:s25] =	ssyncadd.s32 $0xFFFFFB00  }
0x75: {  	[tilespmem:s31], [sflag:$0x3] =	stream.strided.gather [hbm4b:s13+s30], $0x500, s18, s30, $0x38;
	[tilespmem:$0x18A20] =	vst v63  }
0x76: {  	_ =	swait.ge [sflag:s25], $0x500  }
0x77: {  	[sflag:s25] =	ssyncset.done $0x0  }
0x78: {  	s14 =	simm.s32 $0x0;
	[sflag:s25] =	ssyncadd.s32 $0xFFFFFB00  }
0x79: {  	v3 =	vld [tilespmem:s14+$0xF80]  }
0x7a: {  	v4 =	vld [tilespmem:s14+$0xF90]  }
0x7b: {  	v5 =	vld [tilespmem:s14+$0x1480]  }
0x7c: {  	s13 =	simm.s32 $0x20;
	v8 =	vld [tilespmem:s14+$0x1490]  }
0x7d: {  	v13 =	vld [tilespmem:s13+$0x1480]  }
0x7e: {  	v0 =	vbroadcast v7, $0xF;
	v16 =	vld [tilespmem:s13+$0x1490];
	_ =	sdelay $0x1  }
0x7f: {  	v6 =	vimm.s32 $0x0;
	vm2 =	vlt.s32 v3, v0  }
0x80: {  	v11 =	vld [tilespmem:s13+$0xF90];
	vm3 =	vlt.s32 v4, v0;
	vm4 =	vlt.s32 v5, v0;
	vm5 =	vlt.s32 v8, v0  }
0x81: {  	vm14 =	vlt.s32 v13, v0;
	v3 =	vmpcnt.ones.xlane vm2;
	v4 =	vmpcnt.ones.xlane vm4  }
0x82: {  	vm15 =	vlt.s32 v16, v0;
	v8 =	vmpcnt.ones.xlane vm3;
	v9 =	vmpcnt.ones.xlane vm5  }
0x83: {  	v10 =	vsel vm2, $0x1, v6;
	v12 =	vsel vm3, $0x1, v6;
	v15 =	vsel vm4, $0x1, v6  }
0x84: {  	v5 =	vld [tilespmem:s13+$0xF80];
	v14 =	vsel vm2, $0xFFFFFFFF, v6;
	v17 =	vsel vm3, $0xFFFFFFFF, v6;
	v18 =	vsel vm5, $0x1, v6  }
0x85: {  	v19 =	vsel vm4, $0xFFFFFFFF, v6;
	v20 =	vsel vm5, $0xFFFFFFFF, v6;
	vm3 =	vlt.s32 v11, v0;
	(xrf0) =	vadd.scan.msk.s32 $0xffff, v10  }
0x86: {  	v23 =	vsel vm15, $0x1, v6;
	v62 =	vsel vm14, $0xFFFFFFFF, v6;
	v63 =	vsel vm15, $0xFFFFFFFF, v6;
	(xrf0) =	vadd.scan.msk.s32 $0xffff, v12  }
0x87: {  	v21 =	vadd.s32 v14, v6;
	v3 =	vadd.s32 v6, v3;
	v4 =	vadd.s32 v6, v4;
	(xrf0) =	vadd.scan.msk.s32 $0xffff, v15  }
0x88: {  	v10 =	vmpcnt.ones.xlane vm15;
	v8 =	vadd.s32 v8, v3;
	v9 =	vadd.s32 v9, v4;
	(xrf0) =	vadd.scan.msk.s32 $0xffff, v18  }
0x89: {  	v14 =	vadd.s32 v20, v4;
	v4 =	vmpcnt.ones.xlane vm14;
	vm2 =	vlt.s32 v5, v0  }
0x8a: {  	s16 =	simm.s32 $0x40;
	v22 =	vadd.s32 v17, v3;
	v3 =	vmpcnt.ones.xlane vm2;
	v11 =	vsel vm2, $0x1, v6  }
0x8b: {  	v12 =	vsel vm3, $0x1, v6;
	v15 =	vld [tilespmem:s16+$0xF90];
	v5 =	vmpcnt.ones.xlane vm3;
	v16 =	vadd.s32 v9, v4;
	v20, _, _ =	vpop (xrf0);
	(xrf0) =	vadd.scan.msk.s32 $0xffff, v11  }
0x8c: {  	v17 =	vld [tilespmem:s16+$0x1480];
	v18 =	vsel vm14, $0x1, v6;
	v13 =	vadd.s32 v8, v3;
	v3 =	vadd.s32 v10, v16;
	v61, _, _ =	vpop (xrf0);
	(xrf0) =	vadd.scan.msk.s32 $0xffff, v12  }
0x8d: {  	v10 =	vsel vm2, $0xFFFFFFFF, v6;
	v11 =	vsel vm3, $0xFFFFFFFF, v6;
	v4 =	vadd.s32 v5, v13;
	v5 =	vld [tilespmem:s16+$0xF80];
	v27, _, _ =	vpop (xrf0);
	(xrf0) =	vadd.scan.msk.s32 $0xffff, v18  }
0x8e: {  	v12 =	vadd.s32 v11, v13;
	v13 =	vadd.s32 v10, v8;
	v10 =	vadd.s32 v63, v16;
	v18 =	vld [tilespmem:s16+$0x1490];
	v16, _, _ =	vpop (xrf0);
	(xrf0) =	vadd.scan.msk.s32 $0xffff, v23  }
0x8f: {  	v19 =	vadd.s32 v19, v6;
	v11 =	vadd.s32 v62, v9;
	v21 =	vadd.s32 v20, v21  }
0x90: {  	s17 =	simm.s32 $0x180;
	s18 =	simm.s32 $0x200;
	v9 =	vmovc v3;
	v8 =	vmov v4;
	v20 =	vadd.s32 v27, v19;
	v19 =	vadd.s32 v61, v22  }
.LBB2_3:
0x91: {  	p0 =	sne.s32 s18, $0x1380;
	v22, _, _ =	vpop (xrf0);
	[tilespmem:s14+$0x2380] =	vst v21;
	v14 =	vadd.s32 v16, v14;
	v23 =	vmov v12;
	v21 =	vmov v13  }
0x92: {  	vm4 =	vlt.s32 v5, v0;
	vm5 =	vlt.s32 v15, v0;
	vm2 =	vlt.s32 v17, v0;
	v24, _, _ =	vpop (xrf0);
	[tilespmem:s14+$0x2880] =	vst v20  }
0x93: {  	v12 =	vmpcnt.ones.xlane vm4;
	vm3 =	vlt.s32 v18, v0;
	v13 =	vmpcnt.ones.xlane vm2;
	v20, _, _ =	vpop (xrf0);
	[tilespmem:s14+$0x2390] =	vst v19  }
0x94: {  	v17 =	vmpcnt.ones.xlane vm5;
	v15 =	vsel vm4, $0x1, v6;
	v18 =	vmpcnt.ones.xlane vm3;
	v16, _, _ =	vpop (xrf0);
	[tilespmem:s14+$0x2890] =	vst v14;
	s14 =	smov.u32 s13;
	s13 =	smov.u32 s16;
	s16 =	sshra.s32 s17, $0x2  }
0x95: {  	v25 =	vmovc v11;
	v26 =	vsel vm5, $0x1, v6;
	v12 =	vadd.s32 v4, v12;
	s17 =	smov.u32 s18;
	v5 =	vld [tilespmem:s16+$0xF80];
	v19 =	vadd.s32 v3, v13;
	(xrf0) =	vadd.scan.msk.s32 $0xffff, v15  }
.Ltmp1:
0x96: {  	v11 =	vsel vm2, $0x1, v6;
	v14 =	vmovc v10;
	v4 =	vadd.s32 v17, v12;
	v15 =	vld [tilespmem:s16+$0xF90];
	v3 =	vadd.s32 v18, v19;
	(xrf0) =	vadd.scan.msk.s32 $0xffff, v26;
	(pc) =	sbr.rel @p0 .LBB2_3-.Ltmp1, $4  }
0x97: {  	v10 =	vsel vm4, $0xFFFFFFFF, v6;
	v13 =	vsel vm5, $0xFFFFFFFF, v6;
	v26 =	vsel vm3, $0x1, v6;
	v17 =	vld [tilespmem:s16+$0x1480];
	(xrf0) =	vadd.scan.msk.s32 $0xffff, v11  }
0x98: {  	v27 =	vsel vm3, $0xFFFFFFFF, v6;
	v12 =	vadd.s32 v13, v12;
	v11 =	vsel vm2, $0xFFFFFFFF, v6;
	v18 =	vld [tilespmem:s16+$0x1490];
	(xrf0) =	vadd.scan.msk.s32 $0xffff, v26  }
0x99: {  	v13 =	vadd.s32 v10, v8;
	v10 =	vadd.s32 v27, v19;
	v8 =	vmovc v4;
	v11 =	vadd.s32 v11, v9  }
0x9a: {  	v21 =	vadd.s32 v22, v21;
	s18 =	sadd.s32 $0x80, s18;
	v20 =	vadd.s32 v20, v25;
	v19 =	vadd.s32 v24, v23;
	v9 =	vmovc v3  }
0x9b: {  	[tilespmem:s14+$0x2380] =	vst v21  }
0x9c: {  	[tilespmem:s14+$0x2880] =	vst v20  }
0x9d: {  	v14 =	vadd.s32 v16, v14;
	[tilespmem:s14+$0x2390] =	vst v19  }
0x9e: {  	s17 =	sshra.s32 s17, $0x2;
	[tilespmem:s14+$0x2890] =	vst v14  }
0x9f: {  	v14 =	vld [tilespmem:s17+$0xF80]  }
0xa0: {  	vm5 =	vlt.s32 v5, v0;
	v5 =	vld [tilespmem:s17+$0xF90]  }
0xa1: {  	vm6 =	vlt.s32 v15, v0;
	vm3 =	vlt.s32 v17, v0;
	v38 =	vld [tilespmem:s17+$0x1480]  }
0xa2: {  	v37 =	vsel vm5, $0x1, v6;
	v39 =	vmpcnt.ones.xlane vm5;
	v41 =	vsel vm6, $0x1, v6;
	v42 =	vld [tilespmem:s17+$0x1490]  }
0xa3: {  	v43 =	vmpcnt.ones.xlane vm6;
	vm4 =	vlt.s32 v18, v0;
	v40 =	vmpcnt.ones.xlane vm3;
	(xrf0) =	vadd.scan.msk.s32 $0xffff, v37  }
0xa4: {  	v22 =	vsel vm3, $0x1, v6;
	v44 =	vmpcnt.ones.xlane vm4;
	(xrf0) =	vadd.scan.msk.s32 $0xffff, v41;
	v17 =	vadd.s32 v4, v39  }
0xa5: {  	v45, _, _ =	vpop (xrf0);
	v4 =	vsel vm4, $0x1, v6;
	(xrf0) =	vadd.scan.msk.s32 $0xffff, v22;
	v18 =	vadd.s32 v3, v40;
	vm10 =	vlt.s32 v14, v0  }
0xa6: {  	v46, _, _ =	vpop (xrf0);
	v20 =	vadd.s32 v43, v17;
	(xrf0) =	vadd.scan.msk.s32 $0xffff, v4;
	vm7 =	vlt.s32 v5, v0;
	v3 =	vsel vm10, $0x1, v6  }
0xa7: {  	v47, _, _ =	vpop (xrf0);
	vm8 =	vlt.s32 v38, v0;
	vm9 =	vlt.s32 v42, v0;
	v4 =	vsel vm7, $0x1, v6;
	(xrf0) =	vadd.scan.msk.s32 $0xffff, v3  }
0xa8: {  	v48, _, _ =	vpop (xrf0);
	v21 =	vadd.s32 v44, v18;
	v5 =	vsel vm8, $0x1, v6;
	v23 =	vsel vm9, $0x1, v6;
	(xrf0) =	vadd.scan.msk.s32 $0xffff, v4  }
0xa9: {  	v49, _, _ =	vpop (xrf0);
	v3 =	vmpcnt.ones.xlane vm10;
	v4 =	vmov s1;
	(xrf0) =	vadd.scan.msk.s32 $0xffff, v5;
	v5 =	vlaneseq.u32  }
0xaa: {  	v25 =	vmpcnt.ones.xlane vm7;
	v50 =	vmpcnt.ones.xlane vm8;
	v24, _, _ =	vpop (xrf0);
	(xrf0) =	vadd.scan.msk.s32 $0xffff, v23;
	vm2 =	vgt.u32 v4, v5  }
0xab: {  	v26, _, _ =	vpop (xrf0);
	v27 =	vadd.s32 v20, v3;
	v3 =	vmpcnt.ones.xlane vm9;
	(xrf0) =	vadd.scan.msk.s32 $0xffff, v2;
	v2 =	vnsel vm2, $0x0, v2  }
0xac: {  	v28, _, _ =	vpop (xrf0);
	v25 =	vadd.s32 v25, v27;
	v23 =	vadd.s32 v21, v50;
	v1 =	vnsel vm2, $0x0, v1;
	(xrf0) =	vadd.scan.msk.s32 $0xffff, v2  }
0xad: {  	v2 =	vadd.s32 v3, v23;
	v29, _, _ =	vpop (xrf0);
	(xrf0) =	vadd.scan.msk.s32 $0xffff, v1;
	v1 =	vxor.u32 $0x80000000, v25  }
0xae: {  	v51, _, _ =	vpop (xrf0);
	(xrf0) =	vmax.scan.msk.u32 $0xffff, v1;
	v1 =	vxor.u32 $0x80000000, v2  }
0xaf: {  	v30, _, _ =	vpop (xrf0);
	(xrf0) =	vmax.scan.msk.u32 $0xffff, v1  }
0xb0: {  	v31, _, _ =	vpop (xrf0)  }
0xb1: {  	v2, _, _ =	vpop (xrf0)  }
0xb2: {  	v3, _, _ =	vpop (xrf0)  }
0xb3: {  	(v2sf) =	vpush v2, $0xF;
	v1, _, _ =	vpop (xrf0)  }
0xb4: {  	(v2sf) =	vpush v7, $0xF;
	v7, _, _ =	vpop (xrf0)  }
0xb5: {  	(v2sf) =	vpush v7, $0xF;
	v7, _, _ =	vpop (xrf0)  }
0xb6: {  	(v2sf) =	vpush v7, $0xF;
	_ =	sdelay $0x6  }
0xb7: {  	v12 =	vadd.s32 v46, v12  }
0xb8: {  	vm15 =	vcmask $0xF0C;
	v52 =	vsel vm5, $0xFFFFFFFF, v6;
	v11 =	vadd.s32 v47, v11;
	[tilespmem:s13+$0x2390] =	vst v12  }
0xb9: {  	v53 =	vsel vm6, $0xFFFFFFFF, v6;
	v8 =	vadd.s32 v52, v8;
	[tilespmem:s13+$0x2880] =	vst v11;
	v10 =	vadd.s32 v48, v10  }
0xba: {  	v54 =	vsel vm4, $0xFFFFFFFF, v6;
	v56 =	vadd.s32 v53, v17;
	[tilespmem:s13+$0x2890] =	vst v10;
	v7 =	vadd.s32 v45, v13  }
0xbb: {  	v57 =	vadd.s32 v54, v18;
	v55 =	vsel vm10, $0xFFFFFFFF, v6;
	v8 =	vadd.s32 v49, v8;
	[tilespmem:s13+$0x2380] =	vst v7  }
0xbc: {  	v58 =	vsel vm7, $0xFFFFFFFF, v6;
	v12 =	vadd.s32 v24, v56;
	v7 =	vsel vm3, $0xFFFFFFFF, v6;
	[tilespmem:s16+$0x2380] =	vst v8;
	s14 =	spop (v2sf)  }
0xbd: {  	v60 =	vadd.s32 v55, v20;
	v7 =	vadd.s32 v7, v9;
	v9 =	vadd.s32 v28, v57;
	[tilespmem:s16+$0x2390] =	vst v12;
	s13 =	spop (v2sf)  }
0xbe: {  	v59 =	vsel vm8, $0xFFFFFFFF, v6;
	v61 =	vadd.s32 v29, v60;
	v7 =	vadd.s32 v26, v7;
	[tilespmem:s16+$0x2890] =	vst v9;
	s18 =	spop (v2sf)  }
0xbf: {  	v6 =	vsel vm9, $0xFFFFFFFF, v6;
	vm3 =	vcmask $0xB08;
	v8 =	vadd.s32 v59, v21;
	[tilespmem:s16+$0x2880] =	vst v7;
	p0 =	slt.s32 s14, $0x81;
	s31 =	spop (v2sf)  }
.Ltmp2:
0xc0: {  	v6 =	vadd.s32 v6, v23;
	v8 =	vadd.s32 v30, v8;
	v7 =	vadd.s32 v58, v27;
	[tilespmem:s17+$0x2380] =	vst v61;
	s18 =	sxor.u32 $0x80000000, s18;
	s16 =	sxor.u32 $0x80000000, s31;
	(pc) =	sbr.rel @p0 .LBB2_8-.Ltmp2, $4  }
0xc1: {  	v7 =	vadd.s32 v51, v7;
	[tilespmem:s17+$0x2880] =	vst v8;
	v62 =	vmov s18;
	v63 =	vmov s16  }
0xc2: {  	v6 =	vadd.s32 v31, v6;
	[tilespmem:s17+$0x2390] =	vst v7;
	v7 =	vnsel vm3, $0x0, v62;
	v8 =	vnsel vm15, $0x0, v63  }
0xc3: {  	[tilespmem:s17+$0x2890] =	vst v6;
	v6 =	vadd.s32 v7, v8  }
0xc4: {  	s15 =	sadd.s32 s15, s11;
	[tilespmem:$0x16D80] =	vst v6  }
0xc5: {  	s16 =	sadd.s32 s12, s10;
	s17 =	simm.s32 $0x80  }
0xc6: {  	s18 =	simm.s32 $0x400;
	s19 =	simm.s32 $0xF80;
	s31 =	simm.s32 $0x3  }
0xc7: {  	[tilespmem:s19], [sflag:$0x3] =	stream.strided.gather [hbm4b:s16+s17], $0x500, s18, s17, $0x38;
	[tilespmem:$0x18A20] =	vst v63  }
0xc8: {  	_ =	swait.ge [sflag:s31], $0x500  }
0xc9: {  	[sflag:s31] =	ssyncset.done $0x0  }
0xca: {  	s20 =	simm.s32 $0x1480;
	s16 =	sadd.s32 $0x20, s16;
	[sflag:s31] =	ssyncadd.s32 $0xFFFFFB00  }
0xcb: {  	[tilespmem:s20], [sflag:$0x3] =	stream.strided.gather [hbm4b:s16+s17], $0x500, s18, s17, $0x38;
	[tilespmem:$0x18A20] =	vst v63  }
0xcc: {  	_ =	swait.ge [sflag:s31], $0x500  }
0xcd: {  	[sflag:s31] =	ssyncset.done $0x0  }
0xce: {  	s18 =	simm.s32 $0x0;
	[sflag:s31] =	ssyncadd.s32 $0xFFFFFB00  }
0xcf: {  	v8 =	vld [tilespmem:s18+$0xF80]  }
0xd0: {  	v9 =	vld [tilespmem:s18+$0xF90]  }
0xd1: {  	v10 =	vld [tilespmem:s18+$0x1480]  }
0xd2: {  	s16 =	simm.s32 $0x20;
	v11 =	vld [tilespmem:s18+$0x1490]  }
0xd3: {  	v14 =	vld [tilespmem:s16+$0xF90]  }
0xd4: {  	v7 =	vbroadcast v2, $0xF;
	v16 =	vld [tilespmem:s16+$0x1480];
	_ =	sdelay $0x1  }
0xd5: {  	v6 =	vimm.s32 $0x0;
	vm3 =	vlt.s32 v8, v7  }
0xd6: {  	vm4 =	vlt.s32 v9, v7;
	vm5 =	vlt.s32 v10, v7;
	vm6 =	vlt.s32 v11, v7  }
0xd7: {  	vm13 =	vlt.s32 v14, v7;
	v8 =	vmpcnt.ones.xlane vm3;
	v9 =	vmpcnt.ones.xlane vm5  }
0xd8: {  	v10 =	vld [tilespmem:s16+$0xF80];
	vm14 =	vlt.s32 v16, v7;
	v11 =	vmpcnt.ones.xlane vm4;
	v12 =	vmpcnt.ones.xlane vm6  }
0xd9: {  	v13 =	vsel vm3, $0x1, v6;
	v15 =	vsel vm4, $0x1, v6;
	v18 =	vsel vm5, $0x1, v6  }
0xda: {  	v17 =	vsel vm3, $0xFFFFFFFF, v6;
	v20 =	vsel vm4, $0xFFFFFFFF, v6;
	v9 =	vadd.s32 v6, v9  }
0xdb: {  	v21 =	vsel vm6, $0x1, v6;
	v22 =	vsel vm5, $0xFFFFFFFF, v6;
	(xrf0) =	vadd.scan.msk.s32 $0xffff, v13;
	v19 =	vadd.s32 v12, v9;
	v12 =	vld [tilespmem:s16+$0x1490]  }
0xdc: {  	v23 =	vsel vm6, $0xFFFFFFFF, v6;
	v27 =	vsel vm14, $0xFFFFFFFF, v6;
	v24 =	vadd.s32 v17, v6;
	(xrf0) =	vadd.scan.msk.s32 $0xffff, v15  }
0xdd: {  	v22 =	vadd.s32 v22, v6;
	v8 =	vadd.s32 v6, v8;
	(xrf0) =	vadd.scan.msk.s32 $0xffff, v18;
	vm3 =	vlt.s32 v10, v7  }
0xde: {  	v11 =	vadd.s32 v11, v8;
	v17 =	vadd.s32 v23, v9;
	(xrf0) =	vadd.scan.msk.s32 $0xffff, v21;
	v9 =	vmpcnt.ones.xlane vm3  }
0xdf: {  	v8 =	vadd.s32 v20, v8;
	v10 =	vmpcnt.ones.xlane vm14;
	v15 =	vsel vm3, $0x1, v6  }
0xe0: {  	s17 =	simm.s32 $0x40;
	v9 =	vadd.s32 v11, v9;
	vm15 =	vlt.s32 v12, v7;
	v12 =	vmpcnt.ones.xlane vm13  }
0xe1: {  	v16 =	vld [tilespmem:s17+$0xF80];
	v20 =	vsel vm13, $0x1, v6;
	v21 =	vsel vm14, $0x1, v6;
	v10 =	vadd.s32 v19, v10;
	v23, _, _ =	vpop (xrf0);
	(xrf0) =	vadd.scan.msk.s32 $0xffff, v15  }
0xe2: {  	v18 =	vld [tilespmem:s17+$0xF90];
	v15 =	vsel vm3, $0xFFFFFFFF, v6;
	v26, _, _ =	vpop (xrf0);
	(xrf0) =	vadd.scan.msk.s32 $0xffff, v20;
	v13 =	vadd.s32 v12, v9;
	v12 =	vsel vm13, $0xFFFFFFFF, v6  }
0xe3: {  	v20 =	vld [tilespmem:s17+$0x1480];
	v14 =	vmpcnt.ones.xlane vm15;
	v25 =	vsel vm15, $0x1, v6;
	v12 =	vadd.s32 v12, v9;
	v9, _, _ =	vpop (xrf0);
	(xrf0) =	vadd.scan.msk.s32 $0xffff, v21  }
0xe4: {  	v15 =	vadd.s32 v15, v11;
	v11 =	vadd.s32 v27, v19;
	v28 =	vsel vm15, $0xFFFFFFFF, v6;
	v21 =	vld [tilespmem:s17+$0x1490];
	v19, _, _ =	vpop (xrf0);
	(xrf0) =	vadd.scan.msk.s32 $0xffff, v25  }
0xe5: {  	v24 =	vadd.s32 v23, v24;
	v14 =	vadd.s32 v14, v10;
	v10 =	vadd.s32 v28, v10  }
0xe6: {  	s19 =	simm.s32 $0x180;
	s20 =	simm.s32 $0x200;
	v23 =	vadd.s32 v9, v22;
	v22 =	vadd.s32 v26, v8;
	v8 =	vmovc v13;
	v9 =	vmov v14  }
.LBB2_6:
0xe7: {  	p1 =	sne.s32 s20, $0x1380;
	v25, _, _ =	vpop (xrf0);
	[tilespmem:s18+$0x1980] =	vst v24;
	v17 =	vadd.s32 v19, v17;
	v26 =	vmov v12;
	v24 =	vmov v15  }
0xe8: {  	vm5 =	vlt.s32 v16, v7;
	vm6 =	vlt.s32 v18, v7;
	vm3 =	vlt.s32 v20, v7;
	v27, _, _ =	vpop (xrf0);
	[tilespmem:s18+$0x1E80] =	vst v23  }
0xe9: {  	v12 =	vmpcnt.ones.xlane vm5;
	vm4 =	vlt.s32 v21, v7;
	v15 =	vmpcnt.ones.xlane vm3;
	v23, _, _ =	vpop (xrf0);
	[tilespmem:s18+$0x1990] =	vst v22  }
0xea: {  	v20 =	vmpcnt.ones.xlane vm6;
	v18 =	vsel vm5, $0x1, v6;
	v21 =	vmpcnt.ones.xlane vm4;
	v19, _, _ =	vpop (xrf0);
	[tilespmem:s18+$0x1E90] =	vst v17;
	s18 =	smov.u32 s16;
	s16 =	smov.u32 s17;
	s17 =	sshra.s32 s19, $0x2  }
0xeb: {  	v28 =	vmovc v11;
	v29 =	vsel vm6, $0x1, v6;
	v12 =	vadd.s32 v13, v12;
	s19 =	smov.u32 s20;
	v16 =	vld [tilespmem:s17+$0xF80];
	v22 =	vadd.s32 v14, v15;
	(xrf0) =	vadd.scan.msk.s32 $0xffff, v18  }
.Ltmp3:
0xec: {  	v11 =	vsel vm3, $0x1, v6;
	v17 =	vmovc v10;
	v13 =	vadd.s32 v20, v12;
	v18 =	vld [tilespmem:s17+$0xF90];
	v14 =	vadd.s32 v21, v22;
	(xrf0) =	vadd.scan.msk.s32 $0xffff, v29;
	(pc) =	sbr.rel @p1 .LBB2_6-.Ltmp3, $4  }
0xed: {  	v10 =	vsel vm5, $0xFFFFFFFF, v6;
	v15 =	vsel vm6, $0xFFFFFFFF, v6;
	v29 =	vsel vm4, $0x1, v6;
	v20 =	vld [tilespmem:s17+$0x1480];
	(xrf0) =	vadd.scan.msk.s32 $0xffff, v11  }
0xee: {  	v30 =	vsel vm4, $0xFFFFFFFF, v6;
	v12 =	vadd.s32 v15, v12;
	v11 =	vsel vm3, $0xFFFFFFFF, v6;
	v21 =	vld [tilespmem:s17+$0x1490];
	(xrf0) =	vadd.scan.msk.s32 $0xffff, v29  }
0xef: {  	v15 =	vadd.s32 v10, v8;
	v10 =	vadd.s32 v30, v22;
	v8 =	vmovc v13;
	v11 =	vadd.s32 v11, v9  }
0xf0: {  	v24 =	vadd.s32 v25, v24;
	s20 =	sadd.s32 $0x80, s20;
	v23 =	vadd.s32 v23, v28;
	v22 =	vadd.s32 v27, v26;
	v9 =	vmovc v14  }
0xf1: {  	[tilespmem:s18+$0x1980] =	vst v24  }
0xf2: {  	[tilespmem:s18+$0x1E80] =	vst v23  }
0xf3: {  	v17 =	vadd.s32 v19, v17;
	[tilespmem:s18+$0x1990] =	vst v22  }
0xf4: {  	s19 =	sshra.s32 s19, $0x2;
	[tilespmem:s18+$0x1E90] =	vst v17  }
0xf5: {  	v17 =	vld [tilespmem:s19+$0xF80]  }
0xf6: {  	vm5 =	vlt.s32 v16, v7;
	v29 =	vld [tilespmem:s19+$0xF90]  }
0xf7: {  	vm3 =	vlt.s32 v18, v7;
	vm6 =	vlt.s32 v20, v7;
	v30 =	vmpcnt.ones.xlane vm5;
	v31 =	vld [tilespmem:s19+$0x1480]  }
0xf8: {  	v32 =	vmpcnt.ones.xlane vm3;
	vm4 =	vlt.s32 v21, v7;
	v20 =	vmpcnt.ones.xlane vm6;
	v22 =	vld [tilespmem:s19+$0x1490]  }
0xf9: {  	v34 =	vsel vm5, $0x1, v6;
	v25 =	vsel vm3, $0x1, v6;
	v33 =	vmpcnt.ones.xlane vm4  }
0xfa: {  	(xrf0) =	vadd.scan.msk.s32 $0xffff, v34;
	v35 =	vsel vm6, $0x1, v6;
	v13 =	vadd.s32 v13, v30;
	v14 =	vadd.s32 v14, v20  }
0xfb: {  	(xrf0) =	vadd.scan.msk.s32 $0xffff, v25;
	v38 =	vsel vm4, $0x1, v6;
	v36 =	vadd.s32 v32, v13;
	v37 =	vadd.s32 v33, v14  }
0xfc: {  	v39, _, _ =	vpop (xrf0);
	(xrf0) =	vadd.scan.msk.s32 $0xffff, v35;
	vm10 =	vlt.s32 v17, v7;
	vm7 =	vlt.s32 v29, v7;
	vm9 =	vlt.s32 v31, v7  }
0xfd: {  	v40, _, _ =	vpop (xrf0);
	(xrf0) =	vadd.scan.msk.s32 $0xffff, v38;
	vm8 =	vlt.s32 v22, v7;
	v7 =	vmpcnt.ones.xlane vm10;
	v17 =	vsel vm10, $0x1, v6  }
0xfe: {  	v41, _, _ =	vpop (xrf0);
	v19 =	vmpcnt.ones.xlane vm9;
	v42 =	vmpcnt.ones.xlane vm7;
	v43 =	vsel vm7, $0x1, v6;
	(xrf0) =	vadd.scan.msk.s32 $0xffff, v17  }
0xff: {  	v44, _, _ =	vpop (xrf0);
	v45 =	vmpcnt.ones.xlane vm8;
	v26 =	vsel vm9, $0x1, v6;
	v7 =	vadd.s32 v36, v7;
	(xrf0) =	vadd.scan.msk.s32 $0xffff, v43  }
0x100: {  	v46, _, _ =	vpop (xrf0);
	v27 =	vsel vm8, $0x1, v6;
	v19 =	vadd.s32 v37, v19;
	v22 =	vadd.s32 v42, v7;
	(xrf0) =	vadd.scan.msk.s32 $0xffff, v26  }
0x101: {  	v47, _, _ =	vpop (xrf0);
	v25 =	vadd.s32 v45, v19;
	(xrf0) =	vadd.scan.msk.s32 $0xffff, v27;
	v22 =	vxor.u32 $0x80000000, v22  }
0x102: {  	v48, _, _ =	vpop (xrf0);
	v49 =	vxor.u32 $0x80000000, v25;
	(xrf0) =	vmax.scan.msk.u32 $0xffff, v22  }
0x103: {  	v50, _, _ =	vpop (xrf0);
	(xrf0) =	vmax.scan.msk.u32 $0xffff, v49  }
0x104: {  	v51, _, _ =	vpop (xrf0)  }
0x105: {  	v28, _, _ =	vpop (xrf0)  }
0x106: {  	v29, _, _ =	vpop (xrf0)  }
0x107: {  	v30, _, _ =	vpop (xrf0)  }
0x108: {  	v31, _, _ =	vpop (xrf0)  }
0x109: {  	(v2sf) =	vpush v31, $0xF;
	v52, _, _ =	vpop (xrf0)  }
0x10a: {  	(v2sf) =	vpush v52, $0xF;
	_ =	sdelay $0x1  }
0x10b: {  	v15 =	vadd.s32 v39, v15  }
0x10c: {  	[tilespmem:s16+$0x1980] =	vst v15;
	v12 =	vadd.s32 v40, v12  }
0x10d: {  	v53 =	vsel vm5, $0xFFFFFFFF, v6;
	v11 =	vadd.s32 v41, v11;
	[tilespmem:s16+$0x1990] =	vst v12  }
0x10e: {  	v55 =	vsel vm3, $0xFFFFFFFF, v6;
	v8 =	vadd.s32 v53, v8;
	[tilespmem:s16+$0x1E80] =	vst v11;
	v10 =	vadd.s32 v44, v10  }
0x10f: {  	v54 =	vsel vm6, $0xFFFFFFFF, v6;
	v57 =	vadd.s32 v55, v13;
	[tilespmem:s16+$0x1E90] =	vst v10;
	v8 =	vadd.s32 v46, v8  }
0x110: {  	v9 =	vadd.s32 v54, v9;
	v56 =	vsel vm4, $0xFFFFFFFF, v6;
	[tilespmem:s17+$0x1980] =	vst v8;
	v11 =	vadd.s32 v47, v57  }
0x111: {  	v58 =	vadd.s32 v56, v14;
	v59 =	vsel vm10, $0xFFFFFFFF, v6;
	v9 =	vadd.s32 v48, v9;
	[tilespmem:s17+$0x1990] =	vst v11  }
0x112: {  	v61 =	vsel vm7, $0xFFFFFFFF, v6;
	v10 =	vadd.s32 v59, v36;
	[tilespmem:s17+$0x1E80] =	vst v9;
	v8 =	vadd.s32 v50, v58  }
0x113: {  	v60 =	vsel vm9, $0xFFFFFFFF, v6;
	v7 =	vadd.s32 v61, v7;
	[tilespmem:s17+$0x1E90] =	vst v8;
	v62 =	vadd.s32 v51, v10  }
0x114: {  	v6 =	vsel vm8, $0xFFFFFFFF, v6;
	v9 =	vadd.s32 v60, v37;
	[tilespmem:s19+$0x1980] =	vst v62;
	v7 =	vadd.s32 v28, v7  }
0x115: {  	v6 =	vadd.s32 v6, v19;
	v9 =	vadd.s32 v29, v9;
	[tilespmem:s19+$0x1990] =	vst v7  }
0x116: {  	[tilespmem:s19+$0x1E80] =	vst v9;
	v6 =	vadd.s32 v30, v6  }
0x117: {  	[tilespmem:s19+$0x1E90] =	vst v6;
	s30 =	spop (v2sf)  }
0x118: {  	v6 =	vld [tilespmem:$0x16D80];
	s31 =	spop (v2sf)  }
0x119: {  	s16 =	sxor.u32 $0x80000000, s30;
	s17 =	sxor.u32 $0x80000000, s31  }
0x11a: {  	v7 =	vmov s16;
	v63 =	vmov s17  }
0x11b: {  	v7 =	vnsel vm0, $0x0, v7;
	v8 =	vnsel vm1, $0x0, v63  }
0x11c: {  	v7 =	vadd.s32 v7, v8  }
0x11d: {  	v6 =	vadd.s32 v6, v7  }
0x11e: {  	[tilespmem:$0x16D80] =	vst v6  }
.LBB2_8:
0x11f: {  	s16 =	simm.s32 $0x16D80;
	s30 =	simm.s32 $0x3  }
0x120: {  	[spmem:s15] =	stream.linear.scatter [tilespmem:s16], [sflag:$0x3], $0x80, $0x38;
	[tilespmem:$0x18A20] =	vst v63  }
0x121: {  	_ =	swait.ge [sflag:s30], $0x80  }
0x122: {  	v5 =	vmul.u32 $0x80, v5;
	[sflag:s30] =	ssyncset.done $0x0  }
0x123: {  	[sflag:s30] =	ssyncadd.s32 $0xFFFFFF80  }
0x124: {  	s31 =	simm.s32 $0x16E00;
	v6 =	vor.u32 $0x2, v5;
	[bflag:$0x0] =	sbarrier.arrive $0xFFFF  }
0x125: {  	v5 =	vor.u32 $0x3, v5;
	[tilespmem:s31], [sflag:$0x3] =	stream.linear.gather [spmem:s11], $0x800, $0x38;
	[tilespmem:$0x18A20] =	vst v63  }
0x126: {  	_ =	swait.ge [sflag:s30], $0x800  }
0x127: {  	[sflag:s30] =	ssyncset.done $0x0  }
0x128: {  	[sflag:s30] =	ssyncadd.s32 $0xFFFFF800  }
0x129: {  	v6 =	vld.idx.msk [tilespmem:v6+s31+$0x0], $0xffff  }
0x12a: {  	v5 =	vld.idx.msk [tilespmem:v5+s31+$0x0], $0xffff;
	_ =	sdelay $0x3  }
0x12b: {  	v6 =	vnsel vm2, $0x0, v6  }
0x12c: {  	v5 =	vnsel vm2, $0x0, v5;
	(xrf0) =	vadd.scan.msk.s32 $0xffff, v6  }
0x12d: {  	(xrf0) =	vadd.scan.msk.s32 $0xffff, v5;
	_ =	sdelay $0x4  }
0x12e: {  	s18 =	sadd.s32 s10, s3;
	s17 =	sadd.s32 s10, s2;
	s19 =	simm.s32 $0x0;
	v5, _, _ =	vpop (xrf0)  }
0x12f: {  	s8 =	sadd.s32 s8, s9;
	s9 =	simm.s32 $0x40;
	s16 =	sadd.s32 s10, s7;
	v7, _, _ =	vpop (xrf0)  }
0x130: {  	s15 =	sadd.s32 s10, s6;
	s10 =	sadd.s32 $0x10, s12;
	s11 =	sadd.s32 $0x30, s12;
	v6 =	vbroadcast v5, $0xF;
	v5 =	vbroadcast v7, $0xF;
	v7 =	vld [tilespmem:s19+$0x2380]  }
.LBB2_9:
0x131: {  	p1 =	sne.s32 s9, $0x13C0;
	v8 =	vld [tilespmem:s19+$0x2880];
	_ =	sdelay $0x1  }
.Ltmp4:
0x132: {  	(pc) =	sbr.rel @p1 .LBB2_9-.Ltmp4, $4  }
0x133: {  	_ = 	snop  }
0x134: {  	v7 =	vadd.s32 v6, v7  }
0x135: {  	s12 =	sshra.s32 s9, $0x2;
	[tilespmem:s19+$0x2380] =	vst v7;
	v8 =	vadd.s32 v5, v8  }
0x136: {  	s9 =	sadd.s32 $0x40, s9;
	v7 =	vld [tilespmem:s12+$0x2380];
	[tilespmem:s19+$0x2880] =	vst v8;
	s19 =	smov.u32 s12  }
0x137: {  	v8 =	vld [tilespmem:s19+$0x2880];
	_ =	sdelay $0x3  }
0x138: {  	v6 =	vadd.s32 v6, v7  }
0x139: {  	[tilespmem:s19+$0x2380] =	vst v6;
	v5 =	vadd.s32 v5, v8  }
0x13a: {  	s9 =	simm.s32 $0x2380;
	s31 =	simm.s32 $0x3;
	[tilespmem:s19+$0x2880] =	vst v5  }
0x13b: {  	[spmem:s18] =	stream.linear.scatter [tilespmem:s9], [sflag:$0x3], $0x500, $0x38;
	[tilespmem:$0x18A20] =	vst v63  }
0x13c: {  	_ =	swait.ge [sflag:s31], $0x500  }
0x13d: {  	[sflag:s31] =	ssyncset.done $0x0  }
.Ltmp5:
0x13e: {  	s12 =	simm.s32 $0x2880;
	[sflag:s31] =	ssyncadd.s32 $0xFFFFFB00;
	(pc) =	sbr.rel @p0 .LBB2_16-.Ltmp5, $4  }
0x13f: {  	[spmem:s17] =	stream.linear.scatter [tilespmem:s12], [sflag:$0x3], $0x500, $0x38;
	[tilespmem:$0x18A20] =	vst v63  }
0x140: {  	_ =	swait.ge [sflag:s31], $0x500  }
0x141: {  	[sflag:s31] =	ssyncset.done $0x0  }
0x142: {  	[sflag:s31] =	ssyncadd.s32 $0xFFFFFB00  }
0x143: {  	v5 =	vlaneseq.u32  }
0x144: {  	v6 =	vmul.u32 $0x80, v5;
	_ =	sdelay $0x1  }
0x145: {  	v7 =	vor.u32 $0x1, v6;
	_ =	sdelay $0x2  }
0x146: {  	s9 =	simm.s32 $0x16E00  }
0x147: {  	v6 =	vld.idx.msk [tilespmem:v6+s9+$0x0], $0xffff  }
0x148: {  	v7 =	vld.idx.msk [tilespmem:v7+s9+$0x0], $0xffff;
	_ =	sdelay $0x2  }
0x149: {  	vm0 =	vgt.u32 v4, v5  }
0x14a: {  	v4 =	vnsel vm0, $0x0, v6  }
0x14b: {  	(xrf0) =	vadd.scan.msk.s32 $0xffff, v4;
	v4 =	vnsel vm0, $0x0, v7  }
0x14c: {  	(xrf0) =	vadd.scan.msk.s32 $0xffff, v4;
	_ =	sdelay $0x4  }
0x14d: {  	v4, _, _ =	vpop (xrf0)  }
0x14e: {  	s9 =	simm.s32 $0x0;
	v6, _, _ =	vpop (xrf0)  }
0x14f: {  	s12 =	simm.s32 $0x40;
	v5 =	vbroadcast v4, $0xF;
	v4 =	vbroadcast v6, $0xF;
	v6 =	vld [tilespmem:s9+$0x1980]  }
.LBB2_12:
0x150: {  	p0 =	sne.s32 s12, $0x13C0;
	v7 =	vld [tilespmem:s9+$0x1E80];
	_ =	sdelay $0x1  }
.Ltmp6:
0x151: {  	(pc) =	sbr.rel @p0 .LBB2_12-.Ltmp6, $4  }
0x152: {  	_ = 	snop  }
0x153: {  	v6 =	vadd.s32 v5, v6  }
0x154: {  	s17 =	sshra.s32 s12, $0x2;
	[tilespmem:s9+$0x1980] =	vst v6;
	v7 =	vadd.s32 v4, v7  }
0x155: {  	s12 =	sadd.s32 $0x40, s12;
	v6 =	vld [tilespmem:s17+$0x1980];
	[tilespmem:s9+$0x1E80] =	vst v7;
	s9 =	smov.u32 s17  }
0x156: {  	v7 =	vld [tilespmem:s9+$0x1E80];
	_ =	sdelay $0x3  }
0x157: {  	v5 =	vadd.s32 v5, v6  }
0x158: {  	[tilespmem:s9+$0x1980] =	vst v5;
	v4 =	vadd.s32 v4, v7  }
0x159: {  	s25 =	simm.s32 $0x1980;
	s12 =	simm.s32 $0x3;
	[tilespmem:s9+$0x1E80] =	vst v4  }
0x15a: {  	[spmem:s16] =	stream.linear.scatter [tilespmem:s25], [sflag:$0x3], $0x500, $0x38;
	[tilespmem:$0x18A20] =	vst v63  }
0x15b: {  	_ =	swait.ge [sflag:s12], $0x500  }
0x15c: {  	[sflag:s12] =	ssyncset.done $0x0  }
0x15d: {  	s26 =	simm.s32 $0x1E80;
	[sflag:s12] =	ssyncadd.s32 $0xFFFFFB00  }
0x15e: {  	[spmem:s15] =	stream.linear.scatter [tilespmem:s26], [sflag:$0x3], $0x500, $0x38;
	[tilespmem:$0x18A20] =	vst v63  }
0x15f: {  	_ =	swait.ge [sflag:s12], $0x500  }
0x160: {  	[sflag:s12] =	ssyncset.done $0x0  }
0x161: {  	[sflag:s12] =	ssyncadd.s32 $0xFFFFFB00  }
0x162: {  	s28 =	simm.s32 $0x1;
	[bflag:$0x0] =	sbarrier.arrive $0xFFFF  }
0x163: {  	_ =	swait.ge [sflag:s28], $0x5000  }
0x164: {  	[sflag:s28] =	ssyncset.done $0x0  }
0x165: {  	s29 =	simm.s32 $0x2;
	[sflag:s28] =	ssyncadd.s32 $0xFFFFB000  }
0x166: {  	_ =	swait.ge [sflag:s29], $0x5000  }
0x167: {  	s30 =	simm.s32 $0x80;
	[sflag:s29] =	ssyncset.done $0x0  }
0x168: {  	s31 =	simm.s32 $0x400;
	s9 =	simm.s32 $0x2D80;
	[sflag:s29] =	ssyncadd.s32 $0xFFFFB000  }
0x169: {  	[tilespmem:s9], [sflag:$0x3] =	stream.strided.gather [hbm4b:s10+s30], $0x5000, s31, s30, $0x38;
	[tilespmem:$0x18A20] =	vst v63  }
0x16a: {  	_ =	swait.ge [sflag:s12], $0x5000  }
0x16b: {  	[sflag:s12] =	ssyncset.done $0x0  }
0x16c: {  	s10 =	simm.s32 $0x7D80;
	[sflag:s12] =	ssyncadd.s32 $0xFFFFB000  }
0x16d: {  	[tilespmem:s10], [sflag:$0x3] =	stream.linear.gather [spmem:s7], $0x5000, $0x38;
	[tilespmem:$0x18A20] =	vst v63  }
0x16e: {  	_ =	swait.ge [sflag:s12], $0x5000  }
0x16f: {  	[sflag:s12] =	ssyncset.done $0x0  }
0x170: {  	s7 =	simm.s32 $0xCD80;
	[sflag:s12] =	ssyncadd.s32 $0xFFFFB000  }
0x171: {  	[tilespmem:s7], [sflag:$0x3] =	stream.strided.gather [hbm4b:s11+s30], $0x5000, s31, s30, $0x38;
	[tilespmem:$0x18A20] =	vst v63  }
0x172: {  	_ =	swait.ge [sflag:s12], $0x5000  }
0x173: {  	[sflag:s12] =	ssyncset.done $0x0  }
0x174: {  	s11 =	simm.s32 $0x11D80;
	[sflag:s12] =	ssyncadd.s32 $0xFFFFB000  }
0x175: {  	[tilespmem:s11], [sflag:$0x3] =	stream.linear.gather [spmem:s6], $0x5000, $0x38;
	[tilespmem:$0x18A20] =	vst v63  }
0x176: {  	_ =	swait.ge [sflag:s12], $0x5000  }
0x177: {  	[sflag:s12] =	ssyncset.done $0x0  }
0x178: {  	s6 =	simm.s32 $0x0;
	[sflag:s12] =	ssyncadd.s32 $0xFFFFB000  }
0x179: {  	v4 =	vld [tilespmem:s6+$0x590]  }
0x17a: {  	v5 =	vld [tilespmem:s6+$0x580]  }
0x17b: {  	v3 =	vadd.s32 $0xFFFFFFFF, v3  }
0x17c: {  	v3 =	vbroadcast v3, $0xF;
	_ =	sdelay $0x1  }
0x17d: {  	v4 =	vadd.s32 v4, v3  }
0x17e: {  	v5 =	vadd.s32 v5, v3;
	vm0 =	vgt.s32 v4, $0x0  }
0x17f: {  	vm1 =	vgt.s32 v5, $0x0;
	v4 =	vnsel vm0, $0x0, v4  }
0x180: {  	v5 =	vnsel vm1, $0x0, v5;
	v4 =	vmin.u32 v4, $0x4FFF  }
0x181: {  	v5 =	vmin.u32 v5, $0x4FFF;
	_ =	sdelay $0x3  }
0x182: {  	v4 =	vld.idx.msk [tilespmem:v4+s9+$0x0], $0xffff  }
0x183: {  	v5 =	vld.idx.msk [tilespmem:v5+s9+$0x0], $0xffff;
	_ =	sdelay $0x6  }
0x184: {  	v4 =	vld.idx.msk [tilespmem:v4+s10+$0x0], $0xffff  }
0x185: {  	v5 =	vld.idx.msk [tilespmem:v5+s10+$0x0], $0xffff;
	_ =	sdelay $0x3  }
0x186: {  	vm0 =	vlt.s32 v4, $0x4FFF  }
0x187: {  	vm1 =	vlt.s32 v5, $0x4FFF;
	v6 =	vnsel vm0, $0x4FFF, v4  }
0x188: {  	v7 =	vnsel vm1, $0x4FFF, v5;
	_ =	sdelay $0x3  }
0x189: {  	v6 =	vld.idx.msk [tilespmem:v6+s7+$0x0], $0xffff  }
0x18a: {  	s12 =	simm.s32 $0x20;
	v7 =	vld.idx.msk [tilespmem:v7+s7+$0x0], $0xffff  }
0x18b: {  	v8 =	vld [tilespmem:s12+$0x580]  }
0x18c: {  	v9 =	vld [tilespmem:s12+$0x590];
	_ =	sdelay $0x2  }
0x18d: {  	vm0 =	vgt.s32 v2, $0x659;
	v2 =	vimm.s32 $0x0  }
0x18e: {  	v2 =	vsel vm0, $0x1, v2  }
0x18f: {  	v11 =	vadd.s32 v8, v3;
	v9 =	vadd.s32 v9, v3;
	v2 =	vbroadcast v2, $0xF;
	v8 =	vld.idx.msk [tilespmem:v6+s11+$0x0], $0xffff  }
0x190: {  	vm1 =	vgt.s32 v9, $0x0;
	vm0 =	vgt.s32 v11, $0x0;
	v10 =	vld.idx.msk [tilespmem:v7+s11+$0x0], $0xffff  }
0x191: {  	v9 =	vnsel vm1, $0x0, v9;
	v2 =	vand.u32 $0x1, v2;
	v6 =	vnsel vm0, $0x0, v11;
	v7 =	vld [tilespmem:s6+$0x10]  }
0x192: {  	s15 =	simm.s32 $0x100;
	vm0 =	veq.s32 v2, $0x1;
	v2 =	vmin.u32 v6, $0x4FFF;
	v6 =	vmin.u32 v9, $0x4FFF;
	v9 =	vld [tilespmem:s6+$0x0]  }
.LBB2_14:
0x193: {  	_ = 	snop  }
0x194: {  	p0 =	sne.s32 s15, $0x1380;
	s16 =	smov.u32 s15;
	s15 =	sadd.s32 $0x80, s15  }
0x195: {  	v4 =	vsel vm0, v8, v4  }
0x196: {  	v5 =	vsel vm0, v10, v5;
	vm2 =	vgt.s32 v4, $0x7F;
	vm1 =	veq.s32 v7, $0x1  }
0x197: {  	vm4 =	vgt.s32 v5, $0x7F;
	vm3 =	veq.s32 v9, $0x1;
	vm1 =	vmand vm1, vm2  }
0x198: {  	vm2 =	vmand vm3, vm4;
	v4 =	vsel vm1, $0xFFFFFFFF, v7  }
0x199: {  	v5 =	vsel vm2, $0xFFFFFFFF, v9;
	[tilespmem:s6+$0x10] =	vst v4  }
0x19a: {  	[tilespmem:s6+$0x0] =	vst v5;
	s6 =	smov.u32 s12  }
0x19b: {  	v4 =	vld.idx.msk [tilespmem:v6+s9+$0x0], $0xffff  }
0x19c: {  	v2 =	vld.idx.msk [tilespmem:v2+s9+$0x0], $0xffff;
	_ =	sdelay $0x6  }
0x19d: {  	v4 =	vld.idx.msk [tilespmem:v4+s10+$0x0], $0xffff  }
0x19e: {  	v5 =	vld.idx.msk [tilespmem:v2+s10+$0x0], $0xffff;
	_ =	sdelay $0x4  }
0x19f: {  	vm1 =	vlt.s32 v4, $0x4FFF  }
0x1a0: {  	vm2 =	vlt.s32 v5, $0x4FFF;
	v2 =	vnsel vm1, $0x4FFF, v4  }
0x1a1: {  	v6 =	vnsel vm2, $0x4FFF, v5;
	_ =	sdelay $0x3  }
0x1a2: {  	v2 =	vld.idx.msk [tilespmem:v2+s7+$0x0], $0xffff  }
0x1a3: {  	s12 =	sshra.s32 s16, $0x2;
	v6 =	vld.idx.msk [tilespmem:v6+s7+$0x0], $0xffff  }
0x1a4: {  	v7 =	vld [tilespmem:s12+$0x580]  }
0x1a5: {  	v8 =	vld [tilespmem:s12+$0x590];
	_ =	sdelay $0x3  }
.Ltmp7:
0x1a6: {  	v7 =	vadd.s32 v7, v3;
	(pc) =	sbr.rel @p0 .LBB2_14-.Ltmp7, $4  }
0x1a7: {  	v9 =	vadd.s32 v8, v3;
	vm1 =	vgt.s32 v7, $0x0;
	v8 =	vld.idx.msk [tilespmem:v2+s11+$0x0], $0xffff  }
0x1a8: {  	v2 =	vnsel vm1, $0x0, v7;
	vm1 =	vgt.s32 v9, $0x0;
	v10 =	vld.idx.msk [tilespmem:v6+s11+$0x0], $0xffff  }
0x1a9: {  	v2 =	vmin.u32 v2, $0x4FFF;
	v6 =	vnsel vm1, $0x0, v9;
	v7 =	vld [tilespmem:s6+$0x10]  }
0x1aa: {  	v6 =	vmin.u32 v6, $0x4FFF;
	v9 =	vld [tilespmem:s6+$0x0]  }
0x1ab: {  	_ =	sdelay $0x1  }
0x1ac: {  	v3 =	vsel vm0, v8, v4  }
0x1ad: {  	v58 =	vsel vm0, v10, v5;
	vm2 =	vgt.s32 v3, $0x7F;
	vm1 =	veq.s32 v7, $0x1  }
0x1ae: {  	vm4 =	vgt.s32 v58, $0x7F;
	vm3 =	veq.s32 v9, $0x1;
	vm1 =	vmand vm1, vm2  }
0x1af: {  	vm8 =	vmand vm3, vm4;
	v3 =	vsel vm1, $0xFFFFFFFF, v7  }
0x1b0: {  	v59 =	vsel vm8, $0xFFFFFFFF, v9;
	[tilespmem:s6+$0x10] =	vst v3  }
0x1b1: {  	[tilespmem:s6+$0x0] =	vst v59  }
0x1b2: {  	v3 =	vld.idx.msk [tilespmem:v6+s9+$0x0], $0xffff  }
0x1b3: {  	v2 =	vld.idx.msk [tilespmem:v2+s9+$0x0], $0xffff;
	_ =	sdelay $0x6  }
0x1b4: {  	v3 =	vld.idx.msk [tilespmem:v3+s10+$0x0], $0xffff  }
0x1b5: {  	v2 =	vld.idx.msk [tilespmem:v2+s10+$0x0], $0xffff;
	_ =	sdelay $0x3  }
0x1b6: {  	vm9 =	vlt.s32 v3, $0x4FFF  }
0x1b7: {  	vm10 =	vlt.s32 v2, $0x4FFF;
	v60 =	vnsel vm9, $0x4FFF, v3  }
0x1b8: {  	v61 =	vnsel vm10, $0x4FFF, v2;
	_ =	sdelay $0x3  }
0x1b9: {  	v4 =	vld.idx.msk [tilespmem:v60+s7+$0x0], $0xffff  }
0x1ba: {  	v5 =	vld.idx.msk [tilespmem:v61+s7+$0x0], $0xffff;
	_ =	sdelay $0x5  }
0x1bb: {  	v62 =	vld [tilespmem:s12+$0x10]  }
0x1bc: {  	v4 =	vld.idx.msk [tilespmem:v4+s11+$0x0], $0xffff  }
0x1bd: {  	v5 =	vld.idx.msk [tilespmem:v5+s11+$0x0], $0xffff  }
0x1be: {  	v63 =	vld [tilespmem:s12+$0x0];
	_ =	sdelay $0x2  }
0x1bf: {  	v3 =	vsel vm0, v4, v3  }
0x1c0: {  	vm11 =	veq.s32 v62, $0x1;
	v2 =	vsel vm0, v5, v2;
	vm12 =	vgt.s32 v3, $0x7F  }
0x1c1: {  	vm13 =	veq.s32 v63, $0x1;
	vm14 =	vgt.s32 v2, $0x7F;
	vm0 =	vmand vm11, vm12  }
0x1c2: {  	vm15 =	vmand vm13, vm14;
	v2 =	vsel vm0, $0xFFFFFFFF, v62  }
0x1c3: {  	v3 =	vsel vm15, $0xFFFFFFFF, v63;
	[tilespmem:s12+$0x10] =	vst v2  }
0x1c4: {  	s28 =	simm.s32 $0x80;
	s29 =	simm.s32 $0x400;
	s30 =	simm.s32 $0x2D80;
	[tilespmem:s12+$0x0] =	vst v3  }
0x1c5: {  	[tilespmem:s30], [sflag:$0x3] =	stream.strided.gather [hbm4b:s4+s28], $0x5000, s29, s28, $0x38;
	[tilespmem:$0x18A20] =	vst v63  }
.Ltmp8:
0x1c6: {  	s4 =	simm.s32 $0x3;
	(pc) =	sbr.rel .LBB2_17-.Ltmp8, $4  }
0x1c7: {  	_ =	swait.ge [sflag:s4], $0x5000  }
0x1c8: {  	[sflag:s4] =	ssyncset.done $0x0  }
0x1c9: {  	s31 =	simm.s32 $0xCD80;
	[sflag:s4] =	ssyncadd.s32 $0xFFFFB000  }
0x1ca: {  	[tilespmem:s31], [sflag:$0x3] =	stream.strided.gather [hbm4b:s5+s28], $0x5000, s29, s28, $0x38;
	[tilespmem:$0x18A20] =	vst v63  }
.LBB2_16:
0x1cb: {  	[bflag:$0x0] =	sbarrier.arrive $0xFFFF;
	s4 =	simm.s32 $0x1  }
0x1cc: {  	_ =	swait.ge [sflag:s4], $0x5000  }
0x1cd: {  	[sflag:s4] =	ssyncset.done $0x0  }
0x1ce: {  	[sflag:s4] =	ssyncadd.s32 $0xFFFFB000;
	s4 =	simm.s32 $0x2  }
.LBB2_17:
0x1cf: {  	_ =	swait.ge [sflag:s4], $0x5000  }
0x1d0: {  	[sflag:s4] =	ssyncset.done $0x0  }
0x1d1: {  	s5 =	simm.s32 $0x7D80;
	[sflag:s4] =	ssyncadd.s32 $0xFFFFB000  }
0x1d2: {  	[tilespmem:s5], [sflag:$0x3] =	stream.linear.gather [spmem:s3], $0x5000, $0x38;
	[tilespmem:$0x18A20] =	vst v63  }
0x1d3: {  	s3 =	simm.s32 $0x3  }
0x1d4: {  	_ =	swait.ge [sflag:s3], $0x5000  }
0x1d5: {  	p0 =	slt.s32 s13, $0x81;
	[sflag:s3] =	ssyncset.done $0x0  }
.Ltmp9:
0x1d6: {  	s4 =	simm.s32 $0x11D80;
	[sflag:s3] =	ssyncadd.s32 $0xFFFFB000;
	(pc) =	sbr.rel @p0 .LBB2_21-.Ltmp9, $4  }
0x1d7: {  	[tilespmem:s4], [sflag:$0x3] =	stream.linear.gather [spmem:s2], $0x5000, $0x38;
	[tilespmem:$0x18A20] =	vst v63  }
0x1d8: {  	_ =	swait.ge [sflag:s3], $0x5000  }
0x1d9: {  	[sflag:s3] =	ssyncset.done $0x0  }
0x1da: {  	[sflag:s3] =	ssyncadd.s32 $0xFFFFB000  }
0x1db: {  	s2 =	simm.s32 $0x0  }
0x1dc: {  	v2 =	vld [tilespmem:s2+$0xA90]  }
0x1dd: {  	v3 =	vld [tilespmem:s2+$0xA80]  }
0x1de: {  	v1 =	vadd.s32 $0xFFFFFFFF, v1  }
0x1df: {  	v1 =	vbroadcast v1, $0xF;
	_ =	sdelay $0x1  }
0x1e0: {  	v2 =	vadd.s32 v2, v1  }
0x1e1: {  	v3 =	vadd.s32 v3, v1;
	vm0 =	vgt.s32 v2, $0x0  }
0x1e2: {  	vm1 =	vgt.s32 v3, $0x0;
	v2 =	vnsel vm0, $0x0, v2  }
0x1e3: {  	v3 =	vnsel vm1, $0x0, v3;
	v2 =	vmin.u32 v2, $0x4FFF  }
0x1e4: {  	v3 =	vmin.u32 v3, $0x4FFF;
	_ =	sdelay $0x2  }
0x1e5: {  	s6 =	simm.s32 $0x2D80  }
0x1e6: {  	v2 =	vld.idx.msk [tilespmem:v2+s6+$0x0], $0xffff  }
0x1e7: {  	v4 =	vld.idx.msk [tilespmem:v3+s6+$0x0], $0xffff;
	_ =	sdelay $0x6  }
0x1e8: {  	v3 =	vld.idx.msk [tilespmem:v2+s5+$0x0], $0xffff  }
0x1e9: {  	v4 =	vld.idx.msk [tilespmem:v4+s5+$0x0], $0xffff;
	_ =	sdelay $0x3  }
0x1ea: {  	vm0 =	vlt.s32 v3, $0x4FFF  }
0x1eb: {  	vm1 =	vlt.s32 v4, $0x4FFF;
	v2 =	vnsel vm0, $0x4FFF, v3  }
0x1ec: {  	v5 =	vnsel vm1, $0x4FFF, v4;
	_ =	sdelay $0x2  }
0x1ed: {  	s7 =	simm.s32 $0xCD80  }
0x1ee: {  	v2 =	vld.idx.msk [tilespmem:v2+s7+$0x0], $0xffff  }
0x1ef: {  	s9 =	simm.s32 $0x20;
	v5 =	vld.idx.msk [tilespmem:v5+s7+$0x0], $0xffff  }
0x1f0: {  	v6 =	vld [tilespmem:s9+$0xA80]  }
0x1f1: {  	v7 =	vld [tilespmem:s9+$0xA90]  }
0x1f2: {  	s10 =	ssub.s32 $0x100, s14  }
0x1f3: {  	s11 =	ssub.s32 s10, s13  }
0x1f4: {  	p0 =	sgt.s32 s10, $0x0;
	p1 =	slt.s32 s11, s13  }
0x1f5: {  	p2 =	slt.s32 s11, $0x0;
	s10 =	simm.s32 @!p0 $0x0;
	s13 =	smov.u32 @p1 s11  }
0x1f6: {  	p0 =	slt.s32 s14, $0x80;
	s13 =	smov.u32 @p2 s10;
	v6 =	vadd.s32 v6, v1;
	v8 =	vadd.s32 v7, v1;
	v7 =	vld.idx.msk [tilespmem:v2+s4+$0x0], $0xffff  }
0x1f7: {  	s13 =	simm.s32 @!p0 $0x80;
	vm0 =	vgt.s32 v6, $0x0;
	vm1 =	vgt.s32 v8, $0x0;
	v9 =	vld.idx.msk [tilespmem:v5+s4+$0x0], $0xffff  }
0x1f8: {  	v8 =	vnsel vm1, $0x0, v8;
	v2 =	vmov s13;
	v5 =	vnsel vm0, $0x0, v6;
	v6 =	vld [tilespmem:s2+$0x10]  }
0x1f9: {  	s10 =	simm.s32 $0x100;
	vm0 =	vgt.s32 v0, $0x659;
	v0 =	vmin.u32 v5, $0x4FFF;
	v5 =	vmin.u32 v8, $0x4FFF;
	v8 =	vld [tilespmem:s2+$0x0]  }
.LBB2_19:
0x1fa: {  	_ = 	snop  }
0x1fb: {  	p0 =	sne.s32 s10, $0x1380;
	s11 =	smov.u32 s10;
	s10 =	sadd.s32 $0x80, s10  }
0x1fc: {  	v3 =	vsel vm0, v7, v3  }
0x1fd: {  	v4 =	vsel vm0, v9, v4;
	vm2 =	vge.s32 v3, v2;
	vm1 =	veq.s32 v6, $0x0  }
0x1fe: {  	vm4 =	vge.s32 v4, v2;
	vm3 =	veq.s32 v8, $0x0;
	vm1 =	vmand vm1, vm2  }
0x1ff: {  	vm2 =	vmand vm3, vm4;
	v3 =	vsel vm1, $0xFFFFFFFF, v6  }
0x200: {  	v4 =	vsel vm2, $0xFFFFFFFF, v8;
	[tilespmem:s2+$0x10] =	vst v3  }
0x201: {  	[tilespmem:s2+$0x0] =	vst v4;
	s2 =	smov.u32 s9  }
0x202: {  	v3 =	vld.idx.msk [tilespmem:v5+s6+$0x0], $0xffff  }
0x203: {  	v0 =	vld.idx.msk [tilespmem:v0+s6+$0x0], $0xffff;
	_ =	sdelay $0x6  }
0x204: {  	v3 =	vld.idx.msk [tilespmem:v3+s5+$0x0], $0xffff  }
0x205: {  	v4 =	vld.idx.msk [tilespmem:v0+s5+$0x0], $0xffff;
	_ =	sdelay $0x4  }
0x206: {  	vm1 =	vlt.s32 v3, $0x4FFF  }
0x207: {  	vm2 =	vlt.s32 v4, $0x4FFF;
	v0 =	vnsel vm1, $0x4FFF, v3  }
0x208: {  	v5 =	vnsel vm2, $0x4FFF, v4;
	_ =	sdelay $0x3  }
0x209: {  	v0 =	vld.idx.msk [tilespmem:v0+s7+$0x0], $0xffff  }
0x20a: {  	s9 =	sshra.s32 s11, $0x2;
	v5 =	vld.idx.msk [tilespmem:v5+s7+$0x0], $0xffff  }
0x20b: {  	v6 =	vld [tilespmem:s9+$0xA80]  }
0x20c: {  	v7 =	vld [tilespmem:s9+$0xA90];
	_ =	sdelay $0x3  }
.Ltmp10:
0x20d: {  	v6 =	vadd.s32 v6, v1;
	(pc) =	sbr.rel @p0 .LBB2_19-.Ltmp10, $4  }
0x20e: {  	v8 =	vadd.s32 v7, v1;
	vm1 =	vgt.s32 v6, $0x0;
	v7 =	vld.idx.msk [tilespmem:v0+s4+$0x0], $0xffff  }
0x20f: {  	v0 =	vnsel vm1, $0x0, v6;
	vm1 =	vgt.s32 v8, $0x0;
	v9 =	vld.idx.msk [tilespmem:v5+s4+$0x0], $0xffff  }
0x210: {  	v0 =	vmin.u32 v0, $0x4FFF;
	v5 =	vnsel vm1, $0x0, v8;
	v6 =	vld [tilespmem:s2+$0x10]  }
0x211: {  	v5 =	vmin.u32 v5, $0x4FFF;
	v8 =	vld [tilespmem:s2+$0x0]  }
0x212: {  	_ =	sdelay $0x1  }
0x213: {  	v1 =	vsel vm0, v7, v3  }
0x214: {  	v55 =	vsel vm0, v9, v4;
	vm2 =	vge.s32 v1, v2;
	vm1 =	veq.s32 v6, $0x0  }
0x215: {  	vm4 =	vge.s32 v55, v2;
	vm3 =	veq.s32 v8, $0x0;
	vm1 =	vmand vm1, vm2  }
0x216: {  	vm8 =	vmand vm3, vm4;
	v56 =	vsel vm1, $0xFFFFFFFF, v6  }
0x217: {  	v57 =	vsel vm8, $0xFFFFFFFF, v8;
	[tilespmem:s2+$0x10] =	vst v56  }
0x218: {  	[tilespmem:s2+$0x0] =	vst v57  }
0x219: {  	v1 =	vld.idx.msk [tilespmem:v5+s6+$0x0], $0xffff  }
0x21a: {  	v0 =	vld.idx.msk [tilespmem:v0+s6+$0x0], $0xffff;
	_ =	sdelay $0x6  }
0x21b: {  	v1 =	vld.idx.msk [tilespmem:v1+s5+$0x0], $0xffff  }
0x21c: {  	v0 =	vld.idx.msk [tilespmem:v0+s5+$0x0], $0xffff;
	_ =	sdelay $0x3  }
0x21d: {  	vm9 =	vlt.s32 v1, $0x4FFF  }
0x21e: {  	vm10 =	vlt.s32 v0, $0x4FFF;
	v58 =	vnsel vm9, $0x4FFF, v1  }
0x21f: {  	v59 =	vnsel vm10, $0x4FFF, v0;
	_ =	sdelay $0x3  }
0x220: {  	v3 =	vld.idx.msk [tilespmem:v58+s7+$0x0], $0xffff  }
0x221: {  	v4 =	vld.idx.msk [tilespmem:v59+s7+$0x0], $0xffff;
	_ =	sdelay $0x5  }
0x222: {  	v60 =	vld [tilespmem:s9+$0x10]  }
0x223: {  	v3 =	vld.idx.msk [tilespmem:v3+s4+$0x0], $0xffff  }
0x224: {  	v4 =	vld.idx.msk [tilespmem:v4+s4+$0x0], $0xffff  }
0x225: {  	v61 =	vld [tilespmem:s9+$0x0];
	_ =	sdelay $0x2  }
0x226: {  	v1 =	vsel vm0, v3, v1  }
0x227: {  	vm11 =	veq.s32 v60, $0x0;
	v0 =	vsel vm0, v4, v0;
	vm12 =	vge.s32 v1, v2  }
0x228: {  	vm13 =	veq.s32 v61, $0x0;
	vm14 =	vge.s32 v0, v2;
	vm0 =	vmand vm11, vm12  }
0x229: {  	vm15 =	vmand vm13, vm14;
	v62 =	vsel vm0, $0xFFFFFFFF, v60  }
0x22a: {  	v63 =	vsel vm15, $0xFFFFFFFF, v61;
	[tilespmem:s9+$0x10] =	vst v62  }
0x22b: {  	[tilespmem:s9+$0x0] =	vst v63  }
.LBB2_21:
0x22c: {  	s2 =	simm.s32 $0x0  }
0x22d: {  	[hbm4b:s8+s2] =	stream.linear.scatter [tilespmem:s2], [sflag:$0x3], $0x500, $0x38;
	[tilespmem:$0x18A20] =	vst v63  }
0x22e: {  	_ =	swait.ge [sflag:s3], $0x500  }
0x22f: {  	[sflag:s3] =	ssyncset.done $0x0  }
0x230: {  	[sflag:s3] =	ssyncadd.s32 $0xFFFFFB00  }
0x231: {  	_ =	sfence.sel $0x180000  }
0x232: {  	[bflag:$0x0] =	sbarrier.arrive $0xFFFF  }
0x233: {  	p0 =	sne.s32 s1, $0x0;
	_ =	strace $0x90000047  }
0x234: {  	s0 =	sadd.s32 @!p0 $0x100000, s0;
	[bflag:$0x2] =	sbarrier.arrive $0xFFFF  }
0x235: {  	[sflag:s0] =	ssyncadd.tile.s32 @!p0 $0x1;
	_ =	shalt  }
.Lfunc_end2:
_tile_overlayer_lowered:
.L_overlay_start_2:
0x236: {  	(tag) =	ssettag $0x2  }
0x237: {  	s0 =	rddreg [dreg:$0x0];
	s2 =	stileid.u32  }
0x238: {  	s1 =	rddreg [dreg:$0x1];
	p0 =	sne.s32 s2, $0x0  }
0x239: {  	s3 =	rddreg [dreg:$0x2];
	[bflag:$0x3] =	sbarrier.arrive $0xFFFF;
	s2 =	simm.s32 @!p0 $0x1C03  }
0x23a: {  	[timem:s3], [sflag:s2] =	dma.local @!p0 [hbm:s0], s1  }
0x23b: {  	s0 =	simm.s32 @!p0 $0x3  }
0x23c: {  	_ =	swait.ge @!p0 [sflag:s0], s1  }
0x23d: {  	s1 =	ssub.s32 @!p0 $0x0, s1;
	[sflag:s0] =	ssyncset.done @!p0 $0x0  }
0x23e: {  	[sflag:s0] =	ssyncadd.s32 @!p0 s1  }
0x23f: {  	[bflag:$0x3] =	sbarrier.arrive $0xFFFF  }
0x240: {  	_ =	shalt  }

</sc_bundles>
